<compile_context>
chip_gen: v7x
topology: tpu7x:2x2x1
jax: 0.10.2.dev20260603
libtpu: 0.0.44.dev20260713+nightly
codegen_flags: <defaults>
</compile_context>

<pallas_src>
import functools

import jax
import jax.numpy as jnp
from jax import lax
from jax.experimental import pallas as pl
from jax.experimental.pallas import tpu as pltpu
from jax.experimental.pallas import tpu_sc as plsc

K_TOP_N = 32
NEG_INF = float("-inf")


def _score_topk_body(q_ref, t_ref, sco_ref, ids_ref, mx_s, arg_s):
    i = pl.program_id(0)
    n_steps = pl.num_programs(0)
    n_q = q_ref.shape[0]

    s = lax.dot_general(
        t_ref[...], q_ref[...],
        dimension_numbers=(((1,), (1,)), ((), ())),
        preferred_element_type=jnp.float32,
    )
    rows_per_block = mx_s.shape[0] // n_steps
    neg_iota = (-lax.broadcasted_iota(jnp.int32, (128, n_q), 0)
                ).astype(jnp.float32)
    for r in range(rows_per_block):
        sub = lax.slice_in_dim(s, r * 128, (r + 1) * 128, axis=0)
        m = jnp.max(sub, axis=0, keepdims=True)
        na = jnp.max(jnp.where(sub == m, neg_iota, NEG_INF),
                     axis=0, keepdims=True)
        row = i * rows_per_block + r
        mx_s[pl.ds(row, 1), :] = m
        arg_s[pl.ds(row, 1), :] = (-na).astype(jnp.int32)

    @pl.when(i == n_steps - 1)
    def _topk():
        n_rows = mx_s.shape[0]
        qc = 256
        for j in range(n_q // qc):
            sj = mx_s[:, pl.ds(j * qc, qc)]
            row_iota = lax.broadcasted_iota(jnp.int32, (n_rows, qc), 0)
            row_f = row_iota.astype(jnp.float32)
            gid = (row_iota * 128 + arg_s[:, pl.ds(j * qc, qc)]
                   ).astype(jnp.float32)
            for k in range(K_TOP_N):
                m = jnp.max(sj, axis=0, keepdims=True)
                eq = sj == m
                g = jnp.max(jnp.where(eq, gid, NEG_INF),
                            axis=0, keepdims=True)
                sco_ref[pl.ds(k, 1), pl.ds(j * qc, qc)] = m
                ids_ref[pl.ds(k, 1), pl.ds(j * qc, qc)] = g.astype(jnp.int32)
                srow = jnp.floor(g * (1.0 / 128.0))
                sj = jnp.where(row_f == srow, NEG_INF, sj)


def _run_score_topk(queries, table2d, rows_per_block=32):
    n_q, d = queries.shape
    n_vec = table2d.shape[0]
    n_rows = n_vec // 128
    vb = rows_per_block * 128
    grid = (n_vec // vb,)
    return pl.pallas_call(
        _score_topk_body,
        grid=grid,
        in_specs=[
            pl.BlockSpec((n_q, d), lambda i: (0, 0)),
            pl.BlockSpec((vb, d), lambda i: (i, 0)),
        ],
        out_specs=[
            pl.BlockSpec((K_TOP_N, n_q), lambda i: (0, 0)),
            pl.BlockSpec((K_TOP_N, n_q), lambda i: (0, 0)),
        ],
        out_shape=[
            jax.ShapeDtypeStruct((K_TOP_N, n_q), jnp.float32),
            jax.ShapeDtypeStruct((K_TOP_N, n_q), jnp.int32),
        ],
        scratch_shapes=[
            pltpu.VMEM((n_rows, n_q), jnp.float32),
            pltpu.VMEM((n_rows, n_q), jnp.int32),
        ],
    )(queries, table2d)


def _run_gather(table2d, ids_3d):
    n_w, n_ch, ch = ids_3d.shape
    d = table2d.shape[1]
    b = n_w * n_ch * ch
    bpw = n_ch * ch
    info = plsc.get_sparse_core_info()
    n_cores = info.num_cores
    mesh = plsc.VectorSubcoreMesh(core_axis_name="c", subcore_axis_name="s")

    @functools.partial(
        pl.kernel,
        mesh=mesh,
        out_type=jax.ShapeDtypeStruct((b, d), jnp.float32),
        scratch_types=[
            pltpu.VMEM((n_ch, ch), jnp.int32),
            pltpu.VMEM((ch, d), jnp.float32),
            pltpu.VMEM((ch, d), jnp.float32),
            pltpu.SemaphoreType.DMA,
            pltpu.SemaphoreType.DMA,
            pltpu.SemaphoreType.DMA,
            pltpu.SemaphoreType.DMA,
        ],
    )
    def gather_kernel(tab_hbm, idx_hbm, out_hbm, idx_v, rows0, rows1,
                      gsem0, gsem1, osem0, osem1):
        wid = lax.axis_index("s") * n_cores + lax.axis_index("c")
        base = wid * bpw
        rows = (rows0, rows1)
        gsem = (gsem0, gsem1)
        osem = (osem0, osem1)
        pltpu.sync_copy(idx_hbm.at[wid], idx_v)
        gath = [None, None]
        outh = [None, None]
        gath[0] = pltpu.async_copy(tab_hbm.at[idx_v.at[0]], rows0, gsem0)
        for c in range(n_ch):
            bf = c & 1
            nb = 1 - bf
            gath[bf].wait()
            outh[bf] = pltpu.async_copy(
                rows[bf], out_hbm.at[pl.ds(base + c * ch, ch)], osem[bf])
            if c + 1 < n_ch:
                if outh[nb] is not None:
                    outh[nb].wait()
                gath[nb] = pltpu.async_copy(
                    tab_hbm.at[idx_v.at[c + 1]], rows[nb], gsem[nb])
        for h in outh:
            if h is not None:
                h.wait()

    return gather_kernel(table2d, ids_3d)


def kernel(queries, table):
    n_q, d = queries.shape
    n_rows, spr, _ = table.shape
    table2d = table.reshape(n_rows * spr, d)

    sco_t, ids_t = _run_score_topk(queries, table2d)
    topk_scores = sco_t.T
    topk_ids = ids_t.T

    flat_ids = topk_ids.reshape(32, -1, 128)
    vals = _run_gather(table2d, flat_ids)
    topk_values = vals.reshape(n_q, K_TOP_N, d)
    return (topk_values, topk_scores, topk_ids)

# --- scband reference (transcript-rebuilt; emitter-appended) ---
"""Pipeline reference for scband-top-ksimilarity-layer-21741124452844 (READ-ONLY COPY).

The authoritative reference and input builder live on the scoring server;
editing this copy changes nothing except your own understanding.
"""

import jax, jax.numpy as jnp
import numpy as np

K_TOP = 32
SPLITS = 4


def matmul_slice(x, idx):
    # jut.matmul_slice: gather columns of x at positions idx along last axis
    return jnp.take_along_axis(x, idx, axis=1)


def setup_inputs(seed: int = 0) -> dict:
    key = jax.random.key(seed)
    kq, kt = jax.random.split(key)
    queries = jax.random.normal(kq, (1024, 128), dtype=jnp.float32)
    table = jax.random.normal(kt, (1024, 128, 128), dtype=jnp.float32)
    return {"queries": queries, "table": table}


def reference(queries, table):
    n_queries = queries.shape[0]
    queries_per_split = n_queries // SPLITS
    scores_per_row = table.shape[1]
    table_size = scores_per_row * table.shape[0]
    vector_dim = queries.shape[1]
    assert table.shape[-1] == vector_dim
    q = queries.reshape(SPLITS, queries_per_split, vector_dim)

    def split_top_k(split_queries):
        split_scores = jnp.einsum('qd,rvd->qrv', split_queries, table)
        top_id_by_row = jnp.argmax(split_scores, axis=-1)
        top_score_by_row = jnp.max(split_scores, axis=-1)
        top_row_idx = jnp.argsort(top_score_by_row, axis=-1)[:, :-K_TOP - 1:-1]
        ids_by_topk_row = matmul_slice(top_id_by_row, top_row_idx)
        split_topk_values = table[top_row_idx, ids_by_topk_row]
        top_table_id_by_row = top_id_by_row + jnp.arange(0, table_size, scores_per_row)
        split_topk_ids = matmul_slice(top_table_id_by_row, top_row_idx)
        split_topk_scores = matmul_slice(top_score_by_row, top_row_idx)
        return (split_topk_values, split_topk_scores, split_topk_ids)

    topk_values, topk_scores, topk_ids = jax.lax.map(split_top_k, q)
    topk_values = topk_values.reshape(n_queries, K_TOP, -1)
    topk_scores = topk_scores.reshape(n_queries, K_TOP)
    topk_ids = topk_ids.reshape(n_queries, K_TOP)
    return (topk_values, topk_scores, topk_ids)

if __name__ == "__main__":
    import jax
    _d = setup_inputs()
    print(jax.jit(kernel)(*tuple(_d.values())))

</pallas_src>

<mosaic_0001>
#map = affine_map<(d0, d1) -> (0, 0)>
#map1 = affine_map<(d0, d1) -> (0, 0, 0)>
module attributes {stable_mosaic.version = 14 : i64} {
  func.func @gather_kernel(%arg0: i32, %arg1: i32, %arg2: memref<131072x128xf32, #tpu.memory_space<hbm>>, %arg3: memref<32x8x128xi32, #tpu.memory_space<hbm>>, %arg4: memref<32768x128xf32, #tpu.memory_space<hbm>>, %arg5: memref<8x128xi32, #tpu.memory_space<vmem>>, %arg6: memref<128x128xf32, #tpu.memory_space<vmem>>, %arg7: memref<128x128xf32, #tpu.memory_space<vmem>>, %arg8: memref<!tpu.dma_semaphore, #tpu.memory_space<semaphore_mem>>, %arg9: memref<!tpu.dma_semaphore, #tpu.memory_space<semaphore_mem>>, %arg10: memref<!tpu.dma_semaphore, #tpu.memory_space<semaphore_mem>>, %arg11: memref<!tpu.dma_semaphore, #tpu.memory_space<semaphore_mem>>) attributes {dimension_semantics = [#tpu.dimension_semantics<core_parallel>, #tpu.dimension_semantics<subcore_parallel>], iteration_bounds = array<i64: 2, 16>, scalar_prefetch = 0 : i64, scratch_operands = 7 : i64, tpu.core_type = #tpu.core_type<sc_vector_subcore>, window_params = [{transform_indices = #map}, {transform_indices = #map1}, {transform_indices = #map}]} {
    %mul3A = arith.constant 2 : i32
    %mul3A_0 = arith.muli %arg1, %mul3A : i32
    %add3A = arith.addi %mul3A_0, %arg0 : i32
    %mul3A_1 = arith.constant 1024 : i32
    %mul3A_2 = arith.muli %add3A, %mul3A_1 : i32
    "tpu.region"() ({
      %run_scoped3A = tpu.sem_alloc : memref<!tpu.dma_semaphore, #tpu.memory_space<semaphore_mem>>
      %dma_start3A_193 = arith.constant 0 : i32
      %dma_start3A_194 = arith.constant 0 : i32
      %dma_start3A_195 = tpu.memref_slice %arg3[%add3A, %dma_start3A_193, %dma_start3A_194] : memref<32x8x128xi32, #tpu.memory_space<hbm>> -> memref<1x8x128xi32, #tpu.memory_space<hbm>>
      %dma_start3A_196 = tpu.memref_squeeze %dma_start3A_195 : memref<1x8x128xi32, #tpu.memory_space<hbm>> -> memref<8x128xi32, #tpu.memory_space<hbm>>
      %dma_start3A_197 = arith.constant 0 : i32
      %dma_start3A_198 = arith.constant 0 : i32
      %dma_start3A_199 = tpu.memref_slice %arg3[%add3A, %dma_start3A_197, %dma_start3A_198] : memref<32x8x128xi32, #tpu.memory_space<hbm>> -> memref<1x8x128xi32, #tpu.memory_space<hbm>>
      %dma_start3A_200 = tpu.memref_squeeze %dma_start3A_199 : memref<1x8x128xi32, #tpu.memory_space<hbm>> -> memref<8x128xi32, #tpu.memory_space<hbm>>
      tpu.enqueue_dma source(%dma_start3A_200 : memref<8x128xi32, #tpu.memory_space<hbm>>) target(%arg5 : memref<8x128xi32, #tpu.memory_space<vmem>>) target_semaphore(%run_scoped3A : memref<!tpu.dma_semaphore, #tpu.memory_space<semaphore_mem>>)
      %dma_wait3A_201 = arith.constant 0 : i32
      %dma_wait3A_202 = arith.constant 0 : i32
      %dma_wait3A_203 = tpu.memref_slice %arg3[%add3A, %dma_wait3A_201, %dma_wait3A_202] : memref<32x8x128xi32, #tpu.memory_space<hbm>> -> memref<1x8x128xi32, #tpu.memory_space<hbm>>
      %dma_wait3A_204 = tpu.memref_squeeze %dma_wait3A_203 : memref<1x8x128xi32, #tpu.memory_space<hbm>> -> memref<8x128xi32, #tpu.memory_space<hbm>>
      %dma_wait3A_205 = arith.constant 0 : i32
      %dma_wait3A_206 = arith.constant 0 : i32
      %dma_wait3A_207 = tpu.memref_slice %arg3[%add3A, %dma_wait3A_205, %dma_wait3A_206] : memref<32x8x128xi32, #tpu.memory_space<hbm>> -> memref<1x8x128xi32, #tpu.memory_space<hbm>>
      %dma_wait3A_208 = tpu.memref_squeeze %dma_wait3A_207 : memref<1x8x128xi32, #tpu.memory_space<hbm>> -> memref<8x128xi32, #tpu.memory_space<hbm>>
      tpu.wait_dma2 semaphore(%run_scoped3A : memref<!tpu.dma_semaphore, #tpu.memory_space<semaphore_mem>>) src(%dma_wait3A_208 : memref<8x128xi32, #tpu.memory_space<hbm>>) dst(%arg5 : memref<8x128xi32, #tpu.memory_space<vmem>>)
      tpu.yield
    }) : () -> ()
    %dma_start3A = arith.constant 0 : i32
    %dma_start3A_3 = arith.constant 0 : i32
    %dma_start3A_4 = tpu.memref_slice %arg5[%dma_start3A, %dma_start3A_3] : memref<8x128xi32, #tpu.memory_space<vmem>> -> memref<1x128xi32, #tpu.memory_space<vmem>>
    %dma_start3A_5 = tpu.memref_squeeze %dma_start3A_4 : memref<1x128xi32, #tpu.memory_space<vmem>> -> memref<128xi32, #tpu.memory_space<vmem>>
    %dma_start3A_6 = arith.constant 0 : i32
    %dma_start3A_7 = arith.constant 0 : i32
    %dma_start3A_8 = tpu.memref_slice %arg2[%dma_start3A_6, %dma_start3A_7] : memref<131072x128xf32, #tpu.memory_space<hbm>> -> memref<131072x128xf32, #tpu.memory_space<hbm>>
    tpu.enqueue_indirect_dma source(%dma_start3A_8 : memref<131072x128xf32, #tpu.memory_space<hbm>>) target(%arg6 : memref<128x128xf32, #tpu.memory_space<vmem>>) offsets(%dma_start3A_5 : memref<128xi32, #tpu.memory_space<vmem>>) semaphore(%arg8 : memref<!tpu.dma_semaphore, #tpu.memory_space<semaphore_mem>>)
    %dma_wait3A = arith.constant 0 : i32
    %dma_wait3A_9 = arith.constant 0 : i32
    %dma_wait3A_10 = tpu.memref_slice %arg5[%dma_wait3A, %dma_wait3A_9] : memref<8x128xi32, #tpu.memory_space<vmem>> -> memref<1x128xi32, #tpu.memory_space<vmem>>
    %dma_wait3A_11 = tpu.memref_squeeze %dma_wait3A_10 : memref<1x128xi32, #tpu.memory_space<vmem>> -> memref<128xi32, #tpu.memory_space<vmem>>
    %dma_wait3A_12 = arith.constant 0 : i32
    %dma_wait3A_13 = arith.constant 0 : i32
    %dma_wait3A_14 = tpu.memref_slice %arg2[%dma_wait3A_12, %dma_wait3A_13] : memref<131072x128xf32, #tpu.memory_space<hbm>> -> memref<131072x128xf32, #tpu.memory_space<hbm>>
    tpu.wait_indirect_dma semaphore(%arg8 : memref<!tpu.dma_semaphore, #tpu.memory_space<semaphore_mem>>) src(%dma_wait3A_14 : memref<131072x128xf32, #tpu.memory_space<hbm>>) dst(%arg6 : memref<128x128xf32, #tpu.memory_space<vmem>>)
    %add3A_15 = arith.constant 0 : i32
    %add3A_16 = arith.addi %mul3A_2, %add3A_15 : i32
    %dma_start3A_17 = arith.constant 0 : i32
    %dma_start3A_18 = tpu.memref_slice %arg4[%add3A_16, %dma_start3A_17] : memref<32768x128xf32, #tpu.memory_space<hbm>> -> memref<128x128xf32, #tpu.memory_space<hbm>>
    %dma_start3A_19 = arith.constant 0 : i32
    %dma_start3A_20 = tpu.memref_slice %arg4[%add3A_16, %dma_start3A_19] : memref<32768x128xf32, #tpu.memory_space<hbm>> -> memref<128x128xf32, #tpu.memory_space<hbm>>
    tpu.enqueue_dma source(%arg6 : memref<128x128xf32, #tpu.memory_space<vmem>>) target(%dma_start3A_20 : memref<128x128xf32, #tpu.memory_space<hbm>>) target_semaphore(%arg10 : memref<!tpu.dma_semaphore, #tpu.memory_space<semaphore_mem>>)
    %dma_start3A_21 = arith.constant 1 : i32
    %dma_start3A_22 = arith.constant 0 : i32
    %dma_start3A_23 = tpu.memref_slice %arg5[%dma_start3A_21, %dma_start3A_22] : memref<8x128xi32, #tpu.memory_space<vmem>> -> memref<1x128xi32, #tpu.memory_space<vmem>>
    %dma_start3A_24 = tpu.memref_squeeze %dma_start3A_23 : memref<1x128xi32, #tpu.memory_space<vmem>> -> memref<128xi32, #tpu.memory_space<vmem>>
    %dma_start3A_25 = arith.constant 0 : i32
    %dma_start3A_26 = arith.constant 0 : i32
    %dma_start3A_27 = tpu.memref_slice %arg2[%dma_start3A_25, %dma_start3A_26] : memref<131072x128xf32, #tpu.memory_space<hbm>> -> memref<131072x128xf32, #tpu.memory_space<hbm>>
    tpu.enqueue_indirect_dma source(%dma_start3A_27 : memref<131072x128xf32, #tpu.memory_space<hbm>>) target(%arg7 : memref<128x128xf32, #tpu.memory_space<vmem>>) offsets(%dma_start3A_24 : memref<128xi32, #tpu.memory_space<vmem>>) semaphore(%arg9 : memref<!tpu.dma_semaphore, #tpu.memory_space<semaphore_mem>>)
    %dma_wait3A_28 = arith.constant 1 : i32
    %dma_wait3A_29 = arith.constant 0 : i32
    %dma_wait3A_30 = tpu.memref_slice %arg5[%dma_wait3A_28, %dma_wait3A_29] : memref<8x128xi32, #tpu.memory_space<vmem>> -> memref<1x128xi32, #tpu.memory_space<vmem>>
    %dma_wait3A_31 = tpu.memref_squeeze %dma_wait3A_30 : memref<1x128xi32, #tpu.memory_space<vmem>> -> memref<128xi32, #tpu.memory_space<vmem>>
    %dma_wait3A_32 = arith.constant 0 : i32
    %dma_wait3A_33 = arith.constant 0 : i32
    %dma_wait3A_34 = tpu.memref_slice %arg2[%dma_wait3A_32, %dma_wait3A_33] : memref<131072x128xf32, #tpu.memory_space<hbm>> -> memref<131072x128xf32, #tpu.memory_space<hbm>>
    tpu.wait_indirect_dma semaphore(%arg9 : memref<!tpu.dma_semaphore, #tpu.memory_space<semaphore_mem>>) src(%dma_wait3A_34 : memref<131072x128xf32, #tpu.memory_space<hbm>>) dst(%arg7 : memref<128x128xf32, #tpu.memory_space<vmem>>)
    %add3A_35 = arith.constant 128 : i32
    %add3A_36 = arith.addi %mul3A_2, %add3A_35 : i32
    %dma_start3A_37 = arith.constant 0 : i32
    %dma_start3A_38 = tpu.memref_slice %arg4[%add3A_36, %dma_start3A_37] : memref<32768x128xf32, #tpu.memory_space<hbm>> -> memref<128x128xf32, #tpu.memory_space<hbm>>
    %dma_start3A_39 = arith.constant 0 : i32
    %dma_start3A_40 = tpu.memref_slice %arg4[%add3A_36, %dma_start3A_39] : memref<32768x128xf32, #tpu.memory_space<hbm>> -> memref<128x128xf32, #tpu.memory_space<hbm>>
    tpu.enqueue_dma source(%arg7 : memref<128x128xf32, #tpu.memory_space<vmem>>) target(%dma_start3A_40 : memref<128x128xf32, #tpu.memory_space<hbm>>) target_semaphore(%arg11 : memref<!tpu.dma_semaphore, #tpu.memory_space<semaphore_mem>>)
    %dma_wait3A_41 = arith.constant 0 : i32
    %dma_wait3A_42 = tpu.memref_slice %arg4[%add3A_16, %dma_wait3A_41] : memref<32768x128xf32, #tpu.memory_space<hbm>> -> memref<128x128xf32, #tpu.memory_space<hbm>>
    %dma_wait3A_43 = arith.constant 0 : i32
    %dma_wait3A_44 = tpu.memref_slice %arg4[%add3A_16, %dma_wait3A_43] : memref<32768x128xf32, #tpu.memory_space<hbm>> -> memref<128x128xf32, #tpu.memory_space<hbm>>
    tpu.wait_dma2 semaphore(%arg10 : memref<!tpu.dma_semaphore, #tpu.memory_space<semaphore_mem>>) src(%arg6 : memref<128x128xf32, #tpu.memory_space<vmem>>) dst(%dma_wait3A_44 : memref<128x128xf32, #tpu.memory_space<hbm>>)
    %dma_start3A_45 = arith.constant 2 : i32
    %dma_start3A_46 = arith.constant 0 : i32
    %dma_start3A_47 = tpu.memref_slice %arg5[%dma_start3A_45, %dma_start3A_46] : memref<8x128xi32, #tpu.memory_space<vmem>> -> memref<1x128xi32, #tpu.memory_space<vmem>>
    %dma_start3A_48 = tpu.memref_squeeze %dma_start3A_47 : memref<1x128xi32, #tpu.memory_space<vmem>> -> memref<128xi32, #tpu.memory_space<vmem>>
    %dma_start3A_49 = arith.constant 0 : i32
    %dma_start3A_50 = arith.constant 0 : i32
    %dma_start3A_51 = tpu.memref_slice %arg2[%dma_start3A_49, %dma_start3A_50] : memref<131072x128xf32, #tpu.memory_space<hbm>> -> memref<131072x128xf32, #tpu.memory_space<hbm>>
    tpu.enqueue_indirect_dma source(%dma_start3A_51 : memref<131072x128xf32, #tpu.memory_space<hbm>>) target(%arg6 : memref<128x128xf32, #tpu.memory_space<vmem>>) offsets(%dma_start3A_48 : memref<128xi32, #tpu.memory_space<vmem>>) semaphore(%arg8 : memref<!tpu.dma_semaphore, #tpu.memory_space<semaphore_mem>>)
    %dma_wait3A_52 = arith.constant 2 : i32
    %dma_wait3A_53 = arith.constant 0 : i32
    %dma_wait3A_54 = tpu.memref_slice %arg5[%dma_wait3A_52, %dma_wait3A_53] : memref<8x128xi32, #tpu.memory_space<vmem>> -> memref<1x128xi32, #tpu.memory_space<vmem>>
    %dma_wait3A_55 = tpu.memref_squeeze %dma_wait3A_54 : memref<1x128xi32, #tpu.memory_space<vmem>> -> memref<128xi32, #tpu.memory_space<vmem>>
    %dma_wait3A_56 = arith.constant 0 : i32
    %dma_wait3A_57 = arith.constant 0 : i32
    %dma_wait3A_58 = tpu.memref_slice %arg2[%dma_wait3A_56, %dma_wait3A_57] : memref<131072x128xf32, #tpu.memory_space<hbm>> -> memref<131072x128xf32, #tpu.memory_space<hbm>>
    tpu.wait_indirect_dma semaphore(%arg8 : memref<!tpu.dma_semaphore, #tpu.memory_space<semaphore_mem>>) src(%dma_wait3A_58 : memref<131072x128xf32, #tpu.memory_space<hbm>>) dst(%arg6 : memref<128x128xf32, #tpu.memory_space<vmem>>)
    %add3A_59 = arith.constant 256 : i32
    %add3A_60 = arith.addi %mul3A_2, %add3A_59 : i32
    %dma_start3A_61 = arith.constant 0 : i32
    %dma_start3A_62 = tpu.memref_slice %arg4[%add3A_60, %dma_start3A_61] : memref<32768x128xf32, #tpu.memory_space<hbm>> -> memref<128x128xf32, #tpu.memory_space<hbm>>
    %dma_start3A_63 = arith.constant 0 : i32
    %dma_start3A_64 = tpu.memref_slice %arg4[%add3A_60, %dma_start3A_63] : memref<32768x128xf32, #tpu.memory_space<hbm>> -> memref<128x128xf32, #tpu.memory_space<hbm>>
    tpu.enqueue_dma source(%arg6 : memref<128x128xf32, #tpu.memory_space<vmem>>) target(%dma_start3A_64 : memref<128x128xf32, #tpu.memory_space<hbm>>) target_semaphore(%arg10 : memref<!tpu.dma_semaphore, #tpu.memory_space<semaphore_mem>>)
    %dma_wait3A_65 = arith.constant 0 : i32
    %dma_wait3A_66 = tpu.memref_slice %arg4[%add3A_36, %dma_wait3A_65] : memref<32768x128xf32, #tpu.memory_space<hbm>> -> memref<128x128xf32, #tpu.memory_space<hbm>>
    %dma_wait3A_67 = arith.constant 0 : i32
    %dma_wait3A_68 = tpu.memref_slice %arg4[%add3A_36, %dma_wait3A_67] : memref<32768x128xf32, #tpu.memory_space<hbm>> -> memref<128x128xf32, #tpu.memory_space<hbm>>
    tpu.wait_dma2 semaphore(%arg11 : memref<!tpu.dma_semaphore, #tpu.memory_space<semaphore_mem>>) src(%arg7 : memref<128x128xf32, #tpu.memory_space<vmem>>) dst(%dma_wait3A_68 : memref<128x128xf32, #tpu.memory_space<hbm>>)
    %dma_start3A_69 = arith.constant 3 : i32
    %dma_start3A_70 = arith.constant 0 : i32
    %dma_start3A_71 = tpu.memref_slice %arg5[%dma_start3A_69, %dma_start3A_70] : memref<8x128xi32, #tpu.memory_space<vmem>> -> memref<1x128xi32, #tpu.memory_space<vmem>>
    %dma_start3A_72 = tpu.memref_squeeze %dma_start3A_71 : memref<1x128xi32, #tpu.memory_space<vmem>> -> memref<128xi32, #tpu.memory_space<vmem>>
    %dma_start3A_73 = arith.constant 0 : i32
    %dma_start3A_74 = arith.constant 0 : i32
    %dma_start3A_75 = tpu.memref_slice %arg2[%dma_start3A_73, %dma_start3A_74] : memref<131072x128xf32, #tpu.memory_space<hbm>> -> memref<131072x128xf32, #tpu.memory_space<hbm>>
    tpu.enqueue_indirect_dma source(%dma_start3A_75 : memref<131072x128xf32, #tpu.memory_space<hbm>>) target(%arg7 : memref<128x128xf32, #tpu.memory_space<vmem>>) offsets(%dma_start3A_72 : memref<128xi32, #tpu.memory_space<vmem>>) semaphore(%arg9 : memref<!tpu.dma_semaphore, #tpu.memory_space<semaphore_mem>>)
    %dma_wait3A_76 = arith.constant 3 : i32
    %dma_wait3A_77 = arith.constant 0 : i32
    %dma_wait3A_78 = tpu.memref_slice %arg5[%dma_wait3A_76, %dma_wait3A_77] : memref<8x128xi32, #tpu.memory_space<vmem>> -> memref<1x128xi32, #tpu.memory_space<vmem>>
    %dma_wait3A_79 = tpu.memref_squeeze %dma_wait3A_78 : memref<1x128xi32, #tpu.memory_space<vmem>> -> memref<128xi32, #tpu.memory_space<vmem>>
    %dma_wait3A_80 = arith.constant 0 : i32
    %dma_wait3A_81 = arith.constant 0 : i32
    %dma_wait3A_82 = tpu.memref_slice %arg2[%dma_wait3A_80, %dma_wait3A_81] : memref<131072x128xf32, #tpu.memory_space<hbm>> -> memref<131072x128xf32, #tpu.memory_space<hbm>>
    tpu.wait_indirect_dma semaphore(%arg9 : memref<!tpu.dma_semaphore, #tpu.memory_space<semaphore_mem>>) src(%dma_wait3A_82 : memref<131072x128xf32, #tpu.memory_space<hbm>>) dst(%arg7 : memref<128x128xf32, #tpu.memory_space<vmem>>)
    %add3A_83 = arith.constant 384 : i32
    %add3A_84 = arith.addi %mul3A_2, %add3A_83 : i32
    %dma_start3A_85 = arith.constant 0 : i32
    %dma_start3A_86 = tpu.memref_slice %arg4[%add3A_84, %dma_start3A_85] : memref<32768x128xf32, #tpu.memory_space<hbm>> -> memref<128x128xf32, #tpu.memory_space<hbm>>
    %dma_start3A_87 = arith.constant 0 : i32
    %dma_start3A_88 = tpu.memref_slice %arg4[%add3A_84, %dma_start3A_87] : memref<32768x128xf32, #tpu.memory_space<hbm>> -> memref<128x128xf32, #tpu.memory_space<hbm>>
    tpu.enqueue_dma source(%arg7 : memref<128x128xf32, #tpu.memory_space<vmem>>) target(%dma_start3A_88 : memref<128x128xf32, #tpu.memory_space<hbm>>) target_semaphore(%arg11 : memref<!tpu.dma_semaphore, #tpu.memory_space<semaphore_mem>>)
    %dma_wait3A_89 = arith.constant 0 : i32
    %dma_wait3A_90 = tpu.memref_slice %arg4[%add3A_60, %dma_wait3A_89] : memref<32768x128xf32, #tpu.memory_space<hbm>> -> memref<128x128xf32, #tpu.memory_space<hbm>>
    %dma_wait3A_91 = arith.constant 0 : i32
    %dma_wait3A_92 = tpu.memref_slice %arg4[%add3A_60, %dma_wait3A_91] : memref<32768x128xf32, #tpu.memory_space<hbm>> -> memref<128x128xf32, #tpu.memory_space<hbm>>
    tpu.wait_dma2 semaphore(%arg10 : memref<!tpu.dma_semaphore, #tpu.memory_space<semaphore_mem>>) src(%arg6 : memref<128x128xf32, #tpu.memory_space<vmem>>) dst(%dma_wait3A_92 : memref<128x128xf32, #tpu.memory_space<hbm>>)
    %dma_start3A_93 = arith.constant 4 : i32
    %dma_start3A_94 = arith.constant 0 : i32
    %dma_start3A_95 = tpu.memref_slice %arg5[%dma_start3A_93, %dma_start3A_94] : memref<8x128xi32, #tpu.memory_space<vmem>> -> memref<1x128xi32, #tpu.memory_space<vmem>>
    %dma_start3A_96 = tpu.memref_squeeze %dma_start3A_95 : memref<1x128xi32, #tpu.memory_space<vmem>> -> memref<128xi32, #tpu.memory_space<vmem>>
    %dma_start3A_97 = arith.constant 0 : i32
    %dma_start3A_98 = arith.constant 0 : i32
    %dma_start3A_99 = tpu.memref_slice %arg2[%dma_start3A_97, %dma_start3A_98] : memref<131072x128xf32, #tpu.memory_space<hbm>> -> memref<131072x128xf32, #tpu.memory_space<hbm>>
    tpu.enqueue_indirect_dma source(%dma_start3A_99 : memref<131072x128xf32, #tpu.memory_space<hbm>>) target(%arg6 : memref<128x128xf32, #tpu.memory_space<vmem>>) offsets(%dma_start3A_96 : memref<128xi32, #tpu.memory_space<vmem>>) semaphore(%arg8 : memref<!tpu.dma_semaphore, #tpu.memory_space<semaphore_mem>>)
    %dma_wait3A_100 = arith.constant 4 : i32
    %dma_wait3A_101 = arith.constant 0 : i32
    %dma_wait3A_102 = tpu.memref_slice %arg5[%dma_wait3A_100, %dma_wait3A_101] : memref<8x128xi32, #tpu.memory_space<vmem>> -> memref<1x128xi32, #tpu.memory_space<vmem>>
    %dma_wait3A_103 = tpu.memref_squeeze %dma_wait3A_102 : memref<1x128xi32, #tpu.memory_space<vmem>> -> memref<128xi32, #tpu.memory_space<vmem>>
    %dma_wait3A_104 = arith.constant 0 : i32
    %dma_wait3A_105 = arith.constant 0 : i32
    %dma_wait3A_106 = tpu.memref_slice %arg2[%dma_wait3A_104, %dma_wait3A_105] : memref<131072x128xf32, #tpu.memory_space<hbm>> -> memref<131072x128xf32, #tpu.memory_space<hbm>>
    tpu.wait_indirect_dma semaphore(%arg8 : memref<!tpu.dma_semaphore, #tpu.memory_space<semaphore_mem>>) src(%dma_wait3A_106 : memref<131072x128xf32, #tpu.memory_space<hbm>>) dst(%arg6 : memref<128x128xf32, #tpu.memory_space<vmem>>)
    %add3A_107 = arith.constant 512 : i32
    %add3A_108 = arith.addi %mul3A_2, %add3A_107 : i32
    %dma_start3A_109 = arith.constant 0 : i32
    %dma_start3A_110 = tpu.memref_slice %arg4[%add3A_108, %dma_start3A_109] : memref<32768x128xf32, #tpu.memory_space<hbm>> -> memref<128x128xf32, #tpu.memory_space<hbm>>
    %dma_start3A_111 = arith.constant 0 : i32
    %dma_start3A_112 = tpu.memref_slice %arg4[%add3A_108, %dma_start3A_111] : memref<32768x128xf32, #tpu.memory_space<hbm>> -> memref<128x128xf32, #tpu.memory_space<hbm>>
    tpu.enqueue_dma source(%arg6 : memref<128x128xf32, #tpu.memory_space<vmem>>) target(%dma_start3A_112 : memref<128x128xf32, #tpu.memory_space<hbm>>) target_semaphore(%arg10 : memref<!tpu.dma_semaphore, #tpu.memory_space<semaphore_mem>>)
    %dma_wait3A_113 = arith.constant 0 : i32
    %dma_wait3A_114 = tpu.memref_slice %arg4[%add3A_84, %dma_wait3A_113] : memref<32768x128xf32, #tpu.memory_space<hbm>> -> memref<128x128xf32, #tpu.memory_space<hbm>>
    %dma_wait3A_115 = arith.constant 0 : i32
    %dma_wait3A_116 = tpu.memref_slice %arg4[%add3A_84, %dma_wait3A_115] : memref<32768x128xf32, #tpu.memory_space<hbm>> -> memref<128x128xf32, #tpu.memory_space<hbm>>
    tpu.wait_dma2 semaphore(%arg11 : memref<!tpu.dma_semaphore, #tpu.memory_space<semaphore_mem>>) src(%arg7 : memref<128x128xf32, #tpu.memory_space<vmem>>) dst(%dma_wait3A_116 : memref<128x128xf32, #tpu.memory_space<hbm>>)
    %dma_start3A_117 = arith.constant 5 : i32
    %dma_start3A_118 = arith.constant 0 : i32
    %dma_start3A_119 = tpu.memref_slice %arg5[%dma_start3A_117, %dma_start3A_118] : memref<8x128xi32, #tpu.memory_space<vmem>> -> memref<1x128xi32, #tpu.memory_space<vmem>>
    %dma_start3A_120 = tpu.memref_squeeze %dma_start3A_119 : memref<1x128xi32, #tpu.memory_space<vmem>> -> memref<128xi32, #tpu.memory_space<vmem>>
    %dma_start3A_121 = arith.constant 0 : i32
    %dma_start3A_122 = arith.constant 0 : i32
    %dma_start3A_123 = tpu.memref_slice %arg2[%dma_start3A_121, %dma_start3A_122] : memref<131072x128xf32, #tpu.memory_space<hbm>> -> memref<131072x128xf32, #tpu.memory_space<hbm>>
    tpu.enqueue_indirect_dma source(%dma_start3A_123 : memref<131072x128xf32, #tpu.memory_space<hbm>>) target(%arg7 : memref<128x128xf32, #tpu.memory_space<vmem>>) offsets(%dma_start3A_120 : memref<128xi32, #tpu.memory_space<vmem>>) semaphore(%arg9 : memref<!tpu.dma_semaphore, #tpu.memory_space<semaphore_mem>>)
    %dma_wait3A_124 = arith.constant 5 : i32
    %dma_wait3A_125 = arith.constant 0 : i32
    %dma_wait3A_126 = tpu.memref_slice %arg5[%dma_wait3A_124, %dma_wait3A_125] : memref<8x128xi32, #tpu.memory_space<vmem>> -> memref<1x128xi32, #tpu.memory_space<vmem>>
    %dma_wait3A_127 = tpu.memref_squeeze %dma_wait3A_126 : memref<1x128xi32, #tpu.memory_space<vmem>> -> memref<128xi32, #tpu.memory_space<vmem>>
    %dma_wait3A_128 = arith.constant 0 : i32
    %dma_wait3A_129 = arith.constant 0 : i32
    %dma_wait3A_130 = tpu.memref_slice %arg2[%dma_wait3A_128, %dma_wait3A_129] : memref<131072x128xf32, #tpu.memory_space<hbm>> -> memref<131072x128xf32, #tpu.memory_space<hbm>>
    tpu.wait_indirect_dma semaphore(%arg9 : memref<!tpu.dma_semaphore, #tpu.memory_space<semaphore_mem>>) src(%dma_wait3A_130 : memref<131072x128xf32, #tpu.memory_space<hbm>>) dst(%arg7 : memref<128x128xf32, #tpu.memory_space<vmem>>)
    %add3A_131 = arith.constant 640 : i32
    %add3A_132 = arith.addi %mul3A_2, %add3A_131 : i32
    %dma_start3A_133 = arith.constant 0 : i32
    %dma_start3A_134 = tpu.memref_slice %arg4[%add3A_132, %dma_start3A_133] : memref<32768x128xf32, #tpu.memory_space<hbm>> -> memref<128x128xf32, #tpu.memory_space<hbm>>
    %dma_start3A_135 = arith.constant 0 : i32
    %dma_start3A_136 = tpu.memref_slice %arg4[%add3A_132, %dma_start3A_135] : memref<32768x128xf32, #tpu.memory_space<hbm>> -> memref<128x128xf32, #tpu.memory_space<hbm>>
    tpu.enqueue_dma source(%arg7 : memref<128x128xf32, #tpu.memory_space<vmem>>) target(%dma_start3A_136 : memref<128x128xf32, #tpu.memory_space<hbm>>) target_semaphore(%arg11 : memref<!tpu.dma_semaphore, #tpu.memory_space<semaphore_mem>>)
    %dma_wait3A_137 = arith.constant 0 : i32
    %dma_wait3A_138 = tpu.memref_slice %arg4[%add3A_108, %dma_wait3A_137] : memref<32768x128xf32, #tpu.memory_space<hbm>> -> memref<128x128xf32, #tpu.memory_space<hbm>>
    %dma_wait3A_139 = arith.constant 0 : i32
    %dma_wait3A_140 = tpu.memref_slice %arg4[%add3A_108, %dma_wait3A_139] : memref<32768x128xf32, #tpu.memory_space<hbm>> -> memref<128x128xf32, #tpu.memory_space<hbm>>
    tpu.wait_dma2 semaphore(%arg10 : memref<!tpu.dma_semaphore, #tpu.memory_space<semaphore_mem>>) src(%arg6 : memref<128x128xf32, #tpu.memory_space<vmem>>) dst(%dma_wait3A_140 : memref<128x128xf32, #tpu.memory_space<hbm>>)
    %dma_start3A_141 = arith.constant 6 : i32
    %dma_start3A_142 = arith.constant 0 : i32
    %dma_start3A_143 = tpu.memref_slice %arg5[%dma_start3A_141, %dma_start3A_142] : memref<8x128xi32, #tpu.memory_space<vmem>> -> memref<1x128xi32, #tpu.memory_space<vmem>>
    %dma_start3A_144 = tpu.memref_squeeze %dma_start3A_143 : memref<1x128xi32, #tpu.memory_space<vmem>> -> memref<128xi32, #tpu.memory_space<vmem>>
    %dma_start3A_145 = arith.constant 0 : i32
    %dma_start3A_146 = arith.constant 0 : i32
    %dma_start3A_147 = tpu.memref_slice %arg2[%dma_start3A_145, %dma_start3A_146] : memref<131072x128xf32, #tpu.memory_space<hbm>> -> memref<131072x128xf32, #tpu.memory_space<hbm>>
    tpu.enqueue_indirect_dma source(%dma_start3A_147 : memref<131072x128xf32, #tpu.memory_space<hbm>>) target(%arg6 : memref<128x128xf32, #tpu.memory_space<vmem>>) offsets(%dma_start3A_144 : memref<128xi32, #tpu.memory_space<vmem>>) semaphore(%arg8 : memref<!tpu.dma_semaphore, #tpu.memory_space<semaphore_mem>>)
    %dma_wait3A_148 = arith.constant 6 : i32
    %dma_wait3A_149 = arith.constant 0 : i32
    %dma_wait3A_150 = tpu.memref_slice %arg5[%dma_wait3A_148, %dma_wait3A_149] : memref<8x128xi32, #tpu.memory_space<vmem>> -> memref<1x128xi32, #tpu.memory_space<vmem>>
    %dma_wait3A_151 = tpu.memref_squeeze %dma_wait3A_150 : memref<1x128xi32, #tpu.memory_space<vmem>> -> memref<128xi32, #tpu.memory_space<vmem>>
    %dma_wait3A_152 = arith.constant 0 : i32
    %dma_wait3A_153 = arith.constant 0 : i32
    %dma_wait3A_154 = tpu.memref_slice %arg2[%dma_wait3A_152, %dma_wait3A_153] : memref<131072x128xf32, #tpu.memory_space<hbm>> -> memref<131072x128xf32, #tpu.memory_space<hbm>>
    tpu.wait_indirect_dma semaphore(%arg8 : memref<!tpu.dma_semaphore, #tpu.memory_space<semaphore_mem>>) src(%dma_wait3A_154 : memref<131072x128xf32, #tpu.memory_space<hbm>>) dst(%arg6 : memref<128x128xf32, #tpu.memory_space<vmem>>)
    %add3A_155 = arith.constant 768 : i32
    %add3A_156 = arith.addi %mul3A_2, %add3A_155 : i32
    %dma_start3A_157 = arith.constant 0 : i32
    %dma_start3A_158 = tpu.memref_slice %arg4[%add3A_156, %dma_start3A_157] : memref<32768x128xf32, #tpu.memory_space<hbm>> -> memref<128x128xf32, #tpu.memory_space<hbm>>
    %dma_start3A_159 = arith.constant 0 : i32
    %dma_start3A_160 = tpu.memref_slice %arg4[%add3A_156, %dma_start3A_159] : memref<32768x128xf32, #tpu.memory_space<hbm>> -> memref<128x128xf32, #tpu.memory_space<hbm>>
    tpu.enqueue_dma source(%arg6 : memref<128x128xf32, #tpu.memory_space<vmem>>) target(%dma_start3A_160 : memref<128x128xf32, #tpu.memory_space<hbm>>) target_semaphore(%arg10 : memref<!tpu.dma_semaphore, #tpu.memory_space<semaphore_mem>>)
    %dma_wait3A_161 = arith.constant 0 : i32
    %dma_wait3A_162 = tpu.memref_slice %arg4[%add3A_132, %dma_wait3A_161] : memref<32768x128xf32, #tpu.memory_space<hbm>> -> memref<128x128xf32, #tpu.memory_space<hbm>>
    %dma_wait3A_163 = arith.constant 0 : i32
    %dma_wait3A_164 = tpu.memref_slice %arg4[%add3A_132, %dma_wait3A_163] : memref<32768x128xf32, #tpu.memory_space<hbm>> -> memref<128x128xf32, #tpu.memory_space<hbm>>
    tpu.wait_dma2 semaphore(%arg11 : memref<!tpu.dma_semaphore, #tpu.memory_space<semaphore_mem>>) src(%arg7 : memref<128x128xf32, #tpu.memory_space<vmem>>) dst(%dma_wait3A_164 : memref<128x128xf32, #tpu.memory_space<hbm>>)
    %dma_start3A_165 = arith.constant 7 : i32
    %dma_start3A_166 = arith.constant 0 : i32
    %dma_start3A_167 = tpu.memref_slice %arg5[%dma_start3A_165, %dma_start3A_166] : memref<8x128xi32, #tpu.memory_space<vmem>> -> memref<1x128xi32, #tpu.memory_space<vmem>>
    %dma_start3A_168 = tpu.memref_squeeze %dma_start3A_167 : memref<1x128xi32, #tpu.memory_space<vmem>> -> memref<128xi32, #tpu.memory_space<vmem>>
    %dma_start3A_169 = arith.constant 0 : i32
    %dma_start3A_170 = arith.constant 0 : i32
    %dma_start3A_171 = tpu.memref_slice %arg2[%dma_start3A_169, %dma_start3A_170] : memref<131072x128xf32, #tpu.memory_space<hbm>> -> memref<131072x128xf32, #tpu.memory_space<hbm>>
    tpu.enqueue_indirect_dma source(%dma_start3A_171 : memref<131072x128xf32, #tpu.memory_space<hbm>>) target(%arg7 : memref<128x128xf32, #tpu.memory_space<vmem>>) offsets(%dma_start3A_168 : memref<128xi32, #tpu.memory_space<vmem>>) semaphore(%arg9 : memref<!tpu.dma_semaphore, #tpu.memory_space<semaphore_mem>>)
    %dma_wait3A_172 = arith.constant 7 : i32
    %dma_wait3A_173 = arith.constant 0 : i32
    %dma_wait3A_174 = tpu.memref_slice %arg5[%dma_wait3A_172, %dma_wait3A_173] : memref<8x128xi32, #tpu.memory_space<vmem>> -> memref<1x128xi32, #tpu.memory_space<vmem>>
    %dma_wait3A_175 = tpu.memref_squeeze %dma_wait3A_174 : memref<1x128xi32, #tpu.memory_space<vmem>> -> memref<128xi32, #tpu.memory_space<vmem>>
    %dma_wait3A_176 = arith.constant 0 : i32
    %dma_wait3A_177 = arith.constant 0 : i32
    %dma_wait3A_178 = tpu.memref_slice %arg2[%dma_wait3A_176, %dma_wait3A_177] : memref<131072x128xf32, #tpu.memory_space<hbm>> -> memref<131072x128xf32, #tpu.memory_space<hbm>>
    tpu.wait_indirect_dma semaphore(%arg9 : memref<!tpu.dma_semaphore, #tpu.memory_space<semaphore_mem>>) src(%dma_wait3A_178 : memref<131072x128xf32, #tpu.memory_space<hbm>>) dst(%arg7 : memref<128x128xf32, #tpu.memory_space<vmem>>)
    %add3A_179 = arith.constant 896 : i32
    %add3A_180 = arith.addi %mul3A_2, %add3A_179 : i32
    %dma_start3A_181 = arith.constant 0 : i32
    %dma_start3A_182 = tpu.memref_slice %arg4[%add3A_180, %dma_start3A_181] : memref<32768x128xf32, #tpu.memory_space<hbm>> -> memref<128x128xf32, #tpu.memory_space<hbm>>
    %dma_start3A_183 = arith.constant 0 : i32
    %dma_start3A_184 = tpu.memref_slice %arg4[%add3A_180, %dma_start3A_183] : memref<32768x128xf32, #tpu.memory_space<hbm>> -> memref<128x128xf32, #tpu.memory_space<hbm>>
    tpu.enqueue_dma source(%arg7 : memref<128x128xf32, #tpu.memory_space<vmem>>) target(%dma_start3A_184 : memref<128x128xf32, #tpu.memory_space<hbm>>) target_semaphore(%arg11 : memref<!tpu.dma_semaphore, #tpu.memory_space<semaphore_mem>>)
    %dma_wait3A_185 = arith.constant 0 : i32
    %dma_wait3A_186 = tpu.memref_slice %arg4[%add3A_156, %dma_wait3A_185] : memref<32768x128xf32, #tpu.memory_space<hbm>> -> memref<128x128xf32, #tpu.memory_space<hbm>>
    %dma_wait3A_187 = arith.constant 0 : i32
    %dma_wait3A_188 = tpu.memref_slice %arg4[%add3A_156, %dma_wait3A_187] : memref<32768x128xf32, #tpu.memory_space<hbm>> -> memref<128x128xf32, #tpu.memory_space<hbm>>
    tpu.wait_dma2 semaphore(%arg10 : memref<!tpu.dma_semaphore, #tpu.memory_space<semaphore_mem>>) src(%arg6 : memref<128x128xf32, #tpu.memory_space<vmem>>) dst(%dma_wait3A_188 : memref<128x128xf32, #tpu.memory_space<hbm>>)
    %dma_wait3A_189 = arith.constant 0 : i32
    %dma_wait3A_190 = tpu.memref_slice %arg4[%add3A_180, %dma_wait3A_189] : memref<32768x128xf32, #tpu.memory_space<hbm>> -> memref<128x128xf32, #tpu.memory_space<hbm>>
    %dma_wait3A_191 = arith.constant 0 : i32
    %dma_wait3A_192 = tpu.memref_slice %arg4[%add3A_180, %dma_wait3A_191] : memref<32768x128xf32, #tpu.memory_space<hbm>> -> memref<128x128xf32, #tpu.memory_space<hbm>>
    tpu.wait_dma2 semaphore(%arg11 : memref<!tpu.dma_semaphore, #tpu.memory_space<semaphore_mem>>) src(%arg7 : memref<128x128xf32, #tpu.memory_space<vmem>>) dst(%dma_wait3A_192 : memref<128x128xf32, #tpu.memory_space<hbm>>)
    return
  }
}

module attributes {stable_mosaic.version = 14 : i64} {
  func.func @_score_topk_body(%arg0: i32, %arg1: memref<1024x128xf32, #tpu.memory_space<vmem>>, %arg2: memref<4096x128xf32, #tpu.memory_space<vmem>>, %arg3: memref<32x1024xf32, #tpu.memory_space<vmem>>, %arg4: memref<32x1024xi32, #tpu.memory_space<vmem>>, %arg5: memref<1024x1024xf32, #tpu.memory_space<vmem>>, %arg6: memref<1024x1024xi32, #tpu.memory_space<vmem>>) attributes {dimension_semantics = [#tpu.dimension_semantics<arbitrary>], iteration_bounds = array<i64: 32>, scalar_prefetch = 0 : i64, scratch_operands = 2 : i64, tpu.core_type = #tpu.core_type<tc>, window_params = [{pipeline_mode = #tpu.pipeline_mode<synchronous>, transform_indices = @transform_0, window_bounds = array<i64: 1024, 128>}, {transform_indices = @transform_1, window_bounds = array<i64: 4096, 128>}, {pipeline_mode = #tpu.pipeline_mode<synchronous>, transform_indices = @transform_2, window_bounds = array<i64: 32, 1024>}, {pipeline_mode = #tpu.pipeline_mode<synchronous>, transform_indices = @transform_3, window_bounds = array<i64: 32, 1024>}]} {
    %get3A = arith.constant 0 : index
    %get3A_0 = arith.constant 0 : index
    %get3A_1 = vector.load %arg2[%get3A, %get3A_0] : memref<4096x128xf32, #tpu.memory_space<vmem>>, vector<4096x128xf32>
    %get3A_2 = arith.constant 0 : index
    %get3A_3 = arith.constant 0 : index
    %get3A_4 = vector.load %arg1[%get3A_2, %get3A_3] : memref<1024x128xf32, #tpu.memory_space<vmem>>, vector<1024x128xf32>
    %dot_general3A = arith.constant dense<0.000000e+00> : vector<4096x1024xf32>
    %dot_general3A_5 = tpu.matmul %get3A_1, %get3A_4, %dot_general3A {dimension_numbers = #tpu.dot_dimension_numbers<[1], [1], [0], [0], [0, 0, 1, 0], [], []>, transpose_lhs_hint = false} : vector<4096x128xf32>, vector<1024x128xf32>, vector<4096x1024xf32> -> vector<4096x1024xf32>
    %iota3A = tpu.iota {dimensions = array<i32: 0>} : vector<128x1024xi32>
    %neg3A = arith.constant 0 : i32
    %neg3A_6 = vector.broadcast %neg3A : i32 to vector<128x1024xi32>
    %neg3A_7 = arith.subi %neg3A_6, %iota3A : vector<128x1024xi32>
    %convert_element_type3A = arith.sitofp %neg3A_7 : vector<128x1024xi32> to vector<128x1024xf32>
    %slice3A = vector.extract_strided_slice %dot_general3A_5 {offsets = [0, 0], sizes = [128, 1024], strides = [1, 1]} : vector<4096x1024xf32> to vector<128x1024xf32>
    %reduce_max3A = arith.constant dense<0xFF800000> : vector<1024xf32>
    %reduce_max3A_8 = vector.multi_reduction <maximumf>, %slice3A, %reduce_max3A [0] : vector<128x1024xf32> to vector<1024xf32>
    %broadcast_in_dim3A = vector.shape_cast %reduce_max3A_8 : vector<1024xf32> to vector<1x1024xf32>
    %eq3A = vector.broadcast %broadcast_in_dim3A : vector<1x1024xf32> to vector<128x1024xf32>
    %eq3A_9 = arith.cmpf oeq, %slice3A, %eq3A : vector<128x1024xf32>
    %jit3A = arith.constant 0xFF800000 : f32
    %broadcast_in_dim3A_10 = vector.broadcast %jit3A : f32 to vector<128x1024xf32>
    %select_n3A = arith.select %eq3A_9, %convert_element_type3A, %broadcast_in_dim3A_10 : vector<128x1024xi1>, vector<128x1024xf32>
    %reduce_max3A_11 = arith.constant dense<0xFF800000> : vector<1024xf32>
    %reduce_max3A_12 = vector.multi_reduction <maximumf>, %select_n3A, %reduce_max3A_11 [0] : vector<128x1024xf32> to vector<1024xf32>
    %broadcast_in_dim3A_13 = vector.shape_cast %reduce_max3A_12 : vector<1024xf32> to vector<1x1024xf32>
    %mul3A = arith.constant 32 : i32
    %mul3A_14 = arith.muli %arg0, %mul3A : i32
    %add3A = arith.constant 0 : i32
    %add3A_15 = arith.addi %mul3A_14, %add3A : i32
    %swap3A = arith.index_cast %add3A_15 : i32 to index
    %swap3A_16 = arith.constant 0 : index
    %swap3A_17 = vector.load %arg5[%swap3A, %swap3A_16] : memref<1024x1024xf32, #tpu.memory_space<vmem>>, vector<1x1024xf32>
    tpu.vector_store %arg5[%swap3A, %swap3A_16], %broadcast_in_dim3A {strides = array<i32>} : memref<1024x1024xf32, #tpu.memory_space<vmem>>, vector<1x1024xf32>,
    %neg3A_18 = arith.constant 0.000000e+00 : f32
    %neg3A_19 = vector.broadcast %neg3A_18 : f32 to vector<1x1024xf32>
    %neg3A_20 = arith.subf %neg3A_19, %broadcast_in_dim3A_13 : vector<1x1024xf32>
    %convert_element_type3A_21 = arith.fptosi %neg3A_20 : vector<1x1024xf32> to vector<1x1024xi32>
    %swap3A_22 = arith.index_cast %add3A_15 : i32 to index
    %swap3A_23 = arith.constant 0 : index
    %swap3A_24 = vector.load %arg6[%swap3A_22, %swap3A_23] : memref<1024x1024xi32, #tpu.memory_space<vmem>>, vector<1x1024xi32>
    tpu.vector_store %arg6[%swap3A_22, %swap3A_23], %convert_element_type3A_21 {strides = array<i32>} : memref<1024x1024xi32, #tpu.memory_space<vmem>>, vector<1x1024xi32>,
    %slice3A_25 = vector.extract_strided_slice %dot_general3A_5 {offsets = [128, 0], sizes = [128, 1024], strides = [1, 1]} : vector<4096x1024xf32> to vector<128x1024xf32>
    %reduce_max3A_26 = arith.constant dense<0xFF800000> : vector<1024xf32>
    %reduce_max3A_27 = vector.multi_reduction <maximumf>, %slice3A_25, %reduce_max3A_26 [0] : vector<128x1024xf32> to vector<1024xf32>
    %broadcast_in_dim3A_28 = vector.shape_cast %reduce_max3A_27 : vector<1024xf32> to vector<1x1024xf32>
    %eq3A_29 = vector.broadcast %broadcast_in_dim3A_28 : vector<1x1024xf32> to vector<128x1024xf32>
    %eq3A_30 = arith.cmpf oeq, %slice3A_25, %eq3A_29 : vector<128x1024xf32>
    %jit3A_31 = arith.constant 0xFF800000 : f32
    %broadcast_in_dim3A_32 = vector.broadcast %jit3A_31 : f32 to vector<128x1024xf32>
    %select_n3A_33 = arith.select %eq3A_30, %convert_element_type3A, %broadcast_in_dim3A_32 : vector<128x1024xi1>, vector<128x1024xf32>
    %reduce_max3A_34 = arith.constant dense<0xFF800000> : vector<1024xf32>
    %reduce_max3A_35 = vector.multi_reduction <maximumf>, %select_n3A_33, %reduce_max3A_34 [0] : vector<128x1024xf32> to vector<1024xf32>
    %broadcast_in_dim3A_36 = vector.shape_cast %reduce_max3A_35 : vector<1024xf32> to vector<1x1024xf32>
    %mul3A_37 = arith.constant 32 : i32
    %mul3A_38 = arith.muli %arg0, %mul3A_37 : i32
    %add3A_39 = arith.constant 1 : i32
    %add3A_40 = arith.addi %mul3A_38, %add3A_39 : i32
    %swap3A_41 = arith.index_cast %add3A_40 : i32 to index
    %swap3A_42 = arith.constant 0 : index
    %swap3A_43 = vector.load %arg5[%swap3A_41, %swap3A_42] : memref<1024x1024xf32, #tpu.memory_space<vmem>>, vector<1x1024xf32>
    tpu.vector_store %arg5[%swap3A_41, %swap3A_42], %broadcast_in_dim3A_28 {strides = array<i32>} : memref<1024x1024xf32, #tpu.memory_space<vmem>>, vector<1x1024xf32>,
    %neg3A_44 = arith.constant 0.000000e+00 : f32
    %neg3A_45 = vector.broadcast %neg3A_44 : f32 to vector<1x1024xf32>
    %neg3A_46 = arith.subf %neg3A_45, %broadcast_in_dim3A_36 : vector<1x1024xf32>
    %convert_element_type3A_47 = arith.fptosi %neg3A_46 : vector<1x1024xf32> to vector<1x1024xi32>
    %swap3A_48 = arith.index_cast %add3A_40 : i32 to index
    %swap3A_49 = arith.constant 0 : index
    %swap3A_50 = vector.load %arg6[%swap3A_48, %swap3A_49] : memref<1024x1024xi32, #tpu.memory_space<vmem>>, vector<1x1024xi32>
    tpu.vector_store %arg6[%swap3A_48, %swap3A_49], %convert_element_type3A_47 {strides = array<i32>} : memref<1024x1024xi32, #tpu.memory_space<vmem>>, vector<1x1024xi32>,
    %slice3A_51 = vector.extract_strided_slice %dot_general3A_5 {offsets = [256, 0], sizes = [128, 1024], strides = [1, 1]} : vector<4096x1024xf32> to vector<128x1024xf32>
    %reduce_max3A_52 = arith.constant dense<0xFF800000> : vector<1024xf32>
    %reduce_max3A_53 = vector.multi_reduction <maximumf>, %slice3A_51, %reduce_max3A_52 [0] : vector<128x1024xf32> to vector<1024xf32>
    %broadcast_in_dim3A_54 = vector.shape_cast %reduce_max3A_53 : vector<1024xf32> to vector<1x1024xf32>
    %eq3A_55 = vector.broadcast %broadcast_in_dim3A_54 : vector<1x1024xf32> to vector<128x1024xf32>
    %eq3A_56 = arith.cmpf oeq, %slice3A_51, %eq3A_55 : vector<128x1024xf32>
    %jit3A_57 = arith.constant 0xFF800000 : f32
    %broadcast_in_dim3A_58 = vector.broadcast %jit3A_57 : f32 to vector<128x1024xf32>
    %select_n3A_59 = arith.select %eq3A_56, %convert_element_type3A, %broadcast_in_dim3A_58 : vector<128x1024xi1>, vector<128x1024xf32>
    %reduce_max3A_60 = arith.constant dense<0xFF800000> : vector<1024xf32>
    %reduce_max3A_61 = vector.multi_reduction <maximumf>, %select_n3A_59, %reduce_max3A_60 [0] : vector<128x1024xf32> to vector<1024xf32>
    %broadcast_in_dim3A_62 = vector.shape_cast %reduce_max3A_61 : vector<1024xf32> to vector<1x1024xf32>
    %mul3A_63 = arith.constant 32 : i32
    %mul3A_64 = arith.muli %arg0, %mul3A_63 : i32
    %add3A_65 = arith.constant 2 : i32
    %add3A_66 = arith.addi %mul3A_64, %add3A_65 : i32
    %swap3A_67 = arith.index_cast %add3A_66 : i32 to index
    %swap3A_68 = arith.constant 0 : index
    %swap3A_69 = vector.load %arg5[%swap3A_67, %swap3A_68] : memref<1024x1024xf32, #tpu.memory_space<vmem>>, vector<1x1024xf32>
    tpu.vector_store %arg5[%swap3A_67, %swap3A_68], %broadcast_in_dim3A_54 {strides = array<i32>} : memref<1024x1024xf32, #tpu.memory_space<vmem>>, vector<1x1024xf32>,
    %neg3A_70 = arith.constant 0.000000e+00 : f32
    %neg3A_71 = vector.broadcast %neg3A_70 : f32 to vector<1x1024xf32>
    %neg3A_72 = arith.subf %neg3A_71, %broadcast_in_dim3A_62 : vector<1x1024xf32>
    %convert_element_type3A_73 = arith.fptosi %neg3A_72 : vector<1x1024xf32> to vector<1x1024xi32>
    %swap3A_74 = arith.index_cast %add3A_66 : i32 to index
    %swap3A_75 = arith.constant 0 : index
    %swap3A_76 = vector.load %arg6[%swap3A_74, %swap3A_75] : memref<1024x1024xi32, #tpu.memory_space<vmem>>, vector<1x1024xi32>
    tpu.vector_store %arg6[%swap3A_74, %swap3A_75], %convert_element_type3A_73 {strides = array<i32>} : memref<1024x1024xi32, #tpu.memory_space<vmem>>, vector<1x1024xi32>,
    %slice3A_77 = vector.extract_strided_slice %dot_general3A_5 {offsets = [384, 0], sizes = [128, 1024], strides = [1, 1]} : vector<4096x1024xf32> to vector<128x1024xf32>
    %reduce_max3A_78 = arith.constant dense<0xFF800000> : vector<1024xf32>
    %reduce_max3A_79 = vector.multi_reduction <maximumf>, %slice3A_77, %reduce_max3A_78 [0] : vector<128x1024xf32> to vector<1024xf32>
    %broadcast_in_dim3A_80 = vector.shape_cast %reduce_max3A_79 : vector<1024xf32> to vector<1x1024xf32>
    %eq3A_81 = vector.broadcast %broadcast_in_dim3A_80 : vector<1x1024xf32> to vector<128x1024xf32>
    %eq3A_82 = arith.cmpf oeq, %slice3A_77, %eq3A_81 : vector<128x1024xf32>
    %jit3A_83 = arith.constant 0xFF800000 : f32
    %broadcast_in_dim3A_84 = vector.broadcast %jit3A_83 : f32 to vector<128x1024xf32>
    %select_n3A_85 = arith.select %eq3A_82, %convert_element_type3A, %broadcast_in_dim3A_84 : vector<128x1024xi1>, vector<128x1024xf32>
    %reduce_max3A_86 = arith.constant dense<0xFF800000> : vector<1024xf32>
    %reduce_max3A_87 = vector.multi_reduction <maximumf>, %select_n3A_85, %reduce_max3A_86 [0] : vector<128x1024xf32> to vector<1024xf32>
    %broadcast_in_dim3A_88 = vector.shape_cast %reduce_max3A_87 : vector<1024xf32> to vector<1x1024xf32>
    %mul3A_89 = arith.constant 32 : i32
    %mul3A_90 = arith.muli %arg0, %mul3A_89 : i32
    %add3A_91 = arith.constant 3 : i32
    %add3A_92 = arith.addi %mul3A_90, %add3A_91 : i32
    %swap3A_93 = arith.index_cast %add3A_92 : i32 to index
    %swap3A_94 = arith.constant 0 : index
    %swap3A_95 = vector.load %arg5[%swap3A_93, %swap3A_94] : memref<1024x1024xf32, #tpu.memory_space<vmem>>, vector<1x1024xf32>
    tpu.vector_store %arg5[%swap3A_93, %swap3A_94], %broadcast_in_dim3A_80 {strides = array<i32>} : memref<1024x1024xf32, #tpu.memory_space<vmem>>, vector<1x1024xf32>,
    %neg3A_96 = arith.constant 0.000000e+00 : f32
    %neg3A_97 = vector.broadcast %neg3A_96 : f32 to vector<1x1024xf32>
    %neg3A_98 = arith.subf %neg3A_97, %broadcast_in_dim3A_88 : vector<1x1024xf32>
    %convert_element_type3A_99 = arith.fptosi %neg3A_98 : vector<1x1024xf32> to vector<1x1024xi32>
    %swap3A_100 = arith.index_cast %add3A_92 : i32 to index
    %swap3A_101 = arith.constant 0 : index
    %swap3A_102 = vector.load %arg6[%swap3A_100, %swap3A_101] : memref<1024x1024xi32, #tpu.memory_space<vmem>>, vector<1x1024xi32>
    tpu.vector_store %arg6[%swap3A_100, %swap3A_101], %convert_element_type3A_99 {strides = array<i32>} : memref<1024x1024xi32, #tpu.memory_space<vmem>>, vector<1x1024xi32>,
    %slice3A_103 = vector.extract_strided_slice %dot_general3A_5 {offsets = [512, 0], sizes = [128, 1024], strides = [1, 1]} : vector<4096x1024xf32> to vector<128x1024xf32>
    %reduce_max3A_104 = arith.constant dense<0xFF800000> : vector<1024xf32>
    %reduce_max3A_105 = vector.multi_reduction <maximumf>, %slice3A_103, %reduce_max3A_104 [0] : vector<128x1024xf32> to vector<1024xf32>
    %broadcast_in_dim3A_106 = vector.shape_cast %reduce_max3A_105 : vector<1024xf32> to vector<1x1024xf32>
    %eq3A_107 = vector.broadcast %broadcast_in_dim3A_106 : vector<1x1024xf32> to vector<128x1024xf32>
    %eq3A_108 = arith.cmpf oeq, %slice3A_103, %eq3A_107 : vector<128x1024xf32>
    %jit3A_109 = arith.constant 0xFF800000 : f32
    %broadcast_in_dim3A_110 = vector.broadcast %jit3A_109 : f32 to vector<128x1024xf32>
    %select_n3A_111 = arith.select %eq3A_108, %convert_element_type3A, %broadcast_in_dim3A_110 : vector<128x1024xi1>, vector<128x1024xf32>
    %reduce_max3A_112 = arith.constant dense<0xFF800000> : vector<1024xf32>
    %reduce_max3A_113 = vector.multi_reduction <maximumf>, %select_n3A_111, %reduce_max3A_112 [0] : vector<128x1024xf32> to vector<1024xf32>
    %broadcast_in_dim3A_114 = vector.shape_cast %reduce_max3A_113 : vector<1024xf32> to vector<1x1024xf32>
    %mul3A_115 = arith.constant 32 : i32
    %mul3A_116 = arith.muli %arg0, %mul3A_115 : i32
    %add3A_117 = arith.constant 4 : i32
    %add3A_118 = arith.addi %mul3A_116, %add3A_117 : i32
    %swap3A_119 = arith.index_cast %add3A_118 : i32 to index
    %swap3A_120 = arith.constant 0 : index
    %swap3A_121 = vector.load %arg5[%swap3A_119, %swap3A_120] : memref<1024x1024xf32, #tpu.memory_space<vmem>>, vector<1x1024xf32>
    tpu.vector_store %arg5[%swap3A_119, %swap3A_120], %broadcast_in_dim3A_106 {strides = array<i32>} : memref<1024x1024xf32, #tpu.memory_space<vmem>>, vector<1x1024xf32>,
    %neg3A_122 = arith.constant 0.000000e+00 : f32
    %neg3A_123 = vector.broadcast %neg3A_122 : f32 to vector<1x1024xf32>
    %neg3A_124 = arith.subf %neg3A_123, %broadcast_in_dim3A_114 : vector<1x1024xf32>
    %convert_element_type3A_125 = arith.fptosi %neg3A_124 : vector<1x1024xf32> to vector<1x1024xi32>
    %swap3A_126 = arith.index_cast %add3A_118 : i32 to index
    %swap3A_127 = arith.constant 0 : index
    %swap3A_128 = vector.load %arg6[%swap3A_126, %swap3A_127] : memref<1024x1024xi32, #tpu.memory_space<vmem>>, vector<1x1024xi32>
    tpu.vector_store %arg6[%swap3A_126, %swap3A_127], %convert_element_type3A_125 {strides = array<i32>} : memref<1024x1024xi32, #tpu.memory_space<vmem>>, vector<1x1024xi32>,
    %slice3A_129 = vector.extract_strided_slice %dot_general3A_5 {offsets = [640, 0], sizes = [128, 1024], strides = [1, 1]} : vector<4096x1024xf32> to vector<128x1024xf32>
    %reduce_max3A_130 = arith.constant dense<0xFF800000> : vector<1024xf32>
    %reduce_max3A_131 = vector.multi_reduction <maximumf>, %slice3A_129, %reduce_max3A_130 [0] : vector<128x1024xf32> to vector<1024xf32>
    %broadcast_in_dim3A_132 = vector.shape_cast %reduce_max3A_131 : vector<1024xf32> to vector<1x1024xf32>
    %eq3A_133 = vector.broadcast %broadcast_in_dim3A_132 : vector<1x1024xf32> to vector<128x1024xf32>
    %eq3A_134 = arith.cmpf oeq, %slice3A_129, %eq3A_133 : vector<128x1024xf32>
    %jit3A_135 = arith.constant 0xFF800000 : f32
    %broadcast_in_dim3A_136 = vector.broadcast %jit3A_135 : f32 to vector<128x1024xf32>
    %select_n3A_137 = arith.select %eq3A_134, %convert_element_type3A, %broadcast_in_dim3A_136 : vector<128x1024xi1>, vector<128x1024xf32>
    %reduce_max3A_138 = arith.constant dense<0xFF800000> : vector<1024xf32>
    %reduce_max3A_139 = vector.multi_reduction <maximumf>, %select_n3A_137, %reduce_max3A_138 [0] : vector<128x1024xf32> to vector<1024xf32>
    %broadcast_in_dim3A_140 = vector.shape_cast %reduce_max3A_139 : vector<1024xf32> to vector<1x1024xf32>
    %mul3A_141 = arith.constant 32 : i32
    %mul3A_142 = arith.muli %arg0, %mul3A_141 : i32
    %add3A_143 = arith.constant 5 : i32
    %add3A_144 = arith.addi %mul3A_142, %add3A_143 : i32
    %swap3A_145 = arith.index_cast %add3A_144 : i32 to index
    %swap3A_146 = arith.constant 0 : index
    %swap3A_147 = vector.load %arg5[%swap3A_145, %swap3A_146] : memref<1024x1024xf32, #tpu.memory_space<vmem>>, vector<1x1024xf32>
    tpu.vector_store %arg5[%swap3A_145, %swap3A_146], %broadcast_in_dim3A_132 {strides = array<i32>} : memref<1024x1024xf32, #tpu.memory_space<vmem>>, vector<1x1024xf32>,
    %neg3A_148 = arith.constant 0.000000e+00 : f32
    %neg3A_149 = vector.broadcast %neg3A_148 : f32 to vector<1x1024xf32>
    %neg3A_150 = arith.subf %neg3A_149, %broadcast_in_dim3A_140 : vector<1x1024xf32>
    %convert_element_type3A_151 = arith.fptosi %neg3A_150 : vector<1x1024xf32> to vector<1x1024xi32>
    %swap3A_152 = arith.index_cast %add3A_144 : i32 to index
    %swap3A_153 = arith.constant 0 : index
    %swap3A_154 = vector.load %arg6[%swap3A_152, %swap3A_153] : memref<1024x1024xi32, #tpu.memory_space<vmem>>, vector<1x1024xi32>
    tpu.vector_store %arg6[%swap3A_152, %swap3A_153], %convert_element_type3A_151 {strides = array<i32>} : memref<1024x1024xi32, #tpu.memory_space<vmem>>, vector<1x1024xi32>,
    %slice3A_155 = vector.extract_strided_slice %dot_general3A_5 {offsets = [768, 0], sizes = [128, 1024], strides = [1, 1]} : vector<4096x1024xf32> to vector<128x1024xf32>
    %reduce_max3A_156 = arith.constant dense<0xFF800000> : vector<1024xf32>
    %reduce_max3A_157 = vector.multi_reduction <maximumf>, %slice3A_155, %reduce_max3A_156 [0] : vector<128x1024xf32> to vector<1024xf32>
    %broadcast_in_dim3A_158 = vector.shape_cast %reduce_max3A_157 : vector<1024xf32> to vector<1x1024xf32>
    %eq3A_159 = vector.broadcast %broadcast_in_dim3A_158 : vector<1x1024xf32> to vector<128x1024xf32>
    %eq3A_160 = arith.cmpf oeq, %slice3A_155, %eq3A_159 : vector<128x1024xf32>
    %jit3A_161 = arith.constant 0xFF800000 : f32
    %broadcast_in_dim3A_162 = vector.broadcast %jit3A_161 : f32 to vector<128x1024xf32>
    %select_n3A_163 = arith.select %eq3A_160, %convert_element_type3A, %broadcast_in_dim3A_162 : vector<128x1024xi1>, vector<128x1024xf32>
    %reduce_max3A_164 = arith.constant dense<0xFF800000> : vector<1024xf32>
    %reduce_max3A_165 = vector.multi_reduction <maximumf>, %select_n3A_163, %reduce_max3A_164 [0] : vector<128x1024xf32> to vector<1024xf32>
    %broadcast_in_dim3A_166 = vector.shape_cast %reduce_max3A_165 : vector<1024xf32> to vector<1x1024xf32>
    %mul3A_167 = arith.constant 32 : i32
    %mul3A_168 = arith.muli %arg0, %mul3A_167 : i32
    %add3A_169 = arith.constant 6 : i32
    %add3A_170 = arith.addi %mul3A_168, %add3A_169 : i32
    %swap3A_171 = arith.index_cast %add3A_170 : i32 to index
    %swap3A_172 = arith.constant 0 : index
    %swap3A_173 = vector.load %arg5[%swap3A_171, %swap3A_172] : memref<1024x1024xf32, #tpu.memory_space<vmem>>, vector<1x1024xf32>
    tpu.vector_store %arg5[%swap3A_171, %swap3A_172], %broadcast_in_dim3A_158 {strides = array<i32>} : memref<1024x1024xf32, #tpu.memory_space<vmem>>, vector<1x1024xf32>,
    %neg3A_174 = arith.constant 0.000000e+00 : f32
    %neg3A_175 = vector.broadcast %neg3A_174 : f32 to vector<1x1024xf32>
    %neg3A_176 = arith.subf %neg3A_175, %broadcast_in_dim3A_166 : vector<1x1024xf32>
    %convert_element_type3A_177 = arith.fptosi %neg3A_176 : vector<1x1024xf32> to vector<1x1024xi32>
    %swap3A_178 = arith.index_cast %add3A_170 : i32 to index
    %swap3A_179 = arith.constant 0 : index
    %swap3A_180 = vector.load %arg6[%swap3A_178, %swap3A_179] : memref<1024x1024xi32, #tpu.memory_space<vmem>>, vector<1x1024xi32>
    tpu.vector_store %arg6[%swap3A_178, %swap3A_179], %convert_element_type3A_177 {strides = array<i32>} : memref<1024x1024xi32, #tpu.memory_space<vmem>>, vector<1x1024xi32>,
    %slice3A_181 = vector.extract_strided_slice %dot_general3A_5 {offsets = [896, 0], sizes = [128, 1024], strides = [1, 1]} : vector<4096x1024xf32> to vector<128x1024xf32>
    %reduce_max3A_182 = arith.constant dense<0xFF800000> : vector<1024xf32>
    %reduce_max3A_183 = vector.multi_reduction <maximumf>, %slice3A_181, %reduce_max3A_182 [0] : vector<128x1024xf32> to vector<1024xf32>
    %broadcast_in_dim3A_184 = vector.shape_cast %reduce_max3A_183 : vector<1024xf32> to vector<1x1024xf32>
    %eq3A_185 = vector.broadcast %broadcast_in_dim3A_184 : vector<1x1024xf32> to vector<128x1024xf32>
    %eq3A_186 = arith.cmpf oeq, %slice3A_181, %eq3A_185 : vector<128x1024xf32>
    %jit3A_187 = arith.constant 0xFF800000 : f32
    %broadcast_in_dim3A_188 = vector.broadcast %jit3A_187 : f32 to vector<128x1024xf32>
    %select_n3A_189 = arith.select %eq3A_186, %convert_element_type3A, %broadcast_in_dim3A_188 : vector<128x1024xi1>, vector<128x1024xf32>
    %reduce_max3A_190 = arith.constant dense<0xFF800000> : vector<1024xf32>
    %reduce_max3A_191 = vector.multi_reduction <maximumf>, %select_n3A_189, %reduce_max3A_190 [0] : vector<128x1024xf32> to vector<1024xf32>
    %broadcast_in_dim3A_192 = vector.shape_cast %reduce_max3A_191 : vector<1024xf32> to vector<1x1024xf32>
    %mul3A_193 = arith.constant 32 : i32
    %mul3A_194 = arith.muli %arg0, %mul3A_193 : i32
    %add3A_195 = arith.constant 7 : i32
    %add3A_196 = arith.addi %mul3A_194, %add3A_195 : i32
    %swap3A_197 = arith.index_cast %add3A_196 : i32 to index
    %swap3A_198 = arith.constant 0 : index
    %swap3A_199 = vector.load %arg5[%swap3A_197, %swap3A_198] : memref<1024x1024xf32, #tpu.memory_space<vmem>>, vector<1x1024xf32>
    tpu.vector_store %arg5[%swap3A_197, %swap3A_198], %broadcast_in_dim3A_184 {strides = array<i32>} : memref<1024x1024xf32, #tpu.memory_space<vmem>>, vector<1x1024xf32>,
    %neg3A_200 = arith.constant 0.000000e+00 : f32
    %neg3A_201 = vector.broadcast %neg3A_200 : f32 to vector<1x1024xf32>
    %neg3A_202 = arith.subf %neg3A_201, %broadcast_in_dim3A_192 : vector<1x1024xf32>
    %convert_element_type3A_203 = arith.fptosi %neg3A_202 : vector<1x1024xf32> to vector<1x1024xi32>
    %swap3A_204 = arith.index_cast %add3A_196 : i32 to index
    %swap3A_205 = arith.constant 0 : index
    %swap3A_206 = vector.load %arg6[%swap3A_204, %swap3A_205] : memref<1024x1024xi32, #tpu.memory_space<vmem>>, vector<1x1024xi32>
    tpu.vector_store %arg6[%swap3A_204, %swap3A_205], %convert_element_type3A_203 {strides = array<i32>} : memref<1024x1024xi32, #tpu.memory_space<vmem>>, vector<1x1024xi32>,
    %slice3A_207 = vector.extract_strided_slice %dot_general3A_5 {offsets = [1024, 0], sizes = [128, 1024], strides = [1, 1]} : vector<4096x1024xf32> to vector<128x1024xf32>
    %reduce_max3A_208 = arith.constant dense<0xFF800000> : vector<1024xf32>
    %reduce_max3A_209 = vector.multi_reduction <maximumf>, %slice3A_207, %reduce_max3A_208 [0] : vector<128x1024xf32> to vector<1024xf32>
    %broadcast_in_dim3A_210 = vector.shape_cast %reduce_max3A_209 : vector<1024xf32> to vector<1x1024xf32>
    %eq3A_211 = vector.broadcast %broadcast_in_dim3A_210 : vector<1x1024xf32> to vector<128x1024xf32>
    %eq3A_212 = arith.cmpf oeq, %slice3A_207, %eq3A_211 : vector<128x1024xf32>
    %jit3A_213 = arith.constant 0xFF800000 : f32
    %broadcast_in_dim3A_214 = vector.broadcast %jit3A_213 : f32 to vector<128x1024xf32>
    %select_n3A_215 = arith.select %eq3A_212, %convert_element_type3A, %broadcast_in_dim3A_214 : vector<128x1024xi1>, vector<128x1024xf32>
    %reduce_max3A_216 = arith.constant dense<0xFF800000> : vector<1024xf32>
    %reduce_max3A_217 = vector.multi_reduction <maximumf>, %select_n3A_215, %reduce_max3A_216 [0] : vector<128x1024xf32> to vector<1024xf32>
    %broadcast_in_dim3A_218 = vector.shape_cast %reduce_max3A_217 : vector<1024xf32> to vector<1x1024xf32>
    %mul3A_219 = arith.constant 32 : i32
    %mul3A_220 = arith.muli %arg0, %mul3A_219 : i32
    %add3A_221 = arith.constant 8 : i32
    %add3A_222 = arith.addi %mul3A_220, %add3A_221 : i32
    %swap3A_223 = arith.index_cast %add3A_222 : i32 to index
    %swap3A_224 = arith.constant 0 : index
    %swap3A_225 = vector.load %arg5[%swap3A_223, %swap3A_224] : memref<1024x1024xf32, #tpu.memory_space<vmem>>, vector<1x1024xf32>
    tpu.vector_store %arg5[%swap3A_223, %swap3A_224], %broadcast_in_dim3A_210 {strides = array<i32>} : memref<1024x1024xf32, #tpu.memory_space<vmem>>, vector<1x1024xf32>,
    %neg3A_226 = arith.constant 0.000000e+00 : f32
    %neg3A_227 = vector.broadcast %neg3A_226 : f32 to vector<1x1024xf32>
    %neg3A_228 = arith.subf %neg3A_227, %broadcast_in_dim3A_218 : vector<1x1024xf32>
    %convert_element_type3A_229 = arith.fptosi %neg3A_228 : vector<1x1024xf32> to vector<1x1024xi32>
    %swap3A_230 = arith.index_cast %add3A_222 : i32 to index
    %swap3A_231 = arith.constant 0 : index
    %swap3A_232 = vector.load %arg6[%swap3A_230, %swap3A_231] : memref<1024x1024xi32, #tpu.memory_space<vmem>>, vector<1x1024xi32>
    tpu.vector_store %arg6[%swap3A_230, %swap3A_231], %convert_element_type3A_229 {strides = array<i32>} : memref<1024x1024xi32, #tpu.memory_space<vmem>>, vector<1x1024xi32>,
    %slice3A_233 = vector.extract_strided_slice %dot_general3A_5 {offsets = [1152, 0], sizes = [128, 1024], strides = [1, 1]} : vector<4096x1024xf32> to vector<128x1024xf32>
    %reduce_max3A_234 = arith.constant dense<0xFF800000> : vector<1024xf32>
    %reduce_max3A_235 = vector.multi_reduction <maximumf>, %slice3A_233, %reduce_max3A_234 [0] : vector<128x1024xf32> to vector<1024xf32>
    %broadcast_in_dim3A_236 = vector.shape_cast %reduce_max3A_235 : vector<1024xf32> to vector<1x1024xf32>
    %eq3A_237 = vector.broadcast %broadcast_in_dim3A_236 : vector<1x1024xf32> to vector<128x1024xf32>
    %eq3A_238 = arith.cmpf oeq, %slice3A_233, %eq3A_237 : vector<128x1024xf32>
    %jit3A_239 = arith.constant 0xFF800000 : f32
    %broadcast_in_dim3A_240 = vector.broadcast %jit3A_239 : f32 to vector<128x1024xf32>
    %select_n3A_241 = arith.select %eq3A_238, %convert_element_type3A, %broadcast_in_dim3A_240 : vector<128x1024xi1>, vector<128x1024xf32>
    %reduce_max3A_242 = arith.constant dense<0xFF800000> : vector<1024xf32>
    %reduce_max3A_243 = vector.multi_reduction <maximumf>, %select_n3A_241, %reduce_max3A_242 [0] : vector<128x1024xf32> to vector<1024xf32>
    %broadcast_in_dim3A_244 = vector.shape_cast %reduce_max3A_243 : vector<1024xf32> to vector<1x1024xf32>
    %mul3A_245 = arith.constant 32 : i32
    %mul3A_246 = arith.muli %arg0, %mul3A_245 : i32
    %add3A_247 = arith.constant 9 : i32
    %add3A_248 = arith.addi %mul3A_246, %add3A_247 : i32
    %swap3A_249 = arith.index_cast %add3A_248 : i32 to index
    %swap3A_250 = arith.constant 0 : index
    %swap3A_251 = vector.load %arg5[%swap3A_249, %swap3A_250] : memref<1024x1024xf32, #tpu.memory_space<vmem>>, vector<1x1024xf32>
    tpu.vector_store %arg5[%swap3A_249, %swap3A_250], %broadcast_in_dim3A_236 {strides = array<i32>} : memref<1024x1024xf32, #tpu.memory_space<vmem>>, vector<1x1024xf32>,
    %neg3A_252 = arith.constant 0.000000e+00 : f32
    %neg3A_253 = vector.broadcast %neg3A_252 : f32 to vector<1x1024xf32>
    %neg3A_254 = arith.subf %neg3A_253, %broadcast_in_dim3A_244 : vector<1x1024xf32>
    %convert_element_type3A_255 = arith.fptosi %neg3A_254 : vector<1x1024xf32> to vector<1x1024xi32>
    %swap3A_256 = arith.index_cast %add3A_248 : i32 to index
    %swap3A_257 = arith.constant 0 : index
    %swap3A_258 = vector.load %arg6[%swap3A_256, %swap3A_257] : memref<1024x1024xi32, #tpu.memory_space<vmem>>, vector<1x1024xi32>
    tpu.vector_store %arg6[%swap3A_256, %swap3A_257], %convert_element_type3A_255 {strides = array<i32>} : memref<1024x1024xi32, #tpu.memory_space<vmem>>, vector<1x1024xi32>,
    %slice3A_259 = vector.extract_strided_slice %dot_general3A_5 {offsets = [1280, 0], sizes = [128, 1024], strides = [1, 1]} : vector<4096x1024xf32> to vector<128x1024xf32>
    %reduce_max3A_260 = arith.constant dense<0xFF800000> : vector<1024xf32>
    %reduce_max3A_261 = vector.multi_reduction <maximumf>, %slice3A_259, %reduce_max3A_260 [0] : vector<128x1024xf32> to vector<1024xf32>
    %broadcast_in_dim3A_262 = vector.shape_cast %reduce_max3A_261 : vector<1024xf32> to vector<1x1024xf32>
    %eq3A_263 = vector.broadcast %broadcast_in_dim3A_262 : vector<1x1024xf32> to vector<128x1024xf32>
    %eq3A_264 = arith.cmpf oeq, %slice3A_259, %eq3A_263 : vector<128x1024xf32>
    %jit3A_265 = arith.constant 0xFF800000 : f32
    %broadcast_in_dim3A_266 = vector.broadcast %jit3A_265 : f32 to vector<128x1024xf32>
    %select_n3A_267 = arith.select %eq3A_264, %convert_element_type3A, %broadcast_in_dim3A_266 : vector<128x1024xi1>, vector<128x1024xf32>
    %reduce_max3A_268 = arith.constant dense<0xFF800000> : vector<1024xf32>
    %reduce_max3A_269 = vector.multi_reduction <maximumf>, %select_n3A_267, %reduce_max3A_268 [0] : vector<128x1024xf32> to vector<1024xf32>
    %broadcast_in_dim3A_270 = vector.shape_cast %reduce_max3A_269 : vector<1024xf32> to vector<1x1024xf32>
    %mul3A_271 = arith.constant 32 : i32
    %mul3A_272 = arith.muli %arg0, %mul3A_271 : i32
    %add3A_273 = arith.constant 10 : i32
    %add3A_274 = arith.addi %mul3A_272, %add3A_273 : i32
    %swap3A_275 = arith.index_cast %add3A_274 : i32 to index
    %swap3A_276 = arith.constant 0 : index
    %swap3A_277 = vector.load %arg5[%swap3A_275, %swap3A_276] : memref<1024x1024xf32, #tpu.memory_space<vmem>>, vector<1x1024xf32>
    tpu.vector_store %arg5[%swap3A_275, %swap3A_276], %broadcast_in_dim3A_262 {strides = array<i32>} : memref<1024x1024xf32, #tpu.memory_space<vmem>>, vector<1x1024xf32>,
    %neg3A_278 = arith.constant 0.000000e+00 : f32
    %neg3A_279 = vector.broadcast %neg3A_278 : f32 to vector<1x1024xf32>
    %neg3A_280 = arith.subf %neg3A_279, %broadcast_in_dim3A_270 : vector<1x1024xf32>
    %convert_element_type3A_281 = arith.fptosi %neg3A_280 : vector<1x1024xf32> to vector<1x1024xi32>
    %swap3A_282 = arith.index_cast %add3A_274 : i32 to index
    %swap3A_283 = arith.constant 0 : index
    %swap3A_284 = vector.load %arg6[%swap3A_282, %swap3A_283] : memref<1024x1024xi32, #tpu.memory_space<vmem>>, vector<1x1024xi32>
    tpu.vector_store %arg6[%swap3A_282, %swap3A_283], %convert_element_type3A_281 {strides = array<i32>} : memref<1024x1024xi32, #tpu.memory_space<vmem>>, vector<1x1024xi32>,
    %slice3A_285 = vector.extract_strided_slice %dot_general3A_5 {offsets = [1408, 0], sizes = [128, 1024], strides = [1, 1]} : vector<4096x1024xf32> to vector<128x1024xf32>
    %reduce_max3A_286 = arith.constant dense<0xFF800000> : vector<1024xf32>
    %reduce_max3A_287 = vector.multi_reduction <maximumf>, %slice3A_285, %reduce_max3A_286 [0] : vector<128x1024xf32> to vector<1024xf32>
    %broadcast_in_dim3A_288 = vector.shape_cast %reduce_max3A_287 : vector<1024xf32> to vector<1x1024xf32>
    %eq3A_289 = vector.broadcast %broadcast_in_dim3A_288 : vector<1x1024xf32> to vector<128x1024xf32>
    %eq3A_290 = arith.cmpf oeq, %slice3A_285, %eq3A_289 : vector<128x1024xf32>
    %jit3A_291 = arith.constant 0xFF800000 : f32
    %broadcast_in_dim3A_292 = vector.broadcast %jit3A_291 : f32 to vector<128x1024xf32>
    %select_n3A_293 = arith.select %eq3A_290, %convert_element_type3A, %broadcast_in_dim3A_292 : vector<128x1024xi1>, vector<128x1024xf32>
    %reduce_max3A_294 = arith.constant dense<0xFF800000> : vector<1024xf32>
    %reduce_max3A_295 = vector.multi_reduction <maximumf>, %select_n3A_293, %reduce_max3A_294 [0] : vector<128x1024xf32> to vector<1024xf32>
    %broadcast_in_dim3A_296 = vector.shape_cast %reduce_max3A_295 : vector<1024xf32> to vector<1x1024xf32>
    %mul3A_297 = arith.constant 32 : i32
    %mul3A_298 = arith.muli %arg0, %mul3A_297 : i32
    %add3A_299 = arith.constant 11 : i32
    %add3A_300 = arith.addi %mul3A_298, %add3A_299 : i32
    %swap3A_301 = arith.index_cast %add3A_300 : i32 to index
    %swap3A_302 = arith.constant 0 : index
    %swap3A_303 = vector.load %arg5[%swap3A_301, %swap3A_302] : memref<1024x1024xf32, #tpu.memory_space<vmem>>, vector<1x1024xf32>
    tpu.vector_store %arg5[%swap3A_301, %swap3A_302], %broadcast_in_dim3A_288 {strides = array<i32>} : memref<1024x1024xf32, #tpu.memory_space<vmem>>, vector<1x1024xf32>,
    %neg3A_304 = arith.constant 0.000000e+00 : f32
    %neg3A_305 = vector.broadcast %neg3A_304 : f32 to vector<1x1024xf32>
    %neg3A_306 = arith.subf %neg3A_305, %broadcast_in_dim3A_296 : vector<1x1024xf32>
    %convert_element_type3A_307 = arith.fptosi %neg3A_306 : vector<1x1024xf32> to vector<1x1024xi32>
    %swap3A_308 = arith.index_cast %add3A_300 : i32 to index
    %swap3A_309 = arith.constant 0 : index
    %swap3A_310 = vector.load %arg6[%swap3A_308, %swap3A_309] : memref<1024x1024xi32, #tpu.memory_space<vmem>>, vector<1x1024xi32>
    tpu.vector_store %arg6[%swap3A_308, %swap3A_309], %convert_element_type3A_307 {strides = array<i32>} : memref<1024x1024xi32, #tpu.memory_space<vmem>>, vector<1x1024xi32>,
    %slice3A_311 = vector.extract_strided_slice %dot_general3A_5 {offsets = [1536, 0], sizes = [128, 1024], strides = [1, 1]} : vector<4096x1024xf32> to vector<128x1024xf32>
    %reduce_max3A_312 = arith.constant dense<0xFF800000> : vector<1024xf32>
    %reduce_max3A_313 = vector.multi_reduction <maximumf>, %slice3A_311, %reduce_max3A_312 [0] : vector<128x1024xf32> to vector<1024xf32>
    %broadcast_in_dim3A_314 = vector.shape_cast %reduce_max3A_313 : vector<1024xf32> to vector<1x1024xf32>
    %eq3A_315 = vector.broadcast %broadcast_in_dim3A_314 : vector<1x1024xf32> to vector<128x1024xf32>
    %eq3A_316 = arith.cmpf oeq, %slice3A_311, %eq3A_315 : vector<128x1024xf32>
    %jit3A_317 = arith.constant 0xFF800000 : f32
    %broadcast_in_dim3A_318 = vector.broadcast %jit3A_317 : f32 to vector<128x1024xf32>
    %select_n3A_319 = arith.select %eq3A_316, %convert_element_type3A, %broadcast_in_dim3A_318 : vector<128x1024xi1>, vector<128x1024xf32>
    %reduce_max3A_320 = arith.constant dense<0xFF800000> : vector<1024xf32>
    %reduce_max3A_321 = vector.multi_reduction <maximumf>, %select_n3A_319, %reduce_max3A_320 [0] : vector<128x1024xf32> to vector<1024xf32>
    %broadcast_in_dim3A_322 = vector.shape_cast %reduce_max3A_321 : vector<1024xf32> to vector<1x1024xf32>
    %mul3A_323 = arith.constant 32 : i32
    %mul3A_324 = arith.muli %arg0, %mul3A_323 : i32
    %add3A_325 = arith.constant 12 : i32
    %add3A_326 = arith.addi %mul3A_324, %add3A_325 : i32
    %swap3A_327 = arith.index_cast %add3A_326 : i32 to index
    %swap3A_328 = arith.constant 0 : index
    %swap3A_329 = vector.load %arg5[%swap3A_327, %swap3A_328] : memref<1024x1024xf32, #tpu.memory_space<vmem>>, vector<1x1024xf32>
    tpu.vector_store %arg5[%swap3A_327, %swap3A_328], %broadcast_in_dim3A_314 {strides = array<i32>} : memref<1024x1024xf32, #tpu.memory_space<vmem>>, vector<1x1024xf32>,
    %neg3A_330 = arith.constant 0.000000e+00 : f32
    %neg3A_331 = vector.broadcast %neg3A_330 : f32 to vector<1x1024xf32>
    %neg3A_332 = arith.subf %neg3A_331, %broadcast_in_dim3A_322 : vector<1x1024xf32>
    %convert_element_type3A_333 = arith.fptosi %neg3A_332 : vector<1x1024xf32> to vector<1x1024xi32>
    %swap3A_334 = arith.index_cast %add3A_326 : i32 to index
    %swap3A_335 = arith.constant 0 : index
    %swap3A_336 = vector.load %arg6[%swap3A_334, %swap3A_335] : memref<1024x1024xi32, #tpu.memory_space<vmem>>, vector<1x1024xi32>
    tpu.vector_store %arg6[%swap3A_334, %swap3A_335], %convert_element_type3A_333 {strides = array<i32>} : memref<1024x1024xi32, #tpu.memory_space<vmem>>, vector<1x1024xi32>,
    %slice3A_337 = vector.extract_strided_slice %dot_general3A_5 {offsets = [1664, 0], sizes = [128, 1024], strides = [1, 1]} : vector<4096x1024xf32> to vector<128x1024xf32>
    %reduce_max3A_338 = arith.constant dense<0xFF800000> : vector<1024xf32>
    %reduce_max3A_339 = vector.multi_reduction <maximumf>, %slice3A_337, %reduce_max3A_338 [0] : vector<128x1024xf32> to vector<1024xf32>
    %broadcast_in_dim3A_340 = vector.shape_cast %reduce_max3A_339 : vector<1024xf32> to vector<1x1024xf32>
    %eq3A_341 = vector.broadcast %broadcast_in_dim3A_340 : vector<1x1024xf32> to vector<128x1024xf32>
    %eq3A_342 = arith.cmpf oeq, %slice3A_337, %eq3A_341 : vector<128x1024xf32>
    %jit3A_343 = arith.constant 0xFF800000 : f32
    %broadcast_in_dim3A_344 = vector.broadcast %jit3A_343 : f32 to vector<128x1024xf32>
    %select_n3A_345 = arith.select %eq3A_342, %convert_element_type3A, %broadcast_in_dim3A_344 : vector<128x1024xi1>, vector<128x1024xf32>
    %reduce_max3A_346 = arith.constant dense<0xFF800000> : vector<1024xf32>
    %reduce_max3A_347 = vector.multi_reduction <maximumf>, %select_n3A_345, %reduce_max3A_346 [0] : vector<128x1024xf32> to vector<1024xf32>
    %broadcast_in_dim3A_348 = vector.shape_cast %reduce_max3A_347 : vector<1024xf32> to vector<1x1024xf32>
    %mul3A_349 = arith.constant 32 : i32
    %mul3A_350 = arith.muli %arg0, %mul3A_349 : i32
    %add3A_351 = arith.constant 13 : i32
    %add3A_352 = arith.addi %mul3A_350, %add3A_351 : i32
    %swap3A_353 = arith.index_cast %add3A_352 : i32 to index
    %swap3A_354 = arith.constant 0 : index
    %swap3A_355 = vector.load %arg5[%swap3A_353, %swap3A_354] : memref<1024x1024xf32, #tpu.memory_space<vmem>>, vector<1x1024xf32>
    tpu.vector_store %arg5[%swap3A_353, %swap3A_354], %broadcast_in_dim3A_340 {strides = array<i32>} : memref<1024x1024xf32, #tpu.memory_space<vmem>>, vector<1x1024xf32>,
    %neg3A_356 = arith.constant 0.000000e+00 : f32
    %neg3A_357 = vector.broadcast %neg3A_356 : f32 to vector<1x1024xf32>
    %neg3A_358 = arith.subf %neg3A_357, %broadcast_in_dim3A_348 : vector<1x1024xf32>
    %convert_element_type3A_359 = arith.fptosi %neg3A_358 : vector<1x1024xf32> to vector<1x1024xi32>
    %swap3A_360 = arith.index_cast %add3A_352 : i32 to index
    %swap3A_361 = arith.constant 0 : index
    %swap3A_362 = vector.load %arg6[%swap3A_360, %swap3A_361] : memref<1024x1024xi32, #tpu.memory_space<vmem>>, vector<1x1024xi32>
    tpu.vector_store %arg6[%swap3A_360, %swap3A_361], %convert_element_type3A_359 {strides = array<i32>} : memref<1024x1024xi32, #tpu.memory_space<vmem>>, vector<1x1024xi32>,
    %slice3A_363 = vector.extract_strided_slice %dot_general3A_5 {offsets = [1792, 0], sizes = [128, 1024], strides = [1, 1]} : vector<4096x1024xf32> to vector<128x1024xf32>
    %reduce_max3A_364 = arith.constant dense<0xFF800000> : vector<1024xf32>
    %reduce_max3A_365 = vector.multi_reduction <maximumf>, %slice3A_363, %reduce_max3A_364 [0] : vector<128x1024xf32> to vector<1024xf32>
    %broadcast_in_dim3A_366 = vector.shape_cast %reduce_max3A_365 : vector<1024xf32> to vector<1x1024xf32>
    %eq3A_367 = vector.broadcast %broadcast_in_dim3A_366 : vector<1x1024xf32> to vector<128x1024xf32>
    %eq3A_368 = arith.cmpf oeq, %slice3A_363, %eq3A_367 : vector<128x1024xf32>
    %jit3A_369 = arith.constant 0xFF800000 : f32
    %broadcast_in_dim3A_370 = vector.broadcast %jit3A_369 : f32 to vector<128x1024xf32>
    %select_n3A_371 = arith.select %eq3A_368, %convert_element_type3A, %broadcast_in_dim3A_370 : vector<128x1024xi1>, vector<128x1024xf32>
    %reduce_max3A_372 = arith.constant dense<0xFF800000> : vector<1024xf32>
    %reduce_max3A_373 = vector.multi_reduction <maximumf>, %select_n3A_371, %reduce_max3A_372 [0] : vector<128x1024xf32> to vector<1024xf32>
    %broadcast_in_dim3A_374 = vector.shape_cast %reduce_max3A_373 : vector<1024xf32> to vector<1x1024xf32>
    %mul3A_375 = arith.constant 32 : i32
    %mul3A_376 = arith.muli %arg0, %mul3A_375 : i32
    %add3A_377 = arith.constant 14 : i32
    %add3A_378 = arith.addi %mul3A_376, %add3A_377 : i32
    %swap3A_379 = arith.index_cast %add3A_378 : i32 to index
    %swap3A_380 = arith.constant 0 : index
    %swap3A_381 = vector.load %arg5[%swap3A_379, %swap3A_380] : memref<1024x1024xf32, #tpu.memory_space<vmem>>, vector<1x1024xf32>
    tpu.vector_store %arg5[%swap3A_379, %swap3A_380], %broadcast_in_dim3A_366 {strides = array<i32>} : memref<1024x1024xf32, #tpu.memory_space<vmem>>, vector<1x1024xf32>,
    %neg3A_382 = arith.constant 0.000000e+00 : f32
    %neg3A_383 = vector.broadcast %neg3A_382 : f32 to vector<1x1024xf32>
    %neg3A_384 = arith.subf %neg3A_383, %broadcast_in_dim3A_374 : vector<1x1024xf32>
    %convert_element_type3A_385 = arith.fptosi %neg3A_384 : vector<1x1024xf32> to vector<1x1024xi32>
    %swap3A_386 = arith.index_cast %add3A_378 : i32 to index
    %swap3A_387 = arith.constant 0 : index
    %swap3A_388 = vector.load %arg6[%swap3A_386, %swap3A_387] : memref<1024x1024xi32, #tpu.memory_space<vmem>>, vector<1x1024xi32>
    tpu.vector_store %arg6[%swap3A_386, %swap3A_387], %convert_element_type3A_385 {strides = array<i32>} : memref<1024x1024xi32, #tpu.memory_space<vmem>>, vector<1x1024xi32>,
    %slice3A_389 = vector.extract_strided_slice %dot_general3A_5 {offsets = [1920, 0], sizes = [128, 1024], strides = [1, 1]} : vector<4096x1024xf32> to vector<128x1024xf32>
    %reduce_max3A_390 = arith.constant dense<0xFF800000> : vector<1024xf32>
    %reduce_max3A_391 = vector.multi_reduction <maximumf>, %slice3A_389, %reduce_max3A_390 [0] : vector<128x1024xf32> to vector<1024xf32>
    %broadcast_in_dim3A_392 = vector.shape_cast %reduce_max3A_391 : vector<1024xf32> to vector<1x1024xf32>
    %eq3A_393 = vector.broadcast %broadcast_in_dim3A_392 : vector<1x1024xf32> to vector<128x1024xf32>
    %eq3A_394 = arith.cmpf oeq, %slice3A_389, %eq3A_393 : vector<128x1024xf32>
    %jit3A_395 = arith.constant 0xFF800000 : f32
    %broadcast_in_dim3A_396 = vector.broadcast %jit3A_395 : f32 to vector<128x1024xf32>
    %select_n3A_397 = arith.select %eq3A_394, %convert_element_type3A, %broadcast_in_dim3A_396 : vector<128x1024xi1>, vector<128x1024xf32>
    %reduce_max3A_398 = arith.constant dense<0xFF800000> : vector<1024xf32>
    %reduce_max3A_399 = vector.multi_reduction <maximumf>, %select_n3A_397, %reduce_max3A_398 [0] : vector<128x1024xf32> to vector<1024xf32>
    %broadcast_in_dim3A_400 = vector.shape_cast %reduce_max3A_399 : vector<1024xf32> to vector<1x1024xf32>
    %mul3A_401 = arith.constant 32 : i32
    %mul3A_402 = arith.muli %arg0, %mul3A_401 : i32
    %add3A_403 = arith.constant 15 : i32
    %add3A_404 = arith.addi %mul3A_402, %add3A_403 : i32
    %swap3A_405 = arith.index_cast %add3A_404 : i32 to index
    %swap3A_406 = arith.constant 0 : index
    %swap3A_407 = vector.load %arg5[%swap3A_405, %swap3A_406] : memref<1024x1024xf32, #tpu.memory_space<vmem>>, vector<1x1024xf32>
    tpu.vector_store %arg5[%swap3A_405, %swap3A_406], %broadcast_in_dim3A_392 {strides = array<i32>} : memref<1024x1024xf32, #tpu.memory_space<vmem>>, vector<1x1024xf32>,
    %neg3A_408 = arith.constant 0.000000e+00 : f32
    %neg3A_409 = vector.broadcast %neg3A_408 : f32 to vector<1x1024xf32>
    %neg3A_410 = arith.subf %neg3A_409, %broadcast_in_dim3A_400 : vector<1x1024xf32>
    %convert_element_type3A_411 = arith.fptosi %neg3A_410 : vector<1x1024xf32> to vector<1x1024xi32>
    %swap3A_412 = arith.index_cast %add3A_404 : i32 to index
    %swap3A_413 = arith.constant 0 : index
    %swap3A_414 = vector.load %arg6[%swap3A_412, %swap3A_413] : memref<1024x1024xi32, #tpu.memory_space<vmem>>, vector<1x1024xi32>
    tpu.vector_store %arg6[%swap3A_412, %swap3A_413], %convert_element_type3A_411 {strides = array<i32>} : memref<1024x1024xi32, #tpu.memory_space<vmem>>, vector<1x1024xi32>,
    %slice3A_415 = vector.extract_strided_slice %dot_general3A_5 {offsets = [2048, 0], sizes = [128, 1024], strides = [1, 1]} : vector<4096x1024xf32> to vector<128x1024xf32>
    %reduce_max3A_416 = arith.constant dense<0xFF800000> : vector<1024xf32>
    %reduce_max3A_417 = vector.multi_reduction <maximumf>, %slice3A_415, %reduce_max3A_416 [0] : vector<128x1024xf32> to vector<1024xf32>
    %broadcast_in_dim3A_418 = vector.shape_cast %reduce_max3A_417 : vector<1024xf32> to vector<1x1024xf32>
    %eq3A_419 = vector.broadcast %broadcast_in_dim3A_418 : vector<1x1024xf32> to vector<128x1024xf32>
    %eq3A_420 = arith.cmpf oeq, %slice3A_415, %eq3A_419 : vector<128x1024xf32>
    %jit3A_421 = arith.constant 0xFF800000 : f32
    %broadcast_in_dim3A_422 = vector.broadcast %jit3A_421 : f32 to vector<128x1024xf32>
    %select_n3A_423 = arith.select %eq3A_420, %convert_element_type3A, %broadcast_in_dim3A_422 : vector<128x1024xi1>, vector<128x1024xf32>
    %reduce_max3A_424 = arith.constant dense<0xFF800000> : vector<1024xf32>
    %reduce_max3A_425 = vector.multi_reduction <maximumf>, %select_n3A_423, %reduce_max3A_424 [0] : vector<128x1024xf32> to vector<1024xf32>
    %broadcast_in_dim3A_426 = vector.shape_cast %reduce_max3A_425 : vector<1024xf32> to vector<1x1024xf32>
    %mul3A_427 = arith.constant 32 : i32
    %mul3A_428 = arith.muli %arg0, %mul3A_427 : i32
    %add3A_429 = arith.constant 16 : i32
    %add3A_430 = arith.addi %mul3A_428, %add3A_429 : i32
    %swap3A_431 = arith.index_cast %add3A_430 : i32 to index
    %swap3A_432 = arith.constant 0 : index
    %swap3A_433 = vector.load %arg5[%swap3A_431, %swap3A_432] : memref<1024x1024xf32, #tpu.memory_space<vmem>>, vector<1x1024xf32>
    tpu.vector_store %arg5[%swap3A_431, %swap3A_432], %broadcast_in_dim3A_418 {strides = array<i32>} : memref<1024x1024xf32, #tpu.memory_space<vmem>>, vector<1x1024xf32>,
    %neg3A_434 = arith.constant 0.000000e+00 : f32
    %neg3A_435 = vector.broadcast %neg3A_434 : f32 to vector<1x1024xf32>
    %neg3A_436 = arith.subf %neg3A_435, %broadcast_in_dim3A_426 : vector<1x1024xf32>
    %convert_element_type3A_437 = arith.fptosi %neg3A_436 : vector<1x1024xf32> to vector<1x1024xi32>
    %swap3A_438 = arith.index_cast %add3A_430 : i32 to index
    %swap3A_439 = arith.constant 0 : index
    %swap3A_440 = vector.load %arg6[%swap3A_438, %swap3A_439] : memref<1024x1024xi32, #tpu.memory_space<vmem>>, vector<1x1024xi32>
    tpu.vector_store %arg6[%swap3A_438, %swap3A_439], %convert_element_type3A_437 {strides = array<i32>} : memref<1024x1024xi32, #tpu.memory_space<vmem>>, vector<1x1024xi32>,
    %slice3A_441 = vector.extract_strided_slice %dot_general3A_5 {offsets = [2176, 0], sizes = [128, 1024], strides = [1, 1]} : vector<4096x1024xf32> to vector<128x1024xf32>
    %reduce_max3A_442 = arith.constant dense<0xFF800000> : vector<1024xf32>
    %reduce_max3A_443 = vector.multi_reduction <maximumf>, %slice3A_441, %reduce_max3A_442 [0] : vector<128x1024xf32> to vector<1024xf32>
    %broadcast_in_dim3A_444 = vector.shape_cast %reduce_max3A_443 : vector<1024xf32> to vector<1x1024xf32>
    %eq3A_445 = vector.broadcast %broadcast_in_dim3A_444 : vector<1x1024xf32> to vector<128x1024xf32>
    %eq3A_446 = arith.cmpf oeq, %slice3A_441, %eq3A_445 : vector<128x1024xf32>
    %jit3A_447 = arith.constant 0xFF800000 : f32
    %broadcast_in_dim3A_448 = vector.broadcast %jit3A_447 : f32 to vector<128x1024xf32>
    %select_n3A_449 = arith.select %eq3A_446, %convert_element_type3A, %broadcast_in_dim3A_448 : vector<128x1024xi1>, vector<128x1024xf32>
    %reduce_max3A_450 = arith.constant dense<0xFF800000> : vector<1024xf32>
    %reduce_max3A_451 = vector.multi_reduction <maximumf>, %select_n3A_449, %reduce_max3A_450 [0] : vector<128x1024xf32> to vector<1024xf32>
    %broadcast_in_dim3A_452 = vector.shape_cast %reduce_max3A_451 : vector<1024xf32> to vector<1x1024xf32>
    %mul3A_453 = arith.constant 32 : i32
    %mul3A_454 = arith.muli %arg0, %mul3A_453 : i32
    %add3A_455 = arith.constant 17 : i32
    %add3A_456 = arith.addi %mul3A_454, %add3A_455 : i32
    %swap3A_457 = arith.index_cast %add3A_456 : i32 to index
    %swap3A_458 = arith.constant 0 : index
    %swap3A_459 = vector.load %arg5[%swap3A_457, %swap3A_458] : memref<1024x1024xf32, #tpu.memory_space<vmem>>, vector<1x1024xf32>
    tpu.vector_store %arg5[%swap3A_457, %swap3A_458], %broadcast_in_dim3A_444 {strides = array<i32>} : memref<1024x1024xf32, #tpu.memory_space<vmem>>, vector<1x1024xf32>,
    %neg3A_460 = arith.constant 0.000000e+00 : f32
    %neg3A_461 = vector.broadcast %neg3A_460 : f32 to vector<1x1024xf32>
    %neg3A_462 = arith.subf %neg3A_461, %broadcast_in_dim3A_452 : vector<1x1024xf32>
    %convert_element_type3A_463 = arith.fptosi %neg3A_462 : vector<1x1024xf32> to vector<1x1024xi32>
    %swap3A_464 = arith.index_cast %add3A_456 : i32 to index
    %swap3A_465 = arith.constant 0 : index
    %swap3A_466 = vector.load %arg6[%swap3A_464, %swap3A_465] : memref<1024x1024xi32, #tpu.memory_space<vmem>>, vector<1x1024xi32>
    tpu.vector_store %arg6[%swap3A_464, %swap3A_465], %convert_element_type3A_463 {strides = array<i32>} : memref<1024x1024xi32, #tpu.memory_space<vmem>>, vector<1x1024xi32>,
    %slice3A_467 = vector.extract_strided_slice %dot_general3A_5 {offsets = [2304, 0], sizes = [128, 1024], strides = [1, 1]} : vector<4096x1024xf32> to vector<128x1024xf32>
    %reduce_max3A_468 = arith.constant dense<0xFF800000> : vector<1024xf32>
    %reduce_max3A_469 = vector.multi_reduction <maximumf>, %slice3A_467, %reduce_max3A_468 [0] : vector<128x1024xf32> to vector<1024xf32>
    %broadcast_in_dim3A_470 = vector.shape_cast %reduce_max3A_469 : vector<1024xf32> to vector<1x1024xf32>
    %eq3A_471 = vector.broadcast %broadcast_in_dim3A_470 : vector<1x1024xf32> to vector<128x1024xf32>
    %eq3A_472 = arith.cmpf oeq, %slice3A_467, %eq3A_471 : vector<128x1024xf32>
    %jit3A_473 = arith.constant 0xFF800000 : f32
    %broadcast_in_dim3A_474 = vector.broadcast %jit3A_473 : f32 to vector<128x1024xf32>
    %select_n3A_475 = arith.select %eq3A_472, %convert_element_type3A, %broadcast_in_dim3A_474 : vector<128x1024xi1>, vector<128x1024xf32>
    %reduce_max3A_476 = arith.constant dense<0xFF800000> : vector<1024xf32>
    %reduce_max3A_477 = vector.multi_reduction <maximumf>, %select_n3A_475, %reduce_max3A_476 [0] : vector<128x1024xf32> to vector<1024xf32>
    %broadcast_in_dim3A_478 = vector.shape_cast %reduce_max3A_477 : vector<1024xf32> to vector<1x1024xf32>
    %mul3A_479 = arith.constant 32 : i32
    %mul3A_480 = arith.muli %arg0, %mul3A_479 : i32
    %add3A_481 = arith.constant 18 : i32
    %add3A_482 = arith.addi %mul3A_480, %add3A_481 : i32
    %swap3A_483 = arith.index_cast %add3A_482 : i32 to index
    %swap3A_484 = arith.constant 0 : index
    %swap3A_485 = vector.load %arg5[%swap3A_483, %swap3A_484] : memref<1024x1024xf32, #tpu.memory_space<vmem>>, vector<1x1024xf32>
    tpu.vector_store %arg5[%swap3A_483, %swap3A_484], %broadcast_in_dim3A_470 {strides = array<i32>} : memref<1024x1024xf32, #tpu.memory_space<vmem>>, vector<1x1024xf32>,
    %neg3A_486 = arith.constant 0.000000e+00 : f32
    %neg3A_487 = vector.broadcast %neg3A_486 : f32 to vector<1x1024xf32>
    %neg3A_488 = arith.subf %neg3A_487, %broadcast_in_dim3A_478 : vector<1x1024xf32>
    %convert_element_type3A_489 = arith.fptosi %neg3A_488 : vector<1x1024xf32> to vector<1x1024xi32>
    %swap3A_490 = arith.index_cast %add3A_482 : i32 to index
    %swap3A_491 = arith.constant 0 : index
    %swap3A_492 = vector.load %arg6[%swap3A_490, %swap3A_491] : memref<1024x1024xi32, #tpu.memory_space<vmem>>, vector<1x1024xi32>
    tpu.vector_store %arg6[%swap3A_490, %swap3A_491], %convert_element_type3A_489 {strides = array<i32>} : memref<1024x1024xi32, #tpu.memory_space<vmem>>, vector<1x1024xi32>,
    %slice3A_493 = vector.extract_strided_slice %dot_general3A_5 {offsets = [2432, 0], sizes = [128, 1024], strides = [1, 1]} : vector<4096x1024xf32> to vector<128x1024xf32>
    %reduce_max3A_494 = arith.constant dense<0xFF800000> : vector<1024xf32>
    %reduce_max3A_495 = vector.multi_reduction <maximumf>, %slice3A_493, %reduce_max3A_494 [0] : vector<128x1024xf32> to vector<1024xf32>
    %broadcast_in_dim3A_496 = vector.shape_cast %reduce_max3A_495 : vector<1024xf32> to vector<1x1024xf32>
    %eq3A_497 = vector.broadcast %broadcast_in_dim3A_496 : vector<1x1024xf32> to vector<128x1024xf32>
    %eq3A_498 = arith.cmpf oeq, %slice3A_493, %eq3A_497 : vector<128x1024xf32>
    %jit3A_499 = arith.constant 0xFF800000 : f32
    %broadcast_in_dim3A_500 = vector.broadcast %jit3A_499 : f32 to vector<128x1024xf32>
    %select_n3A_501 = arith.select %eq3A_498, %convert_element_type3A, %broadcast_in_dim3A_500 : vector<128x1024xi1>, vector<128x1024xf32>
    %reduce_max3A_502 = arith.constant dense<0xFF800000> : vector<1024xf32>
    %reduce_max3A_503 = vector.multi_reduction <maximumf>, %select_n3A_501, %reduce_max3A_502 [0] : vector<128x1024xf32> to vector<1024xf32>
    %broadcast_in_dim3A_504 = vector.shape_cast %reduce_max3A_503 : vector<1024xf32> to vector<1x1024xf32>
    %mul3A_505 = arith.constant 32 : i32
    %mul3A_506 = arith.muli %arg0, %mul3A_505 : i32
    %add3A_507 = arith.constant 19 : i32
    %add3A_508 = arith.addi %mul3A_506, %add3A_507 : i32
    %swap3A_509 = arith.index_cast %add3A_508 : i32 to index
    %swap3A_510 = arith.constant 0 : index
    %swap3A_511 = vector.load %arg5[%swap3A_509, %swap3A_510] : memref<1024x1024xf32, #tpu.memory_space<vmem>>, vector<1x1024xf32>
    tpu.vector_store %arg5[%swap3A_509, %swap3A_510], %broadcast_in_dim3A_496 {strides = array<i32>} : memref<1024x1024xf32, #tpu.memory_space<vmem>>, vector<1x1024xf32>,
    %neg3A_512 = arith.constant 0.000000e+00 : f32
    %neg3A_513 = vector.broadcast %neg3A_512 : f32 to vector<1x1024xf32>
    %neg3A_514 = arith.subf %neg3A_513, %broadcast_in_dim3A_504 : vector<1x1024xf32>
    %convert_element_type3A_515 = arith.fptosi %neg3A_514 : vector<1x1024xf32> to vector<1x1024xi32>
    %swap3A_516 = arith.index_cast %add3A_508 : i32 to index
    %swap3A_517 = arith.constant 0 : index
    %swap3A_518 = vector.load %arg6[%swap3A_516, %swap3A_517] : memref<1024x1024xi32, #tpu.memory_space<vmem>>, vector<1x1024xi32>
    tpu.vector_store %arg6[%swap3A_516, %swap3A_517], %convert_element_type3A_515 {strides = array<i32>} : memref<1024x1024xi32, #tpu.memory_space<vmem>>, vector<1x1024xi32>,
    %slice3A_519 = vector.extract_strided_slice %dot_general3A_5 {offsets = [2560, 0], sizes = [128, 1024], strides = [1, 1]} : vector<4096x1024xf32> to vector<128x1024xf32>
    %reduce_max3A_520 = arith.constant dense<0xFF800000> : vector<1024xf32>
    %reduce_max3A_521 = vector.multi_reduction <maximumf>, %slice3A_519, %reduce_max3A_520 [0] : vector<128x1024xf32> to vector<1024xf32>
    %broadcast_in_dim3A_522 = vector.shape_cast %reduce_max3A_521 : vector<1024xf32> to vector<1x1024xf32>
    %eq3A_523 = vector.broadcast %broadcast_in_dim3A_522 : vector<1x1024xf32> to vector<128x1024xf32>
    %eq3A_524 = arith.cmpf oeq, %slice3A_519, %eq3A_523 : vector<128x1024xf32>
    %jit3A_525 = arith.constant 0xFF800000 : f32
    %broadcast_in_dim3A_526 = vector.broadcast %jit3A_525 : f32 to vector<128x1024xf32>
    %select_n3A_527 = arith.select %eq3A_524, %convert_element_type3A, %broadcast_in_dim3A_526 : vector<128x1024xi1>, vector<128x1024xf32>
    %reduce_max3A_528 = arith.constant dense<0xFF800000> : vector<1024xf32>
    %reduce_max3A_529 = vector.multi_reduction <maximumf>, %select_n3A_527, %reduce_max3A_528 [0] : vector<128x1024xf32> to vector<1024xf32>
    %broadcast_in_dim3A_530 = vector.shape_cast %reduce_max3A_529 : vector<1024xf32> to vector<1x1024xf32>
    %mul3A_531 = arith.constant 32 : i32
    %mul3A_532 = arith.muli %arg0, %mul3A_531 : i32
    %add3A_533 = arith.constant 20 : i32
    %add3A_534 = arith.addi %mul3A_532, %add3A_533 : i32
    %swap3A_535 = arith.index_cast %add3A_534 : i32 to index
    %swap3A_536 = arith.constant 0 : index
    %swap3A_537 = vector.load %arg5[%swap3A_535, %swap3A_536] : memref<1024x1024xf32, #tpu.memory_space<vmem>>, vector<1x1024xf32>
    tpu.vector_store %arg5[%swap3A_535, %swap3A_536], %broadcast_in_dim3A_522 {strides = array<i32>} : memref<1024x1024xf32, #tpu.memory_space<vmem>>, vector<1x1024xf32>,
    %neg3A_538 = arith.constant 0.000000e+00 : f32
    %neg3A_539 = vector.broadcast %neg3A_538 : f32 to vector<1x1024xf32>
    %neg3A_540 = arith.subf %neg3A_539, %broadcast_in_dim3A_530 : vector<1x1024xf32>
    %convert_element_type3A_541 = arith.fptosi %neg3A_540 : vector<1x1024xf32> to vector<1x1024xi32>
    %swap3A_542 = arith.index_cast %add3A_534 : i32 to index
    %swap3A_543 = arith.constant 0 : index
    %swap3A_544 = vector.load %arg6[%swap3A_542, %swap3A_543] : memref<1024x1024xi32, #tpu.memory_space<vmem>>, vector<1x1024xi32>
    tpu.vector_store %arg6[%swap3A_542, %swap3A_543], %convert_element_type3A_541 {strides = array<i32>} : memref<1024x1024xi32, #tpu.memory_space<vmem>>, vector<1x1024xi32>,
    %slice3A_545 = vector.extract_strided_slice %dot_general3A_5 {offsets = [2688, 0], sizes = [128, 1024], strides = [1, 1]} : vector<4096x1024xf32> to vector<128x1024xf32>
    %reduce_max3A_546 = arith.constant dense<0xFF800000> : vector<1024xf32>
    %reduce_max3A_547 = vector.multi_reduction <maximumf>, %slice3A_545, %reduce_max3A_546 [0] : vector<128x1024xf32> to vector<1024xf32>
    %broadcast_in_dim3A_548 = vector.shape_cast %reduce_max3A_547 : vector<1024xf32> to vector<1x1024xf32>
    %eq3A_549 = vector.broadcast %broadcast_in_dim3A_548 : vector<1x1024xf32> to vector<128x1024xf32>
    %eq3A_550 = arith.cmpf oeq, %slice3A_545, %eq3A_549 : vector<128x1024xf32>
    %jit3A_551 = arith.constant 0xFF800000 : f32
    %broadcast_in_dim3A_552 = vector.broadcast %jit3A_551 : f32 to vector<128x1024xf32>
    %select_n3A_553 = arith.select %eq3A_550, %convert_element_type3A, %broadcast_in_dim3A_552 : vector<128x1024xi1>, vector<128x1024xf32>
    %reduce_max3A_554 = arith.constant dense<0xFF800000> : vector<1024xf32>
    %reduce_max3A_555 = vector.multi_reduction <maximumf>, %select_n3A_553, %reduce_max3A_554 [0] : vector<128x1024xf32> to vector<1024xf32>
    %broadcast_in_dim3A_556 = vector.shape_cast %reduce_max3A_555 : vector<1024xf32> to vector<1x1024xf32>
    %mul3A_557 = arith.constant 32 : i32
    %mul3A_558 = arith.muli %arg0, %mul3A_557 : i32
    %add3A_559 = arith.constant 21 : i32
    %add3A_560 = arith.addi %mul3A_558, %add3A_559 : i32
    %swap3A_561 = arith.index_cast %add3A_560 : i32 to index
    %swap3A_562 = arith.constant 0 : index
    %swap3A_563 = vector.load %arg5[%swap3A_561, %swap3A_562] : memref<1024x1024xf32, #tpu.memory_space<vmem>>, vector<1x1024xf32>
    tpu.vector_store %arg5[%swap3A_561, %swap3A_562], %broadcast_in_dim3A_548 {strides = array<i32>} : memref<1024x1024xf32, #tpu.memory_space<vmem>>, vector<1x1024xf32>,
    %neg3A_564 = arith.constant 0.000000e+00 : f32
    %neg3A_565 = vector.broadcast %neg3A_564 : f32 to vector<1x1024xf32>
    %neg3A_566 = arith.subf %neg3A_565, %broadcast_in_dim3A_556 : vector<1x1024xf32>
    %convert_element_type3A_567 = arith.fptosi %neg3A_566 : vector<1x1024xf32> to vector<1x1024xi32>
    %swap3A_568 = arith.index_cast %add3A_560 : i32 to index
    %swap3A_569 = arith.constant 0 : index
    %swap3A_570 = vector.load %arg6[%swap3A_568, %swap3A_569] : memref<1024x1024xi32, #tpu.memory_space<vmem>>, vector<1x1024xi32>
    tpu.vector_store %arg6[%swap3A_568, %swap3A_569], %convert_element_type3A_567 {strides = array<i32>} : memref<1024x1024xi32, #tpu.memory_space<vmem>>, vector<1x1024xi32>,
    %slice3A_571 = vector.extract_strided_slice %dot_general3A_5 {offsets = [2816, 0], sizes = [128, 1024], strides = [1, 1]} : vector<4096x1024xf32> to vector<128x1024xf32>
    %reduce_max3A_572 = arith.constant dense<0xFF800000> : vector<1024xf32>
    %reduce_max3A_573 = vector.multi_reduction <maximumf>, %slice3A_571, %reduce_max3A_572 [0] : vector<128x1024xf32> to vector<1024xf32>
    %broadcast_in_dim3A_574 = vector.shape_cast %reduce_max3A_573 : vector<1024xf32> to vector<1x1024xf32>
    %eq3A_575 = vector.broadcast %broadcast_in_dim3A_574 : vector<1x1024xf32> to vector<128x1024xf32>
    %eq3A_576 = arith.cmpf oeq, %slice3A_571, %eq3A_575 : vector<128x1024xf32>
    %jit3A_577 = arith.constant 0xFF800000 : f32
    %broadcast_in_dim3A_578 = vector.broadcast %jit3A_577 : f32 to vector<128x1024xf32>
    %select_n3A_579 = arith.select %eq3A_576, %convert_element_type3A, %broadcast_in_dim3A_578 : vector<128x1024xi1>, vector<128x1024xf32>
    %reduce_max3A_580 = arith.constant dense<0xFF800000> : vector<1024xf32>
    %reduce_max3A_581 = vector.multi_reduction <maximumf>, %select_n3A_579, %reduce_max3A_580 [0] : vector<128x1024xf32> to vector<1024xf32>
    %broadcast_in_dim3A_582 = vector.shape_cast %reduce_max3A_581 : vector<1024xf32> to vector<1x1024xf32>
    %mul3A_583 = arith.constant 32 : i32
    %mul3A_584 = arith.muli %arg0, %mul3A_583 : i32
    %add3A_585 = arith.constant 22 : i32
    %add3A_586 = arith.addi %mul3A_584, %add3A_585 : i32
    %swap3A_587 = arith.index_cast %add3A_586 : i32 to index
    %swap3A_588 = arith.constant 0 : index
    %swap3A_589 = vector.load %arg5[%swap3A_587, %swap3A_588] : memref<1024x1024xf32, #tpu.memory_space<vmem>>, vector<1x1024xf32>
    tpu.vector_store %arg5[%swap3A_587, %swap3A_588], %broadcast_in_dim3A_574 {strides = array<i32>} : memref<1024x1024xf32, #tpu.memory_space<vmem>>, vector<1x1024xf32>,
    %neg3A_590 = arith.constant 0.000000e+00 : f32
    %neg3A_591 = vector.broadcast %neg3A_590 : f32 to vector<1x1024xf32>
    %neg3A_592 = arith.subf %neg3A_591, %broadcast_in_dim3A_582 : vector<1x1024xf32>
    %convert_element_type3A_593 = arith.fptosi %neg3A_592 : vector<1x1024xf32> to vector<1x1024xi32>
    %swap3A_594 = arith.index_cast %add3A_586 : i32 to index
    %swap3A_595 = arith.constant 0 : index
    %swap3A_596 = vector.load %arg6[%swap3A_594, %swap3A_595] : memref<1024x1024xi32, #tpu.memory_space<vmem>>, vector<1x1024xi32>
    tpu.vector_store %arg6[%swap3A_594, %swap3A_595], %convert_element_type3A_593 {strides = array<i32>} : memref<1024x1024xi32, #tpu.memory_space<vmem>>, vector<1x1024xi32>,
    %slice3A_597 = vector.extract_strided_slice %dot_general3A_5 {offsets = [2944, 0], sizes = [128, 1024], strides = [1, 1]} : vector<4096x1024xf32> to vector<128x1024xf32>
    %reduce_max3A_598 = arith.constant dense<0xFF800000> : vector<1024xf32>
    %reduce_max3A_599 = vector.multi_reduction <maximumf>, %slice3A_597, %reduce_max3A_598 [0] : vector<128x1024xf32> to vector<1024xf32>
    %broadcast_in_dim3A_600 = vector.shape_cast %reduce_max3A_599 : vector<1024xf32> to vector<1x1024xf32>
    %eq3A_601 = vector.broadcast %broadcast_in_dim3A_600 : vector<1x1024xf32> to vector<128x1024xf32>
    %eq3A_602 = arith.cmpf oeq, %slice3A_597, %eq3A_601 : vector<128x1024xf32>
    %jit3A_603 = arith.constant 0xFF800000 : f32
    %broadcast_in_dim3A_604 = vector.broadcast %jit3A_603 : f32 to vector<128x1024xf32>
    %select_n3A_605 = arith.select %eq3A_602, %convert_element_type3A, %broadcast_in_dim3A_604 : vector<128x1024xi1>, vector<128x1024xf32>
    %reduce_max3A_606 = arith.constant dense<0xFF800000> : vector<1024xf32>
    %reduce_max3A_607 = vector.multi_reduction <maximumf>, %select_n3A_605, %reduce_max3A_606 [0] : vector<128x1024xf32> to vector<1024xf32>
    %broadcast_in_dim3A_608 = vector.shape_cast %reduce_max3A_607 : vector<1024xf32> to vector<1x1024xf32>
    %mul3A_609 = arith.constant 32 : i32
    %mul3A_610 = arith.muli %arg0, %mul3A_609 : i32
    %add3A_611 = arith.constant 23 : i32
    %add3A_612 = arith.addi %mul3A_610, %add3A_611 : i32
    %swap3A_613 = arith.index_cast %add3A_612 : i32 to index
    %swap3A_614 = arith.constant 0 : index
    %swap3A_615 = vector.load %arg5[%swap3A_613, %swap3A_614] : memref<1024x1024xf32, #tpu.memory_space<vmem>>, vector<1x1024xf32>
    tpu.vector_store %arg5[%swap3A_613, %swap3A_614], %broadcast_in_dim3A_600 {strides = array<i32>} : memref<1024x1024xf32, #tpu.memory_space<vmem>>, vector<1x1024xf32>,
    %neg3A_616 = arith.constant 0.000000e+00 : f32
    %neg3A_617 = vector.broadcast %neg3A_616 : f32 to vector<1x1024xf32>
    %neg3A_618 = arith.subf %neg3A_617, %broadcast_in_dim3A_608 : vector<1x1024xf32>
    %convert_element_type3A_619 = arith.fptosi %neg3A_618 : vector<1x1024xf32> to vector<1x1024xi32>
    %swap3A_620 = arith.index_cast %add3A_612 : i32 to index
    %swap3A_621 = arith.constant 0 : index
    %swap3A_622 = vector.load %arg6[%swap3A_620, %swap3A_621] : memref<1024x1024xi32, #tpu.memory_space<vmem>>, vector<1x1024xi32>
    tpu.vector_store %arg6[%swap3A_620, %swap3A_621], %convert_element_type3A_619 {strides = array<i32>} : memref<1024x1024xi32, #tpu.memory_space<vmem>>, vector<1x1024xi32>,
    %slice3A_623 = vector.extract_strided_slice %dot_general3A_5 {offsets = [3072, 0], sizes = [128, 1024], strides = [1, 1]} : vector<4096x1024xf32> to vector<128x1024xf32>
    %reduce_max3A_624 = arith.constant dense<0xFF800000> : vector<1024xf32>
    %reduce_max3A_625 = vector.multi_reduction <maximumf>, %slice3A_623, %reduce_max3A_624 [0] : vector<128x1024xf32> to vector<1024xf32>
    %broadcast_in_dim3A_626 = vector.shape_cast %reduce_max3A_625 : vector<1024xf32> to vector<1x1024xf32>
    %eq3A_627 = vector.broadcast %broadcast_in_dim3A_626 : vector<1x1024xf32> to vector<128x1024xf32>
    %eq3A_628 = arith.cmpf oeq, %slice3A_623, %eq3A_627 : vector<128x1024xf32>
    %jit3A_629 = arith.constant 0xFF800000 : f32
    %broadcast_in_dim3A_630 = vector.broadcast %jit3A_629 : f32 to vector<128x1024xf32>
    %select_n3A_631 = arith.select %eq3A_628, %convert_element_type3A, %broadcast_in_dim3A_630 : vector<128x1024xi1>, vector<128x1024xf32>
    %reduce_max3A_632 = arith.constant dense<0xFF800000> : vector<1024xf32>
    %reduce_max3A_633 = vector.multi_reduction <maximumf>, %select_n3A_631, %reduce_max3A_632 [0] : vector<128x1024xf32> to vector<1024xf32>
    %broadcast_in_dim3A_634 = vector.shape_cast %reduce_max3A_633 : vector<1024xf32> to vector<1x1024xf32>
    %mul3A_635 = arith.constant 32 : i32
    %mul3A_636 = arith.muli %arg0, %mul3A_635 : i32
    %add3A_637 = arith.constant 24 : i32
    %add3A_638 = arith.addi %mul3A_636, %add3A_637 : i32
    %swap3A_639 = arith.index_cast %add3A_638 : i32 to index
    %swap3A_640 = arith.constant 0 : index
    %swap3A_641 = vector.load %arg5[%swap3A_639, %swap3A_640] : memref<1024x1024xf32, #tpu.memory_space<vmem>>, vector<1x1024xf32>
    tpu.vector_store %arg5[%swap3A_639, %swap3A_640], %broadcast_in_dim3A_626 {strides = array<i32>} : memref<1024x1024xf32, #tpu.memory_space<vmem>>, vector<1x1024xf32>,
    %neg3A_642 = arith.constant 0.000000e+00 : f32
    %neg3A_643 = vector.broadcast %neg3A_642 : f32 to vector<1x1024xf32>
    %neg3A_644 = arith.subf %neg3A_643, %broadcast_in_dim3A_634 : vector<1x1024xf32>
    %convert_element_type3A_645 = arith.fptosi %neg3A_644 : vector<1x1024xf32> to vector<1x1024xi32>
    %swap3A_646 = arith.index_cast %add3A_638 : i32 to index
    %swap3A_647 = arith.constant 0 : index
    %swap3A_648 = vector.load %arg6[%swap3A_646, %swap3A_647] : memref<1024x1024xi32, #tpu.memory_space<vmem>>, vector<1x1024xi32>
    tpu.vector_store %arg6[%swap3A_646, %swap3A_647], %convert_element_type3A_645 {strides = array<i32>} : memref<1024x1024xi32, #tpu.memory_space<vmem>>, vector<1x1024xi32>,
    %slice3A_649 = vector.extract_strided_slice %dot_general3A_5 {offsets = [3200, 0], sizes = [128, 1024], strides = [1, 1]} : vector<4096x1024xf32> to vector<128x1024xf32>
    %reduce_max3A_650 = arith.constant dense<0xFF800000> : vector<1024xf32>
    %reduce_max3A_651 = vector.multi_reduction <maximumf>, %slice3A_649, %reduce_max3A_650 [0] : vector<128x1024xf32> to vector<1024xf32>
    %broadcast_in_dim3A_652 = vector.shape_cast %reduce_max3A_651 : vector<1024xf32> to vector<1x1024xf32>
    %eq3A_653 = vector.broadcast %broadcast_in_dim3A_652 : vector<1x1024xf32> to vector<128x1024xf32>
    %eq3A_654 = arith.cmpf oeq, %slice3A_649, %eq3A_653 : vector<128x1024xf32>
    %jit3A_655 = arith.constant 0xFF800000 : f32
    %broadcast_in_dim3A_656 = vector.broadcast %jit3A_655 : f32 to vector<128x1024xf32>
    %select_n3A_657 = arith.select %eq3A_654, %convert_element_type3A, %broadcast_in_dim3A_656 : vector<128x1024xi1>, vector<128x1024xf32>
    %reduce_max3A_658 = arith.constant dense<0xFF800000> : vector<1024xf32>
    %reduce_max3A_659 = vector.multi_reduction <maximumf>, %select_n3A_657, %reduce_max3A_658 [0] : vector<128x1024xf32> to vector<1024xf32>
    %broadcast_in_dim3A_660 = vector.shape_cast %reduce_max3A_659 : vector<1024xf32> to vector<1x1024xf32>
    %mul3A_661 = arith.constant 32 : i32
    %mul3A_662 = arith.muli %arg0, %mul3A_661 : i32
    %add3A_663 = arith.constant 25 : i32
    %add3A_664 = arith.addi %mul3A_662, %add3A_663 : i32
    %swap3A_665 = arith.index_cast %add3A_664 : i32 to index
    %swap3A_666 = arith.constant 0 : index
    %swap3A_667 = vector.load %arg5[%swap3A_665, %swap3A_666] : memref<1024x1024xf32, #tpu.memory_space<vmem>>, vector<1x1024xf32>
    tpu.vector_store %arg5[%swap3A_665, %swap3A_666], %broadcast_in_dim3A_652 {strides = array<i32>} : memref<1024x1024xf32, #tpu.memory_space<vmem>>, vector<1x1024xf32>,
    %neg3A_668 = arith.constant 0.000000e+00 : f32
    %neg3A_669 = vector.broadcast %neg3A_668 : f32 to vector<1x1024xf32>
    %neg3A_670 = arith.subf %neg3A_669, %broadcast_in_dim3A_660 : vector<1x1024xf32>
    %convert_element_type3A_671 = arith.fptosi %neg3A_670 : vector<1x1024xf32> to vector<1x1024xi32>
    %swap3A_672 = arith.index_cast %add3A_664 : i32 to index
    %swap3A_673 = arith.constant 0 : index
    %swap3A_674 = vector.load %arg6[%swap3A_672, %swap3A_673] : memref<1024x1024xi32, #tpu.memory_space<vmem>>, vector<1x1024xi32>
    tpu.vector_store %arg6[%swap3A_672, %swap3A_673], %convert_element_type3A_671 {strides = array<i32>} : memref<1024x1024xi32, #tpu.memory_space<vmem>>, vector<1x1024xi32>,
    %slice3A_675 = vector.extract_strided_slice %dot_general3A_5 {offsets = [3328, 0], sizes = [128, 1024], strides = [1, 1]} : vector<4096x1024xf32> to vector<128x1024xf32>
    %reduce_max3A_676 = arith.constant dense<0xFF800000> : vector<1024xf32>
    %reduce_max3A_677 = vector.multi_reduction <maximumf>, %slice3A_675, %reduce_max3A_676 [0] : vector<128x1024xf32> to vector<1024xf32>
    %broadcast_in_dim3A_678 = vector.shape_cast %reduce_max3A_677 : vector<1024xf32> to vector<1x1024xf32>
    %eq3A_679 = vector.broadcast %broadcast_in_dim3A_678 : vector<1x1024xf32> to vector<128x1024xf32>
    %eq3A_680 = arith.cmpf oeq, %slice3A_675, %eq3A_679 : vector<128x1024xf32>
    %jit3A_681 = arith.constant 0xFF800000 : f32
    %broadcast_in_dim3A_682 = vector.broadcast %jit3A_681 : f32 to vector<128x1024xf32>
    %select_n3A_683 = arith.select %eq3A_680, %convert_element_type3A, %broadcast_in_dim3A_682 : vector<128x1024xi1>, vector<128x1024xf32>
    %reduce_max3A_684 = arith.constant dense<0xFF800000> : vector<1024xf32>
    %reduce_max3A_685 = vector.multi_reduction <maximumf>, %select_n3A_683, %reduce_max3A_684 [0] : vector<128x1024xf32> to vector<1024xf32>
    %broadcast_in_dim3A_686 = vector.shape_cast %reduce_max3A_685 : vector<1024xf32> to vector<1x1024xf32>
    %mul3A_687 = arith.constant 32 : i32
    %mul3A_688 = arith.muli %arg0, %mul3A_687 : i32
    %add3A_689 = arith.constant 26 : i32
    %add3A_690 = arith.addi %mul3A_688, %add3A_689 : i32
    %swap3A_691 = arith.index_cast %add3A_690 : i32 to index
    %swap3A_692 = arith.constant 0 : index
    %swap3A_693 = vector.load %arg5[%swap3A_691, %swap3A_692] : memref<1024x1024xf32, #tpu.memory_space<vmem>>, vector<1x1024xf32>
    tpu.vector_store %arg5[%swap3A_691, %swap3A_692], %broadcast_in_dim3A_678 {strides = array<i32>} : memref<1024x1024xf32, #tpu.memory_space<vmem>>, vector<1x1024xf32>,
    %neg3A_694 = arith.constant 0.000000e+00 : f32
    %neg3A_695 = vector.broadcast %neg3A_694 : f32 to vector<1x1024xf32>
    %neg3A_696 = arith.subf %neg3A_695, %broadcast_in_dim3A_686 : vector<1x1024xf32>
    %convert_element_type3A_697 = arith.fptosi %neg3A_696 : vector<1x1024xf32> to vector<1x1024xi32>
    %swap3A_698 = arith.index_cast %add3A_690 : i32 to index
    %swap3A_699 = arith.constant 0 : index
    %swap3A_700 = vector.load %arg6[%swap3A_698, %swap3A_699] : memref<1024x1024xi32, #tpu.memory_space<vmem>>, vector<1x1024xi32>
    tpu.vector_store %arg6[%swap3A_698, %swap3A_699], %convert_element_type3A_697 {strides = array<i32>} : memref<1024x1024xi32, #tpu.memory_space<vmem>>, vector<1x1024xi32>,
    %slice3A_701 = vector.extract_strided_slice %dot_general3A_5 {offsets = [3456, 0], sizes = [128, 1024], strides = [1, 1]} : vector<4096x1024xf32> to vector<128x1024xf32>
    %reduce_max3A_702 = arith.constant dense<0xFF800000> : vector<1024xf32>
    %reduce_max3A_703 = vector.multi_reduction <maximumf>, %slice3A_701, %reduce_max3A_702 [0] : vector<128x1024xf32> to vector<1024xf32>
    %broadcast_in_dim3A_704 = vector.shape_cast %reduce_max3A_703 : vector<1024xf32> to vector<1x1024xf32>
    %eq3A_705 = vector.broadcast %broadcast_in_dim3A_704 : vector<1x1024xf32> to vector<128x1024xf32>
    %eq3A_706 = arith.cmpf oeq, %slice3A_701, %eq3A_705 : vector<128x1024xf32>
    %jit3A_707 = arith.constant 0xFF800000 : f32
    %broadcast_in_dim3A_708 = vector.broadcast %jit3A_707 : f32 to vector<128x1024xf32>
    %select_n3A_709 = arith.select %eq3A_706, %convert_element_type3A, %broadcast_in_dim3A_708 : vector<128x1024xi1>, vector<128x1024xf32>
    %reduce_max3A_710 = arith.constant dense<0xFF800000> : vector<1024xf32>
    %reduce_max3A_711 = vector.multi_reduction <maximumf>, %select_n3A_709, %reduce_max3A_710 [0] : vector<128x1024xf32> to vector<1024xf32>
    %broadcast_in_dim3A_712 = vector.shape_cast %reduce_max3A_711 : vector<1024xf32> to vector<1x1024xf32>
    %mul3A_713 = arith.constant 32 : i32
    %mul3A_714 = arith.muli %arg0, %mul3A_713 : i32
    %add3A_715 = arith.constant 27 : i32
    %add3A_716 = arith.addi %mul3A_714, %add3A_715 : i32
    %swap3A_717 = arith.index_cast %add3A_716 : i32 to index
    %swap3A_718 = arith.constant 0 : index
    %swap3A_719 = vector.load %arg5[%swap3A_717, %swap3A_718] : memref<1024x1024xf32, #tpu.memory_space<vmem>>, vector<1x1024xf32>
    tpu.vector_store %arg5[%swap3A_717, %swap3A_718], %broadcast_in_dim3A_704 {strides = array<i32>} : memref<1024x1024xf32, #tpu.memory_space<vmem>>, vector<1x1024xf32>,
    %neg3A_720 = arith.constant 0.000000e+00 : f32
    %neg3A_721 = vector.broadcast %neg3A_720 : f32 to vector<1x1024xf32>
    %neg3A_722 = arith.subf %neg3A_721, %broadcast_in_dim3A_712 : vector<1x1024xf32>
    %convert_element_type3A_723 = arith.fptosi %neg3A_722 : vector<1x1024xf32> to vector<1x1024xi32>
    %swap3A_724 = arith.index_cast %add3A_716 : i32 to index
    %swap3A_725 = arith.constant 0 : index
    %swap3A_726 = vector.load %arg6[%swap3A_724, %swap3A_725] : memref<1024x1024xi32, #tpu.memory_space<vmem>>, vector<1x1024xi32>
    tpu.vector_store %arg6[%swap3A_724, %swap3A_725], %convert_element_type3A_723 {strides = array<i32>} : memref<1024x1024xi32, #tpu.memory_space<vmem>>, vector<1x1024xi32>,
    %slice3A_727 = vector.extract_strided_slice %dot_general3A_5 {offsets = [3584, 0], sizes = [128, 1024], strides = [1, 1]} : vector<4096x1024xf32> to vector<128x1024xf32>
    %reduce_max3A_728 = arith.constant dense<0xFF800000> : vector<1024xf32>
    %reduce_max3A_729 = vector.multi_reduction <maximumf>, %slice3A_727, %reduce_max3A_728 [0] : vector<128x1024xf32> to vector<1024xf32>
    %broadcast_in_dim3A_730 = vector.shape_cast %reduce_max3A_729 : vector<1024xf32> to vector<1x1024xf32>
    %eq3A_731 = vector.broadcast %broadcast_in_dim3A_730 : vector<1x1024xf32> to vector<128x1024xf32>
    %eq3A_732 = arith.cmpf oeq, %slice3A_727, %eq3A_731 : vector<128x1024xf32>
    %jit3A_733 = arith.constant 0xFF800000 : f32
    %broadcast_in_dim3A_734 = vector.broadcast %jit3A_733 : f32 to vector<128x1024xf32>
    %select_n3A_735 = arith.select %eq3A_732, %convert_element_type3A, %broadcast_in_dim3A_734 : vector<128x1024xi1>, vector<128x1024xf32>
    %reduce_max3A_736 = arith.constant dense<0xFF800000> : vector<1024xf32>
    %reduce_max3A_737 = vector.multi_reduction <maximumf>, %select_n3A_735, %reduce_max3A_736 [0] : vector<128x1024xf32> to vector<1024xf32>
    %broadcast_in_dim3A_738 = vector.shape_cast %reduce_max3A_737 : vector<1024xf32> to vector<1x1024xf32>
    %mul3A_739 = arith.constant 32 : i32
    %mul3A_740 = arith.muli %arg0, %mul3A_739 : i32
    %add3A_741 = arith.constant 28 : i32
    %add3A_742 = arith.addi %mul3A_740, %add3A_741 : i32
    %swap3A_743 = arith.index_cast %add3A_742 : i32 to index
    %swap3A_744 = arith.constant 0 : index
    %swap3A_745 = vector.load %arg5[%swap3A_743, %swap3A_744] : memref<1024x1024xf32, #tpu.memory_space<vmem>>, vector<1x1024xf32>
    tpu.vector_store %arg5[%swap3A_743, %swap3A_744], %broadcast_in_dim3A_730 {strides = array<i32>} : memref<1024x1024xf32, #tpu.memory_space<vmem>>, vector<1x1024xf32>,
    %neg3A_746 = arith.constant 0.000000e+00 : f32
    %neg3A_747 = vector.broadcast %neg3A_746 : f32 to vector<1x1024xf32>
    %neg3A_748 = arith.subf %neg3A_747, %broadcast_in_dim3A_738 : vector<1x1024xf32>
    %convert_element_type3A_749 = arith.fptosi %neg3A_748 : vector<1x1024xf32> to vector<1x1024xi32>
    %swap3A_750 = arith.index_cast %add3A_742 : i32 to index
    %swap3A_751 = arith.constant 0 : index
    %swap3A_752 = vector.load %arg6[%swap3A_750, %swap3A_751] : memref<1024x1024xi32, #tpu.memory_space<vmem>>, vector<1x1024xi32>
    tpu.vector_store %arg6[%swap3A_750, %swap3A_751], %convert_element_type3A_749 {strides = array<i32>} : memref<1024x1024xi32, #tpu.memory_space<vmem>>, vector<1x1024xi32>,
    %slice3A_753 = vector.extract_strided_slice %dot_general3A_5 {offsets = [3712, 0], sizes = [128, 1024], strides = [1, 1]} : vector<4096x1024xf32> to vector<128x1024xf32>
    %reduce_max3A_754 = arith.constant dense<0xFF800000> : vector<1024xf32>
    %reduce_max3A_755 = vector.multi_reduction <maximumf>, %slice3A_753, %reduce_max3A_754 [0] : vector<128x1024xf32> to vector<1024xf32>
    %broadcast_in_dim3A_756 = vector.shape_cast %reduce_max3A_755 : vector<1024xf32> to vector<1x1024xf32>
    %eq3A_757 = vector.broadcast %broadcast_in_dim3A_756 : vector<1x1024xf32> to vector<128x1024xf32>
    %eq3A_758 = arith.cmpf oeq, %slice3A_753, %eq3A_757 : vector<128x1024xf32>
    %jit3A_759 = arith.constant 0xFF800000 : f32
    %broadcast_in_dim3A_760 = vector.broadcast %jit3A_759 : f32 to vector<128x1024xf32>
    %select_n3A_761 = arith.select %eq3A_758, %convert_element_type3A, %broadcast_in_dim3A_760 : vector<128x1024xi1>, vector<128x1024xf32>
    %reduce_max3A_762 = arith.constant dense<0xFF800000> : vector<1024xf32>
    %reduce_max3A_763 = vector.multi_reduction <maximumf>, %select_n3A_761, %reduce_max3A_762 [0] : vector<128x1024xf32> to vector<1024xf32>
    %broadcast_in_dim3A_764 = vector.shape_cast %reduce_max3A_763 : vector<1024xf32> to vector<1x1024xf32>
    %mul3A_765 = arith.constant 32 : i32
    %mul3A_766 = arith.muli %arg0, %mul3A_765 : i32
    %add3A_767 = arith.constant 29 : i32
    %add3A_768 = arith.addi %mul3A_766, %add3A_767 : i32
    %swap3A_769 = arith.index_cast %add3A_768 : i32 to index
    %swap3A_770 = arith.constant 0 : index
    %swap3A_771 = vector.load %arg5[%swap3A_769, %swap3A_770] : memref<1024x1024xf32, #tpu.memory_space<vmem>>, vector<1x1024xf32>
    tpu.vector_store %arg5[%swap3A_769, %swap3A_770], %broadcast_in_dim3A_756 {strides = array<i32>} : memref<1024x1024xf32, #tpu.memory_space<vmem>>, vector<1x1024xf32>,
    %neg3A_772 = arith.constant 0.000000e+00 : f32
    %neg3A_773 = vector.broadcast %neg3A_772 : f32 to vector<1x1024xf32>
    %neg3A_774 = arith.subf %neg3A_773, %broadcast_in_dim3A_764 : vector<1x1024xf32>
    %convert_element_type3A_775 = arith.fptosi %neg3A_774 : vector<1x1024xf32> to vector<1x1024xi32>
    %swap3A_776 = arith.index_cast %add3A_768 : i32 to index
    %swap3A_777 = arith.constant 0 : index
    %swap3A_778 = vector.load %arg6[%swap3A_776, %swap3A_777] : memref<1024x1024xi32, #tpu.memory_space<vmem>>, vector<1x1024xi32>
    tpu.vector_store %arg6[%swap3A_776, %swap3A_777], %convert_element_type3A_775 {strides = array<i32>} : memref<1024x1024xi32, #tpu.memory_space<vmem>>, vector<1x1024xi32>,
    %slice3A_779 = vector.extract_strided_slice %dot_general3A_5 {offsets = [3840, 0], sizes = [128, 1024], strides = [1, 1]} : vector<4096x1024xf32> to vector<128x1024xf32>
    %reduce_max3A_780 = arith.constant dense<0xFF800000> : vector<1024xf32>
    %reduce_max3A_781 = vector.multi_reduction <maximumf>, %slice3A_779, %reduce_max3A_780 [0] : vector<128x1024xf32> to vector<1024xf32>
    %broadcast_in_dim3A_782 = vector.shape_cast %reduce_max3A_781 : vector<1024xf32> to vector<1x1024xf32>
    %eq3A_783 = vector.broadcast %broadcast_in_dim3A_782 : vector<1x1024xf32> to vector<128x1024xf32>
    %eq3A_784 = arith.cmpf oeq, %slice3A_779, %eq3A_783 : vector<128x1024xf32>
    %jit3A_785 = arith.constant 0xFF800000 : f32
    %broadcast_in_dim3A_786 = vector.broadcast %jit3A_785 : f32 to vector<128x1024xf32>
    %select_n3A_787 = arith.select %eq3A_784, %convert_element_type3A, %broadcast_in_dim3A_786 : vector<128x1024xi1>, vector<128x1024xf32>
    %reduce_max3A_788 = arith.constant dense<0xFF800000> : vector<1024xf32>
    %reduce_max3A_789 = vector.multi_reduction <maximumf>, %select_n3A_787, %reduce_max3A_788 [0] : vector<128x1024xf32> to vector<1024xf32>
    %broadcast_in_dim3A_790 = vector.shape_cast %reduce_max3A_789 : vector<1024xf32> to vector<1x1024xf32>
    %mul3A_791 = arith.constant 32 : i32
    %mul3A_792 = arith.muli %arg0, %mul3A_791 : i32
    %add3A_793 = arith.constant 30 : i32
    %add3A_794 = arith.addi %mul3A_792, %add3A_793 : i32
    %swap3A_795 = arith.index_cast %add3A_794 : i32 to index
    %swap3A_796 = arith.constant 0 : index
    %swap3A_797 = vector.load %arg5[%swap3A_795, %swap3A_796] : memref<1024x1024xf32, #tpu.memory_space<vmem>>, vector<1x1024xf32>
    tpu.vector_store %arg5[%swap3A_795, %swap3A_796], %broadcast_in_dim3A_782 {strides = array<i32>} : memref<1024x1024xf32, #tpu.memory_space<vmem>>, vector<1x1024xf32>,
    %neg3A_798 = arith.constant 0.000000e+00 : f32
    %neg3A_799 = vector.broadcast %neg3A_798 : f32 to vector<1x1024xf32>
    %neg3A_800 = arith.subf %neg3A_799, %broadcast_in_dim3A_790 : vector<1x1024xf32>
    %convert_element_type3A_801 = arith.fptosi %neg3A_800 : vector<1x1024xf32> to vector<1x1024xi32>
    %swap3A_802 = arith.index_cast %add3A_794 : i32 to index
    %swap3A_803 = arith.constant 0 : index
    %swap3A_804 = vector.load %arg6[%swap3A_802, %swap3A_803] : memref<1024x1024xi32, #tpu.memory_space<vmem>>, vector<1x1024xi32>
    tpu.vector_store %arg6[%swap3A_802, %swap3A_803], %convert_element_type3A_801 {strides = array<i32>} : memref<1024x1024xi32, #tpu.memory_space<vmem>>, vector<1x1024xi32>,
    %slice3A_805 = vector.extract_strided_slice %dot_general3A_5 {offsets = [3968, 0], sizes = [128, 1024], strides = [1, 1]} : vector<4096x1024xf32> to vector<128x1024xf32>
    %reduce_max3A_806 = arith.constant dense<0xFF800000> : vector<1024xf32>
    %reduce_max3A_807 = vector.multi_reduction <maximumf>, %slice3A_805, %reduce_max3A_806 [0] : vector<128x1024xf32> to vector<1024xf32>
    %broadcast_in_dim3A_808 = vector.shape_cast %reduce_max3A_807 : vector<1024xf32> to vector<1x1024xf32>
    %eq3A_809 = vector.broadcast %broadcast_in_dim3A_808 : vector<1x1024xf32> to vector<128x1024xf32>
    %eq3A_810 = arith.cmpf oeq, %slice3A_805, %eq3A_809 : vector<128x1024xf32>
    %jit3A_811 = arith.constant 0xFF800000 : f32
    %broadcast_in_dim3A_812 = vector.broadcast %jit3A_811 : f32 to vector<128x1024xf32>
    %select_n3A_813 = arith.select %eq3A_810, %convert_element_type3A, %broadcast_in_dim3A_812 : vector<128x1024xi1>, vector<128x1024xf32>
    %reduce_max3A_814 = arith.constant dense<0xFF800000> : vector<1024xf32>
    %reduce_max3A_815 = vector.multi_reduction <maximumf>, %select_n3A_813, %reduce_max3A_814 [0] : vector<128x1024xf32> to vector<1024xf32>
    %broadcast_in_dim3A_816 = vector.shape_cast %reduce_max3A_815 : vector<1024xf32> to vector<1x1024xf32>
    %mul3A_817 = arith.constant 32 : i32
    %mul3A_818 = arith.muli %arg0, %mul3A_817 : i32
    %add3A_819 = arith.constant 31 : i32
    %add3A_820 = arith.addi %mul3A_818, %add3A_819 : i32
    %swap3A_821 = arith.index_cast %add3A_820 : i32 to index
    %swap3A_822 = arith.constant 0 : index
    %swap3A_823 = vector.load %arg5[%swap3A_821, %swap3A_822] : memref<1024x1024xf32, #tpu.memory_space<vmem>>, vector<1x1024xf32>
    tpu.vector_store %arg5[%swap3A_821, %swap3A_822], %broadcast_in_dim3A_808 {strides = array<i32>} : memref<1024x1024xf32, #tpu.memory_space<vmem>>, vector<1x1024xf32>,
    %neg3A_824 = arith.constant 0.000000e+00 : f32
    %neg3A_825 = vector.broadcast %neg3A_824 : f32 to vector<1x1024xf32>
    %neg3A_826 = arith.subf %neg3A_825, %broadcast_in_dim3A_816 : vector<1x1024xf32>
    %convert_element_type3A_827 = arith.fptosi %neg3A_826 : vector<1x1024xf32> to vector<1x1024xi32>
    %swap3A_828 = arith.index_cast %add3A_820 : i32 to index
    %swap3A_829 = arith.constant 0 : index
    %swap3A_830 = vector.load %arg6[%swap3A_828, %swap3A_829] : memref<1024x1024xi32, #tpu.memory_space<vmem>>, vector<1x1024xi32>
    tpu.vector_store %arg6[%swap3A_828, %swap3A_829], %convert_element_type3A_827 {strides = array<i32>} : memref<1024x1024xi32, #tpu.memory_space<vmem>>, vector<1x1024xi32>,
    %eq3A_831 = arith.constant 31 : i32
    %eq3A_832 = arith.cmpi eq, %arg0, %eq3A_831 : i32
    %convert_element_type3A_833 = arith.extui %eq3A_832 : i1 to i32
    %cond3A = arith.constant 0 : i32
    %cond3A_834 = arith.cmpi ne, %convert_element_type3A_833, %cond3A : i32
    scf.if %cond3A_834 {
      %get3A_835 = arith.constant 0 : index
      %get3A_836 = arith.constant 0 : index
      %get3A_837 = vector.load %arg5[%get3A_835, %get3A_836] : memref<1024x1024xf32, #tpu.memory_space<vmem>>, vector<1024x256xf32>
      %iota3A_838 = tpu.iota {dimensions = array<i32: 0>} : vector<1024x256xi32>
      %convert_element_type3A_839 = arith.sitofp %iota3A_838 : vector<1024x256xi32> to vector<1024x256xf32>
      %mul3A_840 = arith.constant 128 : i32
      %mul3A_841 = vector.broadcast %mul3A_840 : i32 to vector<1024x256xi32>
      %mul3A_842 = arith.muli %iota3A_838, %mul3A_841 : vector<1024x256xi32>
      %get3A_843 = arith.constant 0 : index
      %get3A_844 = arith.constant 0 : index
      %get3A_845 = vector.load %arg6[%get3A_843, %get3A_844] : memref<1024x1024xi32, #tpu.memory_space<vmem>>, vector<1024x256xi32>
      %add3A_846 = arith.addi %mul3A_842, %get3A_845 : vector<1024x256xi32>
      %convert_element_type3A_847 = arith.sitofp %add3A_846 : vector<1024x256xi32> to vector<1024x256xf32>
      %reduce_max3A_848 = arith.constant dense<0xFF800000> : vector<256xf32>
      %reduce_max3A_849 = vector.multi_reduction <maximumf>, %get3A_837, %reduce_max3A_848 [0] : vector<1024x256xf32> to vector<256xf32>
      %broadcast_in_dim3A_850 = vector.shape_cast %reduce_max3A_849 : vector<256xf32> to vector<1x256xf32>
      %eq3A_851 = vector.broadcast %broadcast_in_dim3A_850 : vector<1x256xf32> to vector<1024x256xf32>
      %eq3A_852 = arith.cmpf oeq, %get3A_837, %eq3A_851 : vector<1024x256xf32>
      %jit3A_853 = arith.constant 0xFF800000 : f32
      %broadcast_in_dim3A_854 = vector.broadcast %jit3A_853 : f32 to vector<1024x256xf32>
      %select_n3A_855 = arith.select %eq3A_852, %convert_element_type3A_847, %broadcast_in_dim3A_854 : vector<1024x256xi1>, vector<1024x256xf32>
      %reduce_max3A_856 = arith.constant dense<0xFF800000> : vector<256xf32>
      %reduce_max3A_857 = vector.multi_reduction <maximumf>, %select_n3A_855, %reduce_max3A_856 [0] : vector<1024x256xf32> to vector<256xf32>
      %broadcast_in_dim3A_858 = vector.shape_cast %reduce_max3A_857 : vector<256xf32> to vector<1x256xf32>
      %swap3A_859 = arith.constant 0 : index
      %swap3A_860 = arith.constant 0 : index
      %swap3A_861 = vector.load %arg3[%swap3A_859, %swap3A_860] : memref<32x1024xf32, #tpu.memory_space<vmem>>, vector<1x256xf32>
      tpu.vector_store %arg3[%swap3A_859, %swap3A_860], %broadcast_in_dim3A_850 {strides = array<i32>} : memref<32x1024xf32, #tpu.memory_space<vmem>>, vector<1x256xf32>,
      %convert_element_type3A_862 = arith.fptosi %broadcast_in_dim3A_858 : vector<1x256xf32> to vector<1x256xi32>
      %swap3A_863 = arith.constant 0 : index
      %swap3A_864 = arith.constant 0 : index
      %swap3A_865 = vector.load %arg4[%swap3A_863, %swap3A_864] : memref<32x1024xi32, #tpu.memory_space<vmem>>, vector<1x256xi32>
      tpu.vector_store %arg4[%swap3A_863, %swap3A_864], %convert_element_type3A_862 {strides = array<i32>} : memref<32x1024xi32, #tpu.memory_space<vmem>>, vector<1x256xi32>,
      %mul3A_866 = arith.constant 7.812500e-03 : f32
      %mul3A_867 = vector.broadcast %mul3A_866 : f32 to vector<1x256xf32>
      %mul3A_868 = arith.mulf %broadcast_in_dim3A_858, %mul3A_867 : vector<1x256xf32>
      %floor3A = math.floor %mul3A_868 : vector<1x256xf32>
      %eq3A_869 = vector.broadcast %floor3A : vector<1x256xf32> to vector<1024x256xf32>
      %eq3A_870 = arith.cmpf oeq, %convert_element_type3A_839, %eq3A_869 : vector<1024x256xf32>
      %jit3A_871 = arith.constant 0xFF800000 : f32
      %broadcast_in_dim3A_872 = vector.broadcast %jit3A_871 : f32 to vector<1024x256xf32>
      %select_n3A_873 = arith.select %eq3A_870, %broadcast_in_dim3A_872, %get3A_837 : vector<1024x256xi1>, vector<1024x256xf32>
      %reduce_max3A_874 = arith.constant dense<0xFF800000> : vector<256xf32>
      %reduce_max3A_875 = vector.multi_reduction <maximumf>, %select_n3A_873, %reduce_max3A_874 [0] : vector<1024x256xf32> to vector<256xf32>
      %broadcast_in_dim3A_876 = vector.shape_cast %reduce_max3A_875 : vector<256xf32> to vector<1x256xf32>
      %eq3A_877 = vector.broadcast %broadcast_in_dim3A_876 : vector<1x256xf32> to vector<1024x256xf32>
      %eq3A_878 = arith.cmpf oeq, %select_n3A_873, %eq3A_877 : vector<1024x256xf32>
      %jit3A_879 = arith.constant 0xFF800000 : f32
      %broadcast_in_dim3A_880 = vector.broadcast %jit3A_879 : f32 to vector<1024x256xf32>
      %select_n3A_881 = arith.select %eq3A_878, %convert_element_type3A_847, %broadcast_in_dim3A_880 : vector<1024x256xi1>, vector<1024x256xf32>
      %reduce_max3A_882 = arith.constant dense<0xFF800000> : vector<256xf32>
      %reduce_max3A_883 = vector.multi_reduction <maximumf>, %select_n3A_881, %reduce_max3A_882 [0] : vector<1024x256xf32> to vector<256xf32>
      %broadcast_in_dim3A_884 = vector.shape_cast %reduce_max3A_883 : vector<256xf32> to vector<1x256xf32>
      %swap3A_885 = arith.constant 1 : index
      %swap3A_886 = arith.constant 0 : index
      %swap3A_887 = vector.load %arg3[%swap3A_885, %swap3A_886] : memref<32x1024xf32, #tpu.memory_space<vmem>>, vector<1x256xf32>
      tpu.vector_store %arg3[%swap3A_885, %swap3A_886], %broadcast_in_dim3A_876 {strides = array<i32>} : memref<32x1024xf32, #tpu.memory_space<vmem>>, vector<1x256xf32>,
      %convert_element_type3A_888 = arith.fptosi %broadcast_in_dim3A_884 : vector<1x256xf32> to vector<1x256xi32>
      %swap3A_889 = arith.constant 1 : index
      %swap3A_890 = arith.constant 0 : index
      %swap3A_891 = vector.load %arg4[%swap3A_889, %swap3A_890] : memref<32x1024xi32, #tpu.memory_space<vmem>>, vector<1x256xi32>
      tpu.vector_store %arg4[%swap3A_889, %swap3A_890], %convert_element_type3A_888 {strides = array<i32>} : memref<32x1024xi32, #tpu.memory_space<vmem>>, vector<1x256xi32>,
      %mul3A_892 = arith.constant 7.812500e-03 : f32
      %mul3A_893 = vector.broadcast %mul3A_892 : f32 to vector<1x256xf32>
      %mul3A_894 = arith.mulf %broadcast_in_dim3A_884, %mul3A_893 : vector<1x256xf32>
      %floor3A_895 = math.floor %mul3A_894 : vector<1x256xf32>
      %eq3A_896 = vector.broadcast %floor3A_895 : vector<1x256xf32> to vector<1024x256xf32>
      %eq3A_897 = arith.cmpf oeq, %convert_element_type3A_839, %eq3A_896 : vector<1024x256xf32>
      %jit3A_898 = arith.constant 0xFF800000 : f32
      %broadcast_in_dim3A_899 = vector.broadcast %jit3A_898 : f32 to vector<1024x256xf32>
      %select_n3A_900 = arith.select %eq3A_897, %broadcast_in_dim3A_899, %select_n3A_873 : vector<1024x256xi1>, vector<1024x256xf32>
      %reduce_max3A_901 = arith.constant dense<0xFF800000> : vector<256xf32>
      %reduce_max3A_902 = vector.multi_reduction <maximumf>, %select_n3A_900, %reduce_max3A_901 [0] : vector<1024x256xf32> to vector<256xf32>
      %broadcast_in_dim3A_903 = vector.shape_cast %reduce_max3A_902 : vector<256xf32> to vector<1x256xf32>
      %eq3A_904 = vector.broadcast %broadcast_in_dim3A_903 : vector<1x256xf32> to vector<1024x256xf32>
      %eq3A_905 = arith.cmpf oeq, %select_n3A_900, %eq3A_904 : vector<1024x256xf32>
      %jit3A_906 = arith.constant 0xFF800000 : f32
      %broadcast_in_dim3A_907 = vector.broadcast %jit3A_906 : f32 to vector<1024x256xf32>
      %select_n3A_908 = arith.select %eq3A_905, %convert_element_type3A_847, %broadcast_in_dim3A_907 : vector<1024x256xi1>, vector<1024x256xf32>
      %reduce_max3A_909 = arith.constant dense<0xFF800000> : vector<256xf32>
      %reduce_max3A_910 = vector.multi_reduction <maximumf>, %select_n3A_908, %reduce_max3A_909 [0] : vector<1024x256xf32> to vector<256xf32>
      %broadcast_in_dim3A_911 = vector.shape_cast %reduce_max3A_910 : vector<256xf32> to vector<1x256xf32>
      %swap3A_912 = arith.constant 2 : index
      %swap3A_913 = arith.constant 0 : index
      %swap3A_914 = vector.load %arg3[%swap3A_912, %swap3A_913] : memref<32x1024xf32, #tpu.memory_space<vmem>>, vector<1x256xf32>
      tpu.vector_store %arg3[%swap3A_912, %swap3A_913], %broadcast_in_dim3A_903 {strides = array<i32>} : memref<32x1024xf32, #tpu.memory_space<vmem>>, vector<1x256xf32>,
      %convert_element_type3A_915 = arith.fptosi %broadcast_in_dim3A_911 : vector<1x256xf32> to vector<1x256xi32>
      %swap3A_916 = arith.constant 2 : index
      %swap3A_917 = arith.constant 0 : index
      %swap3A_918 = vector.load %arg4[%swap3A_916, %swap3A_917] : memref<32x1024xi32, #tpu.memory_space<vmem>>, vector<1x256xi32>
      tpu.vector_store %arg4[%swap3A_916, %swap3A_917], %convert_element_type3A_915 {strides = array<i32>} : memref<32x1024xi32, #tpu.memory_space<vmem>>, vector<1x256xi32>,
      %mul3A_919 = arith.constant 7.812500e-03 : f32
      %mul3A_920 = vector.broadcast %mul3A_919 : f32 to vector<1x256xf32>
      %mul3A_921 = arith.mulf %broadcast_in_dim3A_911, %mul3A_920 : vector<1x256xf32>
      %floor3A_922 = math.floor %mul3A_921 : vector<1x256xf32>
      %eq3A_923 = vector.broadcast %floor3A_922 : vector<1x256xf32> to vector<1024x256xf32>
      %eq3A_924 = arith.cmpf oeq, %convert_element_type3A_839, %eq3A_923 : vector<1024x256xf32>
      %jit3A_925 = arith.constant 0xFF800000 : f32
      %broadcast_in_dim3A_926 = vector.broadcast %jit3A_925 : f32 to vector<1024x256xf32>
      %select_n3A_927 = arith.select %eq3A_924, %broadcast_in_dim3A_926, %select_n3A_900 : vector<1024x256xi1>, vector<1024x256xf32>
      %reduce_max3A_928 = arith.constant dense<0xFF800000> : vector<256xf32>
      %reduce_max3A_929 = vector.multi_reduction <maximumf>, %select_n3A_927, %reduce_max3A_928 [0] : vector<1024x256xf32> to vector<256xf32>
      %broadcast_in_dim3A_930 = vector.shape_cast %reduce_max3A_929 : vector<256xf32> to vector<1x256xf32>
      %eq3A_931 = vector.broadcast %broadcast_in_dim3A_930 : vector<1x256xf32> to vector<1024x256xf32>
      %eq3A_932 = arith.cmpf oeq, %select_n3A_927, %eq3A_931 : vector<1024x256xf32>
      %jit3A_933 = arith.constant 0xFF800000 : f32
      %broadcast_in_dim3A_934 = vector.broadcast %jit3A_933 : f32 to vector<1024x256xf32>
      %select_n3A_935 = arith.select %eq3A_932, %convert_element_type3A_847, %broadcast_in_dim3A_934 : vector<1024x256xi1>, vector<1024x256xf32>
      %reduce_max3A_936 = arith.constant dense<0xFF800000> : vector<256xf32>
      %reduce_max3A_937 = vector.multi_reduction <maximumf>, %select_n3A_935, %reduce_max3A_936 [0] : vector<1024x256xf32> to vector<256xf32>
      %broadcast_in_dim3A_938 = vector.shape_cast %reduce_max3A_937 : vector<256xf32> to vector<1x256xf32>
      %swap3A_939 = arith.constant 3 : index
      %swap3A_940 = arith.constant 0 : index
      %swap3A_941 = vector.load %arg3[%swap3A_939, %swap3A_940] : memref<32x1024xf32, #tpu.memory_space<vmem>>, vector<1x256xf32>
      tpu.vector_store %arg3[%swap3A_939, %swap3A_940], %broadcast_in_dim3A_930 {strides = array<i32>} : memref<32x1024xf32, #tpu.memory_space<vmem>>, vector<1x256xf32>,
      %convert_element_type3A_942 = arith.fptosi %broadcast_in_dim3A_938 : vector<1x256xf32> to vector<1x256xi32>
      %swap3A_943 = arith.constant 3 : index
      %swap3A_944 = arith.constant 0 : index
      %swap3A_945 = vector.load %arg4[%swap3A_943, %swap3A_944] : memref<32x1024xi32, #tpu.memory_space<vmem>>, vector<1x256xi32>
      tpu.vector_store %arg4[%swap3A_943, %swap3A_944], %convert_element_type3A_942 {strides = array<i32>} : memref<32x1024xi32, #tpu.memory_space<vmem>>, vector<1x256xi32>,
      %mul3A_946 = arith.constant 7.812500e-03 : f32
      %mul3A_947 = vector.broadcast %mul3A_946 : f32 to vector<1x256xf32>
      %mul3A_948 = arith.mulf %broadcast_in_dim3A_938, %mul3A_947 : vector<1x256xf32>
      %floor3A_949 = math.floor %mul3A_948 : vector<1x256xf32>
      %eq3A_950 = vector.broadcast %floor3A_949 : vector<1x256xf32> to vector<1024x256xf32>
      %eq3A_951 = arith.cmpf oeq, %convert_element_type3A_839, %eq3A_950 : vector<1024x256xf32>
      %jit3A_952 = arith.constant 0xFF800000 : f32
      %broadcast_in_dim3A_953 = vector.broadcast %jit3A_952 : f32 to vector<1024x256xf32>
      %select_n3A_954 = arith.select %eq3A_951, %broadcast_in_dim3A_953, %select_n3A_927 : vector<1024x256xi1>, vector<1024x256xf32>
      %reduce_max3A_955 = arith.constant dense<0xFF800000> : vector<256xf32>
      %reduce_max3A_956 = vector.multi_reduction <maximumf>, %select_n3A_954, %reduce_max3A_955 [0] : vector<1024x256xf32> to vector<256xf32>
      %broadcast_in_dim3A_957 = vector.shape_cast %reduce_max3A_956 : vector<256xf32> to vector<1x256xf32>
      %eq3A_958 = vector.broadcast %broadcast_in_dim3A_957 : vector<1x256xf32> to vector<1024x256xf32>
      %eq3A_959 = arith.cmpf oeq, %select_n3A_954, %eq3A_958 : vector<1024x256xf32>
      %jit3A_960 = arith.constant 0xFF800000 : f32
      %broadcast_in_dim3A_961 = vector.broadcast %jit3A_960 : f32 to vector<1024x256xf32>
      %select_n3A_962 = arith.select %eq3A_959, %convert_element_type3A_847, %broadcast_in_dim3A_961 : vector<1024x256xi1>, vector<1024x256xf32>
      %reduce_max3A_963 = arith.constant dense<0xFF800000> : vector<256xf32>
      %reduce_max3A_964 = vector.multi_reduction <maximumf>, %select_n3A_962, %reduce_max3A_963 [0] : vector<1024x256xf32> to vector<256xf32>
      %broadcast_in_dim3A_965 = vector.shape_cast %reduce_max3A_964 : vector<256xf32> to vector<1x256xf32>
      %swap3A_966 = arith.constant 4 : index
      %swap3A_967 = arith.constant 0 : index
      %swap3A_968 = vector.load %arg3[%swap3A_966, %swap3A_967] : memref<32x1024xf32, #tpu.memory_space<vmem>>, vector<1x256xf32>
      tpu.vector_store %arg3[%swap3A_966, %swap3A_967], %broadcast_in_dim3A_957 {strides = array<i32>} : memref<32x1024xf32, #tpu.memory_space<vmem>>, vector<1x256xf32>,
      %convert_element_type3A_969 = arith.fptosi %broadcast_in_dim3A_965 : vector<1x256xf32> to vector<1x256xi32>
      %swap3A_970 = arith.constant 4 : index
      %swap3A_971 = arith.constant 0 : index
      %swap3A_972 = vector.load %arg4[%swap3A_970, %swap3A_971] : memref<32x1024xi32, #tpu.memory_space<vmem>>, vector<1x256xi32>
      tpu.vector_store %arg4[%swap3A_970, %swap3A_971], %convert_element_type3A_969 {strides = array<i32>} : memref<32x1024xi32, #tpu.memory_space<vmem>>, vector<1x256xi32>,
      %mul3A_973 = arith.constant 7.812500e-03 : f32
      %mul3A_974 = vector.broadcast %mul3A_973 : f32 to vector<1x256xf32>
      %mul3A_975 = arith.mulf %broadcast_in_dim3A_965, %mul3A_974 : vector<1x256xf32>
      %floor3A_976 = math.floor %mul3A_975 : vector<1x256xf32>
      %eq3A_977 = vector.broadcast %floor3A_976 : vector<1x256xf32> to vector<1024x256xf32>
      %eq3A_978 = arith.cmpf oeq, %convert_element_type3A_839, %eq3A_977 : vector<1024x256xf32>
      %jit3A_979 = arith.constant 0xFF800000 : f32
      %broadcast_in_dim3A_980 = vector.broadcast %jit3A_979 : f32 to vector<1024x256xf32>
      %select_n3A_981 = arith.select %eq3A_978, %broadcast_in_dim3A_980, %select_n3A_954 : vector<1024x256xi1>, vector<1024x256xf32>
      %reduce_max3A_982 = arith.constant dense<0xFF800000> : vector<256xf32>
      %reduce_max3A_983 = vector.multi_reduction <maximumf>, %select_n3A_981, %reduce_max3A_982 [0] : vector<1024x256xf32> to vector<256xf32>
      %broadcast_in_dim3A_984 = vector.shape_cast %reduce_max3A_983 : vector<256xf32> to vector<1x256xf32>
      %eq3A_985 = vector.broadcast %broadcast_in_dim3A_984 : vector<1x256xf32> to vector<1024x256xf32>
      %eq3A_986 = arith.cmpf oeq, %select_n3A_981, %eq3A_985 : vector<1024x256xf32>
      %jit3A_987 = arith.constant 0xFF800000 : f32
      %broadcast_in_dim3A_988 = vector.broadcast %jit3A_987 : f32 to vector<1024x256xf32>
      %select_n3A_989 = arith.select %eq3A_986, %convert_element_type3A_847, %broadcast_in_dim3A_988 : vector<1024x256xi1>, vector<1024x256xf32>
      %reduce_max3A_990 = arith.constant dense<0xFF800000> : vector<256xf32>
      %reduce_max3A_991 = vector.multi_reduction <maximumf>, %select_n3A_989, %reduce_max3A_990 [0] : vector<1024x256xf32> to vector<256xf32>
      %broadcast_in_dim3A_992 = vector.shape_cast %reduce_max3A_991 : vector<256xf32> to vector<1x256xf32>
      %swap3A_993 = arith.constant 5 : index
      %swap3A_994 = arith.constant 0 : index
      %swap3A_995 = vector.load %arg3[%swap3A_993, %swap3A_994] : memref<32x1024xf32, #tpu.memory_space<vmem>>, vector<1x256xf32>
      tpu.vector_store %arg3[%swap3A_993, %swap3A_994], %broadcast_in_dim3A_984 {strides = array<i32>} : memref<32x1024xf32, #tpu.memory_space<vmem>>, vector<1x256xf32>,
      %convert_element_type3A_996 = arith.fptosi %broadcast_in_dim3A_992 : vector<1x256xf32> to vector<1x256xi32>
      %swap3A_997 = arith.constant 5 : index
      %swap3A_998 = arith.constant 0 : index
      %swap3A_999 = vector.load %arg4[%swap3A_997, %swap3A_998] : memref<32x1024xi32, #tpu.memory_space<vmem>>, vector<1x256xi32>
      tpu.vector_store %arg4[%swap3A_997, %swap3A_998], %convert_element_type3A_996 {strides = array<i32>} : memref<32x1024xi32, #tpu.memory_space<vmem>>, vector<1x256xi32>,
      %mul3A_1000 = arith.constant 7.812500e-03 : f32
      %mul3A_1001 = vector.broadcast %mul3A_1000 : f32 to vector<1x256xf32>
      %mul3A_1002 = arith.mulf %broadcast_in_dim3A_992, %mul3A_1001 : vector<1x256xf32>
      %floor3A_1003 = math.floor %mul3A_1002 : vector<1x256xf32>
      %eq3A_1004 = vector.broadcast %floor3A_1003 : vector<1x256xf32> to vector<1024x256xf32>
      %eq3A_1005 = arith.cmpf oeq, %convert_element_type3A_839, %eq3A_1004 : vector<1024x256xf32>
      %jit3A_1006 = arith.constant 0xFF800000 : f32
      %broadcast_in_dim3A_1007 = vector.broadcast %jit3A_1006 : f32 to vector<1024x256xf32>
      %select_n3A_1008 = arith.select %eq3A_1005, %broadcast_in_dim3A_1007, %select_n3A_981 : vector<1024x256xi1>, vector<1024x256xf32>
      %reduce_max3A_1009 = arith.constant dense<0xFF800000> : vector<256xf32>
      %reduce_max3A_1010 = vector.multi_reduction <maximumf>, %select_n3A_1008, %reduce_max3A_1009 [0] : vector<1024x256xf32> to vector<256xf32>
      %broadcast_in_dim3A_1011 = vector.shape_cast %reduce_max3A_1010 : vector<256xf32> to vector<1x256xf32>
      %eq3A_1012 = vector.broadcast %broadcast_in_dim3A_1011 : vector<1x256xf32> to vector<1024x256xf32>
      %eq3A_1013 = arith.cmpf oeq, %select_n3A_1008, %eq3A_1012 : vector<1024x256xf32>
      %jit3A_1014 = arith.constant 0xFF800000 : f32
      %broadcast_in_dim3A_1015 = vector.broadcast %jit3A_1014 : f32 to vector<1024x256xf32>
      %select_n3A_1016 = arith.select %eq3A_1013, %convert_element_type3A_847, %broadcast_in_dim3A_1015 : vector<1024x256xi1>, vector<1024x256xf32>
      %reduce_max3A_1017 = arith.constant dense<0xFF800000> : vector<256xf32>
      %reduce_max3A_1018 = vector.multi_reduction <maximumf>, %select_n3A_1016, %reduce_max3A_1017 [0] : vector<1024x256xf32> to vector<256xf32>
      %broadcast_in_dim3A_1019 = vector.shape_cast %reduce_max3A_1018 : vector<256xf32> to vector<1x256xf32>
      %swap3A_1020 = arith.constant 6 : index
      %swap3A_1021 = arith.constant 0 : index
      %swap3A_1022 = vector.load %arg3[%swap3A_1020, %swap3A_1021] : memref<32x1024xf32, #tpu.memory_space<vmem>>, vector<1x256xf32>
      tpu.vector_store %arg3[%swap3A_1020, %swap3A_1021], %broadcast_in_dim3A_1011 {strides = array<i32>} : memref<32x1024xf32, #tpu.memory_space<vmem>>, vector<1x256xf32>,
      %convert_element_type3A_1023 = arith.fptosi %broadcast_in_dim3A_1019 : vector<1x256xf32> to vector<1x256xi32>
      %swap3A_1024 = arith.constant 6 : index
      %swap3A_1025 = arith.constant 0 : index
      %swap3A_1026 = vector.load %arg4[%swap3A_1024, %swap3A_1025] : memref<32x1024xi32, #tpu.memory_space<vmem>>, vector<1x256xi32>
      tpu.vector_store %arg4[%swap3A_1024, %swap3A_1025], %convert_element_type3A_1023 {strides = array<i32>} : memref<32x1024xi32, #tpu.memory_space<vmem>>, vector<1x256xi32>,
      %mul3A_1027 = arith.constant 7.812500e-03 : f32
      %mul3A_1028 = vector.broadcast %mul3A_1027 : f32 to vector<1x256xf32>
      %mul3A_1029 = arith.mulf %broadcast_in_dim3A_1019, %mul3A_1028 : vector<1x256xf32>
      %floor3A_1030 = math.floor %mul3A_1029 : vector<1x256xf32>
      %eq3A_1031 = vector.broadcast %floor3A_1030 : vector<1x256xf32> to vector<1024x256xf32>
      %eq3A_1032 = arith.cmpf oeq, %convert_element_type3A_839, %eq3A_1031 : vector<1024x256xf32>
      %jit3A_1033 = arith.constant 0xFF800000 : f32
      %broadcast_in_dim3A_1034 = vector.broadcast %jit3A_1033 : f32 to vector<1024x256xf32>
      %select_n3A_1035 = arith.select %eq3A_1032, %broadcast_in_dim3A_1034, %select_n3A_1008 : vector<1024x256xi1>, vector<1024x256xf32>
      %reduce_max3A_1036 = arith.constant dense<0xFF800000> : vector<256xf32>
      %reduce_max3A_1037 = vector.multi_reduction <maximumf>, %select_n3A_1035, %reduce_max3A_1036 [0] : vector<1024x256xf32> to vector<256xf32>
      %broadcast_in_dim3A_1038 = vector.shape_cast %reduce_max3A_1037 : vector<256xf32> to vector<1x256xf32>
      %eq3A_1039 = vector.broadcast %broadcast_in_dim3A_1038 : vector<1x256xf32> to vector<1024x256xf32>
      %eq3A_1040 = arith.cmpf oeq, %select_n3A_1035, %eq3A_1039 : vector<1024x256xf32>
      %jit3A_1041 = arith.constant 0xFF800000 : f32
      %broadcast_in_dim3A_1042 = vector.broadcast %jit3A_1041 : f32 to vector<1024x256xf32>
      %select_n3A_1043 = arith.select %eq3A_1040, %convert_element_type3A_847, %broadcast_in_dim3A_1042 : vector<1024x256xi1>, vector<1024x256xf32>
      %reduce_max3A_1044 = arith.constant dense<0xFF800000> : vector<256xf32>
      %reduce_max3A_1045 = vector.multi_reduction <maximumf>, %select_n3A_1043, %reduce_max3A_1044 [0] : vector<1024x256xf32> to vector<256xf32>
      %broadcast_in_dim3A_1046 = vector.shape_cast %reduce_max3A_1045 : vector<256xf32> to vector<1x256xf32>
      %swap3A_1047 = arith.constant 7 : index
      %swap3A_1048 = arith.constant 0 : index
      %swap3A_1049 = vector.load %arg3[%swap3A_1047, %swap3A_1048] : memref<32x1024xf32, #tpu.memory_space<vmem>>, vector<1x256xf32>
      tpu.vector_store %arg3[%swap3A_1047, %swap3A_1048], %broadcast_in_dim3A_1038 {strides = array<i32>} : memref<32x1024xf32, #tpu.memory_space<vmem>>, vector<1x256xf32>,
      %convert_element_type3A_1050 = arith.fptosi %broadcast_in_dim3A_1046 : vector<1x256xf32> to vector<1x256xi32>
      %swap3A_1051 = arith.constant 7 : index
      %swap3A_1052 = arith.constant 0 : index
      %swap3A_1053 = vector.load %arg4[%swap3A_1051, %swap3A_1052] : memref<32x1024xi32, #tpu.memory_space<vmem>>, vector<1x256xi32>
      tpu.vector_store %arg4[%swap3A_1051, %swap3A_1052], %convert_element_type3A_1050 {strides = array<i32>} : memref<32x1024xi32, #tpu.memory_space<vmem>>, vector<1x256xi32>,
      %mul3A_1054 = arith.constant 7.812500e-03 : f32
      %mul3A_1055 = vector.broadcast %mul3A_1054 : f32 to vector<1x256xf32>
      %mul3A_1056 = arith.mulf %broadcast_in_dim3A_1046, %mul3A_1055 : vector<1x256xf32>
      %floor3A_1057 = math.floor %mul3A_1056 : vector<1x256xf32>
      %eq3A_1058 = vector.broadcast %floor3A_1057 : vector<1x256xf32> to vector<1024x256xf32>
      %eq3A_1059 = arith.cmpf oeq, %convert_element_type3A_839, %eq3A_1058 : vector<1024x256xf32>
      %jit3A_1060 = arith.constant 0xFF800000 : f32
      %broadcast_in_dim3A_1061 = vector.broadcast %jit3A_1060 : f32 to vector<1024x256xf32>
      %select_n3A_1062 = arith.select %eq3A_1059, %broadcast_in_dim3A_1061, %select_n3A_1035 : vector<1024x256xi1>, vector<1024x256xf32>
      %reduce_max3A_1063 = arith.constant dense<0xFF800000> : vector<256xf32>
      %reduce_max3A_1064 = vector.multi_reduction <maximumf>, %select_n3A_1062, %reduce_max3A_1063 [0] : vector<1024x256xf32> to vector<256xf32>
      %broadcast_in_dim3A_1065 = vector.shape_cast %reduce_max3A_1064 : vector<256xf32> to vector<1x256xf32>
      %eq3A_1066 = vector.broadcast %broadcast_in_dim3A_1065 : vector<1x256xf32> to vector<1024x256xf32>
      %eq3A_1067 = arith.cmpf oeq, %select_n3A_1062, %eq3A_1066 : vector<1024x256xf32>
      %jit3A_1068 = arith.constant 0xFF800000 : f32
      %broadcast_in_dim3A_1069 = vector.broadcast %jit3A_1068 : f32 to vector<1024x256xf32>
      %select_n3A_1070 = arith.select %eq3A_1067, %convert_element_type3A_847, %broadcast_in_dim3A_1069 : vector<1024x256xi1>, vector<1024x256xf32>
      %reduce_max3A_1071 = arith.constant dense<0xFF800000> : vector<256xf32>
      %reduce_max3A_1072 = vector.multi_reduction <maximumf>, %select_n3A_1070, %reduce_max3A_1071 [0] : vector<1024x256xf32> to vector<256xf32>
      %broadcast_in_dim3A_1073 = vector.shape_cast %reduce_max3A_1072 : vector<256xf32> to vector<1x256xf32>
      %swap3A_1074 = arith.constant 8 : index
      %swap3A_1075 = arith.constant 0 : index
      %swap3A_1076 = vector.load %arg3[%swap3A_1074, %swap3A_1075] : memref<32x1024xf32, #tpu.memory_space<vmem>>, vector<1x256xf32>
      tpu.vector_store %arg3[%swap3A_1074, %swap3A_1075], %broadcast_in_dim3A_1065 {strides = array<i32>} : memref<32x1024xf32, #tpu.memory_space<vmem>>, vector<1x256xf32>,
      %convert_element_type3A_1077 = arith.fptosi %broadcast_in_dim3A_1073 : vector<1x256xf32> to vector<1x256xi32>
      %swap3A_1078 = arith.constant 8 : index
      %swap3A_1079 = arith.constant 0 : index
      %swap3A_1080 = vector.load %arg4[%swap3A_1078, %swap3A_1079] : memref<32x1024xi32, #tpu.memory_space<vmem>>, vector<1x256xi32>
      tpu.vector_store %arg4[%swap3A_1078, %swap3A_1079], %convert_element_type3A_1077 {strides = array<i32>} : memref<32x1024xi32, #tpu.memory_space<vmem>>, vector<1x256xi32>,
      %mul3A_1081 = arith.constant 7.812500e-03 : f32
      %mul3A_1082 = vector.broadcast %mul3A_1081 : f32 to vector<1x256xf32>
      %mul3A_1083 = arith.mulf %broadcast_in_dim3A_1073, %mul3A_1082 : vector<1x256xf32>
      %floor3A_1084 = math.floor %mul3A_1083 : vector<1x256xf32>
      %eq3A_1085 = vector.broadcast %floor3A_1084 : vector<1x256xf32> to vector<1024x256xf32>
      %eq3A_1086 = arith.cmpf oeq, %convert_element_type3A_839, %eq3A_1085 : vector<1024x256xf32>
      %jit3A_1087 = arith.constant 0xFF800000 : f32
      %broadcast_in_dim3A_1088 = vector.broadcast %jit3A_1087 : f32 to vector<1024x256xf32>
      %select_n3A_1089 = arith.select %eq3A_1086, %broadcast_in_dim3A_1088, %select_n3A_1062 : vector<1024x256xi1>, vector<1024x256xf32>
      %reduce_max3A_1090 = arith.constant dense<0xFF800000> : vector<256xf32>
      %reduce_max3A_1091 = vector.multi_reduction <maximumf>, %select_n3A_1089, %reduce_max3A_1090 [0] : vector<1024x256xf32> to vector<256xf32>
      %broadcast_in_dim3A_1092 = vector.shape_cast %reduce_max3A_1091 : vector<256xf32> to vector<1x256xf32>
      %eq3A_1093 = vector.broadcast %broadcast_in_dim3A_1092 : vector<1x256xf32> to vector<1024x256xf32>
      %eq3A_1094 = arith.cmpf oeq, %select_n3A_1089, %eq3A_1093 : vector<1024x256xf32>
      %jit3A_1095 = arith.constant 0xFF800000 : f32
      %broadcast_in_dim3A_1096 = vector.broadcast %jit3A_1095 : f32 to vector<1024x256xf32>
      %select_n3A_1097 = arith.select %eq3A_1094, %convert_element_type3A_847, %broadcast_in_dim3A_1096 : vector<1024x256xi1>, vector<1024x256xf32>
      %reduce_max3A_1098 = arith.constant dense<0xFF800000> : vector<256xf32>
      %reduce_max3A_1099 = vector.multi_reduction <maximumf>, %select_n3A_1097, %reduce_max3A_1098 [0] : vector<1024x256xf32> to vector<256xf32>
      %broadcast_in_dim3A_1100 = vector.shape_cast %reduce_max3A_1099 : vector<256xf32> to vector<1x256xf32>
      %swap3A_1101 = arith.constant 9 : index
      %swap3A_1102 = arith.constant 0 : index
      %swap3A_1103 = vector.load %arg3[%swap3A_1101, %swap3A_1102] : memref<32x1024xf32, #tpu.memory_space<vmem>>, vector<1x256xf32>
      tpu.vector_store %arg3[%swap3A_1101, %swap3A_1102], %broadcast_in_dim3A_1092 {strides = array<i32>} : memref<32x1024xf32, #tpu.memory_space<vmem>>, vector<1x256xf32>,
      %convert_element_type3A_1104 = arith.fptosi %broadcast_in_dim3A_1100 : vector<1x256xf32> to vector<1x256xi32>
      %swap3A_1105 = arith.constant 9 : index
      %swap3A_1106 = arith.constant 0 : index
      %swap3A_1107 = vector.load %arg4[%swap3A_1105, %swap3A_1106] : memref<32x1024xi32, #tpu.memory_space<vmem>>, vector<1x256xi32>
      tpu.vector_store %arg4[%swap3A_1105, %swap3A_1106], %convert_element_type3A_1104 {strides = array<i32>} : memref<32x1024xi32, #tpu.memory_space<vmem>>, vector<1x256xi32>,
      %mul3A_1108 = arith.constant 7.812500e-03 : f32
      %mul3A_1109 = vector.broadcast %mul3A_1108 : f32 to vector<1x256xf32>
      %mul3A_1110 = arith.mulf %broadcast_in_dim3A_1100, %mul3A_1109 : vector<1x256xf32>
      %floor3A_1111 = math.floor %mul3A_1110 : vector<1x256xf32>
      %eq3A_1112 = vector.broadcast %floor3A_1111 : vector<1x256xf32> to vector<1024x256xf32>
      %eq3A_1113 = arith.cmpf oeq, %convert_element_type3A_839, %eq3A_1112 : vector<1024x256xf32>
      %jit3A_1114 = arith.constant 0xFF800000 : f32
      %broadcast_in_dim3A_1115 = vector.broadcast %jit3A_1114 : f32 to vector<1024x256xf32>
      %select_n3A_1116 = arith.select %eq3A_1113, %broadcast_in_dim3A_1115, %select_n3A_1089 : vector<1024x256xi1>, vector<1024x256xf32>
      %reduce_max3A_1117 = arith.constant dense<0xFF800000> : vector<256xf32>
      %reduce_max3A_1118 = vector.multi_reduction <maximumf>, %select_n3A_1116, %reduce_max3A_1117 [0] : vector<1024x256xf32> to vector<256xf32>
      %broadcast_in_dim3A_1119 = vector.shape_cast %reduce_max3A_1118 : vector<256xf32> to vector<1x256xf32>
      %eq3A_1120 = vector.broadcast %broadcast_in_dim3A_1119 : vector<1x256xf32> to vector<1024x256xf32>
      %eq3A_1121 = arith.cmpf oeq, %select_n3A_1116, %eq3A_1120 : vector<1024x256xf32>
      %jit3A_1122 = arith.constant 0xFF800000 : f32
      %broadcast_in_dim3A_1123 = vector.broadcast %jit3A_1122 : f32 to vector<1024x256xf32>
      %select_n3A_1124 = arith.select %eq3A_1121, %convert_element_type3A_847, %broadcast_in_dim3A_1123 : vector<1024x256xi1>, vector<1024x256xf32>
      %reduce_max3A_1125 = arith.constant dense<0xFF800000> : vector<256xf32>
      %reduce_max3A_1126 = vector.multi_reduction <maximumf>, %select_n3A_1124, %reduce_max3A_1125 [0] : vector<1024x256xf32> to vector<256xf32>
      %broadcast_in_dim3A_1127 = vector.shape_cast %reduce_max3A_1126 : vector<256xf32> to vector<1x256xf32>
      %swap3A_1128 = arith.constant 10 : index
      %swap3A_1129 = arith.constant 0 : index
      %swap3A_1130 = vector.load %arg3[%swap3A_1128, %swap3A_1129] : memref<32x1024xf32, #tpu.memory_space<vmem>>, vector<1x256xf32>
      tpu.vector_store %arg3[%swap3A_1128, %swap3A_1129], %broadcast_in_dim3A_1119 {strides = array<i32>} : memref<32x1024xf32, #tpu.memory_space<vmem>>, vector<1x256xf32>,
      %convert_element_type3A_1131 = arith.fptosi %broadcast_in_dim3A_1127 : vector<1x256xf32> to vector<1x256xi32>
      %swap3A_1132 = arith.constant 10 : index
      %swap3A_1133 = arith.constant 0 : index
      %swap3A_1134 = vector.load %arg4[%swap3A_1132, %swap3A_1133] : memref<32x1024xi32, #tpu.memory_space<vmem>>, vector<1x256xi32>
      tpu.vector_store %arg4[%swap3A_1132, %swap3A_1133], %convert_element_type3A_1131 {strides = array<i32>} : memref<32x1024xi32, #tpu.memory_space<vmem>>, vector<1x256xi32>,
      %mul3A_1135 = arith.constant 7.812500e-03 : f32
      %mul3A_1136 = vector.broadcast %mul3A_1135 : f32 to vector<1x256xf32>
      %mul3A_1137 = arith.mulf %broadcast_in_dim3A_1127, %mul3A_1136 : vector<1x256xf32>
      %floor3A_1138 = math.floor %mul3A_1137 : vector<1x256xf32>
      %eq3A_1139 = vector.broadcast %floor3A_1138 : vector<1x256xf32> to vector<1024x256xf32>
      %eq3A_1140 = arith.cmpf oeq, %convert_element_type3A_839, %eq3A_1139 : vector<1024x256xf32>
      %jit3A_1141 = arith.constant 0xFF800000 : f32
      %broadcast_in_dim3A_1142 = vector.broadcast %jit3A_1141 : f32 to vector<1024x256xf32>
      %select_n3A_1143 = arith.select %eq3A_1140, %broadcast_in_dim3A_1142, %select_n3A_1116 : vector<1024x256xi1>, vector<1024x256xf32>
      %reduce_max3A_1144 = arith.constant dense<0xFF800000> : vector<256xf32>
      %reduce_max3A_1145 = vector.multi_reduction <maximumf>, %select_n3A_1143, %reduce_max3A_1144 [0] : vector<1024x256xf32> to vector<256xf32>
      %broadcast_in_dim3A_1146 = vector.shape_cast %reduce_max3A_1145 : vector<256xf32> to vector<1x256xf32>
      %eq3A_1147 = vector.broadcast %broadcast_in_dim3A_1146 : vector<1x256xf32> to vector<1024x256xf32>
      %eq3A_1148 = arith.cmpf oeq, %select_n3A_1143, %eq3A_1147 : vector<1024x256xf32>
      %jit3A_1149 = arith.constant 0xFF800000 : f32
      %broadcast_in_dim3A_1150 = vector.broadcast %jit3A_1149 : f32 to vector<1024x256xf32>
      %select_n3A_1151 = arith.select %eq3A_1148, %convert_element_type3A_847, %broadcast_in_dim3A_1150 : vector<1024x256xi1>, vector<1024x256xf32>
      %reduce_max3A_1152 = arith.constant dense<0xFF800000> : vector<256xf32>
      %reduce_max3A_1153 = vector.multi_reduction <maximumf>, %select_n3A_1151, %reduce_max3A_1152 [0] : vector<1024x256xf32> to vector<256xf32>
      %broadcast_in_dim3A_1154 = vector.shape_cast %reduce_max3A_1153 : vector<256xf32> to vector<1x256xf32>
      %swap3A_1155 = arith.constant 11 : index
      %swap3A_1156 = arith.constant 0 : index
      %swap3A_1157 = vector.load %arg3[%swap3A_1155, %swap3A_1156] : memref<32x1024xf32, #tpu.memory_space<vmem>>, vector<1x256xf32>
      tpu.vector_store %arg3[%swap3A_1155, %swap3A_1156], %broadcast_in_dim3A_1146 {strides = array<i32>} : memref<32x1024xf32, #tpu.memory_space<vmem>>, vector<1x256xf32>,
      %convert_element_type3A_1158 = arith.fptosi %broadcast_in_dim3A_1154 : vector<1x256xf32> to vector<1x256xi32>
      %swap3A_1159 = arith.constant 11 : index
      %swap3A_1160 = arith.constant 0 : index
      %swap3A_1161 = vector.load %arg4[%swap3A_1159, %swap3A_1160] : memref<32x1024xi32, #tpu.memory_space<vmem>>, vector<1x256xi32>
      tpu.vector_store %arg4[%swap3A_1159, %swap3A_1160], %convert_element_type3A_1158 {strides = array<i32>} : memref<32x1024xi32, #tpu.memory_space<vmem>>, vector<1x256xi32>,
      %mul3A_1162 = arith.constant 7.812500e-03 : f32
      %mul3A_1163 = vector.broadcast %mul3A_1162 : f32 to vector<1x256xf32>
      %mul3A_1164 = arith.mulf %broadcast_in_dim3A_1154, %mul3A_1163 : vector<1x256xf32>
      %floor3A_1165 = math.floor %mul3A_1164 : vector<1x256xf32>
      %eq3A_1166 = vector.broadcast %floor3A_1165 : vector<1x256xf32> to vector<1024x256xf32>
      %eq3A_1167 = arith.cmpf oeq, %convert_element_type3A_839, %eq3A_1166 : vector<1024x256xf32>
      %jit3A_1168 = arith.constant 0xFF800000 : f32
      %broadcast_in_dim3A_1169 = vector.broadcast %jit3A_1168 : f32 to vector<1024x256xf32>
      %select_n3A_1170 = arith.select %eq3A_1167, %broadcast_in_dim3A_1169, %select_n3A_1143 : vector<1024x256xi1>, vector<1024x256xf32>
      %reduce_max3A_1171 = arith.constant dense<0xFF800000> : vector<256xf32>
      %reduce_max3A_1172 = vector.multi_reduction <maximumf>, %select_n3A_1170, %reduce_max3A_1171 [0] : vector<1024x256xf32> to vector<256xf32>
      %broadcast_in_dim3A_1173 = vector.shape_cast %reduce_max3A_1172 : vector<256xf32> to vector<1x256xf32>
      %eq3A_1174 = vector.broadcast %broadcast_in_dim3A_1173 : vector<1x256xf32> to vector<1024x256xf32>
      %eq3A_1175 = arith.cmpf oeq, %select_n3A_1170, %eq3A_1174 : vector<1024x256xf32>
      %jit3A_1176 = arith.constant 0xFF800000 : f32
      %broadcast_in_dim3A_1177 = vector.broadcast %jit3A_1176 : f32 to vector<1024x256xf32>
      %select_n3A_1178 = arith.select %eq3A_1175, %convert_element_type3A_847, %broadcast_in_dim3A_1177 : vector<1024x256xi1>, vector<1024x256xf32>
      %reduce_max3A_1179 = arith.constant dense<0xFF800000> : vector<256xf32>
      %reduce_max3A_1180 = vector.multi_reduction <maximumf>, %select_n3A_1178, %reduce_max3A_1179 [0] : vector<1024x256xf32> to vector<256xf32>
      %broadcast_in_dim3A_1181 = vector.shape_cast %reduce_max3A_1180 : vector<256xf32> to vector<1x256xf32>
      %swap3A_1182 = arith.constant 12 : index
      %swap3A_1183 = arith.constant 0 : index
      %swap3A_1184 = vector.load %arg3[%swap3A_1182, %swap3A_1183] : memref<32x1024xf32, #tpu.memory_space<vmem>>, vector<1x256xf32>
      tpu.vector_store %arg3[%swap3A_1182, %swap3A_1183], %broadcast_in_dim3A_1173 {strides = array<i32>} : memref<32x1024xf32, #tpu.memory_space<vmem>>, vector<1x256xf32>,
      %convert_element_type3A_1185 = arith.fptosi %broadcast_in_dim3A_1181 : vector<1x256xf32> to vector<1x256xi32>
      %swap3A_1186 = arith.constant 12 : index
      %swap3A_1187 = arith.constant 0 : index
      %swap3A_1188 = vector.load %arg4[%swap3A_1186, %swap3A_1187] : memref<32x1024xi32, #tpu.memory_space<vmem>>, vector<1x256xi32>
      tpu.vector_store %arg4[%swap3A_1186, %swap3A_1187], %convert_element_type3A_1185 {strides = array<i32>} : memref<32x1024xi32, #tpu.memory_space<vmem>>, vector<1x256xi32>,
      %mul3A_1189 = arith.constant 7.812500e-03 : f32
      %mul3A_1190 = vector.broadcast %mul3A_1189 : f32 to vector<1x256xf32>
      %mul3A_1191 = arith.mulf %broadcast_in_dim3A_1181, %mul3A_1190 : vector<1x256xf32>
      %floor3A_1192 = math.floor %mul3A_1191 : vector<1x256xf32>
      %eq3A_1193 = vector.broadcast %floor3A_1192 : vector<1x256xf32> to vector<1024x256xf32>
      %eq3A_1194 = arith.cmpf oeq, %convert_element_type3A_839, %eq3A_1193 : vector<1024x256xf32>
      %jit3A_1195 = arith.constant 0xFF800000 : f32
      %broadcast_in_dim3A_1196 = vector.broadcast %jit3A_1195 : f32 to vector<1024x256xf32>
      %select_n3A_1197 = arith.select %eq3A_1194, %broadcast_in_dim3A_1196, %select_n3A_1170 : vector<1024x256xi1>, vector<1024x256xf32>
      %reduce_max3A_1198 = arith.constant dense<0xFF800000> : vector<256xf32>
      %reduce_max3A_1199 = vector.multi_reduction <maximumf>, %select_n3A_1197, %reduce_max3A_1198 [0] : vector<1024x256xf32> to vector<256xf32>
      %broadcast_in_dim3A_1200 = vector.shape_cast %reduce_max3A_1199 : vector<256xf32> to vector<1x256xf32>
      %eq3A_1201 = vector.broadcast %broadcast_in_dim3A_1200 : vector<1x256xf32> to vector<1024x256xf32>
      %eq3A_1202 = arith.cmpf oeq, %select_n3A_1197, %eq3A_1201 : vector<1024x256xf32>
      %jit3A_1203 = arith.constant 0xFF800000 : f32
      %broadcast_in_dim3A_1204 = vector.broadcast %jit3A_1203 : f32 to vector<1024x256xf32>
      %select_n3A_1205 = arith.select %eq3A_1202, %convert_element_type3A_847, %broadcast_in_dim3A_1204 : vector<1024x256xi1>, vector<1024x256xf32>
      %reduce_max3A_1206 = arith.constant dense<0xFF800000> : vector<256xf32>
      %reduce_max3A_1207 = vector.multi_reduction <maximumf>, %select_n3A_1205, %reduce_max3A_1206 [0] : vector<1024x256xf32> to vector<256xf32>
      %broadcast_in_dim3A_1208 = vector.shape_cast %reduce_max3A_1207 : vector<256xf32> to vector<1x256xf32>
      %swap3A_1209 = arith.constant 13 : index
      %swap3A_1210 = arith.constant 0 : index
      %swap3A_1211 = vector.load %arg3[%swap3A_1209, %swap3A_1210] : memref<32x1024xf32, #tpu.memory_space<vmem>>, vector<1x256xf32>
      tpu.vector_store %arg3[%swap3A_1209, %swap3A_1210], %broadcast_in_dim3A_1200 {strides = array<i32>} : memref<32x1024xf32, #tpu.memory_space<vmem>>, vector<1x256xf32>,
      %convert_element_type3A_1212 = arith.fptosi %broadcast_in_dim3A_1208 : vector<1x256xf32> to vector<1x256xi32>
      %swap3A_1213 = arith.constant 13 : index
      %swap3A_1214 = arith.constant 0 : index
      %swap3A_1215 = vector.load %arg4[%swap3A_1213, %swap3A_1214] : memref<32x1024xi32, #tpu.memory_space<vmem>>, vector<1x256xi32>
      tpu.vector_store %arg4[%swap3A_1213, %swap3A_1214], %convert_element_type3A_1212 {strides = array<i32>} : memref<32x1024xi32, #tpu.memory_space<vmem>>, vector<1x256xi32>,
      %mul3A_1216 = arith.constant 7.812500e-03 : f32
      %mul3A_1217 = vector.broadcast %mul3A_1216 : f32 to vector<1x256xf32>
      %mul3A_1218 = arith.mulf %broadcast_in_dim3A_1208, %mul3A_1217 : vector<1x256xf32>
      %floor3A_1219 = math.floor %mul3A_1218 : vector<1x256xf32>
      %eq3A_1220 = vector.broadcast %floor3A_1219 : vector<1x256xf32> to vector<1024x256xf32>
      %eq3A_1221 = arith.cmpf oeq, %convert_element_type3A_839, %eq3A_1220 : vector<1024x256xf32>
      %jit3A_1222 = arith.constant 0xFF800000 : f32
      %broadcast_in_dim3A_1223 = vector.broadcast %jit3A_1222 : f32 to vector<1024x256xf32>
      %select_n3A_1224 = arith.select %eq3A_1221, %broadcast_in_dim3A_1223, %select_n3A_1197 : vector<1024x256xi1>, vector<1024x256xf32>
      %reduce_max3A_1225 = arith.constant dense<0xFF800000> : vector<256xf32>
      %reduce_max3A_1226 = vector.multi_reduction <maximumf>, %select_n3A_1224, %reduce_max3A_1225 [0] : vector<1024x256xf32> to vector<256xf32>
      %broadcast_in_dim3A_1227 = vector.shape_cast %reduce_max3A_1226 : vector<256xf32> to vector<1x256xf32>
      %eq3A_1228 = vector.broadcast %broadcast_in_dim3A_1227 : vector<1x256xf32> to vector<1024x256xf32>
      %eq3A_1229 = arith.cmpf oeq, %select_n3A_1224, %eq3A_1228 : vector<1024x256xf32>
      %jit3A_1230 = arith.constant 0xFF800000 : f32
      %broadcast_in_dim3A_1231 = vector.broadcast %jit3A_1230 : f32 to vector<1024x256xf32>
      %select_n3A_1232 = arith.select %eq3A_1229, %convert_element_type3A_847, %broadcast_in_dim3A_1231 : vector<1024x256xi1>, vector<1024x256xf32>
      %reduce_max3A_1233 = arith.constant dense<0xFF800000> : vector<256xf32>
      %reduce_max3A_1234 = vector.multi_reduction <maximumf>, %select_n3A_1232, %reduce_max3A_1233 [0] : vector<1024x256xf32> to vector<256xf32>
      %broadcast_in_dim3A_1235 = vector.shape_cast %reduce_max3A_1234 : vector<256xf32> to vector<1x256xf32>
      %swap3A_1236 = arith.constant 14 : index
      %swap3A_1237 = arith.constant 0 : index
      %swap3A_1238 = vector.load %arg3[%swap3A_1236, %swap3A_1237] : memref<32x1024xf32, #tpu.memory_space<vmem>>, vector<1x256xf32>
      tpu.vector_store %arg3[%swap3A_1236, %swap3A_1237], %broadcast_in_dim3A_1227 {strides = array<i32>} : memref<32x1024xf32, #tpu.memory_space<vmem>>, vector<1x256xf32>,
      %convert_element_type3A_1239 = arith.fptosi %broadcast_in_dim3A_1235 : vector<1x256xf32> to vector<1x256xi32>
      %swap3A_1240 = arith.constant 14 : index
      %swap3A_1241 = arith.constant 0 : index
      %swap3A_1242 = vector.load %arg4[%swap3A_1240, %swap3A_1241] : memref<32x1024xi32, #tpu.memory_space<vmem>>, vector<1x256xi32>
      tpu.vector_store %arg4[%swap3A_1240, %swap3A_1241], %convert_element_type3A_1239 {strides = array<i32>} : memref<32x1024xi32, #tpu.memory_space<vmem>>, vector<1x256xi32>,
      %mul3A_1243 = arith.constant 7.812500e-03 : f32
      %mul3A_1244 = vector.broadcast %mul3A_1243 : f32 to vector<1x256xf32>
      %mul3A_1245 = arith.mulf %broadcast_in_dim3A_1235, %mul3A_1244 : vector<1x256xf32>
      %floor3A_1246 = math.floor %mul3A_1245 : vector<1x256xf32>
      %eq3A_1247 = vector.broadcast %floor3A_1246 : vector<1x256xf32> to vector<1024x256xf32>
      %eq3A_1248 = arith.cmpf oeq, %convert_element_type3A_839, %eq3A_1247 : vector<1024x256xf32>
      %jit3A_1249 = arith.constant 0xFF800000 : f32
      %broadcast_in_dim3A_1250 = vector.broadcast %jit3A_1249 : f32 to vector<1024x256xf32>
      %select_n3A_1251 = arith.select %eq3A_1248, %broadcast_in_dim3A_1250, %select_n3A_1224 : vector<1024x256xi1>, vector<1024x256xf32>
      %reduce_max3A_1252 = arith.constant dense<0xFF800000> : vector<256xf32>
      %reduce_max3A_1253 = vector.multi_reduction <maximumf>, %select_n3A_1251, %reduce_max3A_1252 [0] : vector<1024x256xf32> to vector<256xf32>
      %broadcast_in_dim3A_1254 = vector.shape_cast %reduce_max3A_1253 : vector<256xf32> to vector<1x256xf32>
      %eq3A_1255 = vector.broadcast %broadcast_in_dim3A_1254 : vector<1x256xf32> to vector<1024x256xf32>
      %eq3A_1256 = arith.cmpf oeq, %select_n3A_1251, %eq3A_1255 : vector<1024x256xf32>
      %jit3A_1257 = arith.constant 0xFF800000 : f32
      %broadcast_in_dim3A_1258 = vector.broadcast %jit3A_1257 : f32 to vector<1024x256xf32>
      %select_n3A_1259 = arith.select %eq3A_1256, %convert_element_type3A_847, %broadcast_in_dim3A_1258 : vector<1024x256xi1>, vector<1024x256xf32>
      %reduce_max3A_1260 = arith.constant dense<0xFF800000> : vector<256xf32>
      %reduce_max3A_1261 = vector.multi_reduction <maximumf>, %select_n3A_1259, %reduce_max3A_1260 [0] : vector<1024x256xf32> to vector<256xf32>
      %broadcast_in_dim3A_1262 = vector.shape_cast %reduce_max3A_1261 : vector<256xf32> to vector<1x256xf32>
      %swap3A_1263 = arith.constant 15 : index
      %swap3A_1264 = arith.constant 0 : index
      %swap3A_1265 = vector.load %arg3[%swap3A_1263, %swap3A_1264] : memref<32x1024xf32, #tpu.memory_space<vmem>>, vector<1x256xf32>
      tpu.vector_store %arg3[%swap3A_1263, %swap3A_1264], %broadcast_in_dim3A_1254 {strides = array<i32>} : memref<32x1024xf32, #tpu.memory_space<vmem>>, vector<1x256xf32>,
      %convert_element_type3A_1266 = arith.fptosi %broadcast_in_dim3A_1262 : vector<1x256xf32> to vector<1x256xi32>
      %swap3A_1267 = arith.constant 15 : index
      %swap3A_1268 = arith.constant 0 : index
      %swap3A_1269 = vector.load %arg4[%swap3A_1267, %swap3A_1268] : memref<32x1024xi32, #tpu.memory_space<vmem>>, vector<1x256xi32>
      tpu.vector_store %arg4[%swap3A_1267, %swap3A_1268], %convert_element_type3A_1266 {strides = array<i32>} : memref<32x1024xi32, #tpu.memory_space<vmem>>, vector<1x256xi32>,
      %mul3A_1270 = arith.constant 7.812500e-03 : f32
      %mul3A_1271 = vector.broadcast %mul3A_1270 : f32 to vector<1x256xf32>
      %mul3A_1272 = arith.mulf %broadcast_in_dim3A_1262, %mul3A_1271 : vector<1x256xf32>
      %floor3A_1273 = math.floor %mul3A_1272 : vector<1x256xf32>
      %eq3A_1274 = vector.broadcast %floor3A_1273 : vector<1x256xf32> to vector<1024x256xf32>
      %eq3A_1275 = arith.cmpf oeq, %convert_element_type3A_839, %eq3A_1274 : vector<1024x256xf32>
      %jit3A_1276 = arith.constant 0xFF800000 : f32
      %broadcast_in_dim3A_1277 = vector.broadcast %jit3A_1276 : f32 to vector<1024x256xf32>
      %select_n3A_1278 = arith.select %eq3A_1275, %broadcast_in_dim3A_1277, %select_n3A_1251 : vector<1024x256xi1>, vector<1024x256xf32>
      %reduce_max3A_1279 = arith.constant dense<0xFF800000> : vector<256xf32>
      %reduce_max3A_1280 = vector.multi_reduction <maximumf>, %select_n3A_1278, %reduce_max3A_1279 [0] : vector<1024x256xf32> to vector<256xf32>
      %broadcast_in_dim3A_1281 = vector.shape_cast %reduce_max3A_1280 : vector<256xf32> to vector<1x256xf32>
      %eq3A_1282 = vector.broadcast %broadcast_in_dim3A_1281 : vector<1x256xf32> to vector<1024x256xf32>
      %eq3A_1283 = arith.cmpf oeq, %select_n3A_1278, %eq3A_1282 : vector<1024x256xf32>
      %jit3A_1284 = arith.constant 0xFF800000 : f32
      %broadcast_in_dim3A_1285 = vector.broadcast %jit3A_1284 : f32 to vector<1024x256xf32>
      %select_n3A_1286 = arith.select %eq3A_1283, %convert_element_type3A_847, %broadcast_in_dim3A_1285 : vector<1024x256xi1>, vector<1024x256xf32>
      %reduce_max3A_1287 = arith.constant dense<0xFF800000> : vector<256xf32>
      %reduce_max3A_1288 = vector.multi_reduction <maximumf>, %select_n3A_1286, %reduce_max3A_1287 [0] : vector<1024x256xf32> to vector<256xf32>
      %broadcast_in_dim3A_1289 = vector.shape_cast %reduce_max3A_1288 : vector<256xf32> to vector<1x256xf32>
      %swap3A_1290 = arith.constant 16 : index
      %swap3A_1291 = arith.constant 0 : index
      %swap3A_1292 = vector.load %arg3[%swap3A_1290, %swap3A_1291] : memref<32x1024xf32, #tpu.memory_space<vmem>>, vector<1x256xf32>
      tpu.vector_store %arg3[%swap3A_1290, %swap3A_1291], %broadcast_in_dim3A_1281 {strides = array<i32>} : memref<32x1024xf32, #tpu.memory_space<vmem>>, vector<1x256xf32>,
      %convert_element_type3A_1293 = arith.fptosi %broadcast_in_dim3A_1289 : vector<1x256xf32> to vector<1x256xi32>
      %swap3A_1294 = arith.constant 16 : index
      %swap3A_1295 = arith.constant 0 : index
      %swap3A_1296 = vector.load %arg4[%swap3A_1294, %swap3A_1295] : memref<32x1024xi32, #tpu.memory_space<vmem>>, vector<1x256xi32>
      tpu.vector_store %arg4[%swap3A_1294, %swap3A_1295], %convert_element_type3A_1293 {strides = array<i32>} : memref<32x1024xi32, #tpu.memory_space<vmem>>, vector<1x256xi32>,
      %mul3A_1297 = arith.constant 7.812500e-03 : f32
      %mul3A_1298 = vector.broadcast %mul3A_1297 : f32 to vector<1x256xf32>
      %mul3A_1299 = arith.mulf %broadcast_in_dim3A_1289, %mul3A_1298 : vector<1x256xf32>
      %floor3A_1300 = math.floor %mul3A_1299 : vector<1x256xf32>
      %eq3A_1301 = vector.broadcast %floor3A_1300 : vector<1x256xf32> to vector<1024x256xf32>
      %eq3A_1302 = arith.cmpf oeq, %convert_element_type3A_839, %eq3A_1301 : vector<1024x256xf32>
      %jit3A_1303 = arith.constant 0xFF800000 : f32
      %broadcast_in_dim3A_1304 = vector.broadcast %jit3A_1303 : f32 to vector<1024x256xf32>
      %select_n3A_1305 = arith.select %eq3A_1302, %broadcast_in_dim3A_1304, %select_n3A_1278 : vector<1024x256xi1>, vector<1024x256xf32>
      %reduce_max3A_1306 = arith.constant dense<0xFF800000> : vector<256xf32>
      %reduce_max3A_1307 = vector.multi_reduction <maximumf>, %select_n3A_1305, %reduce_max3A_1306 [0] : vector<1024x256xf32> to vector<256xf32>
      %broadcast_in_dim3A_1308 = vector.shape_cast %reduce_max3A_1307 : vector<256xf32> to vector<1x256xf32>
      %eq3A_1309 = vector.broadcast %broadcast_in_dim3A_1308 : vector<1x256xf32> to vector<1024x256xf32>
      %eq3A_1310 = arith.cmpf oeq, %select_n3A_1305, %eq3A_1309 : vector<1024x256xf32>
      %jit3A_1311 = arith.constant 0xFF800000 : f32
      %broadcast_in_dim3A_1312 = vector.broadcast %jit3A_1311 : f32 to vector<1024x256xf32>
      %select_n3A_1313 = arith.select %eq3A_1310, %convert_element_type3A_847, %broadcast_in_dim3A_1312 : vector<1024x256xi1>, vector<1024x256xf32>
      %reduce_max3A_1314 = arith.constant dense<0xFF800000> : vector<256xf32>
      %reduce_max3A_1315 = vector.multi_reduction <maximumf>, %select_n3A_1313, %reduce_max3A_1314 [0] : vector<1024x256xf32> to vector<256xf32>
      %broadcast_in_dim3A_1316 = vector.shape_cast %reduce_max3A_1315 : vector<256xf32> to vector<1x256xf32>
      %swap3A_1317 = arith.constant 17 : index
      %swap3A_1318 = arith.constant 0 : index
      %swap3A_1319 = vector.load %arg3[%swap3A_1317, %swap3A_1318] : memref<32x1024xf32, #tpu.memory_space<vmem>>, vector<1x256xf32>
      tpu.vector_store %arg3[%swap3A_1317, %swap3A_1318], %broadcast_in_dim3A_1308 {strides = array<i32>} : memref<32x1024xf32, #tpu.memory_space<vmem>>, vector<1x256xf32>,
      %convert_element_type3A_1320 = arith.fptosi %broadcast_in_dim3A_1316 : vector<1x256xf32> to vector<1x256xi32>
      %swap3A_1321 = arith.constant 17 : index
      %swap3A_1322 = arith.constant 0 : index
      %swap3A_1323 = vector.load %arg4[%swap3A_1321, %swap3A_1322] : memref<32x1024xi32, #tpu.memory_space<vmem>>, vector<1x256xi32>
      tpu.vector_store %arg4[%swap3A_1321, %swap3A_1322], %convert_element_type3A_1320 {strides = array<i32>} : memref<32x1024xi32, #tpu.memory_space<vmem>>, vector<1x256xi32>,
      %mul3A_1324 = arith.constant 7.812500e-03 : f32
      %mul3A_1325 = vector.broadcast %mul3A_1324 : f32 to vector<1x256xf32>
      %mul3A_1326 = arith.mulf %broadcast_in_dim3A_1316, %mul3A_1325 : vector<1x256xf32>
      %floor3A_1327 = math.floor %mul3A_1326 : vector<1x256xf32>
      %eq3A_1328 = vector.broadcast %floor3A_1327 : vector<1x256xf32> to vector<1024x256xf32>
      %eq3A_1329 = arith.cmpf oeq, %convert_element_type3A_839, %eq3A_1328 : vector<1024x256xf32>
      %jit3A_1330 = arith.constant 0xFF800000 : f32
      %broadcast_in_dim3A_1331 = vector.broadcast %jit3A_1330 : f32 to vector<1024x256xf32>
      %select_n3A_1332 = arith.select %eq3A_1329, %broadcast_in_dim3A_1331, %select_n3A_1305 : vector<1024x256xi1>, vector<1024x256xf32>
      %reduce_max3A_1333 = arith.constant dense<0xFF800000> : vector<256xf32>
      %reduce_max3A_1334 = vector.multi_reduction <maximumf>, %select_n3A_1332, %reduce_max3A_1333 [0] : vector<1024x256xf32> to vector<256xf32>
      %broadcast_in_dim3A_1335 = vector.shape_cast %reduce_max3A_1334 : vector<256xf32> to vector<1x256xf32>
      %eq3A_1336 = vector.broadcast %broadcast_in_dim3A_1335 : vector<1x256xf32> to vector<1024x256xf32>
      %eq3A_1337 = arith.cmpf oeq, %select_n3A_1332, %eq3A_1336 : vector<1024x256xf32>
      %jit3A_1338 = arith.constant 0xFF800000 : f32
      %broadcast_in_dim3A_1339 = vector.broadcast %jit3A_1338 : f32 to vector<1024x256xf32>
      %select_n3A_1340 = arith.select %eq3A_1337, %convert_element_type3A_847, %broadcast_in_dim3A_1339 : vector<1024x256xi1>, vector<1024x256xf32>
      %reduce_max3A_1341 = arith.constant dense<0xFF800000> : vector<256xf32>
      %reduce_max3A_1342 = vector.multi_reduction <maximumf>, %select_n3A_1340, %reduce_max3A_1341 [0] : vector<1024x256xf32> to vector<256xf32>
      %broadcast_in_dim3A_1343 = vector.shape_cast %reduce_max3A_1342 : vector<256xf32> to vector<1x256xf32>
      %swap3A_1344 = arith.constant 18 : index
      %swap3A_1345 = arith.constant 0 : index
      %swap3A_1346 = vector.load %arg3[%swap3A_1344, %swap3A_1345] : memref<32x1024xf32, #tpu.memory_space<vmem>>, vector<1x256xf32>
      tpu.vector_store %arg3[%swap3A_1344, %swap3A_1345], %broadcast_in_dim3A_1335 {strides = array<i32>} : memref<32x1024xf32, #tpu.memory_space<vmem>>, vector<1x256xf32>,
      %convert_element_type3A_1347 = arith.fptosi %broadcast_in_dim3A_1343 : vector<1x256xf32> to vector<1x256xi32>
      %swap3A_1348 = arith.constant 18 : index
      %swap3A_1349 = arith.constant 0 : index
      %swap3A_1350 = vector.load %arg4[%swap3A_1348, %swap3A_1349] : memref<32x1024xi32, #tpu.memory_space<vmem>>, vector<1x256xi32>
      tpu.vector_store %arg4[%swap3A_1348, %swap3A_1349], %convert_element_type3A_1347 {strides = array<i32>} : memref<32x1024xi32, #tpu.memory_space<vmem>>, vector<1x256xi32>,
      %mul3A_1351 = arith.constant 7.812500e-03 : f32
      %mul3A_1352 = vector.broadcast %mul3A_1351 : f32 to vector<1x256xf32>
      %mul3A_1353 = arith.mulf %broadcast_in_dim3A_1343, %mul3A_1352 : vector<1x256xf32>
      %floor3A_1354 = math.floor %mul3A_1353 : vector<1x256xf32>
      %eq3A_1355 = vector.broadcast %floor3A_1354 : vector<1x256xf32> to vector<1024x256xf32>
      %eq3A_1356 = arith.cmpf oeq, %convert_element_type3A_839, %eq3A_1355 : vector<1024x256xf32>
      %jit3A_1357 = arith.constant 0xFF800000 : f32
      %broadcast_in_dim3A_1358 = vector.broadcast %jit3A_1357 : f32 to vector<1024x256xf32>
      %select_n3A_1359 = arith.select %eq3A_1356, %broadcast_in_dim3A_1358, %select_n3A_1332 : vector<1024x256xi1>, vector<1024x256xf32>
      %reduce_max3A_1360 = arith.constant dense<0xFF800000> : vector<256xf32>
      %reduce_max3A_1361 = vector.multi_reduction <maximumf>, %select_n3A_1359, %reduce_max3A_1360 [0] : vector<1024x256xf32> to vector<256xf32>
      %broadcast_in_dim3A_1362 = vector.shape_cast %reduce_max3A_1361 : vector<256xf32> to vector<1x256xf32>
      %eq3A_1363 = vector.broadcast %broadcast_in_dim3A_1362 : vector<1x256xf32> to vector<1024x256xf32>
      %eq3A_1364 = arith.cmpf oeq, %select_n3A_1359, %eq3A_1363 : vector<1024x256xf32>
      %jit3A_1365 = arith.constant 0xFF800000 : f32
      %broadcast_in_dim3A_1366 = vector.broadcast %jit3A_1365 : f32 to vector<1024x256xf32>
      %select_n3A_1367 = arith.select %eq3A_1364, %convert_element_type3A_847, %broadcast_in_dim3A_1366 : vector<1024x256xi1>, vector<1024x256xf32>
      %reduce_max3A_1368 = arith.constant dense<0xFF800000> : vector<256xf32>
      %reduce_max3A_1369 = vector.multi_reduction <maximumf>, %select_n3A_1367, %reduce_max3A_1368 [0] : vector<1024x256xf32> to vector<256xf32>
      %broadcast_in_dim3A_1370 = vector.shape_cast %reduce_max3A_1369 : vector<256xf32> to vector<1x256xf32>
      %swap3A_1371 = arith.constant 19 : index
      %swap3A_1372 = arith.constant 0 : index
      %swap3A_1373 = vector.load %arg3[%swap3A_1371, %swap3A_1372] : memref<32x1024xf32, #tpu.memory_space<vmem>>, vector<1x256xf32>
      tpu.vector_store %arg3[%swap3A_1371, %swap3A_1372], %broadcast_in_dim3A_1362 {strides = array<i32>} : memref<32x1024xf32, #tpu.memory_space<vmem>>, vector<1x256xf32>,
      %convert_element_type3A_1374 = arith.fptosi %broadcast_in_dim3A_1370 : vector<1x256xf32> to vector<1x256xi32>
      %swap3A_1375 = arith.constant 19 : index
      %swap3A_1376 = arith.constant 0 : index
      %swap3A_1377 = vector.load %arg4[%swap3A_1375, %swap3A_1376] : memref<32x1024xi32, #tpu.memory_space<vmem>>, vector<1x256xi32>
      tpu.vector_store %arg4[%swap3A_1375, %swap3A_1376], %convert_element_type3A_1374 {strides = array<i32>} : memref<32x1024xi32, #tpu.memory_space<vmem>>, vector<1x256xi32>,
      %mul3A_1378 = arith.constant 7.812500e-03 : f32
      %mul3A_1379 = vector.broadcast %mul3A_1378 : f32 to vector<1x256xf32>
      %mul3A_1380 = arith.mulf %broadcast_in_dim3A_1370, %mul3A_1379 : vector<1x256xf32>
      %floor3A_1381 = math.floor %mul3A_1380 : vector<1x256xf32>
      %eq3A_1382 = vector.broadcast %floor3A_1381 : vector<1x256xf32> to vector<1024x256xf32>
      %eq3A_1383 = arith.cmpf oeq, %convert_element_type3A_839, %eq3A_1382 : vector<1024x256xf32>
      %jit3A_1384 = arith.constant 0xFF800000 : f32
      %broadcast_in_dim3A_1385 = vector.broadcast %jit3A_1384 : f32 to vector<1024x256xf32>
      %select_n3A_1386 = arith.select %eq3A_1383, %broadcast_in_dim3A_1385, %select_n3A_1359 : vector<1024x256xi1>, vector<1024x256xf32>
      %reduce_max3A_1387 = arith.constant dense<0xFF800000> : vector<256xf32>
      %reduce_max3A_1388 = vector.multi_reduction <maximumf>, %select_n3A_1386, %reduce_max3A_1387 [0] : vector<1024x256xf32> to vector<256xf32>
      %broadcast_in_dim3A_1389 = vector.shape_cast %reduce_max3A_1388 : vector<256xf32> to vector<1x256xf32>
      %eq3A_1390 = vector.broadcast %broadcast_in_dim3A_1389 : vector<1x256xf32> to vector<1024x256xf32>
      %eq3A_1391 = arith.cmpf oeq, %select_n3A_1386, %eq3A_1390 : vector<1024x256xf32>
      %jit3A_1392 = arith.constant 0xFF800000 : f32
      %broadcast_in_dim3A_1393 = vector.broadcast %jit3A_1392 : f32 to vector<1024x256xf32>
      %select_n3A_1394 = arith.select %eq3A_1391, %convert_element_type3A_847, %broadcast_in_dim3A_1393 : vector<1024x256xi1>, vector<1024x256xf32>
      %reduce_max3A_1395 = arith.constant dense<0xFF800000> : vector<256xf32>
      %reduce_max3A_1396 = vector.multi_reduction <maximumf>, %select_n3A_1394, %reduce_max3A_1395 [0] : vector<1024x256xf32> to vector<256xf32>
      %broadcast_in_dim3A_1397 = vector.shape_cast %reduce_max3A_1396 : vector<256xf32> to vector<1x256xf32>
      %swap3A_1398 = arith.constant 20 : index
      %swap3A_1399 = arith.constant 0 : index
      %swap3A_1400 = vector.load %arg3[%swap3A_1398, %swap3A_1399] : memref<32x1024xf32, #tpu.memory_space<vmem>>, vector<1x256xf32>
      tpu.vector_store %arg3[%swap3A_1398, %swap3A_1399], %broadcast_in_dim3A_1389 {strides = array<i32>} : memref<32x1024xf32, #tpu.memory_space<vmem>>, vector<1x256xf32>,
      %convert_element_type3A_1401 = arith.fptosi %broadcast_in_dim3A_1397 : vector<1x256xf32> to vector<1x256xi32>
      %swap3A_1402 = arith.constant 20 : index
      %swap3A_1403 = arith.constant 0 : index
      %swap3A_1404 = vector.load %arg4[%swap3A_1402, %swap3A_1403] : memref<32x1024xi32, #tpu.memory_space<vmem>>, vector<1x256xi32>
      tpu.vector_store %arg4[%swap3A_1402, %swap3A_1403], %convert_element_type3A_1401 {strides = array<i32>} : memref<32x1024xi32, #tpu.memory_space<vmem>>, vector<1x256xi32>,
      %mul3A_1405 = arith.constant 7.812500e-03 : f32
      %mul3A_1406 = vector.broadcast %mul3A_1405 : f32 to vector<1x256xf32>
      %mul3A_1407 = arith.mulf %broadcast_in_dim3A_1397, %mul3A_1406 : vector<1x256xf32>
      %floor3A_1408 = math.floor %mul3A_1407 : vector<1x256xf32>
      %eq3A_1409 = vector.broadcast %floor3A_1408 : vector<1x256xf32> to vector<1024x256xf32>
      %eq3A_1410 = arith.cmpf oeq, %convert_element_type3A_839, %eq3A_1409 : vector<1024x256xf32>
      %jit3A_1411 = arith.constant 0xFF800000 : f32
      %broadcast_in_dim3A_1412 = vector.broadcast %jit3A_1411 : f32 to vector<1024x256xf32>
      %select_n3A_1413 = arith.select %eq3A_1410, %broadcast_in_dim3A_1412, %select_n3A_1386 : vector<1024x256xi1>, vector<1024x256xf32>
      %reduce_max3A_1414 = arith.constant dense<0xFF800000> : vector<256xf32>
      %reduce_max3A_1415 = vector.multi_reduction <maximumf>, %select_n3A_1413, %reduce_max3A_1414 [0] : vector<1024x256xf32> to vector<256xf32>
      %broadcast_in_dim3A_1416 = vector.shape_cast %reduce_max3A_1415 : vector<256xf32> to vector<1x256xf32>
      %eq3A_1417 = vector.broadcast %broadcast_in_dim3A_1416 : vector<1x256xf32> to vector<1024x256xf32>
      %eq3A_1418 = arith.cmpf oeq, %select_n3A_1413, %eq3A_1417 : vector<1024x256xf32>
      %jit3A_1419 = arith.constant 0xFF800000 : f32
      %broadcast_in_dim3A_1420 = vector.broadcast %jit3A_1419 : f32 to vector<1024x256xf32>
      %select_n3A_1421 = arith.select %eq3A_1418, %convert_element_type3A_847, %broadcast_in_dim3A_1420 : vector<1024x256xi1>, vector<1024x256xf32>
      %reduce_max3A_1422 = arith.constant dense<0xFF800000> : vector<256xf32>
      %reduce_max3A_1423 = vector.multi_reduction <maximumf>, %select_n3A_1421, %reduce_max3A_1422 [0] : vector<1024x256xf32> to vector<256xf32>
      %broadcast_in_dim3A_1424 = vector.shape_cast %reduce_max3A_1423 : vector<256xf32> to vector<1x256xf32>
      %swap3A_1425 = arith.constant 21 : index
      %swap3A_1426 = arith.constant 0 : index
      %swap3A_1427 = vector.load %arg3[%swap3A_1425, %swap3A_1426] : memref<32x1024xf32, #tpu.memory_space<vmem>>, vector<1x256xf32>
      tpu.vector_store %arg3[%swap3A_1425, %swap3A_1426], %broadcast_in_dim3A_1416 {strides = array<i32>} : memref<32x1024xf32, #tpu.memory_space<vmem>>, vector<1x256xf32>,
      %convert_element_type3A_1428 = arith.fptosi %broadcast_in_dim3A_1424 : vector<1x256xf32> to vector<1x256xi32>
      %swap3A_1429 = arith.constant 21 : index
      %swap3A_1430 = arith.constant 0 : index
      %swap3A_1431 = vector.load %arg4[%swap3A_1429, %swap3A_1430] : memref<32x1024xi32, #tpu.memory_space<vmem>>, vector<1x256xi32>
      tpu.vector_store %arg4[%swap3A_1429, %swap3A_1430], %convert_element_type3A_1428 {strides = array<i32>} : memref<32x1024xi32, #tpu.memory_space<vmem>>, vector<1x256xi32>,
      %mul3A_1432 = arith.constant 7.812500e-03 : f32
      %mul3A_1433 = vector.broadcast %mul3A_1432 : f32 to vector<1x256xf32>
      %mul3A_1434 = arith.mulf %broadcast_in_dim3A_1424, %mul3A_1433 : vector<1x256xf32>
      %floor3A_1435 = math.floor %mul3A_1434 : vector<1x256xf32>
      %eq3A_1436 = vector.broadcast %floor3A_1435 : vector<1x256xf32> to vector<1024x256xf32>
      %eq3A_1437 = arith.cmpf oeq, %convert_element_type3A_839, %eq3A_1436 : vector<1024x256xf32>
      %jit3A_1438 = arith.constant 0xFF800000 : f32
      %broadcast_in_dim3A_1439 = vector.broadcast %jit3A_1438 : f32 to vector<1024x256xf32>
      %select_n3A_1440 = arith.select %eq3A_1437, %broadcast_in_dim3A_1439, %select_n3A_1413 : vector<1024x256xi1>, vector<1024x256xf32>
      %reduce_max3A_1441 = arith.constant dense<0xFF800000> : vector<256xf32>
      %reduce_max3A_1442 = vector.multi_reduction <maximumf>, %select_n3A_1440, %reduce_max3A_1441 [0] : vector<1024x256xf32> to vector<256xf32>
      %broadcast_in_dim3A_1443 = vector.shape_cast %reduce_max3A_1442 : vector<256xf32> to vector<1x256xf32>
      %eq3A_1444 = vector.broadcast %broadcast_in_dim3A_1443 : vector<1x256xf32> to vector<1024x256xf32>
      %eq3A_1445 = arith.cmpf oeq, %select_n3A_1440, %eq3A_1444 : vector<1024x256xf32>
      %jit3A_1446 = arith.constant 0xFF800000 : f32
      %broadcast_in_dim3A_1447 = vector.broadcast %jit3A_1446 : f32 to vector<1024x256xf32>
      %select_n3A_1448 = arith.select %eq3A_1445, %convert_element_type3A_847, %broadcast_in_dim3A_1447 : vector<1024x256xi1>, vector<1024x256xf32>
      %reduce_max3A_1449 = arith.constant dense<0xFF800000> : vector<256xf32>
      %reduce_max3A_1450 = vector.multi_reduction <maximumf>, %select_n3A_1448, %reduce_max3A_1449 [0] : vector<1024x256xf32> to vector<256xf32>
      %broadcast_in_dim3A_1451 = vector.shape_cast %reduce_max3A_1450 : vector<256xf32> to vector<1x256xf32>
      %swap3A_1452 = arith.constant 22 : index
      %swap3A_1453 = arith.constant 0 : index
      %swap3A_1454 = vector.load %arg3[%swap3A_1452, %swap3A_1453] : memref<32x1024xf32, #tpu.memory_space<vmem>>, vector<1x256xf32>
      tpu.vector_store %arg3[%swap3A_1452, %swap3A_1453], %broadcast_in_dim3A_1443 {strides = array<i32>} : memref<32x1024xf32, #tpu.memory_space<vmem>>, vector<1x256xf32>,
      %convert_element_type3A_1455 = arith.fptosi %broadcast_in_dim3A_1451 : vector<1x256xf32> to vector<1x256xi32>
      %swap3A_1456 = arith.constant 22 : index
      %swap3A_1457 = arith.constant 0 : index
      %swap3A_1458 = vector.load %arg4[%swap3A_1456, %swap3A_1457] : memref<32x1024xi32, #tpu.memory_space<vmem>>, vector<1x256xi32>
      tpu.vector_store %arg4[%swap3A_1456, %swap3A_1457], %convert_element_type3A_1455 {strides = array<i32>} : memref<32x1024xi32, #tpu.memory_space<vmem>>, vector<1x256xi32>,
      %mul3A_1459 = arith.constant 7.812500e-03 : f32
      %mul3A_1460 = vector.broadcast %mul3A_1459 : f32 to vector<1x256xf32>
      %mul3A_1461 = arith.mulf %broadcast_in_dim3A_1451, %mul3A_1460 : vector<1x256xf32>
      %floor3A_1462 = math.floor %mul3A_1461 : vector<1x256xf32>
      %eq3A_1463 = vector.broadcast %floor3A_1462 : vector<1x256xf32> to vector<1024x256xf32>
      %eq3A_1464 = arith.cmpf oeq, %convert_element_type3A_839, %eq3A_1463 : vector<1024x256xf32>
      %jit3A_1465 = arith.constant 0xFF800000 : f32
      %broadcast_in_dim3A_1466 = vector.broadcast %jit3A_1465 : f32 to vector<1024x256xf32>
      %select_n3A_1467 = arith.select %eq3A_1464, %broadcast_in_dim3A_1466, %select_n3A_1440 : vector<1024x256xi1>, vector<1024x256xf32>
      %reduce_max3A_1468 = arith.constant dense<0xFF800000> : vector<256xf32>
      %reduce_max3A_1469 = vector.multi_reduction <maximumf>, %select_n3A_1467, %reduce_max3A_1468 [0] : vector<1024x256xf32> to vector<256xf32>
      %broadcast_in_dim3A_1470 = vector.shape_cast %reduce_max3A_1469 : vector<256xf32> to vector<1x256xf32>
      %eq3A_1471 = vector.broadcast %broadcast_in_dim3A_1470 : vector<1x256xf32> to vector<1024x256xf32>
      %eq3A_1472 = arith.cmpf oeq, %select_n3A_1467, %eq3A_1471 : vector<1024x256xf32>
      %jit3A_1473 = arith.constant 0xFF800000 : f32
      %broadcast_in_dim3A_1474 = vector.broadcast %jit3A_1473 : f32 to vector<1024x256xf32>
      %select_n3A_1475 = arith.select %eq3A_1472, %convert_element_type3A_847, %broadcast_in_dim3A_1474 : vector<1024x256xi1>, vector<1024x256xf32>
      %reduce_max3A_1476 = arith.constant dense<0xFF800000> : vector<256xf32>
      %reduce_max3A_1477 = vector.multi_reduction <maximumf>, %select_n3A_1475, %reduce_max3A_1476 [0] : vector<1024x256xf32> to vector<256xf32>
      %broadcast_in_dim3A_1478 = vector.shape_cast %reduce_max3A_1477 : vector<256xf32> to vector<1x256xf32>
      %swap3A_1479 = arith.constant 23 : index
      %swap3A_1480 = arith.constant 0 : index
      %swap3A_1481 = vector.load %arg3[%swap3A_1479, %swap3A_1480] : memref<32x1024xf32, #tpu.memory_space<vmem>>, vector<1x256xf32>
      tpu.vector_store %arg3[%swap3A_1479, %swap3A_1480], %broadcast_in_dim3A_1470 {strides = array<i32>} : memref<32x1024xf32, #tpu.memory_space<vmem>>, vector<1x256xf32>,
      %convert_element_type3A_1482 = arith.fptosi %broadcast_in_dim3A_1478 : vector<1x256xf32> to vector<1x256xi32>
      %swap3A_1483 = arith.constant 23 : index
      %swap3A_1484 = arith.constant 0 : index
      %swap3A_1485 = vector.load %arg4[%swap3A_1483, %swap3A_1484] : memref<32x1024xi32, #tpu.memory_space<vmem>>, vector<1x256xi32>
      tpu.vector_store %arg4[%swap3A_1483, %swap3A_1484], %convert_element_type3A_1482 {strides = array<i32>} : memref<32x1024xi32, #tpu.memory_space<vmem>>, vector<1x256xi32>,
      %mul3A_1486 = arith.constant 7.812500e-03 : f32
      %mul3A_1487 = vector.broadcast %mul3A_1486 : f32 to vector<1x256xf32>
      %mul3A_1488 = arith.mulf %broadcast_in_dim3A_1478, %mul3A_1487 : vector<1x256xf32>
      %floor3A_1489 = math.floor %mul3A_1488 : vector<1x256xf32>
      %eq3A_1490 = vector.broadcast %floor3A_1489 : vector<1x256xf32> to vector<1024x256xf32>
      %eq3A_1491 = arith.cmpf oeq, %convert_element_type3A_839, %eq3A_1490 : vector<1024x256xf32>
      %jit3A_1492 = arith.constant 0xFF800000 : f32
      %broadcast_in_dim3A_1493 = vector.broadcast %jit3A_1492 : f32 to vector<1024x256xf32>
      %select_n3A_1494 = arith.select %eq3A_1491, %broadcast_in_dim3A_1493, %select_n3A_1467 : vector<1024x256xi1>, vector<1024x256xf32>
      %reduce_max3A_1495 = arith.constant dense<0xFF800000> : vector<256xf32>
      %reduce_max3A_1496 = vector.multi_reduction <maximumf>, %select_n3A_1494, %reduce_max3A_1495 [0] : vector<1024x256xf32> to vector<256xf32>
      %broadcast_in_dim3A_1497 = vector.shape_cast %reduce_max3A_1496 : vector<256xf32> to vector<1x256xf32>
      %eq3A_1498 = vector.broadcast %broadcast_in_dim3A_1497 : vector<1x256xf32> to vector<1024x256xf32>
      %eq3A_1499 = arith.cmpf oeq, %select_n3A_1494, %eq3A_1498 : vector<1024x256xf32>
      %jit3A_1500 = arith.constant 0xFF800000 : f32
      %broadcast_in_dim3A_1501 = vector.broadcast %jit3A_1500 : f32 to vector<1024x256xf32>
      %select_n3A_1502 = arith.select %eq3A_1499, %convert_element_type3A_847, %broadcast_in_dim3A_1501 : vector<1024x256xi1>, vector<1024x256xf32>
      %reduce_max3A_1503 = arith.constant dense<0xFF800000> : vector<256xf32>
      %reduce_max3A_1504 = vector.multi_reduction <maximumf>, %select_n3A_1502, %reduce_max3A_1503 [0] : vector<1024x256xf32> to vector<256xf32>
      %broadcast_in_dim3A_1505 = vector.shape_cast %reduce_max3A_1504 : vector<256xf32> to vector<1x256xf32>
      %swap3A_1506 = arith.constant 24 : index
      %swap3A_1507 = arith.constant 0 : index
      %swap3A_1508 = vector.load %arg3[%swap3A_1506, %swap3A_1507] : memref<32x1024xf32, #tpu.memory_space<vmem>>, vector<1x256xf32>
      tpu.vector_store %arg3[%swap3A_1506, %swap3A_1507], %broadcast_in_dim3A_1497 {strides = array<i32>} : memref<32x1024xf32, #tpu.memory_space<vmem>>, vector<1x256xf32>,
      %convert_element_type3A_1509 = arith.fptosi %broadcast_in_dim3A_1505 : vector<1x256xf32> to vector<1x256xi32>
      %swap3A_1510 = arith.constant 24 : index
      %swap3A_1511 = arith.constant 0 : index
      %swap3A_1512 = vector.load %arg4[%swap3A_1510, %swap3A_1511] : memref<32x1024xi32, #tpu.memory_space<vmem>>, vector<1x256xi32>
      tpu.vector_store %arg4[%swap3A_1510, %swap3A_1511], %convert_element_type3A_1509 {strides = array<i32>} : memref<32x1024xi32, #tpu.memory_space<vmem>>, vector<1x256xi32>,
      %mul3A_1513 = arith.constant 7.812500e-03 : f32
      %mul3A_1514 = vector.broadcast %mul3A_1513 : f32 to vector<1x256xf32>
      %mul3A_1515 = arith.mulf %broadcast_in_dim3A_1505, %mul3A_1514 : vector<1x256xf32>
      %floor3A_1516 = math.floor %mul3A_1515 : vector<1x256xf32>
      %eq3A_1517 = vector.broadcast %floor3A_1516 : vector<1x256xf32> to vector<1024x256xf32>
      %eq3A_1518 = arith.cmpf oeq, %convert_element_type3A_839, %eq3A_1517 : vector<1024x256xf32>
      %jit3A_1519 = arith.constant 0xFF800000 : f32
      %broadcast_in_dim3A_1520 = vector.broadcast %jit3A_1519 : f32 to vector<1024x256xf32>
      %select_n3A_1521 = arith.select %eq3A_1518, %broadcast_in_dim3A_1520, %select_n3A_1494 : vector<1024x256xi1>, vector<1024x256xf32>
      %reduce_max3A_1522 = arith.constant dense<0xFF800000> : vector<256xf32>
      %reduce_max3A_1523 = vector.multi_reduction <maximumf>, %select_n3A_1521, %reduce_max3A_1522 [0] : vector<1024x256xf32> to vector<256xf32>
      %broadcast_in_dim3A_1524 = vector.shape_cast %reduce_max3A_1523 : vector<256xf32> to vector<1x256xf32>
      %eq3A_1525 = vector.broadcast %broadcast_in_dim3A_1524 : vector<1x256xf32> to vector<1024x256xf32>
      %eq3A_1526 = arith.cmpf oeq, %select_n3A_1521, %eq3A_1525 : vector<1024x256xf32>
      %jit3A_1527 = arith.constant 0xFF800000 : f32
      %broadcast_in_dim3A_1528 = vector.broadcast %jit3A_1527 : f32 to vector<1024x256xf32>
      %select_n3A_1529 = arith.select %eq3A_1526, %convert_element_type3A_847, %broadcast_in_dim3A_1528 : vector<1024x256xi1>, vector<1024x256xf32>
      %reduce_max3A_1530 = arith.constant dense<0xFF800000> : vector<256xf32>
      %reduce_max3A_1531 = vector.multi_reduction <maximumf>, %select_n3A_1529, %reduce_max3A_1530 [0] : vector<1024x256xf32> to vector<256xf32>
      %broadcast_in_dim3A_1532 = vector.shape_cast %reduce_max3A_1531 : vector<256xf32> to vector<1x256xf32>
      %swap3A_1533 = arith.constant 25 : index
      %swap3A_1534 = arith.constant 0 : index
      %swap3A_1535 = vector.load %arg3[%swap3A_1533, %swap3A_1534] : memref<32x1024xf32, #tpu.memory_space<vmem>>, vector<1x256xf32>
      tpu.vector_store %arg3[%swap3A_1533, %swap3A_1534], %broadcast_in_dim3A_1524 {strides = array<i32>} : memref<32x1024xf32, #tpu.memory_space<vmem>>, vector<1x256xf32>,
      %convert_element_type3A_1536 = arith.fptosi %broadcast_in_dim3A_1532 : vector<1x256xf32> to vector<1x256xi32>
      %swap3A_1537 = arith.constant 25 : index
      %swap3A_1538 = arith.constant 0 : index
      %swap3A_1539 = vector.load %arg4[%swap3A_1537, %swap3A_1538] : memref<32x1024xi32, #tpu.memory_space<vmem>>, vector<1x256xi32>
      tpu.vector_store %arg4[%swap3A_1537, %swap3A_1538], %convert_element_type3A_1536 {strides = array<i32>} : memref<32x1024xi32, #tpu.memory_space<vmem>>, vector<1x256xi32>,
      %mul3A_1540 = arith.constant 7.812500e-03 : f32
      %mul3A_1541 = vector.broadcast %mul3A_1540 : f32 to vector<1x256xf32>
      %mul3A_1542 = arith.mulf %broadcast_in_dim3A_1532, %mul3A_1541 : vector<1x256xf32>
      %floor3A_1543 = math.floor %mul3A_1542 : vector<1x256xf32>
      %eq3A_1544 = vector.broadcast %floor3A_1543 : vector<1x256xf32> to vector<1024x256xf32>
      %eq3A_1545 = arith.cmpf oeq, %convert_element_type3A_839, %eq3A_1544 : vector<1024x256xf32>
      %jit3A_1546 = arith.constant 0xFF800000 : f32
      %broadcast_in_dim3A_1547 = vector.broadcast %jit3A_1546 : f32 to vector<1024x256xf32>
      %select_n3A_1548 = arith.select %eq3A_1545, %broadcast_in_dim3A_1547, %select_n3A_1521 : vector<1024x256xi1>, vector<1024x256xf32>
      %reduce_max3A_1549 = arith.constant dense<0xFF800000> : vector<256xf32>
      %reduce_max3A_1550 = vector.multi_reduction <maximumf>, %select_n3A_1548, %reduce_max3A_1549 [0] : vector<1024x256xf32> to vector<256xf32>
      %broadcast_in_dim3A_1551 = vector.shape_cast %reduce_max3A_1550 : vector<256xf32> to vector<1x256xf32>
      %eq3A_1552 = vector.broadcast %broadcast_in_dim3A_1551 : vector<1x256xf32> to vector<1024x256xf32>
      %eq3A_1553 = arith.cmpf oeq, %select_n3A_1548, %eq3A_1552 : vector<1024x256xf32>
      %jit3A_1554 = arith.constant 0xFF800000 : f32
      %broadcast_in_dim3A_1555 = vector.broadcast %jit3A_1554 : f32 to vector<1024x256xf32>
      %select_n3A_1556 = arith.select %eq3A_1553, %convert_element_type3A_847, %broadcast_in_dim3A_1555 : vector<1024x256xi1>, vector<1024x256xf32>
      %reduce_max3A_1557 = arith.constant dense<0xFF800000> : vector<256xf32>
      %reduce_max3A_1558 = vector.multi_reduction <maximumf>, %select_n3A_1556, %reduce_max3A_1557 [0] : vector<1024x256xf32> to vector<256xf32>
      %broadcast_in_dim3A_1559 = vector.shape_cast %reduce_max3A_1558 : vector<256xf32> to vector<1x256xf32>
      %swap3A_1560 = arith.constant 26 : index
      %swap3A_1561 = arith.constant 0 : index
      %swap3A_1562 = vector.load %arg3[%swap3A_1560, %swap3A_1561] : memref<32x1024xf32, #tpu.memory_space<vmem>>, vector<1x256xf32>
      tpu.vector_store %arg3[%swap3A_1560, %swap3A_1561], %broadcast_in_dim3A_1551 {strides = array<i32>} : memref<32x1024xf32, #tpu.memory_space<vmem>>, vector<1x256xf32>,
      %convert_element_type3A_1563 = arith.fptosi %broadcast_in_dim3A_1559 : vector<1x256xf32> to vector<1x256xi32>
      %swap3A_1564 = arith.constant 26 : index
      %swap3A_1565 = arith.constant 0 : index
      %swap3A_1566 = vector.load %arg4[%swap3A_1564, %swap3A_1565] : memref<32x1024xi32, #tpu.memory_space<vmem>>, vector<1x256xi32>
      tpu.vector_store %arg4[%swap3A_1564, %swap3A_1565], %convert_element_type3A_1563 {strides = array<i32>} : memref<32x1024xi32, #tpu.memory_space<vmem>>, vector<1x256xi32>,
      %mul3A_1567 = arith.constant 7.812500e-03 : f32
      %mul3A_1568 = vector.broadcast %mul3A_1567 : f32 to vector<1x256xf32>
      %mul3A_1569 = arith.mulf %broadcast_in_dim3A_1559, %mul3A_1568 : vector<1x256xf32>
      %floor3A_1570 = math.floor %mul3A_1569 : vector<1x256xf32>
      %eq3A_1571 = vector.broadcast %floor3A_1570 : vector<1x256xf32> to vector<1024x256xf32>
      %eq3A_1572 = arith.cmpf oeq, %convert_element_type3A_839, %eq3A_1571 : vector<1024x256xf32>
      %jit3A_1573 = arith.constant 0xFF800000 : f32
      %broadcast_in_dim3A_1574 = vector.broadcast %jit3A_1573 : f32 to vector<1024x256xf32>
      %select_n3A_1575 = arith.select %eq3A_1572, %broadcast_in_dim3A_1574, %select_n3A_1548 : vector<1024x256xi1>, vector<1024x256xf32>
      %reduce_max3A_1576 = arith.constant dense<0xFF800000> : vector<256xf32>
      %reduce_max3A_1577 = vector.multi_reduction <maximumf>, %select_n3A_1575, %reduce_max3A_1576 [0] : vector<1024x256xf32> to vector<256xf32>
      %broadcast_in_dim3A_1578 = vector.shape_cast %reduce_max3A_1577 : vector<256xf32> to vector<1x256xf32>
      %eq3A_1579 = vector.broadcast %broadcast_in_dim3A_1578 : vector<1x256xf32> to vector<1024x256xf32>
      %eq3A_1580 = arith.cmpf oeq, %select_n3A_1575, %eq3A_1579 : vector<1024x256xf32>
      %jit3A_1581 = arith.constant 0xFF800000 : f32
      %broadcast_in_dim3A_1582 = vector.broadcast %jit3A_1581 : f32 to vector<1024x256xf32>
      %select_n3A_1583 = arith.select %eq3A_1580, %convert_element_type3A_847, %broadcast_in_dim3A_1582 : vector<1024x256xi1>, vector<1024x256xf32>
      %reduce_max3A_1584 = arith.constant dense<0xFF800000> : vector<256xf32>
      %reduce_max3A_1585 = vector.multi_reduction <maximumf>, %select_n3A_1583, %reduce_max3A_1584 [0] : vector<1024x256xf32> to vector<256xf32>
      %broadcast_in_dim3A_1586 = vector.shape_cast %reduce_max3A_1585 : vector<256xf32> to vector<1x256xf32>
      %swap3A_1587 = arith.constant 27 : index
      %swap3A_1588 = arith.constant 0 : index
      %swap3A_1589 = vector.load %arg3[%swap3A_1587, %swap3A_1588] : memref<32x1024xf32, #tpu.memory_space<vmem>>, vector<1x256xf32>
      tpu.vector_store %arg3[%swap3A_1587, %swap3A_1588], %broadcast_in_dim3A_1578 {strides = array<i32>} : memref<32x1024xf32, #tpu.memory_space<vmem>>, vector<1x256xf32>,
      %convert_element_type3A_1590 = arith.fptosi %broadcast_in_dim3A_1586 : vector<1x256xf32> to vector<1x256xi32>
      %swap3A_1591 = arith.constant 27 : index
      %swap3A_1592 = arith.constant 0 : index
      %swap3A_1593 = vector.load %arg4[%swap3A_1591, %swap3A_1592] : memref<32x1024xi32, #tpu.memory_space<vmem>>, vector<1x256xi32>
      tpu.vector_store %arg4[%swap3A_1591, %swap3A_1592], %convert_element_type3A_1590 {strides = array<i32>} : memref<32x1024xi32, #tpu.memory_space<vmem>>, vector<1x256xi32>,
      %mul3A_1594 = arith.constant 7.812500e-03 : f32
      %mul3A_1595 = vector.broadcast %mul3A_1594 : f32 to vector<1x256xf32>
      %mul3A_1596 = arith.mulf %broadcast_in_dim3A_1586, %mul3A_1595 : vector<1x256xf32>
      %floor3A_1597 = math.floor %mul3A_1596 : vector<1x256xf32>
      %eq3A_1598 = vector.broadcast %floor3A_1597 : vector<1x256xf32> to vector<1024x256xf32>
      %eq3A_1599 = arith.cmpf oeq, %convert_element_type3A_839, %eq3A_1598 : vector<1024x256xf32>
      %jit3A_1600 = arith.constant 0xFF800000 : f32
      %broadcast_in_dim3A_1601 = vector.broadcast %jit3A_1600 : f32 to vector<1024x256xf32>
      %select_n3A_1602 = arith.select %eq3A_1599, %broadcast_in_dim3A_1601, %select_n3A_1575 : vector<1024x256xi1>, vector<1024x256xf32>
      %reduce_max3A_1603 = arith.constant dense<0xFF800000> : vector<256xf32>
      %reduce_max3A_1604 = vector.multi_reduction <maximumf>, %select_n3A_1602, %reduce_max3A_1603 [0] : vector<1024x256xf32> to vector<256xf32>
      %broadcast_in_dim3A_1605 = vector.shape_cast %reduce_max3A_1604 : vector<256xf32> to vector<1x256xf32>
      %eq3A_1606 = vector.broadcast %broadcast_in_dim3A_1605 : vector<1x256xf32> to vector<1024x256xf32>
      %eq3A_1607 = arith.cmpf oeq, %select_n3A_1602, %eq3A_1606 : vector<1024x256xf32>
      %jit3A_1608 = arith.constant 0xFF800000 : f32
      %broadcast_in_dim3A_1609 = vector.broadcast %jit3A_1608 : f32 to vector<1024x256xf32>
      %select_n3A_1610 = arith.select %eq3A_1607, %convert_element_type3A_847, %broadcast_in_dim3A_1609 : vector<1024x256xi1>, vector<1024x256xf32>
      %reduce_max3A_1611 = arith.constant dense<0xFF800000> : vector<256xf32>
      %reduce_max3A_1612 = vector.multi_reduction <maximumf>, %select_n3A_1610, %reduce_max3A_1611 [0] : vector<1024x256xf32> to vector<256xf32>
      %broadcast_in_dim3A_1613 = vector.shape_cast %reduce_max3A_1612 : vector<256xf32> to vector<1x256xf32>
      %swap3A_1614 = arith.constant 28 : index
      %swap3A_1615 = arith.constant 0 : index
      %swap3A_1616 = vector.load %arg3[%swap3A_1614, %swap3A_1615] : memref<32x1024xf32, #tpu.memory_space<vmem>>, vector<1x256xf32>
      tpu.vector_store %arg3[%swap3A_1614, %swap3A_1615], %broadcast_in_dim3A_1605 {strides = array<i32>} : memref<32x1024xf32, #tpu.memory_space<vmem>>, vector<1x256xf32>,
      %convert_element_type3A_1617 = arith.fptosi %broadcast_in_dim3A_1613 : vector<1x256xf32> to vector<1x256xi32>
      %swap3A_1618 = arith.constant 28 : index
      %swap3A_1619 = arith.constant 0 : index
      %swap3A_1620 = vector.load %arg4[%swap3A_1618, %swap3A_1619] : memref<32x1024xi32, #tpu.memory_space<vmem>>, vector<1x256xi32>
      tpu.vector_store %arg4[%swap3A_1618, %swap3A_1619], %convert_element_type3A_1617 {strides = array<i32>} : memref<32x1024xi32, #tpu.memory_space<vmem>>, vector<1x256xi32>,
      %mul3A_1621 = arith.constant 7.812500e-03 : f32
      %mul3A_1622 = vector.broadcast %mul3A_1621 : f32 to vector<1x256xf32>
      %mul3A_1623 = arith.mulf %broadcast_in_dim3A_1613, %mul3A_1622 : vector<1x256xf32>
      %floor3A_1624 = math.floor %mul3A_1623 : vector<1x256xf32>
      %eq3A_1625 = vector.broadcast %floor3A_1624 : vector<1x256xf32> to vector<1024x256xf32>
      %eq3A_1626 = arith.cmpf oeq, %convert_element_type3A_839, %eq3A_1625 : vector<1024x256xf32>
      %jit3A_1627 = arith.constant 0xFF800000 : f32
      %broadcast_in_dim3A_1628 = vector.broadcast %jit3A_1627 : f32 to vector<1024x256xf32>
      %select_n3A_1629 = arith.select %eq3A_1626, %broadcast_in_dim3A_1628, %select_n3A_1602 : vector<1024x256xi1>, vector<1024x256xf32>
      %reduce_max3A_1630 = arith.constant dense<0xFF800000> : vector<256xf32>
      %reduce_max3A_1631 = vector.multi_reduction <maximumf>, %select_n3A_1629, %reduce_max3A_1630 [0] : vector<1024x256xf32> to vector<256xf32>
      %broadcast_in_dim3A_1632 = vector.shape_cast %reduce_max3A_1631 : vector<256xf32> to vector<1x256xf32>
      %eq3A_1633 = vector.broadcast %broadcast_in_dim3A_1632 : vector<1x256xf32> to vector<1024x256xf32>
      %eq3A_1634 = arith.cmpf oeq, %select_n3A_1629, %eq3A_1633 : vector<1024x256xf32>
      %jit3A_1635 = arith.constant 0xFF800000 : f32
      %broadcast_in_dim3A_1636 = vector.broadcast %jit3A_1635 : f32 to vector<1024x256xf32>
      %select_n3A_1637 = arith.select %eq3A_1634, %convert_element_type3A_847, %broadcast_in_dim3A_1636 : vector<1024x256xi1>, vector<1024x256xf32>
      %reduce_max3A_1638 = arith.constant dense<0xFF800000> : vector<256xf32>
      %reduce_max3A_1639 = vector.multi_reduction <maximumf>, %select_n3A_1637, %reduce_max3A_1638 [0] : vector<1024x256xf32> to vector<256xf32>
      %broadcast_in_dim3A_1640 = vector.shape_cast %reduce_max3A_1639 : vector<256xf32> to vector<1x256xf32>
      %swap3A_1641 = arith.constant 29 : index
      %swap3A_1642 = arith.constant 0 : index
      %swap3A_1643 = vector.load %arg3[%swap3A_1641, %swap3A_1642] : memref<32x1024xf32, #tpu.memory_space<vmem>>, vector<1x256xf32>
      tpu.vector_store %arg3[%swap3A_1641, %swap3A_1642], %broadcast_in_dim3A_1632 {strides = array<i32>} : memref<32x1024xf32, #tpu.memory_space<vmem>>, vector<1x256xf32>,
      %convert_element_type3A_1644 = arith.fptosi %broadcast_in_dim3A_1640 : vector<1x256xf32> to vector<1x256xi32>
      %swap3A_1645 = arith.constant 29 : index
      %swap3A_1646 = arith.constant 0 : index
      %swap3A_1647 = vector.load %arg4[%swap3A_1645, %swap3A_1646] : memref<32x1024xi32, #tpu.memory_space<vmem>>, vector<1x256xi32>
      tpu.vector_store %arg4[%swap3A_1645, %swap3A_1646], %convert_element_type3A_1644 {strides = array<i32>} : memref<32x1024xi32, #tpu.memory_space<vmem>>, vector<1x256xi32>,
      %mul3A_1648 = arith.constant 7.812500e-03 : f32
      %mul3A_1649 = vector.broadcast %mul3A_1648 : f32 to vector<1x256xf32>
      %mul3A_1650 = arith.mulf %broadcast_in_dim3A_1640, %mul3A_1649 : vector<1x256xf32>
      %floor3A_1651 = math.floor %mul3A_1650 : vector<1x256xf32>
      %eq3A_1652 = vector.broadcast %floor3A_1651 : vector<1x256xf32> to vector<1024x256xf32>
      %eq3A_1653 = arith.cmpf oeq, %convert_element_type3A_839, %eq3A_1652 : vector<1024x256xf32>
      %jit3A_1654 = arith.constant 0xFF800000 : f32
      %broadcast_in_dim3A_1655 = vector.broadcast %jit3A_1654 : f32 to vector<1024x256xf32>
      %select_n3A_1656 = arith.select %eq3A_1653, %broadcast_in_dim3A_1655, %select_n3A_1629 : vector<1024x256xi1>, vector<1024x256xf32>
      %reduce_max3A_1657 = arith.constant dense<0xFF800000> : vector<256xf32>
      %reduce_max3A_1658 = vector.multi_reduction <maximumf>, %select_n3A_1656, %reduce_max3A_1657 [0] : vector<1024x256xf32> to vector<256xf32>
      %broadcast_in_dim3A_1659 = vector.shape_cast %reduce_max3A_1658 : vector<256xf32> to vector<1x256xf32>
      %eq3A_1660 = vector.broadcast %broadcast_in_dim3A_1659 : vector<1x256xf32> to vector<1024x256xf32>
      %eq3A_1661 = arith.cmpf oeq, %select_n3A_1656, %eq3A_1660 : vector<1024x256xf32>
      %jit3A_1662 = arith.constant 0xFF800000 : f32
      %broadcast_in_dim3A_1663 = vector.broadcast %jit3A_1662 : f32 to vector<1024x256xf32>
      %select_n3A_1664 = arith.select %eq3A_1661, %convert_element_type3A_847, %broadcast_in_dim3A_1663 : vector<1024x256xi1>, vector<1024x256xf32>
      %reduce_max3A_1665 = arith.constant dense<0xFF800000> : vector<256xf32>
      %reduce_max3A_1666 = vector.multi_reduction <maximumf>, %select_n3A_1664, %reduce_max3A_1665 [0] : vector<1024x256xf32> to vector<256xf32>
      %broadcast_in_dim3A_1667 = vector.shape_cast %reduce_max3A_1666 : vector<256xf32> to vector<1x256xf32>
      %swap3A_1668 = arith.constant 30 : index
      %swap3A_1669 = arith.constant 0 : index
      %swap3A_1670 = vector.load %arg3[%swap3A_1668, %swap3A_1669] : memref<32x1024xf32, #tpu.memory_space<vmem>>, vector<1x256xf32>
      tpu.vector_store %arg3[%swap3A_1668, %swap3A_1669], %broadcast_in_dim3A_1659 {strides = array<i32>} : memref<32x1024xf32, #tpu.memory_space<vmem>>, vector<1x256xf32>,
      %convert_element_type3A_1671 = arith.fptosi %broadcast_in_dim3A_1667 : vector<1x256xf32> to vector<1x256xi32>
      %swap3A_1672 = arith.constant 30 : index
      %swap3A_1673 = arith.constant 0 : index
      %swap3A_1674 = vector.load %arg4[%swap3A_1672, %swap3A_1673] : memref<32x1024xi32, #tpu.memory_space<vmem>>, vector<1x256xi32>
      tpu.vector_store %arg4[%swap3A_1672, %swap3A_1673], %convert_element_type3A_1671 {strides = array<i32>} : memref<32x1024xi32, #tpu.memory_space<vmem>>, vector<1x256xi32>,
      %mul3A_1675 = arith.constant 7.812500e-03 : f32
      %mul3A_1676 = vector.broadcast %mul3A_1675 : f32 to vector<1x256xf32>
      %mul3A_1677 = arith.mulf %broadcast_in_dim3A_1667, %mul3A_1676 : vector<1x256xf32>
      %floor3A_1678 = math.floor %mul3A_1677 : vector<1x256xf32>
      %eq3A_1679 = vector.broadcast %floor3A_1678 : vector<1x256xf32> to vector<1024x256xf32>
      %eq3A_1680 = arith.cmpf oeq, %convert_element_type3A_839, %eq3A_1679 : vector<1024x256xf32>
      %jit3A_1681 = arith.constant 0xFF800000 : f32
      %broadcast_in_dim3A_1682 = vector.broadcast %jit3A_1681 : f32 to vector<1024x256xf32>
      %select_n3A_1683 = arith.select %eq3A_1680, %broadcast_in_dim3A_1682, %select_n3A_1656 : vector<1024x256xi1>, vector<1024x256xf32>
      %reduce_max3A_1684 = arith.constant dense<0xFF800000> : vector<256xf32>
      %reduce_max3A_1685 = vector.multi_reduction <maximumf>, %select_n3A_1683, %reduce_max3A_1684 [0] : vector<1024x256xf32> to vector<256xf32>
      %broadcast_in_dim3A_1686 = vector.shape_cast %reduce_max3A_1685 : vector<256xf32> to vector<1x256xf32>
      %eq3A_1687 = vector.broadcast %broadcast_in_dim3A_1686 : vector<1x256xf32> to vector<1024x256xf32>
      %eq3A_1688 = arith.cmpf oeq, %select_n3A_1683, %eq3A_1687 : vector<1024x256xf32>
      %jit3A_1689 = arith.constant 0xFF800000 : f32
      %broadcast_in_dim3A_1690 = vector.broadcast %jit3A_1689 : f32 to vector<1024x256xf32>
      %select_n3A_1691 = arith.select %eq3A_1688, %convert_element_type3A_847, %broadcast_in_dim3A_1690 : vector<1024x256xi1>, vector<1024x256xf32>
      %reduce_max3A_1692 = arith.constant dense<0xFF800000> : vector<256xf32>
      %reduce_max3A_1693 = vector.multi_reduction <maximumf>, %select_n3A_1691, %reduce_max3A_1692 [0] : vector<1024x256xf32> to vector<256xf32>
      %broadcast_in_dim3A_1694 = vector.shape_cast %reduce_max3A_1693 : vector<256xf32> to vector<1x256xf32>
      %swap3A_1695 = arith.constant 31 : index
      %swap3A_1696 = arith.constant 0 : index
      %swap3A_1697 = vector.load %arg3[%swap3A_1695, %swap3A_1696] : memref<32x1024xf32, #tpu.memory_space<vmem>>, vector<1x256xf32>
      tpu.vector_store %arg3[%swap3A_1695, %swap3A_1696], %broadcast_in_dim3A_1686 {strides = array<i32>} : memref<32x1024xf32, #tpu.memory_space<vmem>>, vector<1x256xf32>,
      %convert_element_type3A_1698 = arith.fptosi %broadcast_in_dim3A_1694 : vector<1x256xf32> to vector<1x256xi32>
      %swap3A_1699 = arith.constant 31 : index
      %swap3A_1700 = arith.constant 0 : index
      %swap3A_1701 = vector.load %arg4[%swap3A_1699, %swap3A_1700] : memref<32x1024xi32, #tpu.memory_space<vmem>>, vector<1x256xi32>
      tpu.vector_store %arg4[%swap3A_1699, %swap3A_1700], %convert_element_type3A_1698 {strides = array<i32>} : memref<32x1024xi32, #tpu.memory_space<vmem>>, vector<1x256xi32>,
      %get3A_1702 = arith.constant 0 : index
      %get3A_1703 = arith.constant 256 : index
      %get3A_1704 = vector.load %arg5[%get3A_1702, %get3A_1703] : memref<1024x1024xf32, #tpu.memory_space<vmem>>, vector<1024x256xf32>
      %iota3A_1705 = tpu.iota {dimensions = array<i32: 0>} : vector<1024x256xi32>
      %convert_element_type3A_1706 = arith.sitofp %iota3A_1705 : vector<1024x256xi32> to vector<1024x256xf32>
      %mul3A_1707 = arith.constant 128 : i32
      %mul3A_1708 = vector.broadcast %mul3A_1707 : i32 to vector<1024x256xi32>
      %mul3A_1709 = arith.muli %iota3A_1705, %mul3A_1708 : vector<1024x256xi32>
      %get3A_1710 = arith.constant 0 : index
      %get3A_1711 = arith.constant 256 : index
      %get3A_1712 = vector.load %arg6[%get3A_1710, %get3A_1711] : memref<1024x1024xi32, #tpu.memory_space<vmem>>, vector<1024x256xi32>
      %add3A_1713 = arith.addi %mul3A_1709, %get3A_1712 : vector<1024x256xi32>
      %convert_element_type3A_1714 = arith.sitofp %add3A_1713 : vector<1024x256xi32> to vector<1024x256xf32>
      %reduce_max3A_1715 = arith.constant dense<0xFF800000> : vector<256xf32>
      %reduce_max3A_1716 = vector.multi_reduction <maximumf>, %get3A_1704, %reduce_max3A_1715 [0] : vector<1024x256xf32> to vector<256xf32>
      %broadcast_in_dim3A_1717 = vector.shape_cast %reduce_max3A_1716 : vector<256xf32> to vector<1x256xf32>
      %eq3A_1718 = vector.broadcast %broadcast_in_dim3A_1717 : vector<1x256xf32> to vector<1024x256xf32>
      %eq3A_1719 = arith.cmpf oeq, %get3A_1704, %eq3A_1718 : vector<1024x256xf32>
      %jit3A_1720 = arith.constant 0xFF800000 : f32
      %broadcast_in_dim3A_1721 = vector.broadcast %jit3A_1720 : f32 to vector<1024x256xf32>
      %select_n3A_1722 = arith.select %eq3A_1719, %convert_element_type3A_1714, %broadcast_in_dim3A_1721 : vector<1024x256xi1>, vector<1024x256xf32>
      %reduce_max3A_1723 = arith.constant dense<0xFF800000> : vector<256xf32>
      %reduce_max3A_1724 = vector.multi_reduction <maximumf>, %select_n3A_1722, %reduce_max3A_1723 [0] : vector<1024x256xf32> to vector<256xf32>
      %broadcast_in_dim3A_1725 = vector.shape_cast %reduce_max3A_1724 : vector<256xf32> to vector<1x256xf32>
      %swap3A_1726 = arith.constant 0 : index
      %swap3A_1727 = arith.constant 256 : index
      %swap3A_1728 = vector.load %arg3[%swap3A_1726, %swap3A_1727] : memref<32x1024xf32, #tpu.memory_space<vmem>>, vector<1x256xf32>
      tpu.vector_store %arg3[%swap3A_1726, %swap3A_1727], %broadcast_in_dim3A_1717 {strides = array<i32>} : memref<32x1024xf32, #tpu.memory_space<vmem>>, vector<1x256xf32>,
      %convert_element_type3A_1729 = arith.fptosi %broadcast_in_dim3A_1725 : vector<1x256xf32> to vector<1x256xi32>
      %swap3A_1730 = arith.constant 0 : index
      %swap3A_1731 = arith.constant 256 : index
      %swap3A_1732 = vector.load %arg4[%swap3A_1730, %swap3A_1731] : memref<32x1024xi32, #tpu.memory_space<vmem>>, vector<1x256xi32>
      tpu.vector_store %arg4[%swap3A_1730, %swap3A_1731], %convert_element_type3A_1729 {strides = array<i32>} : memref<32x1024xi32, #tpu.memory_space<vmem>>, vector<1x256xi32>,
      %mul3A_1733 = arith.constant 7.812500e-03 : f32
      %mul3A_1734 = vector.broadcast %mul3A_1733 : f32 to vector<1x256xf32>
      %mul3A_1735 = arith.mulf %broadcast_in_dim3A_1725, %mul3A_1734 : vector<1x256xf32>
      %floor3A_1736 = math.floor %mul3A_1735 : vector<1x256xf32>
      %eq3A_1737 = vector.broadcast %floor3A_1736 : vector<1x256xf32> to vector<1024x256xf32>
      %eq3A_1738 = arith.cmpf oeq, %convert_element_type3A_1706, %eq3A_1737 : vector<1024x256xf32>
      %jit3A_1739 = arith.constant 0xFF800000 : f32
      %broadcast_in_dim3A_1740 = vector.broadcast %jit3A_1739 : f32 to vector<1024x256xf32>
      %select_n3A_1741 = arith.select %eq3A_1738, %broadcast_in_dim3A_1740, %get3A_1704 : vector<1024x256xi1>, vector<1024x256xf32>
      %reduce_max3A_1742 = arith.constant dense<0xFF800000> : vector<256xf32>
      %reduce_max3A_1743 = vector.multi_reduction <maximumf>, %select_n3A_1741, %reduce_max3A_1742 [0] : vector<1024x256xf32> to vector<256xf32>
      %broadcast_in_dim3A_1744 = vector.shape_cast %reduce_max3A_1743 : vector<256xf32> to vector<1x256xf32>
      %eq3A_1745 = vector.broadcast %broadcast_in_dim3A_1744 : vector<1x256xf32> to vector<1024x256xf32>
      %eq3A_1746 = arith.cmpf oeq, %select_n3A_1741, %eq3A_1745 : vector<1024x256xf32>
      %jit3A_1747 = arith.constant 0xFF800000 : f32
      %broadcast_in_dim3A_1748 = vector.broadcast %jit3A_1747 : f32 to vector<1024x256xf32>
      %select_n3A_1749 = arith.select %eq3A_1746, %convert_element_type3A_1714, %broadcast_in_dim3A_1748 : vector<1024x256xi1>, vector<1024x256xf32>
      %reduce_max3A_1750 = arith.constant dense<0xFF800000> : vector<256xf32>
      %reduce_max3A_1751 = vector.multi_reduction <maximumf>, %select_n3A_1749, %reduce_max3A_1750 [0] : vector<1024x256xf32> to vector<256xf32>
      %broadcast_in_dim3A_1752 = vector.shape_cast %reduce_max3A_1751 : vector<256xf32> to vector<1x256xf32>
      %swap3A_1753 = arith.constant 1 : index
      %swap3A_1754 = arith.constant 256 : index
      %swap3A_1755 = vector.load %arg3[%swap3A_1753, %swap3A_1754] : memref<32x1024xf32, #tpu.memory_space<vmem>>, vector<1x256xf32>
      tpu.vector_store %arg3[%swap3A_1753, %swap3A_1754], %broadcast_in_dim3A_1744 {strides = array<i32>} : memref<32x1024xf32, #tpu.memory_space<vmem>>, vector<1x256xf32>,
      %convert_element_type3A_1756 = arith.fptosi %broadcast_in_dim3A_1752 : vector<1x256xf32> to vector<1x256xi32>
      %swap3A_1757 = arith.constant 1 : index
      %swap3A_1758 = arith.constant 256 : index
      %swap3A_1759 = vector.load %arg4[%swap3A_1757, %swap3A_1758] : memref<32x1024xi32, #tpu.memory_space<vmem>>, vector<1x256xi32>
      tpu.vector_store %arg4[%swap3A_1757, %swap3A_1758], %convert_element_type3A_1756 {strides = array<i32>} : memref<32x1024xi32, #tpu.memory_space<vmem>>, vector<1x256xi32>,
      %mul3A_1760 = arith.constant 7.812500e-03 : f32
      %mul3A_1761 = vector.broadcast %mul3A_1760 : f32 to vector<1x256xf32>
      %mul3A_1762 = arith.mulf %broadcast_in_dim3A_1752, %mul3A_1761 : vector<1x256xf32>
      %floor3A_1763 = math.floor %mul3A_1762 : vector<1x256xf32>
      %eq3A_1764 = vector.broadcast %floor3A_1763 : vector<1x256xf32> to vector<1024x256xf32>
      %eq3A_1765 = arith.cmpf oeq, %convert_element_type3A_1706, %eq3A_1764 : vector<1024x256xf32>
      %jit3A_1766 = arith.constant 0xFF800000 : f32
      %broadcast_in_dim3A_1767 = vector.broadcast %jit3A_1766 : f32 to vector<1024x256xf32>
      %select_n3A_1768 = arith.select %eq3A_1765, %broadcast_in_dim3A_1767, %select_n3A_1741 : vector<1024x256xi1>, vector<1024x256xf32>
      %reduce_max3A_1769 = arith.constant dense<0xFF800000> : vector<256xf32>
      %reduce_max3A_1770 = vector.multi_reduction <maximumf>, %select_n3A_1768, %reduce_max3A_1769 [0] : vector<1024x256xf32> to vector<256xf32>
      %broadcast_in_dim3A_1771 = vector.shape_cast %reduce_max3A_1770 : vector<256xf32> to vector<1x256xf32>
      %eq3A_1772 = vector.broadcast %broadcast_in_dim3A_1771 : vector<1x256xf32> to vector<1024x256xf32>
      %eq3A_1773 = arith.cmpf oeq, %select_n3A_1768, %eq3A_1772 : vector<1024x256xf32>
      %jit3A_1774 = arith.constant 0xFF800000 : f32
      %broadcast_in_dim3A_1775 = vector.broadcast %jit3A_1774 : f32 to vector<1024x256xf32>
      %select_n3A_1776 = arith.select %eq3A_1773, %convert_element_type3A_1714, %broadcast_in_dim3A_1775 : vector<1024x256xi1>, vector<1024x256xf32>
      %reduce_max3A_1777 = arith.constant dense<0xFF800000> : vector<256xf32>
      %reduce_max3A_1778 = vector.multi_reduction <maximumf>, %select_n3A_1776, %reduce_max3A_1777 [0] : vector<1024x256xf32> to vector<256xf32>
      %broadcast_in_dim3A_1779 = vector.shape_cast %reduce_max3A_1778 : vector<256xf32> to vector<1x256xf32>
      %swap3A_1780 = arith.constant 2 : index
      %swap3A_1781 = arith.constant 256 : index
      %swap3A_1782 = vector.load %arg3[%swap3A_1780, %swap3A_1781] : memref<32x1024xf32, #tpu.memory_space<vmem>>, vector<1x256xf32>
      tpu.vector_store %arg3[%swap3A_1780, %swap3A_1781], %broadcast_in_dim3A_1771 {strides = array<i32>} : memref<32x1024xf32, #tpu.memory_space<vmem>>, vector<1x256xf32>,
      %convert_element_type3A_1783 = arith.fptosi %broadcast_in_dim3A_1779 : vector<1x256xf32> to vector<1x256xi32>
      %swap3A_1784 = arith.constant 2 : index
      %swap3A_1785 = arith.constant 256 : index
      %swap3A_1786 = vector.load %arg4[%swap3A_1784, %swap3A_1785] : memref<32x1024xi32, #tpu.memory_space<vmem>>, vector<1x256xi32>
      tpu.vector_store %arg4[%swap3A_1784, %swap3A_1785], %convert_element_type3A_1783 {strides = array<i32>} : memref<32x1024xi32, #tpu.memory_space<vmem>>, vector<1x256xi32>,
      %mul3A_1787 = arith.constant 7.812500e-03 : f32
      %mul3A_1788 = vector.broadcast %mul3A_1787 : f32 to vector<1x256xf32>
      %mul3A_1789 = arith.mulf %broadcast_in_dim3A_1779, %mul3A_1788 : vector<1x256xf32>
      %floor3A_1790 = math.floor %mul3A_1789 : vector<1x256xf32>
      %eq3A_1791 = vector.broadcast %floor3A_1790 : vector<1x256xf32> to vector<1024x256xf32>
      %eq3A_1792 = arith.cmpf oeq, %convert_element_type3A_1706, %eq3A_1791 : vector<1024x256xf32>
      %jit3A_1793 = arith.constant 0xFF800000 : f32
      %broadcast_in_dim3A_1794 = vector.broadcast %jit3A_1793 : f32 to vector<1024x256xf32>
      %select_n3A_1795 = arith.select %eq3A_1792, %broadcast_in_dim3A_1794, %select_n3A_1768 : vector<1024x256xi1>, vector<1024x256xf32>
      %reduce_max3A_1796 = arith.constant dense<0xFF800000> : vector<256xf32>
      %reduce_max3A_1797 = vector.multi_reduction <maximumf>, %select_n3A_1795, %reduce_max3A_1796 [0] : vector<1024x256xf32> to vector<256xf32>
      %broadcast_in_dim3A_1798 = vector.shape_cast %reduce_max3A_1797 : vector<256xf32> to vector<1x256xf32>
      %eq3A_1799 = vector.broadcast %broadcast_in_dim3A_1798 : vector<1x256xf32> to vector<1024x256xf32>
      %eq3A_1800 = arith.cmpf oeq, %select_n3A_1795, %eq3A_1799 : vector<1024x256xf32>
      %jit3A_1801 = arith.constant 0xFF800000 : f32
      %broadcast_in_dim3A_1802 = vector.broadcast %jit3A_1801 : f32 to vector<1024x256xf32>
      %select_n3A_1803 = arith.select %eq3A_1800, %convert_element_type3A_1714, %broadcast_in_dim3A_1802 : vector<1024x256xi1>, vector<1024x256xf32>
      %reduce_max3A_1804 = arith.constant dense<0xFF800000> : vector<256xf32>
      %reduce_max3A_1805 = vector.multi_reduction <maximumf>, %select_n3A_1803, %reduce_max3A_1804 [0] : vector<1024x256xf32> to vector<256xf32>
      %broadcast_in_dim3A_1806 = vector.shape_cast %reduce_max3A_1805 : vector<256xf32> to vector<1x256xf32>
      %swap3A_1807 = arith.constant 3 : index
      %swap3A_1808 = arith.constant 256 : index
      %swap3A_1809 = vector.load %arg3[%swap3A_1807, %swap3A_1808] : memref<32x1024xf32, #tpu.memory_space<vmem>>, vector<1x256xf32>
      tpu.vector_store %arg3[%swap3A_1807, %swap3A_1808], %broadcast_in_dim3A_1798 {strides = array<i32>} : memref<32x1024xf32, #tpu.memory_space<vmem>>, vector<1x256xf32>,
      %convert_element_type3A_1810 = arith.fptosi %broadcast_in_dim3A_1806 : vector<1x256xf32> to vector<1x256xi32>
      %swap3A_1811 = arith.constant 3 : index
      %swap3A_1812 = arith.constant 256 : index
      %swap3A_1813 = vector.load %arg4[%swap3A_1811, %swap3A_1812] : memref<32x1024xi32, #tpu.memory_space<vmem>>, vector<1x256xi32>
      tpu.vector_store %arg4[%swap3A_1811, %swap3A_1812], %convert_element_type3A_1810 {strides = array<i32>} : memref<32x1024xi32, #tpu.memory_space<vmem>>, vector<1x256xi32>,
      %mul3A_1814 = arith.constant 7.812500e-03 : f32
      %mul3A_1815 = vector.broadcast %mul3A_1814 : f32 to vector<1x256xf32>
      %mul3A_1816 = arith.mulf %broadcast_in_dim3A_1806, %mul3A_1815 : vector<1x256xf32>
      %floor3A_1817 = math.floor %mul3A_1816 : vector<1x256xf32>
      %eq3A_1818 = vector.broadcast %floor3A_1817 : vector<1x256xf32> to vector<1024x256xf32>
      %eq3A_1819 = arith.cmpf oeq, %convert_element_type3A_1706, %eq3A_1818 : vector<1024x256xf32>
      %jit3A_1820 = arith.constant 0xFF800000 : f32
      %broadcast_in_dim3A_1821 = vector.broadcast %jit3A_1820 : f32 to vector<1024x256xf32>
      %select_n3A_1822 = arith.select %eq3A_1819, %broadcast_in_dim3A_1821, %select_n3A_1795 : vector<1024x256xi1>, vector<1024x256xf32>
      %reduce_max3A_1823 = arith.constant dense<0xFF800000> : vector<256xf32>
      %reduce_max3A_1824 = vector.multi_reduction <maximumf>, %select_n3A_1822, %reduce_max3A_1823 [0] : vector<1024x256xf32> to vector<256xf32>
      %broadcast_in_dim3A_1825 = vector.shape_cast %reduce_max3A_1824 : vector<256xf32> to vector<1x256xf32>
      %eq3A_1826 = vector.broadcast %broadcast_in_dim3A_1825 : vector<1x256xf32> to vector<1024x256xf32>
      %eq3A_1827 = arith.cmpf oeq, %select_n3A_1822, %eq3A_1826 : vector<1024x256xf32>
      %jit3A_1828 = arith.constant 0xFF800000 : f32
      %broadcast_in_dim3A_1829 = vector.broadcast %jit3A_1828 : f32 to vector<1024x256xf32>
      %select_n3A_1830 = arith.select %eq3A_1827, %convert_element_type3A_1714, %broadcast_in_dim3A_1829 : vector<1024x256xi1>, vector<1024x256xf32>
      %reduce_max3A_1831 = arith.constant dense<0xFF800000> : vector<256xf32>
      %reduce_max3A_1832 = vector.multi_reduction <maximumf>, %select_n3A_1830, %reduce_max3A_1831 [0] : vector<1024x256xf32> to vector<256xf32>
      %broadcast_in_dim3A_1833 = vector.shape_cast %reduce_max3A_1832 : vector<256xf32> to vector<1x256xf32>
      %swap3A_1834 = arith.constant 4 : index
      %swap3A_1835 = arith.constant 256 : index
      %swap3A_1836 = vector.load %arg3[%swap3A_1834, %swap3A_1835] : memref<32x1024xf32, #tpu.memory_space<vmem>>, vector<1x256xf32>
      tpu.vector_store %arg3[%swap3A_1834, %swap3A_1835], %broadcast_in_dim3A_1825 {strides = array<i32>} : memref<32x1024xf32, #tpu.memory_space<vmem>>, vector<1x256xf32>,
      %convert_element_type3A_1837 = arith.fptosi %broadcast_in_dim3A_1833 : vector<1x256xf32> to vector<1x256xi32>
      %swap3A_1838 = arith.constant 4 : index
      %swap3A_1839 = arith.constant 256 : index
      %swap3A_1840 = vector.load %arg4[%swap3A_1838, %swap3A_1839] : memref<32x1024xi32, #tpu.memory_space<vmem>>, vector<1x256xi32>
      tpu.vector_store %arg4[%swap3A_1838, %swap3A_1839], %convert_element_type3A_1837 {strides = array<i32>} : memref<32x1024xi32, #tpu.memory_space<vmem>>, vector<1x256xi32>,
      %mul3A_1841 = arith.constant 7.812500e-03 : f32
      %mul3A_1842 = vector.broadcast %mul3A_1841 : f32 to vector<1x256xf32>
      %mul3A_1843 = arith.mulf %broadcast_in_dim3A_1833, %mul3A_1842 : vector<1x256xf32>
      %floor3A_1844 = math.floor %mul3A_1843 : vector<1x256xf32>
      %eq3A_1845 = vector.broadcast %floor3A_1844 : vector<1x256xf32> to vector<1024x256xf32>
      %eq3A_1846 = arith.cmpf oeq, %convert_element_type3A_1706, %eq3A_1845 : vector<1024x256xf32>
      %jit3A_1847 = arith.constant 0xFF800000 : f32
      %broadcast_in_dim3A_1848 = vector.broadcast %jit3A_1847 : f32 to vector<1024x256xf32>
      %select_n3A_1849 = arith.select %eq3A_1846, %broadcast_in_dim3A_1848, %select_n3A_1822 : vector<1024x256xi1>, vector<1024x256xf32>
      %reduce_max3A_1850 = arith.constant dense<0xFF800000> : vector<256xf32>
      %reduce_max3A_1851 = vector.multi_reduction <maximumf>, %select_n3A_1849, %reduce_max3A_1850 [0] : vector<1024x256xf32> to vector<256xf32>
      %broadcast_in_dim3A_1852 = vector.shape_cast %reduce_max3A_1851 : vector<256xf32> to vector<1x256xf32>
      %eq3A_1853 = vector.broadcast %broadcast_in_dim3A_1852 : vector<1x256xf32> to vector<1024x256xf32>
      %eq3A_1854 = arith.cmpf oeq, %select_n3A_1849, %eq3A_1853 : vector<1024x256xf32>
      %jit3A_1855 = arith.constant 0xFF800000 : f32
      %broadcast_in_dim3A_1856 = vector.broadcast %jit3A_1855 : f32 to vector<1024x256xf32>
      %select_n3A_1857 = arith.select %eq3A_1854, %convert_element_type3A_1714, %broadcast_in_dim3A_1856 : vector<1024x256xi1>, vector<1024x256xf32>
      %reduce_max3A_1858 = arith.constant dense<0xFF800000> : vector<256xf32>
      %reduce_max3A_1859 = vector.multi_reduction <maximumf>, %select_n3A_1857, %reduce_max3A_1858 [0] : vector<1024x256xf32> to vector<256xf32>
      %broadcast_in_dim3A_1860 = vector.shape_cast %reduce_max3A_1859 : vector<256xf32> to vector<1x256xf32>
      %swap3A_1861 = arith.constant 5 : index
      %swap3A_1862 = arith.constant 256 : index
      %swap3A_1863 = vector.load %arg3[%swap3A_1861, %swap3A_1862] : memref<32x1024xf32, #tpu.memory_space<vmem>>, vector<1x256xf32>
      tpu.vector_store %arg3[%swap3A_1861, %swap3A_1862], %broadcast_in_dim3A_1852 {strides = array<i32>} : memref<32x1024xf32, #tpu.memory_space<vmem>>, vector<1x256xf32>,
      %convert_element_type3A_1864 = arith.fptosi %broadcast_in_dim3A_1860 : vector<1x256xf32> to vector<1x256xi32>
      %swap3A_1865 = arith.constant 5 : index
      %swap3A_1866 = arith.constant 256 : index
      %swap3A_1867 = vector.load %arg4[%swap3A_1865, %swap3A_1866] : memref<32x1024xi32, #tpu.memory_space<vmem>>, vector<1x256xi32>
      tpu.vector_store %arg4[%swap3A_1865, %swap3A_1866], %convert_element_type3A_1864 {strides = array<i32>} : memref<32x1024xi32, #tpu.memory_space<vmem>>, vector<1x256xi32>,
      %mul3A_1868 = arith.constant 7.812500e-03 : f32
      %mul3A_1869 = vector.broadcast %mul3A_1868 : f32 to vector<1x256xf32>
      %mul3A_1870 = arith.mulf %broadcast_in_dim3A_1860, %mul3A_1869 : vector<1x256xf32>
      %floor3A_1871 = math.floor %mul3A_1870 : vector<1x256xf32>
      %eq3A_1872 = vector.broadcast %floor3A_1871 : vector<1x256xf32> to vector<1024x256xf32>
      %eq3A_1873 = arith.cmpf oeq, %convert_element_type3A_1706, %eq3A_1872 : vector<1024x256xf32>
      %jit3A_1874 = arith.constant 0xFF800000 : f32
      %broadcast_in_dim3A_1875 = vector.broadcast %jit3A_1874 : f32 to vector<1024x256xf32>
      %select_n3A_1876 = arith.select %eq3A_1873, %broadcast_in_dim3A_1875, %select_n3A_1849 : vector<1024x256xi1>, vector<1024x256xf32>
      %reduce_max3A_1877 = arith.constant dense<0xFF800000> : vector<256xf32>
      %reduce_max3A_1878 = vector.multi_reduction <maximumf>, %select_n3A_1876, %reduce_max3A_1877 [0] : vector<1024x256xf32> to vector<256xf32>
      %broadcast_in_dim3A_1879 = vector.shape_cast %reduce_max3A_1878 : vector<256xf32> to vector<1x256xf32>
      %eq3A_1880 = vector.broadcast %broadcast_in_dim3A_1879 : vector<1x256xf32> to vector<1024x256xf32>
      %eq3A_1881 = arith.cmpf oeq, %select_n3A_1876, %eq3A_1880 : vector<1024x256xf32>
      %jit3A_1882 = arith.constant 0xFF800000 : f32
      %broadcast_in_dim3A_1883 = vector.broadcast %jit3A_1882 : f32 to vector<1024x256xf32>
      %select_n3A_1884 = arith.select %eq3A_1881, %convert_element_type3A_1714, %broadcast_in_dim3A_1883 : vector<1024x256xi1>, vector<1024x256xf32>
      %reduce_max3A_1885 = arith.constant dense<0xFF800000> : vector<256xf32>
      %reduce_max3A_1886 = vector.multi_reduction <maximumf>, %select_n3A_1884, %reduce_max3A_1885 [0] : vector<1024x256xf32> to vector<256xf32>
      %broadcast_in_dim3A_1887 = vector.shape_cast %reduce_max3A_1886 : vector<256xf32> to vector<1x256xf32>
      %swap3A_1888 = arith.constant 6 : index
      %swap3A_1889 = arith.constant 256 : index
      %swap3A_1890 = vector.load %arg3[%swap3A_1888, %swap3A_1889] : memref<32x1024xf32, #tpu.memory_space<vmem>>, vector<1x256xf32>
      tpu.vector_store %arg3[%swap3A_1888, %swap3A_1889], %broadcast_in_dim3A_1879 {strides = array<i32>} : memref<32x1024xf32, #tpu.memory_space<vmem>>, vector<1x256xf32>,
      %convert_element_type3A_1891 = arith.fptosi %broadcast_in_dim3A_1887 : vector<1x256xf32> to vector<1x256xi32>
      %swap3A_1892 = arith.constant 6 : index
      %swap3A_1893 = arith.constant 256 : index
      %swap3A_1894 = vector.load %arg4[%swap3A_1892, %swap3A_1893] : memref<32x1024xi32, #tpu.memory_space<vmem>>, vector<1x256xi32>
      tpu.vector_store %arg4[%swap3A_1892, %swap3A_1893], %convert_element_type3A_1891 {strides = array<i32>} : memref<32x1024xi32, #tpu.memory_space<vmem>>, vector<1x256xi32>,
      %mul3A_1895 = arith.constant 7.812500e-03 : f32
      %mul3A_1896 = vector.broadcast %mul3A_1895 : f32 to vector<1x256xf32>
      %mul3A_1897 = arith.mulf %broadcast_in_dim3A_1887, %mul3A_1896 : vector<1x256xf32>
      %floor3A_1898 = math.floor %mul3A_1897 : vector<1x256xf32>
      %eq3A_1899 = vector.broadcast %floor3A_1898 : vector<1x256xf32> to vector<1024x256xf32>
      %eq3A_1900 = arith.cmpf oeq, %convert_element_type3A_1706, %eq3A_1899 : vector<1024x256xf32>
      %jit3A_1901 = arith.constant 0xFF800000 : f32
      %broadcast_in_dim3A_1902 = vector.broadcast %jit3A_1901 : f32 to vector<1024x256xf32>
      %select_n3A_1903 = arith.select %eq3A_1900, %broadcast_in_dim3A_1902, %select_n3A_1876 : vector<1024x256xi1>, vector<1024x256xf32>
      %reduce_max3A_1904 = arith.constant dense<0xFF800000> : vector<256xf32>
      %reduce_max3A_1905 = vector.multi_reduction <maximumf>, %select_n3A_1903, %reduce_max3A_1904 [0] : vector<1024x256xf32> to vector<256xf32>
      %broadcast_in_dim3A_1906 = vector.shape_cast %reduce_max3A_1905 : vector<256xf32> to vector<1x256xf32>
      %eq3A_1907 = vector.broadcast %broadcast_in_dim3A_1906 : vector<1x256xf32> to vector<1024x256xf32>
      %eq3A_1908 = arith.cmpf oeq, %select_n3A_1903, %eq3A_1907 : vector<1024x256xf32>
      %jit3A_1909 = arith.constant 0xFF800000 : f32
      %broadcast_in_dim3A_1910 = vector.broadcast %jit3A_1909 : f32 to vector<1024x256xf32>
      %select_n3A_1911 = arith.select %eq3A_1908, %convert_element_type3A_1714, %broadcast_in_dim3A_1910 : vector<1024x256xi1>, vector<1024x256xf32>
      %reduce_max3A_1912 = arith.constant dense<0xFF800000> : vector<256xf32>
      %reduce_max3A_1913 = vector.multi_reduction <maximumf>, %select_n3A_1911, %reduce_max3A_1912 [0] : vector<1024x256xf32> to vector<256xf32>
      %broadcast_in_dim3A_1914 = vector.shape_cast %reduce_max3A_1913 : vector<256xf32> to vector<1x256xf32>
      %swap3A_1915 = arith.constant 7 : index
      %swap3A_1916 = arith.constant 256 : index
      %swap3A_1917 = vector.load %arg3[%swap3A_1915, %swap3A_1916] : memref<32x1024xf32, #tpu.memory_space<vmem>>, vector<1x256xf32>
      tpu.vector_store %arg3[%swap3A_1915, %swap3A_1916], %broadcast_in_dim3A_1906 {strides = array<i32>} : memref<32x1024xf32, #tpu.memory_space<vmem>>, vector<1x256xf32>,
      %convert_element_type3A_1918 = arith.fptosi %broadcast_in_dim3A_1914 : vector<1x256xf32> to vector<1x256xi32>
      %swap3A_1919 = arith.constant 7 : index
      %swap3A_1920 = arith.constant 256 : index
      %swap3A_1921 = vector.load %arg4[%swap3A_1919, %swap3A_1920] : memref<32x1024xi32, #tpu.memory_space<vmem>>, vector<1x256xi32>
      tpu.vector_store %arg4[%swap3A_1919, %swap3A_1920], %convert_element_type3A_1918 {strides = array<i32>} : memref<32x1024xi32, #tpu.memory_space<vmem>>, vector<1x256xi32>,
      %mul3A_1922 = arith.constant 7.812500e-03 : f32
      %mul3A_1923 = vector.broadcast %mul3A_1922 : f32 to vector<1x256xf32>
      %mul3A_1924 = arith.mulf %broadcast_in_dim3A_1914, %mul3A_1923 : vector<1x256xf32>
      %floor3A_1925 = math.floor %mul3A_1924 : vector<1x256xf32>
      %eq3A_1926 = vector.broadcast %floor3A_1925 : vector<1x256xf32> to vector<1024x256xf32>
      %eq3A_1927 = arith.cmpf oeq, %convert_element_type3A_1706, %eq3A_1926 : vector<1024x256xf32>
      %jit3A_1928 = arith.constant 0xFF800000 : f32
      %broadcast_in_dim3A_1929 = vector.broadcast %jit3A_1928 : f32 to vector<1024x256xf32>
      %select_n3A_1930 = arith.select %eq3A_1927, %broadcast_in_dim3A_1929, %select_n3A_1903 : vector<1024x256xi1>, vector<1024x256xf32>
      %reduce_max3A_1931 = arith.constant dense<0xFF800000> : vector<256xf32>
      %reduce_max3A_1932 = vector.multi_reduction <maximumf>, %select_n3A_1930, %reduce_max3A_1931 [0] : vector<1024x256xf32> to vector<256xf32>
      %broadcast_in_dim3A_1933 = vector.shape_cast %reduce_max3A_1932 : vector<256xf32> to vector<1x256xf32>
      %eq3A_1934 = vector.broadcast %broadcast_in_dim3A_1933 : vector<1x256xf32> to vector<1024x256xf32>
      %eq3A_1935 = arith.cmpf oeq, %select_n3A_1930, %eq3A_1934 : vector<1024x256xf32>
      %jit3A_1936 = arith.constant 0xFF800000 : f32
      %broadcast_in_dim3A_1937 = vector.broadcast %jit3A_1936 : f32 to vector<1024x256xf32>
      %select_n3A_1938 = arith.select %eq3A_1935, %convert_element_type3A_1714, %broadcast_in_dim3A_1937 : vector<1024x256xi1>, vector<1024x256xf32>
      %reduce_max3A_1939 = arith.constant dense<0xFF800000> : vector<256xf32>
      %reduce_max3A_1940 = vector.multi_reduction <maximumf>, %select_n3A_1938, %reduce_max3A_1939 [0] : vector<1024x256xf32> to vector<256xf32>
      %broadcast_in_dim3A_1941 = vector.shape_cast %reduce_max3A_1940 : vector<256xf32> to vector<1x256xf32>
      %swap3A_1942 = arith.constant 8 : index
      %swap3A_1943 = arith.constant 256 : index
      %swap3A_1944 = vector.load %arg3[%swap3A_1942, %swap3A_1943] : memref<32x1024xf32, #tpu.memory_space<vmem>>, vector<1x256xf32>
      tpu.vector_store %arg3[%swap3A_1942, %swap3A_1943], %broadcast_in_dim3A_1933 {strides = array<i32>} : memref<32x1024xf32, #tpu.memory_space<vmem>>, vector<1x256xf32>,
      %convert_element_type3A_1945 = arith.fptosi %broadcast_in_dim3A_1941 : vector<1x256xf32> to vector<1x256xi32>
      %swap3A_1946 = arith.constant 8 : index
      %swap3A_1947 = arith.constant 256 : index
      %swap3A_1948 = vector.load %arg4[%swap3A_1946, %swap3A_1947] : memref<32x1024xi32, #tpu.memory_space<vmem>>, vector<1x256xi32>
      tpu.vector_store %arg4[%swap3A_1946, %swap3A_1947], %convert_element_type3A_1945 {strides = array<i32>} : memref<32x1024xi32, #tpu.memory_space<vmem>>, vector<1x256xi32>,
      %mul3A_1949 = arith.constant 7.812500e-03 : f32
      %mul3A_1950 = vector.broadcast %mul3A_1949 : f32 to vector<1x256xf32>
      %mul3A_1951 = arith.mulf %broadcast_in_dim3A_1941, %mul3A_1950 : vector<1x256xf32>
      %floor3A_1952 = math.floor %mul3A_1951 : vector<1x256xf32>
      %eq3A_1953 = vector.broadcast %floor3A_1952 : vector<1x256xf32> to vector<1024x256xf32>
      %eq3A_1954 = arith.cmpf oeq, %convert_element_type3A_1706, %eq3A_1953 : vector<1024x256xf32>
      %jit3A_1955 = arith.constant 0xFF800000 : f32
      %broadcast_in_dim3A_1956 = vector.broadcast %jit3A_1955 : f32 to vector<1024x256xf32>
      %select_n3A_1957 = arith.select %eq3A_1954, %broadcast_in_dim3A_1956, %select_n3A_1930 : vector<1024x256xi1>, vector<1024x256xf32>
      %reduce_max3A_1958 = arith.constant dense<0xFF800000> : vector<256xf32>
      %reduce_max3A_1959 = vector.multi_reduction <maximumf>, %select_n3A_1957, %reduce_max3A_1958 [0] : vector<1024x256xf32> to vector<256xf32>
      %broadcast_in_dim3A_1960 = vector.shape_cast %reduce_max3A_1959 : vector<256xf32> to vector<1x256xf32>
      %eq3A_1961 = vector.broadcast %broadcast_in_dim3A_1960 : vector<1x256xf32> to vector<1024x256xf32>
      %eq3A_1962 = arith.cmpf oeq, %select_n3A_1957, %eq3A_1961 : vector<1024x256xf32>
      %jit3A_1963 = arith.constant 0xFF800000 : f32
      %broadcast_in_dim3A_1964 = vector.broadcast %jit3A_1963 : f32 to vector<1024x256xf32>
      %select_n3A_1965 = arith.select %eq3A_1962, %convert_element_type3A_1714, %broadcast_in_dim3A_1964 : vector<1024x256xi1>, vector<1024x256xf32>
      %reduce_max3A_1966 = arith.constant dense<0xFF800000> : vector<256xf32>
      %reduce_max3A_1967 = vector.multi_reduction <maximumf>, %select_n3A_1965, %reduce_max3A_1966 [0] : vector<1024x256xf32> to vector<256xf32>
      %broadcast_in_dim3A_1968 = vector.shape_cast %reduce_max3A_1967 : vector<256xf32> to vector<1x256xf32>
      %swap3A_1969 = arith.constant 9 : index
      %swap3A_1970 = arith.constant 256 : index
      %swap3A_1971 = vector.load %arg3[%swap3A_1969, %swap3A_1970] : memref<32x1024xf32, #tpu.memory_space<vmem>>, vector<1x256xf32>
      tpu.vector_store %arg3[%swap3A_1969, %swap3A_1970], %broadcast_in_dim3A_1960 {strides = array<i32>} : memref<32x1024xf32, #tpu.memory_space<vmem>>, vector<1x256xf32>,
      %convert_element_type3A_1972 = arith.fptosi %broadcast_in_dim3A_1968 : vector<1x256xf32> to vector<1x256xi32>
      %swap3A_1973 = arith.constant 9 : index
      %swap3A_1974 = arith.constant 256 : index
      %swap3A_1975 = vector.load %arg4[%swap3A_1973, %swap3A_1974] : memref<32x1024xi32, #tpu.memory_space<vmem>>, vector<1x256xi32>
      tpu.vector_store %arg4[%swap3A_1973, %swap3A_1974], %convert_element_type3A_1972 {strides = array<i32>} : memref<32x1024xi32, #tpu.memory_space<vmem>>, vector<1x256xi32>,
      %mul3A_1976 = arith.constant 7.812500e-03 : f32
      %mul3A_1977 = vector.broadcast %mul3A_1976 : f32 to vector<1x256xf32>
      %mul3A_1978 = arith.mulf %broadcast_in_dim3A_1968, %mul3A_1977 : vector<1x256xf32>
      %floor3A_1979 = math.floor %mul3A_1978 : vector<1x256xf32>
      %eq3A_1980 = vector.broadcast %floor3A_1979 : vector<1x256xf32> to vector<1024x256xf32>
      %eq3A_1981 = arith.cmpf oeq, %convert_element_type3A_1706, %eq3A_1980 : vector<1024x256xf32>
      %jit3A_1982 = arith.constant 0xFF800000 : f32
      %broadcast_in_dim3A_1983 = vector.broadcast %jit3A_1982 : f32 to vector<1024x256xf32>
      %select_n3A_1984 = arith.select %eq3A_1981, %broadcast_in_dim3A_1983, %select_n3A_1957 : vector<1024x256xi1>, vector<1024x256xf32>
      %reduce_max3A_1985 = arith.constant dense<0xFF800000> : vector<256xf32>
      %reduce_max3A_1986 = vector.multi_reduction <maximumf>, %select_n3A_1984, %reduce_max3A_1985 [0] : vector<1024x256xf32> to vector<256xf32>
      %broadcast_in_dim3A_1987 = vector.shape_cast %reduce_max3A_1986 : vector<256xf32> to vector<1x256xf32>
      %eq3A_1988 = vector.broadcast %broadcast_in_dim3A_1987 : vector<1x256xf32> to vector<1024x256xf32>
      %eq3A_1989 = arith.cmpf oeq, %select_n3A_1984, %eq3A_1988 : vector<1024x256xf32>
      %jit3A_1990 = arith.constant 0xFF800000 : f32
      %broadcast_in_dim3A_1991 = vector.broadcast %jit3A_1990 : f32 to vector<1024x256xf32>
      %select_n3A_1992 = arith.select %eq3A_1989, %convert_element_type3A_1714, %broadcast_in_dim3A_1991 : vector<1024x256xi1>, vector<1024x256xf32>
      %reduce_max3A_1993 = arith.constant dense<0xFF800000> : vector<256xf32>
      %reduce_max3A_1994 = vector.multi_reduction <maximumf>, %select_n3A_1992, %reduce_max3A_1993 [0] : vector<1024x256xf32> to vector<256xf32>
      %broadcast_in_dim3A_1995 = vector.shape_cast %reduce_max3A_1994 : vector<256xf32> to vector<1x256xf32>
      %swap3A_1996 = arith.constant 10 : index
      %swap3A_1997 = arith.constant 256 : index
      %swap3A_1998 = vector.load %arg3[%swap3A_1996, %swap3A_1997] : memref<32x1024xf32, #tpu.memory_space<vmem>>, vector<1x256xf32>
      tpu.vector_store %arg3[%swap3A_1996, %swap3A_1997], %broadcast_in_dim3A_1987 {strides = array<i32>} : memref<32x1024xf32, #tpu.memory_space<vmem>>, vector<1x256xf32>,
      %convert_element_type3A_1999 = arith.fptosi %broadcast_in_dim3A_1995 : vector<1x256xf32> to vector<1x256xi32>
      %swap3A_2000 = arith.constant 10 : index
      %swap3A_2001 = arith.constant 256 : index
      %swap3A_2002 = vector.load %arg4[%swap3A_2000, %swap3A_2001] : memref<32x1024xi32, #tpu.memory_space<vmem>>, vector<1x256xi32>
      tpu.vector_store %arg4[%swap3A_2000, %swap3A_2001], %convert_element_type3A_1999 {strides = array<i32>} : memref<32x1024xi32, #tpu.memory_space<vmem>>, vector<1x256xi32>,
      %mul3A_2003 = arith.constant 7.812500e-03 : f32
      %mul3A_2004 = vector.broadcast %mul3A_2003 : f32 to vector<1x256xf32>
      %mul3A_2005 = arith.mulf %broadcast_in_dim3A_1995, %mul3A_2004 : vector<1x256xf32>
      %floor3A_2006 = math.floor %mul3A_2005 : vector<1x256xf32>
      %eq3A_2007 = vector.broadcast %floor3A_2006 : vector<1x256xf32> to vector<1024x256xf32>
      %eq3A_2008 = arith.cmpf oeq, %convert_element_type3A_1706, %eq3A_2007 : vector<1024x256xf32>
      %jit3A_2009 = arith.constant 0xFF800000 : f32
      %broadcast_in_dim3A_2010 = vector.broadcast %jit3A_2009 : f32 to vector<1024x256xf32>
      %select_n3A_2011 = arith.select %eq3A_2008, %broadcast_in_dim3A_2010, %select_n3A_1984 : vector<1024x256xi1>, vector<1024x256xf32>
      %reduce_max3A_2012 = arith.constant dense<0xFF800000> : vector<256xf32>
      %reduce_max3A_2013 = vector.multi_reduction <maximumf>, %select_n3A_2011, %reduce_max3A_2012 [0] : vector<1024x256xf32> to vector<256xf32>
      %broadcast_in_dim3A_2014 = vector.shape_cast %reduce_max3A_2013 : vector<256xf32> to vector<1x256xf32>
      %eq3A_2015 = vector.broadcast %broadcast_in_dim3A_2014 : vector<1x256xf32> to vector<1024x256xf32>
      %eq3A_2016 = arith.cmpf oeq, %select_n3A_2011, %eq3A_2015 : vector<1024x256xf32>
      %jit3A_2017 = arith.constant 0xFF800000 : f32
      %broadcast_in_dim3A_2018 = vector.broadcast %jit3A_2017 : f32 to vector<1024x256xf32>
      %select_n3A_2019 = arith.select %eq3A_2016, %convert_element_type3A_1714, %broadcast_in_dim3A_2018 : vector<1024x256xi1>, vector<1024x256xf32>
      %reduce_max3A_2020 = arith.constant dense<0xFF800000> : vector<256xf32>
      %reduce_max3A_2021 = vector.multi_reduction <maximumf>, %select_n3A_2019, %reduce_max3A_2020 [0] : vector<1024x256xf32> to vector<256xf32>
      %broadcast_in_dim3A_2022 = vector.shape_cast %reduce_max3A_2021 : vector<256xf32> to vector<1x256xf32>
      %swap3A_2023 = arith.constant 11 : index
      %swap3A_2024 = arith.constant 256 : index
      %swap3A_2025 = vector.load %arg3[%swap3A_2023, %swap3A_2024] : memref<32x1024xf32, #tpu.memory_space<vmem>>, vector<1x256xf32>
      tpu.vector_store %arg3[%swap3A_2023, %swap3A_2024], %broadcast_in_dim3A_2014 {strides = array<i32>} : memref<32x1024xf32, #tpu.memory_space<vmem>>, vector<1x256xf32>,
      %convert_element_type3A_2026 = arith.fptosi %broadcast_in_dim3A_2022 : vector<1x256xf32> to vector<1x256xi32>
      %swap3A_2027 = arith.constant 11 : index
      %swap3A_2028 = arith.constant 256 : index
      %swap3A_2029 = vector.load %arg4[%swap3A_2027, %swap3A_2028] : memref<32x1024xi32, #tpu.memory_space<vmem>>, vector<1x256xi32>
      tpu.vector_store %arg4[%swap3A_2027, %swap3A_2028], %convert_element_type3A_2026 {strides = array<i32>} : memref<32x1024xi32, #tpu.memory_space<vmem>>, vector<1x256xi32>,
      %mul3A_2030 = arith.constant 7.812500e-03 : f32
      %mul3A_2031 = vector.broadcast %mul3A_2030 : f32 to vector<1x256xf32>
      %mul3A_2032 = arith.mulf %broadcast_in_dim3A_2022, %mul3A_2031 : vector<1x256xf32>
      %floor3A_2033 = math.floor %mul3A_2032 : vector<1x256xf32>
      %eq3A_2034 = vector.broadcast %floor3A_2033 : vector<1x256xf32> to vector<1024x256xf32>
      %eq3A_2035 = arith.cmpf oeq, %convert_element_type3A_1706, %eq3A_2034 : vector<1024x256xf32>
      %jit3A_2036 = arith.constant 0xFF800000 : f32
      %broadcast_in_dim3A_2037 = vector.broadcast %jit3A_2036 : f32 to vector<1024x256xf32>
      %select_n3A_2038 = arith.select %eq3A_2035, %broadcast_in_dim3A_2037, %select_n3A_2011 : vector<1024x256xi1>, vector<1024x256xf32>
      %reduce_max3A_2039 = arith.constant dense<0xFF800000> : vector<256xf32>
      %reduce_max3A_2040 = vector.multi_reduction <maximumf>, %select_n3A_2038, %reduce_max3A_2039 [0] : vector<1024x256xf32> to vector<256xf32>
      %broadcast_in_dim3A_2041 = vector.shape_cast %reduce_max3A_2040 : vector<256xf32> to vector<1x256xf32>
      %eq3A_2042 = vector.broadcast %broadcast_in_dim3A_2041 : vector<1x256xf32> to vector<1024x256xf32>
      %eq3A_2043 = arith.cmpf oeq, %select_n3A_2038, %eq3A_2042 : vector<1024x256xf32>
      %jit3A_2044 = arith.constant 0xFF800000 : f32
      %broadcast_in_dim3A_2045 = vector.broadcast %jit3A_2044 : f32 to vector<1024x256xf32>
      %select_n3A_2046 = arith.select %eq3A_2043, %convert_element_type3A_1714, %broadcast_in_dim3A_2045 : vector<1024x256xi1>, vector<1024x256xf32>
      %reduce_max3A_2047 = arith.constant dense<0xFF800000> : vector<256xf32>
      %reduce_max3A_2048 = vector.multi_reduction <maximumf>, %select_n3A_2046, %reduce_max3A_2047 [0] : vector<1024x256xf32> to vector<256xf32>
      %broadcast_in_dim3A_2049 = vector.shape_cast %reduce_max3A_2048 : vector<256xf32> to vector<1x256xf32>
      %swap3A_2050 = arith.constant 12 : index
      %swap3A_2051 = arith.constant 256 : index
      %swap3A_2052 = vector.load %arg3[%swap3A_2050, %swap3A_2051] : memref<32x1024xf32, #tpu.memory_space<vmem>>, vector<1x256xf32>
      tpu.vector_store %arg3[%swap3A_2050, %swap3A_2051], %broadcast_in_dim3A_2041 {strides = array<i32>} : memref<32x1024xf32, #tpu.memory_space<vmem>>, vector<1x256xf32>,
      %convert_element_type3A_2053 = arith.fptosi %broadcast_in_dim3A_2049 : vector<1x256xf32> to vector<1x256xi32>
      %swap3A_2054 = arith.constant 12 : index
      %swap3A_2055 = arith.constant 256 : index
      %swap3A_2056 = vector.load %arg4[%swap3A_2054, %swap3A_2055] : memref<32x1024xi32, #tpu.memory_space<vmem>>, vector<1x256xi32>
      tpu.vector_store %arg4[%swap3A_2054, %swap3A_2055], %convert_element_type3A_2053 {strides = array<i32>} : memref<32x1024xi32, #tpu.memory_space<vmem>>, vector<1x256xi32>,
      %mul3A_2057 = arith.constant 7.812500e-03 : f32
      %mul3A_2058 = vector.broadcast %mul3A_2057 : f32 to vector<1x256xf32>
      %mul3A_2059 = arith.mulf %broadcast_in_dim3A_2049, %mul3A_2058 : vector<1x256xf32>
      %floor3A_2060 = math.floor %mul3A_2059 : vector<1x256xf32>
      %eq3A_2061 = vector.broadcast %floor3A_2060 : vector<1x256xf32> to vector<1024x256xf32>
      %eq3A_2062 = arith.cmpf oeq, %convert_element_type3A_1706, %eq3A_2061 : vector<1024x256xf32>
      %jit3A_2063 = arith.constant 0xFF800000 : f32
      %broadcast_in_dim3A_2064 = vector.broadcast %jit3A_2063 : f32 to vector<1024x256xf32>
      %select_n3A_2065 = arith.select %eq3A_2062, %broadcast_in_dim3A_2064, %select_n3A_2038 : vector<1024x256xi1>, vector<1024x256xf32>
      %reduce_max3A_2066 = arith.constant dense<0xFF800000> : vector<256xf32>
      %reduce_max3A_2067 = vector.multi_reduction <maximumf>, %select_n3A_2065, %reduce_max3A_2066 [0] : vector<1024x256xf32> to vector<256xf32>
      %broadcast_in_dim3A_2068 = vector.shape_cast %reduce_max3A_2067 : vector<256xf32> to vector<1x256xf32>
      %eq3A_2069 = vector.broadcast %broadcast_in_dim3A_2068 : vector<1x256xf32> to vector<1024x256xf32>
      %eq3A_2070 = arith.cmpf oeq, %select_n3A_2065, %eq3A_2069 : vector<1024x256xf32>
      %jit3A_2071 = arith.constant 0xFF800000 : f32
      %broadcast_in_dim3A_2072 = vector.broadcast %jit3A_2071 : f32 to vector<1024x256xf32>
      %select_n3A_2073 = arith.select %eq3A_2070, %convert_element_type3A_1714, %broadcast_in_dim3A_2072 : vector<1024x256xi1>, vector<1024x256xf32>
      %reduce_max3A_2074 = arith.constant dense<0xFF800000> : vector<256xf32>
      %reduce_max3A_2075 = vector.multi_reduction <maximumf>, %select_n3A_2073, %reduce_max3A_2074 [0] : vector<1024x256xf32> to vector<256xf32>
      %broadcast_in_dim3A_2076 = vector.shape_cast %reduce_max3A_2075 : vector<256xf32> to vector<1x256xf32>
      %swap3A_2077 = arith.constant 13 : index
      %swap3A_2078 = arith.constant 256 : index
      %swap3A_2079 = vector.load %arg3[%swap3A_2077, %swap3A_2078] : memref<32x1024xf32, #tpu.memory_space<vmem>>, vector<1x256xf32>
      tpu.vector_store %arg3[%swap3A_2077, %swap3A_2078], %broadcast_in_dim3A_2068 {strides = array<i32>} : memref<32x1024xf32, #tpu.memory_space<vmem>>, vector<1x256xf32>,
      %convert_element_type3A_2080 = arith.fptosi %broadcast_in_dim3A_2076 : vector<1x256xf32> to vector<1x256xi32>
      %swap3A_2081 = arith.constant 13 : index
      %swap3A_2082 = arith.constant 256 : index
      %swap3A_2083 = vector.load %arg4[%swap3A_2081, %swap3A_2082] : memref<32x1024xi32, #tpu.memory_space<vmem>>, vector<1x256xi32>
      tpu.vector_store %arg4[%swap3A_2081, %swap3A_2082], %convert_element_type3A_2080 {strides = array<i32>} : memref<32x1024xi32, #tpu.memory_space<vmem>>, vector<1x256xi32>,
      %mul3A_2084 = arith.constant 7.812500e-03 : f32
      %mul3A_2085 = vector.broadcast %mul3A_2084 : f32 to vector<1x256xf32>
      %mul3A_2086 = arith.mulf %broadcast_in_dim3A_2076, %mul3A_2085 : vector<1x256xf32>
      %floor3A_2087 = math.floor %mul3A_2086 : vector<1x256xf32>
      %eq3A_2088 = vector.broadcast %floor3A_2087 : vector<1x256xf32> to vector<1024x256xf32>
      %eq3A_2089 = arith.cmpf oeq, %convert_element_type3A_1706, %eq3A_2088 : vector<1024x256xf32>
      %jit3A_2090 = arith.constant 0xFF800000 : f32
      %broadcast_in_dim3A_2091 = vector.broadcast %jit3A_2090 : f32 to vector<1024x256xf32>
      %select_n3A_2092 = arith.select %eq3A_2089, %broadcast_in_dim3A_2091, %select_n3A_2065 : vector<1024x256xi1>, vector<1024x256xf32>
      %reduce_max3A_2093 = arith.constant dense<0xFF800000> : vector<256xf32>
      %reduce_max3A_2094 = vector.multi_reduction <maximumf>, %select_n3A_2092, %reduce_max3A_2093 [0] : vector<1024x256xf32> to vector<256xf32>
      %broadcast_in_dim3A_2095 = vector.shape_cast %reduce_max3A_2094 : vector<256xf32> to vector<1x256xf32>
      %eq3A_2096 = vector.broadcast %broadcast_in_dim3A_2095 : vector<1x256xf32> to vector<1024x256xf32>
      %eq3A_2097 = arith.cmpf oeq, %select_n3A_2092, %eq3A_2096 : vector<1024x256xf32>
      %jit3A_2098 = arith.constant 0xFF800000 : f32
      %broadcast_in_dim3A_2099 = vector.broadcast %jit3A_2098 : f32 to vector<1024x256xf32>
      %select_n3A_2100 = arith.select %eq3A_2097, %convert_element_type3A_1714, %broadcast_in_dim3A_2099 : vector<1024x256xi1>, vector<1024x256xf32>
      %reduce_max3A_2101 = arith.constant dense<0xFF800000> : vector<256xf32>
      %reduce_max3A_2102 = vector.multi_reduction <maximumf>, %select_n3A_2100, %reduce_max3A_2101 [0] : vector<1024x256xf32> to vector<256xf32>
      %broadcast_in_dim3A_2103 = vector.shape_cast %reduce_max3A_2102 : vector<256xf32> to vector<1x256xf32>
      %swap3A_2104 = arith.constant 14 : index
      %swap3A_2105 = arith.constant 256 : index
      %swap3A_2106 = vector.load %arg3[%swap3A_2104, %swap3A_2105] : memref<32x1024xf32, #tpu.memory_space<vmem>>, vector<1x256xf32>
      tpu.vector_store %arg3[%swap3A_2104, %swap3A_2105], %broadcast_in_dim3A_2095 {strides = array<i32>} : memref<32x1024xf32, #tpu.memory_space<vmem>>, vector<1x256xf32>,
      %convert_element_type3A_2107 = arith.fptosi %broadcast_in_dim3A_2103 : vector<1x256xf32> to vector<1x256xi32>
      %swap3A_2108 = arith.constant 14 : index
      %swap3A_2109 = arith.constant 256 : index
      %swap3A_2110 = vector.load %arg4[%swap3A_2108, %swap3A_2109] : memref<32x1024xi32, #tpu.memory_space<vmem>>, vector<1x256xi32>
      tpu.vector_store %arg4[%swap3A_2108, %swap3A_2109], %convert_element_type3A_2107 {strides = array<i32>} : memref<32x1024xi32, #tpu.memory_space<vmem>>, vector<1x256xi32>,
      %mul3A_2111 = arith.constant 7.812500e-03 : f32
      %mul3A_2112 = vector.broadcast %mul3A_2111 : f32 to vector<1x256xf32>
      %mul3A_2113 = arith.mulf %broadcast_in_dim3A_2103, %mul3A_2112 : vector<1x256xf32>
      %floor3A_2114 = math.floor %mul3A_2113 : vector<1x256xf32>
      %eq3A_2115 = vector.broadcast %floor3A_2114 : vector<1x256xf32> to vector<1024x256xf32>
      %eq3A_2116 = arith.cmpf oeq, %convert_element_type3A_1706, %eq3A_2115 : vector<1024x256xf32>
      %jit3A_2117 = arith.constant 0xFF800000 : f32
      %broadcast_in_dim3A_2118 = vector.broadcast %jit3A_2117 : f32 to vector<1024x256xf32>
      %select_n3A_2119 = arith.select %eq3A_2116, %broadcast_in_dim3A_2118, %select_n3A_2092 : vector<1024x256xi1>, vector<1024x256xf32>
      %reduce_max3A_2120 = arith.constant dense<0xFF800000> : vector<256xf32>
      %reduce_max3A_2121 = vector.multi_reduction <maximumf>, %select_n3A_2119, %reduce_max3A_2120 [0] : vector<1024x256xf32> to vector<256xf32>
      %broadcast_in_dim3A_2122 = vector.shape_cast %reduce_max3A_2121 : vector<256xf32> to vector<1x256xf32>
      %eq3A_2123 = vector.broadcast %broadcast_in_dim3A_2122 : vector<1x256xf32> to vector<1024x256xf32>
      %eq3A_2124 = arith.cmpf oeq, %select_n3A_2119, %eq3A_2123 : vector<1024x256xf32>
      %jit3A_2125 = arith.constant 0xFF800000 : f32
      %broadcast_in_dim3A_2126 = vector.broadcast %jit3A_2125 : f32 to vector<1024x256xf32>
      %select_n3A_2127 = arith.select %eq3A_2124, %convert_element_type3A_1714, %broadcast_in_dim3A_2126 : vector<1024x256xi1>, vector<1024x256xf32>
      %reduce_max3A_2128 = arith.constant dense<0xFF800000> : vector<256xf32>
      %reduce_max3A_2129 = vector.multi_reduction <maximumf>, %select_n3A_2127, %reduce_max3A_2128 [0] : vector<1024x256xf32> to vector<256xf32>
      %broadcast_in_dim3A_2130 = vector.shape_cast %reduce_max3A_2129 : vector<256xf32> to vector<1x256xf32>
      %swap3A_2131 = arith.constant 15 : index
      %swap3A_2132 = arith.constant 256 : index
      %swap3A_2133 = vector.load %arg3[%swap3A_2131, %swap3A_2132] : memref<32x1024xf32, #tpu.memory_space<vmem>>, vector<1x256xf32>
      tpu.vector_store %arg3[%swap3A_2131, %swap3A_2132], %broadcast_in_dim3A_2122 {strides = array<i32>} : memref<32x1024xf32, #tpu.memory_space<vmem>>, vector<1x256xf32>,
      %convert_element_type3A_2134 = arith.fptosi %broadcast_in_dim3A_2130 : vector<1x256xf32> to vector<1x256xi32>
      %swap3A_2135 = arith.constant 15 : index
      %swap3A_2136 = arith.constant 256 : index
      %swap3A_2137 = vector.load %arg4[%swap3A_2135, %swap3A_2136] : memref<32x1024xi32, #tpu.memory_space<vmem>>, vector<1x256xi32>
      tpu.vector_store %arg4[%swap3A_2135, %swap3A_2136], %convert_element_type3A_2134 {strides = array<i32>} : memref<32x1024xi32, #tpu.memory_space<vmem>>, vector<1x256xi32>,
      %mul3A_2138 = arith.constant 7.812500e-03 : f32
      %mul3A_2139 = vector.broadcast %mul3A_2138 : f32 to vector<1x256xf32>
      %mul3A_2140 = arith.mulf %broadcast_in_dim3A_2130, %mul3A_2139 : vector<1x256xf32>
      %floor3A_2141 = math.floor %mul3A_2140 : vector<1x256xf32>
      %eq3A_2142 = vector.broadcast %floor3A_2141 : vector<1x256xf32> to vector<1024x256xf32>
      %eq3A_2143 = arith.cmpf oeq, %convert_element_type3A_1706, %eq3A_2142 : vector<1024x256xf32>
      %jit3A_2144 = arith.constant 0xFF800000 : f32
      %broadcast_in_dim3A_2145 = vector.broadcast %jit3A_2144 : f32 to vector<1024x256xf32>
      %select_n3A_2146 = arith.select %eq3A_2143, %broadcast_in_dim3A_2145, %select_n3A_2119 : vector<1024x256xi1>, vector<1024x256xf32>
      %reduce_max3A_2147 = arith.constant dense<0xFF800000> : vector<256xf32>
      %reduce_max3A_2148 = vector.multi_reduction <maximumf>, %select_n3A_2146, %reduce_max3A_2147 [0] : vector<1024x256xf32> to vector<256xf32>
      %broadcast_in_dim3A_2149 = vector.shape_cast %reduce_max3A_2148 : vector<256xf32> to vector<1x256xf32>
      %eq3A_2150 = vector.broadcast %broadcast_in_dim3A_2149 : vector<1x256xf32> to vector<1024x256xf32>
      %eq3A_2151 = arith.cmpf oeq, %select_n3A_2146, %eq3A_2150 : vector<1024x256xf32>
      %jit3A_2152 = arith.constant 0xFF800000 : f32
      %broadcast_in_dim3A_2153 = vector.broadcast %jit3A_2152 : f32 to vector<1024x256xf32>
      %select_n3A_2154 = arith.select %eq3A_2151, %convert_element_type3A_1714, %broadcast_in_dim3A_2153 : vector<1024x256xi1>, vector<1024x256xf32>
      %reduce_max3A_2155 = arith.constant dense<0xFF800000> : vector<256xf32>
      %reduce_max3A_2156 = vector.multi_reduction <maximumf>, %select_n3A_2154, %reduce_max3A_2155 [0] : vector<1024x256xf32> to vector<256xf32>
      %broadcast_in_dim3A_2157 = vector.shape_cast %reduce_max3A_2156 : vector<256xf32> to vector<1x256xf32>
      %swap3A_2158 = arith.constant 16 : index
      %swap3A_2159 = arith.constant 256 : index
      %swap3A_2160 = vector.load %arg3[%swap3A_2158, %swap3A_2159] : memref<32x1024xf32, #tpu.memory_space<vmem>>, vector<1x256xf32>
      tpu.vector_store %arg3[%swap3A_2158, %swap3A_2159], %broadcast_in_dim3A_2149 {strides = array<i32>} : memref<32x1024xf32, #tpu.memory_space<vmem>>, vector<1x256xf32>,
      %convert_element_type3A_2161 = arith.fptosi %broadcast_in_dim3A_2157 : vector<1x256xf32> to vector<1x256xi32>
      %swap3A_2162 = arith.constant 16 : index
      %swap3A_2163 = arith.constant 256 : index
      %swap3A_2164 = vector.load %arg4[%swap3A_2162, %swap3A_2163] : memref<32x1024xi32, #tpu.memory_space<vmem>>, vector<1x256xi32>
      tpu.vector_store %arg4[%swap3A_2162, %swap3A_2163], %convert_element_type3A_2161 {strides = array<i32>} : memref<32x1024xi32, #tpu.memory_space<vmem>>, vector<1x256xi32>,
      %mul3A_2165 = arith.constant 7.812500e-03 : f32
      %mul3A_2166 = vector.broadcast %mul3A_2165 : f32 to vector<1x256xf32>
      %mul3A_2167 = arith.mulf %broadcast_in_dim3A_2157, %mul3A_2166 : vector<1x256xf32>
      %floor3A_2168 = math.floor %mul3A_2167 : vector<1x256xf32>
      %eq3A_2169 = vector.broadcast %floor3A_2168 : vector<1x256xf32> to vector<1024x256xf32>
      %eq3A_2170 = arith.cmpf oeq, %convert_element_type3A_1706, %eq3A_2169 : vector<1024x256xf32>
      %jit3A_2171 = arith.constant 0xFF800000 : f32
      %broadcast_in_dim3A_2172 = vector.broadcast %jit3A_2171 : f32 to vector<1024x256xf32>
      %select_n3A_2173 = arith.select %eq3A_2170, %broadcast_in_dim3A_2172, %select_n3A_2146 : vector<1024x256xi1>, vector<1024x256xf32>
      %reduce_max3A_2174 = arith.constant dense<0xFF800000> : vector<256xf32>
      %reduce_max3A_2175 = vector.multi_reduction <maximumf>, %select_n3A_2173, %reduce_max3A_2174 [0] : vector<1024x256xf32> to vector<256xf32>
      %broadcast_in_dim3A_2176 = vector.shape_cast %reduce_max3A_2175 : vector<256xf32> to vector<1x256xf32>
      %eq3A_2177 = vector.broadcast %broadcast_in_dim3A_2176 : vector<1x256xf32> to vector<1024x256xf32>
      %eq3A_2178 = arith.cmpf oeq, %select_n3A_2173, %eq3A_2177 : vector<1024x256xf32>
      %jit3A_2179 = arith.constant 0xFF800000 : f32
      %broadcast_in_dim3A_2180 = vector.broadcast %jit3A_2179 : f32 to vector<1024x256xf32>
      %select_n3A_2181 = arith.select %eq3A_2178, %convert_element_type3A_1714, %broadcast_in_dim3A_2180 : vector<1024x256xi1>, vector<1024x256xf32>
      %reduce_max3A_2182 = arith.constant dense<0xFF800000> : vector<256xf32>
      %reduce_max3A_2183 = vector.multi_reduction <maximumf>, %select_n3A_2181, %reduce_max3A_2182 [0] : vector<1024x256xf32> to vector<256xf32>
      %broadcast_in_dim3A_2184 = vector.shape_cast %reduce_max3A_2183 : vector<256xf32> to vector<1x256xf32>
      %swap3A_2185 = arith.constant 17 : index
      %swap3A_2186 = arith.constant 256 : index
      %swap3A_2187 = vector.load %arg3[%swap3A_2185, %swap3A_2186] : memref<32x1024xf32, #tpu.memory_space<vmem>>, vector<1x256xf32>
      tpu.vector_store %arg3[%swap3A_2185, %swap3A_2186], %broadcast_in_dim3A_2176 {strides = array<i32>} : memref<32x1024xf32, #tpu.memory_space<vmem>>, vector<1x256xf32>,
      %convert_element_type3A_2188 = arith.fptosi %broadcast_in_dim3A_2184 : vector<1x256xf32> to vector<1x256xi32>
      %swap3A_2189 = arith.constant 17 : index
      %swap3A_2190 = arith.constant 256 : index
      %swap3A_2191 = vector.load %arg4[%swap3A_2189, %swap3A_2190] : memref<32x1024xi32, #tpu.memory_space<vmem>>, vector<1x256xi32>
      tpu.vector_store %arg4[%swap3A_2189, %swap3A_2190], %convert_element_type3A_2188 {strides = array<i32>} : memref<32x1024xi32, #tpu.memory_space<vmem>>, vector<1x256xi32>,
      %mul3A_2192 = arith.constant 7.812500e-03 : f32
      %mul3A_2193 = vector.broadcast %mul3A_2192 : f32 to vector<1x256xf32>
      %mul3A_2194 = arith.mulf %broadcast_in_dim3A_2184, %mul3A_2193 : vector<1x256xf32>
      %floor3A_2195 = math.floor %mul3A_2194 : vector<1x256xf32>
      %eq3A_2196 = vector.broadcast %floor3A_2195 : vector<1x256xf32> to vector<1024x256xf32>
      %eq3A_2197 = arith.cmpf oeq, %convert_element_type3A_1706, %eq3A_2196 : vector<1024x256xf32>
      %jit3A_2198 = arith.constant 0xFF800000 : f32
      %broadcast_in_dim3A_2199 = vector.broadcast %jit3A_2198 : f32 to vector<1024x256xf32>
      %select_n3A_2200 = arith.select %eq3A_2197, %broadcast_in_dim3A_2199, %select_n3A_2173 : vector<1024x256xi1>, vector<1024x256xf32>
      %reduce_max3A_2201 = arith.constant dense<0xFF800000> : vector<256xf32>
      %reduce_max3A_2202 = vector.multi_reduction <maximumf>, %select_n3A_2200, %reduce_max3A_2201 [0] : vector<1024x256xf32> to vector<256xf32>
      %broadcast_in_dim3A_2203 = vector.shape_cast %reduce_max3A_2202 : vector<256xf32> to vector<1x256xf32>
      %eq3A_2204 = vector.broadcast %broadcast_in_dim3A_2203 : vector<1x256xf32> to vector<1024x256xf32>
      %eq3A_2205 = arith.cmpf oeq, %select_n3A_2200, %eq3A_2204 : vector<1024x256xf32>
      %jit3A_2206 = arith.constant 0xFF800000 : f32
      %broadcast_in_dim3A_2207 = vector.broadcast %jit3A_2206 : f32 to vector<1024x256xf32>
      %select_n3A_2208 = arith.select %eq3A_2205, %convert_element_type3A_1714, %broadcast_in_dim3A_2207 : vector<1024x256xi1>, vector<1024x256xf32>
      %reduce_max3A_2209 = arith.constant dense<0xFF800000> : vector<256xf32>
      %reduce_max3A_2210 = vector.multi_reduction <maximumf>, %select_n3A_2208, %reduce_max3A_2209 [0] : vector<1024x256xf32> to vector<256xf32>
      %broadcast_in_dim3A_2211 = vector.shape_cast %reduce_max3A_2210 : vector<256xf32> to vector<1x256xf32>
      %swap3A_2212 = arith.constant 18 : index
      %swap3A_2213 = arith.constant 256 : index
      %swap3A_2214 = vector.load %arg3[%swap3A_2212, %swap3A_2213] : memref<32x1024xf32, #tpu.memory_space<vmem>>, vector<1x256xf32>
      tpu.vector_store %arg3[%swap3A_2212, %swap3A_2213], %broadcast_in_dim3A_2203 {strides = array<i32>} : memref<32x1024xf32, #tpu.memory_space<vmem>>, vector<1x256xf32>,
      %convert_element_type3A_2215 = arith.fptosi %broadcast_in_dim3A_2211 : vector<1x256xf32> to vector<1x256xi32>
      %swap3A_2216 = arith.constant 18 : index
      %swap3A_2217 = arith.constant 256 : index
      %swap3A_2218 = vector.load %arg4[%swap3A_2216, %swap3A_2217] : memref<32x1024xi32, #tpu.memory_space<vmem>>, vector<1x256xi32>
      tpu.vector_store %arg4[%swap3A_2216, %swap3A_2217], %convert_element_type3A_2215 {strides = array<i32>} : memref<32x1024xi32, #tpu.memory_space<vmem>>, vector<1x256xi32>,
      %mul3A_2219 = arith.constant 7.812500e-03 : f32
      %mul3A_2220 = vector.broadcast %mul3A_2219 : f32 to vector<1x256xf32>
      %mul3A_2221 = arith.mulf %broadcast_in_dim3A_2211, %mul3A_2220 : vector<1x256xf32>
      %floor3A_2222 = math.floor %mul3A_2221 : vector<1x256xf32>
      %eq3A_2223 = vector.broadcast %floor3A_2222 : vector<1x256xf32> to vector<1024x256xf32>
      %eq3A_2224 = arith.cmpf oeq, %convert_element_type3A_1706, %eq3A_2223 : vector<1024x256xf32>
      %jit3A_2225 = arith.constant 0xFF800000 : f32
      %broadcast_in_dim3A_2226 = vector.broadcast %jit3A_2225 : f32 to vector<1024x256xf32>
      %select_n3A_2227 = arith.select %eq3A_2224, %broadcast_in_dim3A_2226, %select_n3A_2200 : vector<1024x256xi1>, vector<1024x256xf32>
      %reduce_max3A_2228 = arith.constant dense<0xFF800000> : vector<256xf32>
      %reduce_max3A_2229 = vector.multi_reduction <maximumf>, %select_n3A_2227, %reduce_max3A_2228 [0] : vector<1024x256xf32> to vector<256xf32>
      %broadcast_in_dim3A_2230 = vector.shape_cast %reduce_max3A_2229 : vector<256xf32> to vector<1x256xf32>
      %eq3A_2231 = vector.broadcast %broadcast_in_dim3A_2230 : vector<1x256xf32> to vector<1024x256xf32>
      %eq3A_2232 = arith.cmpf oeq, %select_n3A_2227, %eq3A_2231 : vector<1024x256xf32>
      %jit3A_2233 = arith.constant 0xFF800000 : f32
      %broadcast_in_dim3A_2234 = vector.broadcast %jit3A_2233 : f32 to vector<1024x256xf32>
      %select_n3A_2235 = arith.select %eq3A_2232, %convert_element_type3A_1714, %broadcast_in_dim3A_2234 : vector<1024x256xi1>, vector<1024x256xf32>
      %reduce_max3A_2236 = arith.constant dense<0xFF800000> : vector<256xf32>
      %reduce_max3A_2237 = vector.multi_reduction <maximumf>, %select_n3A_2235, %reduce_max3A_2236 [0] : vector<1024x256xf32> to vector<256xf32>
      %broadcast_in_dim3A_2238 = vector.shape_cast %reduce_max3A_2237 : vector<256xf32> to vector<1x256xf32>
      %swap3A_2239 = arith.constant 19 : index
      %swap3A_2240 = arith.constant 256 : index
      %swap3A_2241 = vector.load %arg3[%swap3A_2239, %swap3A_2240] : memref<32x1024xf32, #tpu.memory_space<vmem>>, vector<1x256xf32>
      tpu.vector_store %arg3[%swap3A_2239, %swap3A_2240], %broadcast_in_dim3A_2230 {strides = array<i32>} : memref<32x1024xf32, #tpu.memory_space<vmem>>, vector<1x256xf32>,
      %convert_element_type3A_2242 = arith.fptosi %broadcast_in_dim3A_2238 : vector<1x256xf32> to vector<1x256xi32>
      %swap3A_2243 = arith.constant 19 : index
      %swap3A_2244 = arith.constant 256 : index
      %swap3A_2245 = vector.load %arg4[%swap3A_2243, %swap3A_2244] : memref<32x1024xi32, #tpu.memory_space<vmem>>, vector<1x256xi32>
      tpu.vector_store %arg4[%swap3A_2243, %swap3A_2244], %convert_element_type3A_2242 {strides = array<i32>} : memref<32x1024xi32, #tpu.memory_space<vmem>>, vector<1x256xi32>,
      %mul3A_2246 = arith.constant 7.812500e-03 : f32
      %mul3A_2247 = vector.broadcast %mul3A_2246 : f32 to vector<1x256xf32>
      %mul3A_2248 = arith.mulf %broadcast_in_dim3A_2238, %mul3A_2247 : vector<1x256xf32>
      %floor3A_2249 = math.floor %mul3A_2248 : vector<1x256xf32>
      %eq3A_2250 = vector.broadcast %floor3A_2249 : vector<1x256xf32> to vector<1024x256xf32>
      %eq3A_2251 = arith.cmpf oeq, %convert_element_type3A_1706, %eq3A_2250 : vector<1024x256xf32>
      %jit3A_2252 = arith.constant 0xFF800000 : f32
      %broadcast_in_dim3A_2253 = vector.broadcast %jit3A_2252 : f32 to vector<1024x256xf32>
      %select_n3A_2254 = arith.select %eq3A_2251, %broadcast_in_dim3A_2253, %select_n3A_2227 : vector<1024x256xi1>, vector<1024x256xf32>
      %reduce_max3A_2255 = arith.constant dense<0xFF800000> : vector<256xf32>
      %reduce_max3A_2256 = vector.multi_reduction <maximumf>, %select_n3A_2254, %reduce_max3A_2255 [0] : vector<1024x256xf32> to vector<256xf32>
      %broadcast_in_dim3A_2257 = vector.shape_cast %reduce_max3A_2256 : vector<256xf32> to vector<1x256xf32>
      %eq3A_2258 = vector.broadcast %broadcast_in_dim3A_2257 : vector<1x256xf32> to vector<1024x256xf32>
      %eq3A_2259 = arith.cmpf oeq, %select_n3A_2254, %eq3A_2258 : vector<1024x256xf32>
      %jit3A_2260 = arith.constant 0xFF800000 : f32
      %broadcast_in_dim3A_2261 = vector.broadcast %jit3A_2260 : f32 to vector<1024x256xf32>
      %select_n3A_2262 = arith.select %eq3A_2259, %convert_element_type3A_1714, %broadcast_in_dim3A_2261 : vector<1024x256xi1>, vector<1024x256xf32>
      %reduce_max3A_2263 = arith.constant dense<0xFF800000> : vector<256xf32>
      %reduce_max3A_2264 = vector.multi_reduction <maximumf>, %select_n3A_2262, %reduce_max3A_2263 [0] : vector<1024x256xf32> to vector<256xf32>
      %broadcast_in_dim3A_2265 = vector.shape_cast %reduce_max3A_2264 : vector<256xf32> to vector<1x256xf32>
      %swap3A_2266 = arith.constant 20 : index
      %swap3A_2267 = arith.constant 256 : index
      %swap3A_2268 = vector.load %arg3[%swap3A_2266, %swap3A_2267] : memref<32x1024xf32, #tpu.memory_space<vmem>>, vector<1x256xf32>
      tpu.vector_store %arg3[%swap3A_2266, %swap3A_2267], %broadcast_in_dim3A_2257 {strides = array<i32>} : memref<32x1024xf32, #tpu.memory_space<vmem>>, vector<1x256xf32>,
      %convert_element_type3A_2269 = arith.fptosi %broadcast_in_dim3A_2265 : vector<1x256xf32> to vector<1x256xi32>
      %swap3A_2270 = arith.constant 20 : index
      %swap3A_2271 = arith.constant 256 : index
      %swap3A_2272 = vector.load %arg4[%swap3A_2270, %swap3A_2271] : memref<32x1024xi32, #tpu.memory_space<vmem>>, vector<1x256xi32>
      tpu.vector_store %arg4[%swap3A_2270, %swap3A_2271], %convert_element_type3A_2269 {strides = array<i32>} : memref<32x1024xi32, #tpu.memory_space<vmem>>, vector<1x256xi32>,
      %mul3A_2273 = arith.constant 7.812500e-03 : f32
      %mul3A_2274 = vector.broadcast %mul3A_2273 : f32 to vector<1x256xf32>
      %mul3A_2275 = arith.mulf %broadcast_in_dim3A_2265, %mul3A_2274 : vector<1x256xf32>
      %floor3A_2276 = math.floor %mul3A_2275 : vector<1x256xf32>
      %eq3A_2277 = vector.broadcast %floor3A_2276 : vector<1x256xf32> to vector<1024x256xf32>
      %eq3A_2278 = arith.cmpf oeq, %convert_element_type3A_1706, %eq3A_2277 : vector<1024x256xf32>
      %jit3A_2279 = arith.constant 0xFF800000 : f32
      %broadcast_in_dim3A_2280 = vector.broadcast %jit3A_2279 : f32 to vector<1024x256xf32>
      %select_n3A_2281 = arith.select %eq3A_2278, %broadcast_in_dim3A_2280, %select_n3A_2254 : vector<1024x256xi1>, vector<1024x256xf32>
      %reduce_max3A_2282 = arith.constant dense<0xFF800000> : vector<256xf32>
      %reduce_max3A_2283 = vector.multi_reduction <maximumf>, %select_n3A_2281, %reduce_max3A_2282 [0] : vector<1024x256xf32> to vector<256xf32>
      %broadcast_in_dim3A_2284 = vector.shape_cast %reduce_max3A_2283 : vector<256xf32> to vector<1x256xf32>
      %eq3A_2285 = vector.broadcast %broadcast_in_dim3A_2284 : vector<1x256xf32> to vector<1024x256xf32>
      %eq3A_2286 = arith.cmpf oeq, %select_n3A_2281, %eq3A_2285 : vector<1024x256xf32>
      %jit3A_2287 = arith.constant 0xFF800000 : f32
      %broadcast_in_dim3A_2288 = vector.broadcast %jit3A_2287 : f32 to vector<1024x256xf32>
      %select_n3A_2289 = arith.select %eq3A_2286, %convert_element_type3A_1714, %broadcast_in_dim3A_2288 : vector<1024x256xi1>, vector<1024x256xf32>
      %reduce_max3A_2290 = arith.constant dense<0xFF800000> : vector<256xf32>
      %reduce_max3A_2291 = vector.multi_reduction <maximumf>, %select_n3A_2289, %reduce_max3A_2290 [0] : vector<1024x256xf32> to vector<256xf32>
      %broadcast_in_dim3A_2292 = vector.shape_cast %reduce_max3A_2291 : vector<256xf32> to vector<1x256xf32>
      %swap3A_2293 = arith.constant 21 : index
      %swap3A_2294 = arith.constant 256 : index
      %swap3A_2295 = vector.load %arg3[%swap3A_2293, %swap3A_2294] : memref<32x1024xf32, #tpu.memory_space<vmem>>, vector<1x256xf32>
      tpu.vector_store %arg3[%swap3A_2293, %swap3A_2294], %broadcast_in_dim3A_2284 {strides = array<i32>} : memref<32x1024xf32, #tpu.memory_space<vmem>>, vector<1x256xf32>,
      %convert_element_type3A_2296 = arith.fptosi %broadcast_in_dim3A_2292 : vector<1x256xf32> to vector<1x256xi32>
      %swap3A_2297 = arith.constant 21 : index
      %swap3A_2298 = arith.constant 256 : index
      %swap3A_2299 = vector.load %arg4[%swap3A_2297, %swap3A_2298] : memref<32x1024xi32, #tpu.memory_space<vmem>>, vector<1x256xi32>
      tpu.vector_store %arg4[%swap3A_2297, %swap3A_2298], %convert_element_type3A_2296 {strides = array<i32>} : memref<32x1024xi32, #tpu.memory_space<vmem>>, vector<1x256xi32>,
      %mul3A_2300 = arith.constant 7.812500e-03 : f32
      %mul3A_2301 = vector.broadcast %mul3A_2300 : f32 to vector<1x256xf32>
      %mul3A_2302 = arith.mulf %broadcast_in_dim3A_2292, %mul3A_2301 : vector<1x256xf32>
      %floor3A_2303 = math.floor %mul3A_2302 : vector<1x256xf32>
      %eq3A_2304 = vector.broadcast %floor3A_2303 : vector<1x256xf32> to vector<1024x256xf32>
      %eq3A_2305 = arith.cmpf oeq, %convert_element_type3A_1706, %eq3A_2304 : vector<1024x256xf32>
      %jit3A_2306 = arith.constant 0xFF800000 : f32
      %broadcast_in_dim3A_2307 = vector.broadcast %jit3A_2306 : f32 to vector<1024x256xf32>
      %select_n3A_2308 = arith.select %eq3A_2305, %broadcast_in_dim3A_2307, %select_n3A_2281 : vector<1024x256xi1>, vector<1024x256xf32>
      %reduce_max3A_2309 = arith.constant dense<0xFF800000> : vector<256xf32>
      %reduce_max3A_2310 = vector.multi_reduction <maximumf>, %select_n3A_2308, %reduce_max3A_2309 [0] : vector<1024x256xf32> to vector<256xf32>
      %broadcast_in_dim3A_2311 = vector.shape_cast %reduce_max3A_2310 : vector<256xf32> to vector<1x256xf32>
      %eq3A_2312 = vector.broadcast %broadcast_in_dim3A_2311 : vector<1x256xf32> to vector<1024x256xf32>
      %eq3A_2313 = arith.cmpf oeq, %select_n3A_2308, %eq3A_2312 : vector<1024x256xf32>
      %jit3A_2314 = arith.constant 0xFF800000 : f32
      %broadcast_in_dim3A_2315 = vector.broadcast %jit3A_2314 : f32 to vector<1024x256xf32>
      %select_n3A_2316 = arith.select %eq3A_2313, %convert_element_type3A_1714, %broadcast_in_dim3A_2315 : vector<1024x256xi1>, vector<1024x256xf32>
      %reduce_max3A_2317 = arith.constant dense<0xFF800000> : vector<256xf32>
      %reduce_max3A_2318 = vector.multi_reduction <maximumf>, %select_n3A_2316, %reduce_max3A_2317 [0] : vector<1024x256xf32> to vector<256xf32>
      %broadcast_in_dim3A_2319 = vector.shape_cast %reduce_max3A_2318 : vector<256xf32> to vector<1x256xf32>
      %swap3A_2320 = arith.constant 22 : index
      %swap3A_2321 = arith.constant 256 : index
      %swap3A_2322 = vector.load %arg3[%swap3A_2320, %swap3A_2321] : memref<32x1024xf32, #tpu.memory_space<vmem>>, vector<1x256xf32>
      tpu.vector_store %arg3[%swap3A_2320, %swap3A_2321], %broadcast_in_dim3A_2311 {strides = array<i32>} : memref<32x1024xf32, #tpu.memory_space<vmem>>, vector<1x256xf32>,
      %convert_element_type3A_2323 = arith.fptosi %broadcast_in_dim3A_2319 : vector<1x256xf32> to vector<1x256xi32>
      %swap3A_2324 = arith.constant 22 : index
      %swap3A_2325 = arith.constant 256 : index
      %swap3A_2326 = vector.load %arg4[%swap3A_2324, %swap3A_2325] : memref<32x1024xi32, #tpu.memory_space<vmem>>, vector<1x256xi32>
      tpu.vector_store %arg4[%swap3A_2324, %swap3A_2325], %convert_element_type3A_2323 {strides = array<i32>} : memref<32x1024xi32, #tpu.memory_space<vmem>>, vector<1x256xi32>,
      %mul3A_2327 = arith.constant 7.812500e-03 : f32
      %mul3A_2328 = vector.broadcast %mul3A_2327 : f32 to vector<1x256xf32>
      %mul3A_2329 = arith.mulf %broadcast_in_dim3A_2319, %mul3A_2328 : vector<1x256xf32>
      %floor3A_2330 = math.floor %mul3A_2329 : vector<1x256xf32>
      %eq3A_2331 = vector.broadcast %floor3A_2330 : vector<1x256xf32> to vector<1024x256xf32>
      %eq3A_2332 = arith.cmpf oeq, %convert_element_type3A_1706, %eq3A_2331 : vector<1024x256xf32>
      %jit3A_2333 = arith.constant 0xFF800000 : f32
      %broadcast_in_dim3A_2334 = vector.broadcast %jit3A_2333 : f32 to vector<1024x256xf32>
      %select_n3A_2335 = arith.select %eq3A_2332, %broadcast_in_dim3A_2334, %select_n3A_2308 : vector<1024x256xi1>, vector<1024x256xf32>
      %reduce_max3A_2336 = arith.constant dense<0xFF800000> : vector<256xf32>
      %reduce_max3A_2337 = vector.multi_reduction <maximumf>, %select_n3A_2335, %reduce_max3A_2336 [0] : vector<1024x256xf32> to vector<256xf32>
      %broadcast_in_dim3A_2338 = vector.shape_cast %reduce_max3A_2337 : vector<256xf32> to vector<1x256xf32>
      %eq3A_2339 = vector.broadcast %broadcast_in_dim3A_2338 : vector<1x256xf32> to vector<1024x256xf32>
      %eq3A_2340 = arith.cmpf oeq, %select_n3A_2335, %eq3A_2339 : vector<1024x256xf32>
      %jit3A_2341 = arith.constant 0xFF800000 : f32
      %broadcast_in_dim3A_2342 = vector.broadcast %jit3A_2341 : f32 to vector<1024x256xf32>
      %select_n3A_2343 = arith.select %eq3A_2340, %convert_element_type3A_1714, %broadcast_in_dim3A_2342 : vector<1024x256xi1>, vector<1024x256xf32>
      %reduce_max3A_2344 = arith.constant dense<0xFF800000> : vector<256xf32>
      %reduce_max3A_2345 = vector.multi_reduction <maximumf>, %select_n3A_2343, %reduce_max3A_2344 [0] : vector<1024x256xf32> to vector<256xf32>
      %broadcast_in_dim3A_2346 = vector.shape_cast %reduce_max3A_2345 : vector<256xf32> to vector<1x256xf32>
      %swap3A_2347 = arith.constant 23 : index
      %swap3A_2348 = arith.constant 256 : index
      %swap3A_2349 = vector.load %arg3[%swap3A_2347, %swap3A_2348] : memref<32x1024xf32, #tpu.memory_space<vmem>>, vector<1x256xf32>
      tpu.vector_store %arg3[%swap3A_2347, %swap3A_2348], %broadcast_in_dim3A_2338 {strides = array<i32>} : memref<32x1024xf32, #tpu.memory_space<vmem>>, vector<1x256xf32>,
      %convert_element_type3A_2350 = arith.fptosi %broadcast_in_dim3A_2346 : vector<1x256xf32> to vector<1x256xi32>
      %swap3A_2351 = arith.constant 23 : index
      %swap3A_2352 = arith.constant 256 : index
      %swap3A_2353 = vector.load %arg4[%swap3A_2351, %swap3A_2352] : memref<32x1024xi32, #tpu.memory_space<vmem>>, vector<1x256xi32>
      tpu.vector_store %arg4[%swap3A_2351, %swap3A_2352], %convert_element_type3A_2350 {strides = array<i32>} : memref<32x1024xi32, #tpu.memory_space<vmem>>, vector<1x256xi32>,
      %mul3A_2354 = arith.constant 7.812500e-03 : f32
      %mul3A_2355 = vector.broadcast %mul3A_2354 : f32 to vector<1x256xf32>
      %mul3A_2356 = arith.mulf %broadcast_in_dim3A_2346, %mul3A_2355 : vector<1x256xf32>
      %floor3A_2357 = math.floor %mul3A_2356 : vector<1x256xf32>
      %eq3A_2358 = vector.broadcast %floor3A_2357 : vector<1x256xf32> to vector<1024x256xf32>
      %eq3A_2359 = arith.cmpf oeq, %convert_element_type3A_1706, %eq3A_2358 : vector<1024x256xf32>
      %jit3A_2360 = arith.constant 0xFF800000 : f32
      %broadcast_in_dim3A_2361 = vector.broadcast %jit3A_2360 : f32 to vector<1024x256xf32>
      %select_n3A_2362 = arith.select %eq3A_2359, %broadcast_in_dim3A_2361, %select_n3A_2335 : vector<1024x256xi1>, vector<1024x256xf32>
      %reduce_max3A_2363 = arith.constant dense<0xFF800000> : vector<256xf32>
      %reduce_max3A_2364 = vector.multi_reduction <maximumf>, %select_n3A_2362, %reduce_max3A_2363 [0] : vector<1024x256xf32> to vector<256xf32>
      %broadcast_in_dim3A_2365 = vector.shape_cast %reduce_max3A_2364 : vector<256xf32> to vector<1x256xf32>
      %eq3A_2366 = vector.broadcast %broadcast_in_dim3A_2365 : vector<1x256xf32> to vector<1024x256xf32>
      %eq3A_2367 = arith.cmpf oeq, %select_n3A_2362, %eq3A_2366 : vector<1024x256xf32>
      %jit3A_2368 = arith.constant 0xFF800000 : f32
      %broadcast_in_dim3A_2369 = vector.broadcast %jit3A_2368 : f32 to vector<1024x256xf32>
      %select_n3A_2370 = arith.select %eq3A_2367, %convert_element_type3A_1714, %broadcast_in_dim3A_2369 : vector<1024x256xi1>, vector<1024x256xf32>
      %reduce_max3A_2371 = arith.constant dense<0xFF800000> : vector<256xf32>
      %reduce_max3A_2372 = vector.multi_reduction <maximumf>, %select_n3A_2370, %reduce_max3A_2371 [0] : vector<1024x256xf32> to vector<256xf32>
      %broadcast_in_dim3A_2373 = vector.shape_cast %reduce_max3A_2372 : vector<256xf32> to vector<1x256xf32>
      %swap3A_2374 = arith.constant 24 : index
      %swap3A_2375 = arith.constant 256 : index
      %swap3A_2376 = vector.load %arg3[%swap3A_2374, %swap3A_2375] : memref<32x1024xf32, #tpu.memory_space<vmem>>, vector<1x256xf32>
      tpu.vector_store %arg3[%swap3A_2374, %swap3A_2375], %broadcast_in_dim3A_2365 {strides = array<i32>} : memref<32x1024xf32, #tpu.memory_space<vmem>>, vector<1x256xf32>,
      %convert_element_type3A_2377 = arith.fptosi %broadcast_in_dim3A_2373 : vector<1x256xf32> to vector<1x256xi32>
      %swap3A_2378 = arith.constant 24 : index
      %swap3A_2379 = arith.constant 256 : index
      %swap3A_2380 = vector.load %arg4[%swap3A_2378, %swap3A_2379] : memref<32x1024xi32, #tpu.memory_space<vmem>>, vector<1x256xi32>
      tpu.vector_store %arg4[%swap3A_2378, %swap3A_2379], %convert_element_type3A_2377 {strides = array<i32>} : memref<32x1024xi32, #tpu.memory_space<vmem>>, vector<1x256xi32>,
      %mul3A_2381 = arith.constant 7.812500e-03 : f32
      %mul3A_2382 = vector.broadcast %mul3A_2381 : f32 to vector<1x256xf32>
      %mul3A_2383 = arith.mulf %broadcast_in_dim3A_2373, %mul3A_2382 : vector<1x256xf32>
      %floor3A_2384 = math.floor %mul3A_2383 : vector<1x256xf32>
      %eq3A_2385 = vector.broadcast %floor3A_2384 : vector<1x256xf32> to vector<1024x256xf32>
      %eq3A_2386 = arith.cmpf oeq, %convert_element_type3A_1706, %eq3A_2385 : vector<1024x256xf32>
      %jit3A_2387 = arith.constant 0xFF800000 : f32
      %broadcast_in_dim3A_2388 = vector.broadcast %jit3A_2387 : f32 to vector<1024x256xf32>
      %select_n3A_2389 = arith.select %eq3A_2386, %broadcast_in_dim3A_2388, %select_n3A_2362 : vector<1024x256xi1>, vector<1024x256xf32>
      %reduce_max3A_2390 = arith.constant dense<0xFF800000> : vector<256xf32>
      %reduce_max3A_2391 = vector.multi_reduction <maximumf>, %select_n3A_2389, %reduce_max3A_2390 [0] : vector<1024x256xf32> to vector<256xf32>
      %broadcast_in_dim3A_2392 = vector.shape_cast %reduce_max3A_2391 : vector<256xf32> to vector<1x256xf32>
      %eq3A_2393 = vector.broadcast %broadcast_in_dim3A_2392 : vector<1x256xf32> to vector<1024x256xf32>
      %eq3A_2394 = arith.cmpf oeq, %select_n3A_2389, %eq3A_2393 : vector<1024x256xf32>
      %jit3A_2395 = arith.constant 0xFF800000 : f32
      %broadcast_in_dim3A_2396 = vector.broadcast %jit3A_2395 : f32 to vector<1024x256xf32>
      %select_n3A_2397 = arith.select %eq3A_2394, %convert_element_type3A_1714, %broadcast_in_dim3A_2396 : vector<1024x256xi1>, vector<1024x256xf32>
      %reduce_max3A_2398 = arith.constant dense<0xFF800000> : vector<256xf32>
      %reduce_max3A_2399 = vector.multi_reduction <maximumf>, %select_n3A_2397, %reduce_max3A_2398 [0] : vector<1024x256xf32> to vector<256xf32>
      %broadcast_in_dim3A_2400 = vector.shape_cast %reduce_max3A_2399 : vector<256xf32> to vector<1x256xf32>
      %swap3A_2401 = arith.constant 25 : index
      %swap3A_2402 = arith.constant 256 : index
      %swap3A_2403 = vector.load %arg3[%swap3A_2401, %swap3A_2402] : memref<32x1024xf32, #tpu.memory_space<vmem>>, vector<1x256xf32>
      tpu.vector_store %arg3[%swap3A_2401, %swap3A_2402], %broadcast_in_dim3A_2392 {strides = array<i32>} : memref<32x1024xf32, #tpu.memory_space<vmem>>, vector<1x256xf32>,
      %convert_element_type3A_2404 = arith.fptosi %broadcast_in_dim3A_2400 : vector<1x256xf32> to vector<1x256xi32>
      %swap3A_2405 = arith.constant 25 : index
      %swap3A_2406 = arith.constant 256 : index
      %swap3A_2407 = vector.load %arg4[%swap3A_2405, %swap3A_2406] : memref<32x1024xi32, #tpu.memory_space<vmem>>, vector<1x256xi32>
      tpu.vector_store %arg4[%swap3A_2405, %swap3A_2406], %convert_element_type3A_2404 {strides = array<i32>} : memref<32x1024xi32, #tpu.memory_space<vmem>>, vector<1x256xi32>,
      %mul3A_2408 = arith.constant 7.812500e-03 : f32
      %mul3A_2409 = vector.broadcast %mul3A_2408 : f32 to vector<1x256xf32>
      %mul3A_2410 = arith.mulf %broadcast_in_dim3A_2400, %mul3A_2409 : vector<1x256xf32>
      %floor3A_2411 = math.floor %mul3A_2410 : vector<1x256xf32>
      %eq3A_2412 = vector.broadcast %floor3A_2411 : vector<1x256xf32> to vector<1024x256xf32>
      %eq3A_2413 = arith.cmpf oeq, %convert_element_type3A_1706, %eq3A_2412 : vector<1024x256xf32>
      %jit3A_2414 = arith.constant 0xFF800000 : f32
      %broadcast_in_dim3A_2415 = vector.broadcast %jit3A_2414 : f32 to vector<1024x256xf32>
      %select_n3A_2416 = arith.select %eq3A_2413, %broadcast_in_dim3A_2415, %select_n3A_2389 : vector<1024x256xi1>, vector<1024x256xf32>
      %reduce_max3A_2417 = arith.constant dense<0xFF800000> : vector<256xf32>
      %reduce_max3A_2418 = vector.multi_reduction <maximumf>, %select_n3A_2416, %reduce_max3A_2417 [0] : vector<1024x256xf32> to vector<256xf32>
      %broadcast_in_dim3A_2419 = vector.shape_cast %reduce_max3A_2418 : vector<256xf32> to vector<1x256xf32>
      %eq3A_2420 = vector.broadcast %broadcast_in_dim3A_2419 : vector<1x256xf32> to vector<1024x256xf32>
      %eq3A_2421 = arith.cmpf oeq, %select_n3A_2416, %eq3A_2420 : vector<1024x256xf32>
      %jit3A_2422 = arith.constant 0xFF800000 : f32
      %broadcast_in_dim3A_2423 = vector.broadcast %jit3A_2422 : f32 to vector<1024x256xf32>
      %select_n3A_2424 = arith.select %eq3A_2421, %convert_element_type3A_1714, %broadcast_in_dim3A_2423 : vector<1024x256xi1>, vector<1024x256xf32>
      %reduce_max3A_2425 = arith.constant dense<0xFF800000> : vector<256xf32>
      %reduce_max3A_2426 = vector.multi_reduction <maximumf>, %select_n3A_2424, %reduce_max3A_2425 [0] : vector<1024x256xf32> to vector<256xf32>
      %broadcast_in_dim3A_2427 = vector.shape_cast %reduce_max3A_2426 : vector<256xf32> to vector<1x256xf32>
      %swap3A_2428 = arith.constant 26 : index
      %swap3A_2429 = arith.constant 256 : index
      %swap3A_2430 = vector.load %arg3[%swap3A_2428, %swap3A_2429] : memref<32x1024xf32, #tpu.memory_space<vmem>>, vector<1x256xf32>
      tpu.vector_store %arg3[%swap3A_2428, %swap3A_2429], %broadcast_in_dim3A_2419 {strides = array<i32>} : memref<32x1024xf32, #tpu.memory_space<vmem>>, vector<1x256xf32>,
      %convert_element_type3A_2431 = arith.fptosi %broadcast_in_dim3A_2427 : vector<1x256xf32> to vector<1x256xi32>
      %swap3A_2432 = arith.constant 26 : index
      %swap3A_2433 = arith.constant 256 : index
      %swap3A_2434 = vector.load %arg4[%swap3A_2432, %swap3A_2433] : memref<32x1024xi32, #tpu.memory_space<vmem>>, vector<1x256xi32>
      tpu.vector_store %arg4[%swap3A_2432, %swap3A_2433], %convert_element_type3A_2431 {strides = array<i32>} : memref<32x1024xi32, #tpu.memory_space<vmem>>, vector<1x256xi32>,
      %mul3A_2435 = arith.constant 7.812500e-03 : f32
      %mul3A_2436 = vector.broadcast %mul3A_2435 : f32 to vector<1x256xf32>
      %mul3A_2437 = arith.mulf %broadcast_in_dim3A_2427, %mul3A_2436 : vector<1x256xf32>
      %floor3A_2438 = math.floor %mul3A_2437 : vector<1x256xf32>
      %eq3A_2439 = vector.broadcast %floor3A_2438 : vector<1x256xf32> to vector<1024x256xf32>
      %eq3A_2440 = arith.cmpf oeq, %convert_element_type3A_1706, %eq3A_2439 : vector<1024x256xf32>
      %jit3A_2441 = arith.constant 0xFF800000 : f32
      %broadcast_in_dim3A_2442 = vector.broadcast %jit3A_2441 : f32 to vector<1024x256xf32>
      %select_n3A_2443 = arith.select %eq3A_2440, %broadcast_in_dim3A_2442, %select_n3A_2416 : vector<1024x256xi1>, vector<1024x256xf32>
      %reduce_max3A_2444 = arith.constant dense<0xFF800000> : vector<256xf32>
      %reduce_max3A_2445 = vector.multi_reduction <maximumf>, %select_n3A_2443, %reduce_max3A_2444 [0] : vector<1024x256xf32> to vector<256xf32>
      %broadcast_in_dim3A_2446 = vector.shape_cast %reduce_max3A_2445 : vector<256xf32> to vector<1x256xf32>
      %eq3A_2447 = vector.broadcast %broadcast_in_dim3A_2446 : vector<1x256xf32> to vector<1024x256xf32>
      %eq3A_2448 = arith.cmpf oeq, %select_n3A_2443, %eq3A_2447 : vector<1024x256xf32>
      %jit3A_2449 = arith.constant 0xFF800000 : f32
      %broadcast_in_dim3A_2450 = vector.broadcast %jit3A_2449 : f32 to vector<1024x256xf32>
      %select_n3A_2451 = arith.select %eq3A_2448, %convert_element_type3A_1714, %broadcast_in_dim3A_2450 : vector<1024x256xi1>, vector<1024x256xf32>
      %reduce_max3A_2452 = arith.constant dense<0xFF800000> : vector<256xf32>
      %reduce_max3A_2453 = vector.multi_reduction <maximumf>, %select_n3A_2451, %reduce_max3A_2452 [0] : vector<1024x256xf32> to vector<256xf32>
      %broadcast_in_dim3A_2454 = vector.shape_cast %reduce_max3A_2453 : vector<256xf32> to vector<1x256xf32>
      %swap3A_2455 = arith.constant 27 : index
      %swap3A_2456 = arith.constant 256 : index
      %swap3A_2457 = vector.load %arg3[%swap3A_2455, %swap3A_2456] : memref<32x1024xf32, #tpu.memory_space<vmem>>, vector<1x256xf32>
      tpu.vector_store %arg3[%swap3A_2455, %swap3A_2456], %broadcast_in_dim3A_2446 {strides = array<i32>} : memref<32x1024xf32, #tpu.memory_space<vmem>>, vector<1x256xf32>,
      %convert_element_type3A_2458 = arith.fptosi %broadcast_in_dim3A_2454 : vector<1x256xf32> to vector<1x256xi32>
      %swap3A_2459 = arith.constant 27 : index
      %swap3A_2460 = arith.constant 256 : index
      %swap3A_2461 = vector.load %arg4[%swap3A_2459, %swap3A_2460] : memref<32x1024xi32, #tpu.memory_space<vmem>>, vector<1x256xi32>
      tpu.vector_store %arg4[%swap3A_2459, %swap3A_2460], %convert_element_type3A_2458 {strides = array<i32>} : memref<32x1024xi32, #tpu.memory_space<vmem>>, vector<1x256xi32>,
      %mul3A_2462 = arith.constant 7.812500e-03 : f32
      %mul3A_2463 = vector.broadcast %mul3A_2462 : f32 to vector<1x256xf32>
      %mul3A_2464 = arith.mulf %broadcast_in_dim3A_2454, %mul3A_2463 : vector<1x256xf32>
      %floor3A_2465 = math.floor %mul3A_2464 : vector<1x256xf32>
      %eq3A_2466 = vector.broadcast %floor3A_2465 : vector<1x256xf32> to vector<1024x256xf32>
      %eq3A_2467 = arith.cmpf oeq, %convert_element_type3A_1706, %eq3A_2466 : vector<1024x256xf32>
      %jit3A_2468 = arith.constant 0xFF800000 : f32
      %broadcast_in_dim3A_2469 = vector.broadcast %jit3A_2468 : f32 to vector<1024x256xf32>
      %select_n3A_2470 = arith.select %eq3A_2467, %broadcast_in_dim3A_2469, %select_n3A_2443 : vector<1024x256xi1>, vector<1024x256xf32>
      %reduce_max3A_2471 = arith.constant dense<0xFF800000> : vector<256xf32>
      %reduce_max3A_2472 = vector.multi_reduction <maximumf>, %select_n3A_2470, %reduce_max3A_2471 [0] : vector<1024x256xf32> to vector<256xf32>
      %broadcast_in_dim3A_2473 = vector.shape_cast %reduce_max3A_2472 : vector<256xf32> to vector<1x256xf32>
      %eq3A_2474 = vector.broadcast %broadcast_in_dim3A_2473 : vector<1x256xf32> to vector<1024x256xf32>
      %eq3A_2475 = arith.cmpf oeq, %select_n3A_2470, %eq3A_2474 : vector<1024x256xf32>
      %jit3A_2476 = arith.constant 0xFF800000 : f32
      %broadcast_in_dim3A_2477 = vector.broadcast %jit3A_2476 : f32 to vector<1024x256xf32>
      %select_n3A_2478 = arith.select %eq3A_2475, %convert_element_type3A_1714, %broadcast_in_dim3A_2477 : vector<1024x256xi1>, vector<1024x256xf32>
      %reduce_max3A_2479 = arith.constant dense<0xFF800000> : vector<256xf32>
      %reduce_max3A_2480 = vector.multi_reduction <maximumf>, %select_n3A_2478, %reduce_max3A_2479 [0] : vector<1024x256xf32> to vector<256xf32>
      %broadcast_in_dim3A_2481 = vector.shape_cast %reduce_max3A_2480 : vector<256xf32> to vector<1x256xf32>
      %swap3A_2482 = arith.constant 28 : index
      %swap3A_2483 = arith.constant 256 : index
      %swap3A_2484 = vector.load %arg3[%swap3A_2482, %swap3A_2483] : memref<32x1024xf32, #tpu.memory_space<vmem>>, vector<1x256xf32>
      tpu.vector_store %arg3[%swap3A_2482, %swap3A_2483], %broadcast_in_dim3A_2473 {strides = array<i32>} : memref<32x1024xf32, #tpu.memory_space<vmem>>, vector<1x256xf32>,
      %convert_element_type3A_2485 = arith.fptosi %broadcast_in_dim3A_2481 : vector<1x256xf32> to vector<1x256xi32>
      %swap3A_2486 = arith.constant 28 : index
      %swap3A_2487 = arith.constant 256 : index
      %swap3A_2488 = vector.load %arg4[%swap3A_2486, %swap3A_2487] : memref<32x1024xi32, #tpu.memory_space<vmem>>, vector<1x256xi32>
      tpu.vector_store %arg4[%swap3A_2486, %swap3A_2487], %convert_element_type3A_2485 {strides = array<i32>} : memref<32x1024xi32, #tpu.memory_space<vmem>>, vector<1x256xi32>,
      %mul3A_2489 = arith.constant 7.812500e-03 : f32
      %mul3A_2490 = vector.broadcast %mul3A_2489 : f32 to vector<1x256xf32>
      %mul3A_2491 = arith.mulf %broadcast_in_dim3A_2481, %mul3A_2490 : vector<1x256xf32>
      %floor3A_2492 = math.floor %mul3A_2491 : vector<1x256xf32>
      %eq3A_2493 = vector.broadcast %floor3A_2492 : vector<1x256xf32> to vector<1024x256xf32>
      %eq3A_2494 = arith.cmpf oeq, %convert_element_type3A_1706, %eq3A_2493 : vector<1024x256xf32>
      %jit3A_2495 = arith.constant 0xFF800000 : f32
      %broadcast_in_dim3A_2496 = vector.broadcast %jit3A_2495 : f32 to vector<1024x256xf32>
      %select_n3A_2497 = arith.select %eq3A_2494, %broadcast_in_dim3A_2496, %select_n3A_2470 : vector<1024x256xi1>, vector<1024x256xf32>
      %reduce_max3A_2498 = arith.constant dense<0xFF800000> : vector<256xf32>
      %reduce_max3A_2499 = vector.multi_reduction <maximumf>, %select_n3A_2497, %reduce_max3A_2498 [0] : vector<1024x256xf32> to vector<256xf32>
      %broadcast_in_dim3A_2500 = vector.shape_cast %reduce_max3A_2499 : vector<256xf32> to vector<1x256xf32>
      %eq3A_2501 = vector.broadcast %broadcast_in_dim3A_2500 : vector<1x256xf32> to vector<1024x256xf32>
      %eq3A_2502 = arith.cmpf oeq, %select_n3A_2497, %eq3A_2501 : vector<1024x256xf32>
      %jit3A_2503 = arith.constant 0xFF800000 : f32
      %broadcast_in_dim3A_2504 = vector.broadcast %jit3A_2503 : f32 to vector<1024x256xf32>
      %select_n3A_2505 = arith.select %eq3A_2502, %convert_element_type3A_1714, %broadcast_in_dim3A_2504 : vector<1024x256xi1>, vector<1024x256xf32>
      %reduce_max3A_2506 = arith.constant dense<0xFF800000> : vector<256xf32>
      %reduce_max3A_2507 = vector.multi_reduction <maximumf>, %select_n3A_2505, %reduce_max3A_2506 [0] : vector<1024x256xf32> to vector<256xf32>
      %broadcast_in_dim3A_2508 = vector.shape_cast %reduce_max3A_2507 : vector<256xf32> to vector<1x256xf32>
      %swap3A_2509 = arith.constant 29 : index
      %swap3A_2510 = arith.constant 256 : index
      %swap3A_2511 = vector.load %arg3[%swap3A_2509, %swap3A_2510] : memref<32x1024xf32, #tpu.memory_space<vmem>>, vector<1x256xf32>
      tpu.vector_store %arg3[%swap3A_2509, %swap3A_2510], %broadcast_in_dim3A_2500 {strides = array<i32>} : memref<32x1024xf32, #tpu.memory_space<vmem>>, vector<1x256xf32>,
      %convert_element_type3A_2512 = arith.fptosi %broadcast_in_dim3A_2508 : vector<1x256xf32> to vector<1x256xi32>
      %swap3A_2513 = arith.constant 29 : index
      %swap3A_2514 = arith.constant 256 : index
      %swap3A_2515 = vector.load %arg4[%swap3A_2513, %swap3A_2514] : memref<32x1024xi32, #tpu.memory_space<vmem>>, vector<1x256xi32>
      tpu.vector_store %arg4[%swap3A_2513, %swap3A_2514], %convert_element_type3A_2512 {strides = array<i32>} : memref<32x1024xi32, #tpu.memory_space<vmem>>, vector<1x256xi32>,
      %mul3A_2516 = arith.constant 7.812500e-03 : f32
      %mul3A_2517 = vector.broadcast %mul3A_2516 : f32 to vector<1x256xf32>
      %mul3A_2518 = arith.mulf %broadcast_in_dim3A_2508, %mul3A_2517 : vector<1x256xf32>
      %floor3A_2519 = math.floor %mul3A_2518 : vector<1x256xf32>
      %eq3A_2520 = vector.broadcast %floor3A_2519 : vector<1x256xf32> to vector<1024x256xf32>
      %eq3A_2521 = arith.cmpf oeq, %convert_element_type3A_1706, %eq3A_2520 : vector<1024x256xf32>
      %jit3A_2522 = arith.constant 0xFF800000 : f32
      %broadcast_in_dim3A_2523 = vector.broadcast %jit3A_2522 : f32 to vector<1024x256xf32>
      %select_n3A_2524 = arith.select %eq3A_2521, %broadcast_in_dim3A_2523, %select_n3A_2497 : vector<1024x256xi1>, vector<1024x256xf32>
      %reduce_max3A_2525 = arith.constant dense<0xFF800000> : vector<256xf32>
      %reduce_max3A_2526 = vector.multi_reduction <maximumf>, %select_n3A_2524, %reduce_max3A_2525 [0] : vector<1024x256xf32> to vector<256xf32>
      %broadcast_in_dim3A_2527 = vector.shape_cast %reduce_max3A_2526 : vector<256xf32> to vector<1x256xf32>
      %eq3A_2528 = vector.broadcast %broadcast_in_dim3A_2527 : vector<1x256xf32> to vector<1024x256xf32>
      %eq3A_2529 = arith.cmpf oeq, %select_n3A_2524, %eq3A_2528 : vector<1024x256xf32>
      %jit3A_2530 = arith.constant 0xFF800000 : f32
      %broadcast_in_dim3A_2531 = vector.broadcast %jit3A_2530 : f32 to vector<1024x256xf32>
      %select_n3A_2532 = arith.select %eq3A_2529, %convert_element_type3A_1714, %broadcast_in_dim3A_2531 : vector<1024x256xi1>, vector<1024x256xf32>
      %reduce_max3A_2533 = arith.constant dense<0xFF800000> : vector<256xf32>
      %reduce_max3A_2534 = vector.multi_reduction <maximumf>, %select_n3A_2532, %reduce_max3A_2533 [0] : vector<1024x256xf32> to vector<256xf32>
      %broadcast_in_dim3A_2535 = vector.shape_cast %reduce_max3A_2534 : vector<256xf32> to vector<1x256xf32>
      %swap3A_2536 = arith.constant 30 : index
      %swap3A_2537 = arith.constant 256 : index
      %swap3A_2538 = vector.load %arg3[%swap3A_2536, %swap3A_2537] : memref<32x1024xf32, #tpu.memory_space<vmem>>, vector<1x256xf32>
      tpu.vector_store %arg3[%swap3A_2536, %swap3A_2537], %broadcast_in_dim3A_2527 {strides = array<i32>} : memref<32x1024xf32, #tpu.memory_space<vmem>>, vector<1x256xf32>,
      %convert_element_type3A_2539 = arith.fptosi %broadcast_in_dim3A_2535 : vector<1x256xf32> to vector<1x256xi32>
      %swap3A_2540 = arith.constant 30 : index
      %swap3A_2541 = arith.constant 256 : index
      %swap3A_2542 = vector.load %arg4[%swap3A_2540, %swap3A_2541] : memref<32x1024xi32, #tpu.memory_space<vmem>>, vector<1x256xi32>
      tpu.vector_store %arg4[%swap3A_2540, %swap3A_2541], %convert_element_type3A_2539 {strides = array<i32>} : memref<32x1024xi32, #tpu.memory_space<vmem>>, vector<1x256xi32>,
      %mul3A_2543 = arith.constant 7.812500e-03 : f32
      %mul3A_2544 = vector.broadcast %mul3A_2543 : f32 to vector<1x256xf32>
      %mul3A_2545 = arith.mulf %broadcast_in_dim3A_2535, %mul3A_2544 : vector<1x256xf32>
      %floor3A_2546 = math.floor %mul3A_2545 : vector<1x256xf32>
      %eq3A_2547 = vector.broadcast %floor3A_2546 : vector<1x256xf32> to vector<1024x256xf32>
      %eq3A_2548 = arith.cmpf oeq, %convert_element_type3A_1706, %eq3A_2547 : vector<1024x256xf32>
      %jit3A_2549 = arith.constant 0xFF800000 : f32
      %broadcast_in_dim3A_2550 = vector.broadcast %jit3A_2549 : f32 to vector<1024x256xf32>
      %select_n3A_2551 = arith.select %eq3A_2548, %broadcast_in_dim3A_2550, %select_n3A_2524 : vector<1024x256xi1>, vector<1024x256xf32>
      %reduce_max3A_2552 = arith.constant dense<0xFF800000> : vector<256xf32>
      %reduce_max3A_2553 = vector.multi_reduction <maximumf>, %select_n3A_2551, %reduce_max3A_2552 [0] : vector<1024x256xf32> to vector<256xf32>
      %broadcast_in_dim3A_2554 = vector.shape_cast %reduce_max3A_2553 : vector<256xf32> to vector<1x256xf32>
      %eq3A_2555 = vector.broadcast %broadcast_in_dim3A_2554 : vector<1x256xf32> to vector<1024x256xf32>
      %eq3A_2556 = arith.cmpf oeq, %select_n3A_2551, %eq3A_2555 : vector<1024x256xf32>
      %jit3A_2557 = arith.constant 0xFF800000 : f32
      %broadcast_in_dim3A_2558 = vector.broadcast %jit3A_2557 : f32 to vector<1024x256xf32>
      %select_n3A_2559 = arith.select %eq3A_2556, %convert_element_type3A_1714, %broadcast_in_dim3A_2558 : vector<1024x256xi1>, vector<1024x256xf32>
      %reduce_max3A_2560 = arith.constant dense<0xFF800000> : vector<256xf32>
      %reduce_max3A_2561 = vector.multi_reduction <maximumf>, %select_n3A_2559, %reduce_max3A_2560 [0] : vector<1024x256xf32> to vector<256xf32>
      %broadcast_in_dim3A_2562 = vector.shape_cast %reduce_max3A_2561 : vector<256xf32> to vector<1x256xf32>
      %swap3A_2563 = arith.constant 31 : index
      %swap3A_2564 = arith.constant 256 : index
      %swap3A_2565 = vector.load %arg3[%swap3A_2563, %swap3A_2564] : memref<32x1024xf32, #tpu.memory_space<vmem>>, vector<1x256xf32>
      tpu.vector_store %arg3[%swap3A_2563, %swap3A_2564], %broadcast_in_dim3A_2554 {strides = array<i32>} : memref<32x1024xf32, #tpu.memory_space<vmem>>, vector<1x256xf32>,
      %convert_element_type3A_2566 = arith.fptosi %broadcast_in_dim3A_2562 : vector<1x256xf32> to vector<1x256xi32>
      %swap3A_2567 = arith.constant 31 : index
      %swap3A_2568 = arith.constant 256 : index
      %swap3A_2569 = vector.load %arg4[%swap3A_2567, %swap3A_2568] : memref<32x1024xi32, #tpu.memory_space<vmem>>, vector<1x256xi32>
      tpu.vector_store %arg4[%swap3A_2567, %swap3A_2568], %convert_element_type3A_2566 {strides = array<i32>} : memref<32x1024xi32, #tpu.memory_space<vmem>>, vector<1x256xi32>,
      %get3A_2570 = arith.constant 0 : index
      %get3A_2571 = arith.constant 512 : index
      %get3A_2572 = vector.load %arg5[%get3A_2570, %get3A_2571] : memref<1024x1024xf32, #tpu.memory_space<vmem>>, vector<1024x256xf32>
      %iota3A_2573 = tpu.iota {dimensions = array<i32: 0>} : vector<1024x256xi32>
      %convert_element_type3A_2574 = arith.sitofp %iota3A_2573 : vector<1024x256xi32> to vector<1024x256xf32>
      %mul3A_2575 = arith.constant 128 : i32
      %mul3A_2576 = vector.broadcast %mul3A_2575 : i32 to vector<1024x256xi32>
      %mul3A_2577 = arith.muli %iota3A_2573, %mul3A_2576 : vector<1024x256xi32>
      %get3A_2578 = arith.constant 0 : index
      %get3A_2579 = arith.constant 512 : index
      %get3A_2580 = vector.load %arg6[%get3A_2578, %get3A_2579] : memref<1024x1024xi32, #tpu.memory_space<vmem>>, vector<1024x256xi32>
      %add3A_2581 = arith.addi %mul3A_2577, %get3A_2580 : vector<1024x256xi32>
      %convert_element_type3A_2582 = arith.sitofp %add3A_2581 : vector<1024x256xi32> to vector<1024x256xf32>
      %reduce_max3A_2583 = arith.constant dense<0xFF800000> : vector<256xf32>
      %reduce_max3A_2584 = vector.multi_reduction <maximumf>, %get3A_2572, %reduce_max3A_2583 [0] : vector<1024x256xf32> to vector<256xf32>
      %broadcast_in_dim3A_2585 = vector.shape_cast %reduce_max3A_2584 : vector<256xf32> to vector<1x256xf32>
      %eq3A_2586 = vector.broadcast %broadcast_in_dim3A_2585 : vector<1x256xf32> to vector<1024x256xf32>
      %eq3A_2587 = arith.cmpf oeq, %get3A_2572, %eq3A_2586 : vector<1024x256xf32>
      %jit3A_2588 = arith.constant 0xFF800000 : f32
      %broadcast_in_dim3A_2589 = vector.broadcast %jit3A_2588 : f32 to vector<1024x256xf32>
      %select_n3A_2590 = arith.select %eq3A_2587, %convert_element_type3A_2582, %broadcast_in_dim3A_2589 : vector<1024x256xi1>, vector<1024x256xf32>
      %reduce_max3A_2591 = arith.constant dense<0xFF800000> : vector<256xf32>
      %reduce_max3A_2592 = vector.multi_reduction <maximumf>, %select_n3A_2590, %reduce_max3A_2591 [0] : vector<1024x256xf32> to vector<256xf32>
      %broadcast_in_dim3A_2593 = vector.shape_cast %reduce_max3A_2592 : vector<256xf32> to vector<1x256xf32>
      %swap3A_2594 = arith.constant 0 : index
      %swap3A_2595 = arith.constant 512 : index
      %swap3A_2596 = vector.load %arg3[%swap3A_2594, %swap3A_2595] : memref<32x1024xf32, #tpu.memory_space<vmem>>, vector<1x256xf32>
      tpu.vector_store %arg3[%swap3A_2594, %swap3A_2595], %broadcast_in_dim3A_2585 {strides = array<i32>} : memref<32x1024xf32, #tpu.memory_space<vmem>>, vector<1x256xf32>,
      %convert_element_type3A_2597 = arith.fptosi %broadcast_in_dim3A_2593 : vector<1x256xf32> to vector<1x256xi32>
      %swap3A_2598 = arith.constant 0 : index
      %swap3A_2599 = arith.constant 512 : index
      %swap3A_2600 = vector.load %arg4[%swap3A_2598, %swap3A_2599] : memref<32x1024xi32, #tpu.memory_space<vmem>>, vector<1x256xi32>
      tpu.vector_store %arg4[%swap3A_2598, %swap3A_2599], %convert_element_type3A_2597 {strides = array<i32>} : memref<32x1024xi32, #tpu.memory_space<vmem>>, vector<1x256xi32>,
      %mul3A_2601 = arith.constant 7.812500e-03 : f32
      %mul3A_2602 = vector.broadcast %mul3A_2601 : f32 to vector<1x256xf32>
      %mul3A_2603 = arith.mulf %broadcast_in_dim3A_2593, %mul3A_2602 : vector<1x256xf32>
      %floor3A_2604 = math.floor %mul3A_2603 : vector<1x256xf32>
      %eq3A_2605 = vector.broadcast %floor3A_2604 : vector<1x256xf32> to vector<1024x256xf32>
      %eq3A_2606 = arith.cmpf oeq, %convert_element_type3A_2574, %eq3A_2605 : vector<1024x256xf32>
      %jit3A_2607 = arith.constant 0xFF800000 : f32
      %broadcast_in_dim3A_2608 = vector.broadcast %jit3A_2607 : f32 to vector<1024x256xf32>
      %select_n3A_2609 = arith.select %eq3A_2606, %broadcast_in_dim3A_2608, %get3A_2572 : vector<1024x256xi1>, vector<1024x256xf32>
      %reduce_max3A_2610 = arith.constant dense<0xFF800000> : vector<256xf32>
      %reduce_max3A_2611 = vector.multi_reduction <maximumf>, %select_n3A_2609, %reduce_max3A_2610 [0] : vector<1024x256xf32> to vector<256xf32>
      %broadcast_in_dim3A_2612 = vector.shape_cast %reduce_max3A_2611 : vector<256xf32> to vector<1x256xf32>
      %eq3A_2613 = vector.broadcast %broadcast_in_dim3A_2612 : vector<1x256xf32> to vector<1024x256xf32>
      %eq3A_2614 = arith.cmpf oeq, %select_n3A_2609, %eq3A_2613 : vector<1024x256xf32>
      %jit3A_2615 = arith.constant 0xFF800000 : f32
      %broadcast_in_dim3A_2616 = vector.broadcast %jit3A_2615 : f32 to vector<1024x256xf32>
      %select_n3A_2617 = arith.select %eq3A_2614, %convert_element_type3A_2582, %broadcast_in_dim3A_2616 : vector<1024x256xi1>, vector<1024x256xf32>
      %reduce_max3A_2618 = arith.constant dense<0xFF800000> : vector<256xf32>
      %reduce_max3A_2619 = vector.multi_reduction <maximumf>, %select_n3A_2617, %reduce_max3A_2618 [0] : vector<1024x256xf32> to vector<256xf32>
      %broadcast_in_dim3A_2620 = vector.shape_cast %reduce_max3A_2619 : vector<256xf32> to vector<1x256xf32>
      %swap3A_2621 = arith.constant 1 : index
      %swap3A_2622 = arith.constant 512 : index
      %swap3A_2623 = vector.load %arg3[%swap3A_2621, %swap3A_2622] : memref<32x1024xf32, #tpu.memory_space<vmem>>, vector<1x256xf32>
      tpu.vector_store %arg3[%swap3A_2621, %swap3A_2622], %broadcast_in_dim3A_2612 {strides = array<i32>} : memref<32x1024xf32, #tpu.memory_space<vmem>>, vector<1x256xf32>,
      %convert_element_type3A_2624 = arith.fptosi %broadcast_in_dim3A_2620 : vector<1x256xf32> to vector<1x256xi32>
      %swap3A_2625 = arith.constant 1 : index
      %swap3A_2626 = arith.constant 512 : index
      %swap3A_2627 = vector.load %arg4[%swap3A_2625, %swap3A_2626] : memref<32x1024xi32, #tpu.memory_space<vmem>>, vector<1x256xi32>
      tpu.vector_store %arg4[%swap3A_2625, %swap3A_2626], %convert_element_type3A_2624 {strides = array<i32>} : memref<32x1024xi32, #tpu.memory_space<vmem>>, vector<1x256xi32>,
      %mul3A_2628 = arith.constant 7.812500e-03 : f32
      %mul3A_2629 = vector.broadcast %mul3A_2628 : f32 to vector<1x256xf32>
      %mul3A_2630 = arith.mulf %broadcast_in_dim3A_2620, %mul3A_2629 : vector<1x256xf32>
      %floor3A_2631 = math.floor %mul3A_2630 : vector<1x256xf32>
      %eq3A_2632 = vector.broadcast %floor3A_2631 : vector<1x256xf32> to vector<1024x256xf32>
      %eq3A_2633 = arith.cmpf oeq, %convert_element_type3A_2574, %eq3A_2632 : vector<1024x256xf32>
      %jit3A_2634 = arith.constant 0xFF800000 : f32
      %broadcast_in_dim3A_2635 = vector.broadcast %jit3A_2634 : f32 to vector<1024x256xf32>
      %select_n3A_2636 = arith.select %eq3A_2633, %broadcast_in_dim3A_2635, %select_n3A_2609 : vector<1024x256xi1>, vector<1024x256xf32>
      %reduce_max3A_2637 = arith.constant dense<0xFF800000> : vector<256xf32>
      %reduce_max3A_2638 = vector.multi_reduction <maximumf>, %select_n3A_2636, %reduce_max3A_2637 [0] : vector<1024x256xf32> to vector<256xf32>
      %broadcast_in_dim3A_2639 = vector.shape_cast %reduce_max3A_2638 : vector<256xf32> to vector<1x256xf32>
      %eq3A_2640 = vector.broadcast %broadcast_in_dim3A_2639 : vector<1x256xf32> to vector<1024x256xf32>
      %eq3A_2641 = arith.cmpf oeq, %select_n3A_2636, %eq3A_2640 : vector<1024x256xf32>
      %jit3A_2642 = arith.constant 0xFF800000 : f32
      %broadcast_in_dim3A_2643 = vector.broadcast %jit3A_2642 : f32 to vector<1024x256xf32>
      %select_n3A_2644 = arith.select %eq3A_2641, %convert_element_type3A_2582, %broadcast_in_dim3A_2643 : vector<1024x256xi1>, vector<1024x256xf32>
      %reduce_max3A_2645 = arith.constant dense<0xFF800000> : vector<256xf32>
      %reduce_max3A_2646 = vector.multi_reduction <maximumf>, %select_n3A_2644, %reduce_max3A_2645 [0] : vector<1024x256xf32> to vector<256xf32>
      %broadcast_in_dim3A_2647 = vector.shape_cast %reduce_max3A_2646 : vector<256xf32> to vector<1x256xf32>
      %swap3A_2648 = arith.constant 2 : index
      %swap3A_2649 = arith.constant 512 : index
      %swap3A_2650 = vector.load %arg3[%swap3A_2648, %swap3A_2649] : memref<32x1024xf32, #tpu.memory_space<vmem>>, vector<1x256xf32>
      tpu.vector_store %arg3[%swap3A_2648, %swap3A_2649], %broadcast_in_dim3A_2639 {strides = array<i32>} : memref<32x1024xf32, #tpu.memory_space<vmem>>, vector<1x256xf32>,
      %convert_element_type3A_2651 = arith.fptosi %broadcast_in_dim3A_2647 : vector<1x256xf32> to vector<1x256xi32>
      %swap3A_2652 = arith.constant 2 : index
      %swap3A_2653 = arith.constant 512 : index
      %swap3A_2654 = vector.load %arg4[%swap3A_2652, %swap3A_2653] : memref<32x1024xi32, #tpu.memory_space<vmem>>, vector<1x256xi32>
      tpu.vector_store %arg4[%swap3A_2652, %swap3A_2653], %convert_element_type3A_2651 {strides = array<i32>} : memref<32x1024xi32, #tpu.memory_space<vmem>>, vector<1x256xi32>,
      %mul3A_2655 = arith.constant 7.812500e-03 : f32
      %mul3A_2656 = vector.broadcast %mul3A_2655 : f32 to vector<1x256xf32>
      %mul3A_2657 = arith.mulf %broadcast_in_dim3A_2647, %mul3A_2656 : vector<1x256xf32>
      %floor3A_2658 = math.floor %mul3A_2657 : vector<1x256xf32>
      %eq3A_2659 = vector.broadcast %floor3A_2658 : vector<1x256xf32> to vector<1024x256xf32>
      %eq3A_2660 = arith.cmpf oeq, %convert_element_type3A_2574, %eq3A_2659 : vector<1024x256xf32>
      %jit3A_2661 = arith.constant 0xFF800000 : f32
      %broadcast_in_dim3A_2662 = vector.broadcast %jit3A_2661 : f32 to vector<1024x256xf32>
      %select_n3A_2663 = arith.select %eq3A_2660, %broadcast_in_dim3A_2662, %select_n3A_2636 : vector<1024x256xi1>, vector<1024x256xf32>
      %reduce_max3A_2664 = arith.constant dense<0xFF800000> : vector<256xf32>
      %reduce_max3A_2665 = vector.multi_reduction <maximumf>, %select_n3A_2663, %reduce_max3A_2664 [0] : vector<1024x256xf32> to vector<256xf32>
      %broadcast_in_dim3A_2666 = vector.shape_cast %reduce_max3A_2665 : vector<256xf32> to vector<1x256xf32>
      %eq3A_2667 = vector.broadcast %broadcast_in_dim3A_2666 : vector<1x256xf32> to vector<1024x256xf32>
      %eq3A_2668 = arith.cmpf oeq, %select_n3A_2663, %eq3A_2667 : vector<1024x256xf32>
      %jit3A_2669 = arith.constant 0xFF800000 : f32
      %broadcast_in_dim3A_2670 = vector.broadcast %jit3A_2669 : f32 to vector<1024x256xf32>
      %select_n3A_2671 = arith.select %eq3A_2668, %convert_element_type3A_2582, %broadcast_in_dim3A_2670 : vector<1024x256xi1>, vector<1024x256xf32>
      %reduce_max3A_2672 = arith.constant dense<0xFF800000> : vector<256xf32>
      %reduce_max3A_2673 = vector.multi_reduction <maximumf>, %select_n3A_2671, %reduce_max3A_2672 [0] : vector<1024x256xf32> to vector<256xf32>
      %broadcast_in_dim3A_2674 = vector.shape_cast %reduce_max3A_2673 : vector<256xf32> to vector<1x256xf32>
      %swap3A_2675 = arith.constant 3 : index
      %swap3A_2676 = arith.constant 512 : index
      %swap3A_2677 = vector.load %arg3[%swap3A_2675, %swap3A_2676] : memref<32x1024xf32, #tpu.memory_space<vmem>>, vector<1x256xf32>
      tpu.vector_store %arg3[%swap3A_2675, %swap3A_2676], %broadcast_in_dim3A_2666 {strides = array<i32>} : memref<32x1024xf32, #tpu.memory_space<vmem>>, vector<1x256xf32>,
      %convert_element_type3A_2678 = arith.fptosi %broadcast_in_dim3A_2674 : vector<1x256xf32> to vector<1x256xi32>
      %swap3A_2679 = arith.constant 3 : index
      %swap3A_2680 = arith.constant 512 : index
      %swap3A_2681 = vector.load %arg4[%swap3A_2679, %swap3A_2680] : memref<32x1024xi32, #tpu.memory_space<vmem>>, vector<1x256xi32>
      tpu.vector_store %arg4[%swap3A_2679, %swap3A_2680], %convert_element_type3A_2678 {strides = array<i32>} : memref<32x1024xi32, #tpu.memory_space<vmem>>, vector<1x256xi32>,
      %mul3A_2682 = arith.constant 7.812500e-03 : f32
      %mul3A_2683 = vector.broadcast %mul3A_2682 : f32 to vector<1x256xf32>
      %mul3A_2684 = arith.mulf %broadcast_in_dim3A_2674, %mul3A_2683 : vector<1x256xf32>
      %floor3A_2685 = math.floor %mul3A_2684 : vector<1x256xf32>
      %eq3A_2686 = vector.broadcast %floor3A_2685 : vector<1x256xf32> to vector<1024x256xf32>
      %eq3A_2687 = arith.cmpf oeq, %convert_element_type3A_2574, %eq3A_2686 : vector<1024x256xf32>
      %jit3A_2688 = arith.constant 0xFF800000 : f32
      %broadcast_in_dim3A_2689 = vector.broadcast %jit3A_2688 : f32 to vector<1024x256xf32>
      %select_n3A_2690 = arith.select %eq3A_2687, %broadcast_in_dim3A_2689, %select_n3A_2663 : vector<1024x256xi1>, vector<1024x256xf32>
      %reduce_max3A_2691 = arith.constant dense<0xFF800000> : vector<256xf32>
      %reduce_max3A_2692 = vector.multi_reduction <maximumf>, %select_n3A_2690, %reduce_max3A_2691 [0] : vector<1024x256xf32> to vector<256xf32>
      %broadcast_in_dim3A_2693 = vector.shape_cast %reduce_max3A_2692 : vector<256xf32> to vector<1x256xf32>
      %eq3A_2694 = vector.broadcast %broadcast_in_dim3A_2693 : vector<1x256xf32> to vector<1024x256xf32>
      %eq3A_2695 = arith.cmpf oeq, %select_n3A_2690, %eq3A_2694 : vector<1024x256xf32>
      %jit3A_2696 = arith.constant 0xFF800000 : f32
      %broadcast_in_dim3A_2697 = vector.broadcast %jit3A_2696 : f32 to vector<1024x256xf32>
      %select_n3A_2698 = arith.select %eq3A_2695, %convert_element_type3A_2582, %broadcast_in_dim3A_2697 : vector<1024x256xi1>, vector<1024x256xf32>
      %reduce_max3A_2699 = arith.constant dense<0xFF800000> : vector<256xf32>
      %reduce_max3A_2700 = vector.multi_reduction <maximumf>, %select_n3A_2698, %reduce_max3A_2699 [0] : vector<1024x256xf32> to vector<256xf32>
      %broadcast_in_dim3A_2701 = vector.shape_cast %reduce_max3A_2700 : vector<256xf32> to vector<1x256xf32>
      %swap3A_2702 = arith.constant 4 : index
      %swap3A_2703 = arith.constant 512 : index
      %swap3A_2704 = vector.load %arg3[%swap3A_2702, %swap3A_2703] : memref<32x1024xf32, #tpu.memory_space<vmem>>, vector<1x256xf32>
      tpu.vector_store %arg3[%swap3A_2702, %swap3A_2703], %broadcast_in_dim3A_2693 {strides = array<i32>} : memref<32x1024xf32, #tpu.memory_space<vmem>>, vector<1x256xf32>,
      %convert_element_type3A_2705 = arith.fptosi %broadcast_in_dim3A_2701 : vector<1x256xf32> to vector<1x256xi32>
      %swap3A_2706 = arith.constant 4 : index
      %swap3A_2707 = arith.constant 512 : index
      %swap3A_2708 = vector.load %arg4[%swap3A_2706, %swap3A_2707] : memref<32x1024xi32, #tpu.memory_space<vmem>>, vector<1x256xi32>
      tpu.vector_store %arg4[%swap3A_2706, %swap3A_2707], %convert_element_type3A_2705 {strides = array<i32>} : memref<32x1024xi32, #tpu.memory_space<vmem>>, vector<1x256xi32>,
      %mul3A_2709 = arith.constant 7.812500e-03 : f32
      %mul3A_2710 = vector.broadcast %mul3A_2709 : f32 to vector<1x256xf32>
      %mul3A_2711 = arith.mulf %broadcast_in_dim3A_2701, %mul3A_2710 : vector<1x256xf32>
      %floor3A_2712 = math.floor %mul3A_2711 : vector<1x256xf32>
      %eq3A_2713 = vector.broadcast %floor3A_2712 : vector<1x256xf32> to vector<1024x256xf32>
      %eq3A_2714 = arith.cmpf oeq, %convert_element_type3A_2574, %eq3A_2713 : vector<1024x256xf32>
      %jit3A_2715 = arith.constant 0xFF800000 : f32
      %broadcast_in_dim3A_2716 = vector.broadcast %jit3A_2715 : f32 to vector<1024x256xf32>
      %select_n3A_2717 = arith.select %eq3A_2714, %broadcast_in_dim3A_2716, %select_n3A_2690 : vector<1024x256xi1>, vector<1024x256xf32>
      %reduce_max3A_2718 = arith.constant dense<0xFF800000> : vector<256xf32>
      %reduce_max3A_2719 = vector.multi_reduction <maximumf>, %select_n3A_2717, %reduce_max3A_2718 [0] : vector<1024x256xf32> to vector<256xf32>
      %broadcast_in_dim3A_2720 = vector.shape_cast %reduce_max3A_2719 : vector<256xf32> to vector<1x256xf32>
      %eq3A_2721 = vector.broadcast %broadcast_in_dim3A_2720 : vector<1x256xf32> to vector<1024x256xf32>
      %eq3A_2722 = arith.cmpf oeq, %select_n3A_2717, %eq3A_2721 : vector<1024x256xf32>
      %jit3A_2723 = arith.constant 0xFF800000 : f32
      %broadcast_in_dim3A_2724 = vector.broadcast %jit3A_2723 : f32 to vector<1024x256xf32>
      %select_n3A_2725 = arith.select %eq3A_2722, %convert_element_type3A_2582, %broadcast_in_dim3A_2724 : vector<1024x256xi1>, vector<1024x256xf32>
      %reduce_max3A_2726 = arith.constant dense<0xFF800000> : vector<256xf32>
      %reduce_max3A_2727 = vector.multi_reduction <maximumf>, %select_n3A_2725, %reduce_max3A_2726 [0] : vector<1024x256xf32> to vector<256xf32>
      %broadcast_in_dim3A_2728 = vector.shape_cast %reduce_max3A_2727 : vector<256xf32> to vector<1x256xf32>
      %swap3A_2729 = arith.constant 5 : index
      %swap3A_2730 = arith.constant 512 : index
      %swap3A_2731 = vector.load %arg3[%swap3A_2729, %swap3A_2730] : memref<32x1024xf32, #tpu.memory_space<vmem>>, vector<1x256xf32>
      tpu.vector_store %arg3[%swap3A_2729, %swap3A_2730], %broadcast_in_dim3A_2720 {strides = array<i32>} : memref<32x1024xf32, #tpu.memory_space<vmem>>, vector<1x256xf32>,
      %convert_element_type3A_2732 = arith.fptosi %broadcast_in_dim3A_2728 : vector<1x256xf32> to vector<1x256xi32>
      %swap3A_2733 = arith.constant 5 : index
      %swap3A_2734 = arith.constant 512 : index
      %swap3A_2735 = vector.load %arg4[%swap3A_2733, %swap3A_2734] : memref<32x1024xi32, #tpu.memory_space<vmem>>, vector<1x256xi32>
      tpu.vector_store %arg4[%swap3A_2733, %swap3A_2734], %convert_element_type3A_2732 {strides = array<i32>} : memref<32x1024xi32, #tpu.memory_space<vmem>>, vector<1x256xi32>,
      %mul3A_2736 = arith.constant 7.812500e-03 : f32
      %mul3A_2737 = vector.broadcast %mul3A_2736 : f32 to vector<1x256xf32>
      %mul3A_2738 = arith.mulf %broadcast_in_dim3A_2728, %mul3A_2737 : vector<1x256xf32>
      %floor3A_2739 = math.floor %mul3A_2738 : vector<1x256xf32>
      %eq3A_2740 = vector.broadcast %floor3A_2739 : vector<1x256xf32> to vector<1024x256xf32>
      %eq3A_2741 = arith.cmpf oeq, %convert_element_type3A_2574, %eq3A_2740 : vector<1024x256xf32>
      %jit3A_2742 = arith.constant 0xFF800000 : f32
      %broadcast_in_dim3A_2743 = vector.broadcast %jit3A_2742 : f32 to vector<1024x256xf32>
      %select_n3A_2744 = arith.select %eq3A_2741, %broadcast_in_dim3A_2743, %select_n3A_2717 : vector<1024x256xi1>, vector<1024x256xf32>
      %reduce_max3A_2745 = arith.constant dense<0xFF800000> : vector<256xf32>
      %reduce_max3A_2746 = vector.multi_reduction <maximumf>, %select_n3A_2744, %reduce_max3A_2745 [0] : vector<1024x256xf32> to vector<256xf32>
      %broadcast_in_dim3A_2747 = vector.shape_cast %reduce_max3A_2746 : vector<256xf32> to vector<1x256xf32>
      %eq3A_2748 = vector.broadcast %broadcast_in_dim3A_2747 : vector<1x256xf32> to vector<1024x256xf32>
      %eq3A_2749 = arith.cmpf oeq, %select_n3A_2744, %eq3A_2748 : vector<1024x256xf32>
      %jit3A_2750 = arith.constant 0xFF800000 : f32
      %broadcast_in_dim3A_2751 = vector.broadcast %jit3A_2750 : f32 to vector<1024x256xf32>
      %select_n3A_2752 = arith.select %eq3A_2749, %convert_element_type3A_2582, %broadcast_in_dim3A_2751 : vector<1024x256xi1>, vector<1024x256xf32>
      %reduce_max3A_2753 = arith.constant dense<0xFF800000> : vector<256xf32>
      %reduce_max3A_2754 = vector.multi_reduction <maximumf>, %select_n3A_2752, %reduce_max3A_2753 [0] : vector<1024x256xf32> to vector<256xf32>
      %broadcast_in_dim3A_2755 = vector.shape_cast %reduce_max3A_2754 : vector<256xf32> to vector<1x256xf32>
      %swap3A_2756 = arith.constant 6 : index
      %swap3A_2757 = arith.constant 512 : index
      %swap3A_2758 = vector.load %arg3[%swap3A_2756, %swap3A_2757] : memref<32x1024xf32, #tpu.memory_space<vmem>>, vector<1x256xf32>
      tpu.vector_store %arg3[%swap3A_2756, %swap3A_2757], %broadcast_in_dim3A_2747 {strides = array<i32>} : memref<32x1024xf32, #tpu.memory_space<vmem>>, vector<1x256xf32>,
      %convert_element_type3A_2759 = arith.fptosi %broadcast_in_dim3A_2755 : vector<1x256xf32> to vector<1x256xi32>
      %swap3A_2760 = arith.constant 6 : index
      %swap3A_2761 = arith.constant 512 : index
      %swap3A_2762 = vector.load %arg4[%swap3A_2760, %swap3A_2761] : memref<32x1024xi32, #tpu.memory_space<vmem>>, vector<1x256xi32>
      tpu.vector_store %arg4[%swap3A_2760, %swap3A_2761], %convert_element_type3A_2759 {strides = array<i32>} : memref<32x1024xi32, #tpu.memory_space<vmem>>, vector<1x256xi32>,
      %mul3A_2763 = arith.constant 7.812500e-03 : f32
      %mul3A_2764 = vector.broadcast %mul3A_2763 : f32 to vector<1x256xf32>
      %mul3A_2765 = arith.mulf %broadcast_in_dim3A_2755, %mul3A_2764 : vector<1x256xf32>
      %floor3A_2766 = math.floor %mul3A_2765 : vector<1x256xf32>
      %eq3A_2767 = vector.broadcast %floor3A_2766 : vector<1x256xf32> to vector<1024x256xf32>
      %eq3A_2768 = arith.cmpf oeq, %convert_element_type3A_2574, %eq3A_2767 : vector<1024x256xf32>
      %jit3A_2769 = arith.constant 0xFF800000 : f32
      %broadcast_in_dim3A_2770 = vector.broadcast %jit3A_2769 : f32 to vector<1024x256xf32>
      %select_n3A_2771 = arith.select %eq3A_2768, %broadcast_in_dim3A_2770, %select_n3A_2744 : vector<1024x256xi1>, vector<1024x256xf32>
      %reduce_max3A_2772 = arith.constant dense<0xFF800000> : vector<256xf32>
      %reduce_max3A_2773 = vector.multi_reduction <maximumf>, %select_n3A_2771, %reduce_max3A_2772 [0] : vector<1024x256xf32> to vector<256xf32>
      %broadcast_in_dim3A_2774 = vector.shape_cast %reduce_max3A_2773 : vector<256xf32> to vector<1x256xf32>
      %eq3A_2775 = vector.broadcast %broadcast_in_dim3A_2774 : vector<1x256xf32> to vector<1024x256xf32>
      %eq3A_2776 = arith.cmpf oeq, %select_n3A_2771, %eq3A_2775 : vector<1024x256xf32>
      %jit3A_2777 = arith.constant 0xFF800000 : f32
      %broadcast_in_dim3A_2778 = vector.broadcast %jit3A_2777 : f32 to vector<1024x256xf32>
      %select_n3A_2779 = arith.select %eq3A_2776, %convert_element_type3A_2582, %broadcast_in_dim3A_2778 : vector<1024x256xi1>, vector<1024x256xf32>
      %reduce_max3A_2780 = arith.constant dense<0xFF800000> : vector<256xf32>
      %reduce_max3A_2781 = vector.multi_reduction <maximumf>, %select_n3A_2779, %reduce_max3A_2780 [0] : vector<1024x256xf32> to vector<256xf32>
      %broadcast_in_dim3A_2782 = vector.shape_cast %reduce_max3A_2781 : vector<256xf32> to vector<1x256xf32>
      %swap3A_2783 = arith.constant 7 : index
      %swap3A_2784 = arith.constant 512 : index
      %swap3A_2785 = vector.load %arg3[%swap3A_2783, %swap3A_2784] : memref<32x1024xf32, #tpu.memory_space<vmem>>, vector<1x256xf32>
      tpu.vector_store %arg3[%swap3A_2783, %swap3A_2784], %broadcast_in_dim3A_2774 {strides = array<i32>} : memref<32x1024xf32, #tpu.memory_space<vmem>>, vector<1x256xf32>,
      %convert_element_type3A_2786 = arith.fptosi %broadcast_in_dim3A_2782 : vector<1x256xf32> to vector<1x256xi32>
      %swap3A_2787 = arith.constant 7 : index
      %swap3A_2788 = arith.constant 512 : index
      %swap3A_2789 = vector.load %arg4[%swap3A_2787, %swap3A_2788] : memref<32x1024xi32, #tpu.memory_space<vmem>>, vector<1x256xi32>
      tpu.vector_store %arg4[%swap3A_2787, %swap3A_2788], %convert_element_type3A_2786 {strides = array<i32>} : memref<32x1024xi32, #tpu.memory_space<vmem>>, vector<1x256xi32>,
      %mul3A_2790 = arith.constant 7.812500e-03 : f32
      %mul3A_2791 = vector.broadcast %mul3A_2790 : f32 to vector<1x256xf32>
      %mul3A_2792 = arith.mulf %broadcast_in_dim3A_2782, %mul3A_2791 : vector<1x256xf32>
      %floor3A_2793 = math.floor %mul3A_2792 : vector<1x256xf32>
      %eq3A_2794 = vector.broadcast %floor3A_2793 : vector<1x256xf32> to vector<1024x256xf32>
      %eq3A_2795 = arith.cmpf oeq, %convert_element_type3A_2574, %eq3A_2794 : vector<1024x256xf32>
      %jit3A_2796 = arith.constant 0xFF800000 : f32
      %broadcast_in_dim3A_2797 = vector.broadcast %jit3A_2796 : f32 to vector<1024x256xf32>
      %select_n3A_2798 = arith.select %eq3A_2795, %broadcast_in_dim3A_2797, %select_n3A_2771 : vector<1024x256xi1>, vector<1024x256xf32>
      %reduce_max3A_2799 = arith.constant dense<0xFF800000> : vector<256xf32>
      %reduce_max3A_2800 = vector.multi_reduction <maximumf>, %select_n3A_2798, %reduce_max3A_2799 [0] : vector<1024x256xf32> to vector<256xf32>
      %broadcast_in_dim3A_2801 = vector.shape_cast %reduce_max3A_2800 : vector<256xf32> to vector<1x256xf32>
      %eq3A_2802 = vector.broadcast %broadcast_in_dim3A_2801 : vector<1x256xf32> to vector<1024x256xf32>
      %eq3A_2803 = arith.cmpf oeq, %select_n3A_2798, %eq3A_2802 : vector<1024x256xf32>
      %jit3A_2804 = arith.constant 0xFF800000 : f32
      %broadcast_in_dim3A_2805 = vector.broadcast %jit3A_2804 : f32 to vector<1024x256xf32>
      %select_n3A_2806 = arith.select %eq3A_2803, %convert_element_type3A_2582, %broadcast_in_dim3A_2805 : vector<1024x256xi1>, vector<1024x256xf32>
      %reduce_max3A_2807 = arith.constant dense<0xFF800000> : vector<256xf32>
      %reduce_max3A_2808 = vector.multi_reduction <maximumf>, %select_n3A_2806, %reduce_max3A_2807 [0] : vector<1024x256xf32> to vector<256xf32>
      %broadcast_in_dim3A_2809 = vector.shape_cast %reduce_max3A_2808 : vector<256xf32> to vector<1x256xf32>
      %swap3A_2810 = arith.constant 8 : index
      %swap3A_2811 = arith.constant 512 : index
      %swap3A_2812 = vector.load %arg3[%swap3A_2810, %swap3A_2811] : memref<32x1024xf32, #tpu.memory_space<vmem>>, vector<1x256xf32>
      tpu.vector_store %arg3[%swap3A_2810, %swap3A_2811], %broadcast_in_dim3A_2801 {strides = array<i32>} : memref<32x1024xf32, #tpu.memory_space<vmem>>, vector<1x256xf32>,
      %convert_element_type3A_2813 = arith.fptosi %broadcast_in_dim3A_2809 : vector<1x256xf32> to vector<1x256xi32>
      %swap3A_2814 = arith.constant 8 : index
      %swap3A_2815 = arith.constant 512 : index
      %swap3A_2816 = vector.load %arg4[%swap3A_2814, %swap3A_2815] : memref<32x1024xi32, #tpu.memory_space<vmem>>, vector<1x256xi32>
      tpu.vector_store %arg4[%swap3A_2814, %swap3A_2815], %convert_element_type3A_2813 {strides = array<i32>} : memref<32x1024xi32, #tpu.memory_space<vmem>>, vector<1x256xi32>,
      %mul3A_2817 = arith.constant 7.812500e-03 : f32
      %mul3A_2818 = vector.broadcast %mul3A_2817 : f32 to vector<1x256xf32>
      %mul3A_2819 = arith.mulf %broadcast_in_dim3A_2809, %mul3A_2818 : vector<1x256xf32>
      %floor3A_2820 = math.floor %mul3A_2819 : vector<1x256xf32>
      %eq3A_2821 = vector.broadcast %floor3A_2820 : vector<1x256xf32> to vector<1024x256xf32>
      %eq3A_2822 = arith.cmpf oeq, %convert_element_type3A_2574, %eq3A_2821 : vector<1024x256xf32>
      %jit3A_2823 = arith.constant 0xFF800000 : f32
      %broadcast_in_dim3A_2824 = vector.broadcast %jit3A_2823 : f32 to vector<1024x256xf32>
      %select_n3A_2825 = arith.select %eq3A_2822, %broadcast_in_dim3A_2824, %select_n3A_2798 : vector<1024x256xi1>, vector<1024x256xf32>
      %reduce_max3A_2826 = arith.constant dense<0xFF800000> : vector<256xf32>
      %reduce_max3A_2827 = vector.multi_reduction <maximumf>, %select_n3A_2825, %reduce_max3A_2826 [0] : vector<1024x256xf32> to vector<256xf32>
      %broadcast_in_dim3A_2828 = vector.shape_cast %reduce_max3A_2827 : vector<256xf32> to vector<1x256xf32>
      %eq3A_2829 = vector.broadcast %broadcast_in_dim3A_2828 : vector<1x256xf32> to vector<1024x256xf32>
      %eq3A_2830 = arith.cmpf oeq, %select_n3A_2825, %eq3A_2829 : vector<1024x256xf32>
      %jit3A_2831 = arith.constant 0xFF800000 : f32
      %broadcast_in_dim3A_2832 = vector.broadcast %jit3A_2831 : f32 to vector<1024x256xf32>
      %select_n3A_2833 = arith.select %eq3A_2830, %convert_element_type3A_2582, %broadcast_in_dim3A_2832 : vector<1024x256xi1>, vector<1024x256xf32>
      %reduce_max3A_2834 = arith.constant dense<0xFF800000> : vector<256xf32>
      %reduce_max3A_2835 = vector.multi_reduction <maximumf>, %select_n3A_2833, %reduce_max3A_2834 [0] : vector<1024x256xf32> to vector<256xf32>
      %broadcast_in_dim3A_2836 = vector.shape_cast %reduce_max3A_2835 : vector<256xf32> to vector<1x256xf32>
      %swap3A_2837 = arith.constant 9 : index
      %swap3A_2838 = arith.constant 512 : index
      %swap3A_2839 = vector.load %arg3[%swap3A_2837, %swap3A_2838] : memref<32x1024xf32, #tpu.memory_space<vmem>>, vector<1x256xf32>
      tpu.vector_store %arg3[%swap3A_2837, %swap3A_2838], %broadcast_in_dim3A_2828 {strides = array<i32>} : memref<32x1024xf32, #tpu.memory_space<vmem>>, vector<1x256xf32>,
      %convert_element_type3A_2840 = arith.fptosi %broadcast_in_dim3A_2836 : vector<1x256xf32> to vector<1x256xi32>
      %swap3A_2841 = arith.constant 9 : index
      %swap3A_2842 = arith.constant 512 : index
      %swap3A_2843 = vector.load %arg4[%swap3A_2841, %swap3A_2842] : memref<32x1024xi32, #tpu.memory_space<vmem>>, vector<1x256xi32>
      tpu.vector_store %arg4[%swap3A_2841, %swap3A_2842], %convert_element_type3A_2840 {strides = array<i32>} : memref<32x1024xi32, #tpu.memory_space<vmem>>, vector<1x256xi32>,
      %mul3A_2844 = arith.constant 7.812500e-03 : f32
      %mul3A_2845 = vector.broadcast %mul3A_2844 : f32 to vector<1x256xf32>
      %mul3A_2846 = arith.mulf %broadcast_in_dim3A_2836, %mul3A_2845 : vector<1x256xf32>
      %floor3A_2847 = math.floor %mul3A_2846 : vector<1x256xf32>
      %eq3A_2848 = vector.broadcast %floor3A_2847 : vector<1x256xf32> to vector<1024x256xf32>
      %eq3A_2849 = arith.cmpf oeq, %convert_element_type3A_2574, %eq3A_2848 : vector<1024x256xf32>
      %jit3A_2850 = arith.constant 0xFF800000 : f32
      %broadcast_in_dim3A_2851 = vector.broadcast %jit3A_2850 : f32 to vector<1024x256xf32>
      %select_n3A_2852 = arith.select %eq3A_2849, %broadcast_in_dim3A_2851, %select_n3A_2825 : vector<1024x256xi1>, vector<1024x256xf32>
      %reduce_max3A_2853 = arith.constant dense<0xFF800000> : vector<256xf32>
      %reduce_max3A_2854 = vector.multi_reduction <maximumf>, %select_n3A_2852, %reduce_max3A_2853 [0] : vector<1024x256xf32> to vector<256xf32>
      %broadcast_in_dim3A_2855 = vector.shape_cast %reduce_max3A_2854 : vector<256xf32> to vector<1x256xf32>
      %eq3A_2856 = vector.broadcast %broadcast_in_dim3A_2855 : vector<1x256xf32> to vector<1024x256xf32>
      %eq3A_2857 = arith.cmpf oeq, %select_n3A_2852, %eq3A_2856 : vector<1024x256xf32>
      %jit3A_2858 = arith.constant 0xFF800000 : f32
      %broadcast_in_dim3A_2859 = vector.broadcast %jit3A_2858 : f32 to vector<1024x256xf32>
      %select_n3A_2860 = arith.select %eq3A_2857, %convert_element_type3A_2582, %broadcast_in_dim3A_2859 : vector<1024x256xi1>, vector<1024x256xf32>
      %reduce_max3A_2861 = arith.constant dense<0xFF800000> : vector<256xf32>
      %reduce_max3A_2862 = vector.multi_reduction <maximumf>, %select_n3A_2860, %reduce_max3A_2861 [0] : vector<1024x256xf32> to vector<256xf32>
      %broadcast_in_dim3A_2863 = vector.shape_cast %reduce_max3A_2862 : vector<256xf32> to vector<1x256xf32>
      %swap3A_2864 = arith.constant 10 : index
      %swap3A_2865 = arith.constant 512 : index
      %swap3A_2866 = vector.load %arg3[%swap3A_2864, %swap3A_2865] : memref<32x1024xf32, #tpu.memory_space<vmem>>, vector<1x256xf32>
      tpu.vector_store %arg3[%swap3A_2864, %swap3A_2865], %broadcast_in_dim3A_2855 {strides = array<i32>} : memref<32x1024xf32, #tpu.memory_space<vmem>>, vector<1x256xf32>,
      %convert_element_type3A_2867 = arith.fptosi %broadcast_in_dim3A_2863 : vector<1x256xf32> to vector<1x256xi32>
      %swap3A_2868 = arith.constant 10 : index
      %swap3A_2869 = arith.constant 512 : index
      %swap3A_2870 = vector.load %arg4[%swap3A_2868, %swap3A_2869] : memref<32x1024xi32, #tpu.memory_space<vmem>>, vector<1x256xi32>
      tpu.vector_store %arg4[%swap3A_2868, %swap3A_2869], %convert_element_type3A_2867 {strides = array<i32>} : memref<32x1024xi32, #tpu.memory_space<vmem>>, vector<1x256xi32>,
      %mul3A_2871 = arith.constant 7.812500e-03 : f32
      %mul3A_2872 = vector.broadcast %mul3A_2871 : f32 to vector<1x256xf32>
      %mul3A_2873 = arith.mulf %broadcast_in_dim3A_2863, %mul3A_2872 : vector<1x256xf32>
      %floor3A_2874 = math.floor %mul3A_2873 : vector<1x256xf32>
      %eq3A_2875 = vector.broadcast %floor3A_2874 : vector<1x256xf32> to vector<1024x256xf32>
      %eq3A_2876 = arith.cmpf oeq, %convert_element_type3A_2574, %eq3A_2875 : vector<1024x256xf32>
      %jit3A_2877 = arith.constant 0xFF800000 : f32
      %broadcast_in_dim3A_2878 = vector.broadcast %jit3A_2877 : f32 to vector<1024x256xf32>
      %select_n3A_2879 = arith.select %eq3A_2876, %broadcast_in_dim3A_2878, %select_n3A_2852 : vector<1024x256xi1>, vector<1024x256xf32>
      %reduce_max3A_2880 = arith.constant dense<0xFF800000> : vector<256xf32>
      %reduce_max3A_2881 = vector.multi_reduction <maximumf>, %select_n3A_2879, %reduce_max3A_2880 [0] : vector<1024x256xf32> to vector<256xf32>
      %broadcast_in_dim3A_2882 = vector.shape_cast %reduce_max3A_2881 : vector<256xf32> to vector<1x256xf32>
      %eq3A_2883 = vector.broadcast %broadcast_in_dim3A_2882 : vector<1x256xf32> to vector<1024x256xf32>
      %eq3A_2884 = arith.cmpf oeq, %select_n3A_2879, %eq3A_2883 : vector<1024x256xf32>
      %jit3A_2885 = arith.constant 0xFF800000 : f32
      %broadcast_in_dim3A_2886 = vector.broadcast %jit3A_2885 : f32 to vector<1024x256xf32>
      %select_n3A_2887 = arith.select %eq3A_2884, %convert_element_type3A_2582, %broadcast_in_dim3A_2886 : vector<1024x256xi1>, vector<1024x256xf32>
      %reduce_max3A_2888 = arith.constant dense<0xFF800000> : vector<256xf32>
      %reduce_max3A_2889 = vector.multi_reduction <maximumf>, %select_n3A_2887, %reduce_max3A_2888 [0] : vector<1024x256xf32> to vector<256xf32>
      %broadcast_in_dim3A_2890 = vector.shape_cast %reduce_max3A_2889 : vector<256xf32> to vector<1x256xf32>
      %swap3A_2891 = arith.constant 11 : index
      %swap3A_2892 = arith.constant 512 : index
      %swap3A_2893 = vector.load %arg3[%swap3A_2891, %swap3A_2892] : memref<32x1024xf32, #tpu.memory_space<vmem>>, vector<1x256xf32>
      tpu.vector_store %arg3[%swap3A_2891, %swap3A_2892], %broadcast_in_dim3A_2882 {strides = array<i32>} : memref<32x1024xf32, #tpu.memory_space<vmem>>, vector<1x256xf32>,
      %convert_element_type3A_2894 = arith.fptosi %broadcast_in_dim3A_2890 : vector<1x256xf32> to vector<1x256xi32>
      %swap3A_2895 = arith.constant 11 : index
      %swap3A_2896 = arith.constant 512 : index
      %swap3A_2897 = vector.load %arg4[%swap3A_2895, %swap3A_2896] : memref<32x1024xi32, #tpu.memory_space<vmem>>, vector<1x256xi32>
      tpu.vector_store %arg4[%swap3A_2895, %swap3A_2896], %convert_element_type3A_2894 {strides = array<i32>} : memref<32x1024xi32, #tpu.memory_space<vmem>>, vector<1x256xi32>,
      %mul3A_2898 = arith.constant 7.812500e-03 : f32
      %mul3A_2899 = vector.broadcast %mul3A_2898 : f32 to vector<1x256xf32>
      %mul3A_2900 = arith.mulf %broadcast_in_dim3A_2890, %mul3A_2899 : vector<1x256xf32>
      %floor3A_2901 = math.floor %mul3A_2900 : vector<1x256xf32>
      %eq3A_2902 = vector.broadcast %floor3A_2901 : vector<1x256xf32> to vector<1024x256xf32>
      %eq3A_2903 = arith.cmpf oeq, %convert_element_type3A_2574, %eq3A_2902 : vector<1024x256xf32>
      %jit3A_2904 = arith.constant 0xFF800000 : f32
      %broadcast_in_dim3A_2905 = vector.broadcast %jit3A_2904 : f32 to vector<1024x256xf32>
      %select_n3A_2906 = arith.select %eq3A_2903, %broadcast_in_dim3A_2905, %select_n3A_2879 : vector<1024x256xi1>, vector<1024x256xf32>
      %reduce_max3A_2907 = arith.constant dense<0xFF800000> : vector<256xf32>
      %reduce_max3A_2908 = vector.multi_reduction <maximumf>, %select_n3A_2906, %reduce_max3A_2907 [0] : vector<1024x256xf32> to vector<256xf32>
      %broadcast_in_dim3A_2909 = vector.shape_cast %reduce_max3A_2908 : vector<256xf32> to vector<1x256xf32>
      %eq3A_2910 = vector.broadcast %broadcast_in_dim3A_2909 : vector<1x256xf32> to vector<1024x256xf32>
      %eq3A_2911 = arith.cmpf oeq, %select_n3A_2906, %eq3A_2910 : vector<1024x256xf32>
      %jit3A_2912 = arith.constant 0xFF800000 : f32
      %broadcast_in_dim3A_2913 = vector.broadcast %jit3A_2912 : f32 to vector<1024x256xf32>
      %select_n3A_2914 = arith.select %eq3A_2911, %convert_element_type3A_2582, %broadcast_in_dim3A_2913 : vector<1024x256xi1>, vector<1024x256xf32>
      %reduce_max3A_2915 = arith.constant dense<0xFF800000> : vector<256xf32>
      %reduce_max3A_2916 = vector.multi_reduction <maximumf>, %select_n3A_2914, %reduce_max3A_2915 [0] : vector<1024x256xf32> to vector<256xf32>
      %broadcast_in_dim3A_2917 = vector.shape_cast %reduce_max3A_2916 : vector<256xf32> to vector<1x256xf32>
      %swap3A_2918 = arith.constant 12 : index
      %swap3A_2919 = arith.constant 512 : index
      %swap3A_2920 = vector.load %arg3[%swap3A_2918, %swap3A_2919] : memref<32x1024xf32, #tpu.memory_space<vmem>>, vector<1x256xf32>
      tpu.vector_store %arg3[%swap3A_2918, %swap3A_2919], %broadcast_in_dim3A_2909 {strides = array<i32>} : memref<32x1024xf32, #tpu.memory_space<vmem>>, vector<1x256xf32>,
      %convert_element_type3A_2921 = arith.fptosi %broadcast_in_dim3A_2917 : vector<1x256xf32> to vector<1x256xi32>
      %swap3A_2922 = arith.constant 12 : index
      %swap3A_2923 = arith.constant 512 : index
      %swap3A_2924 = vector.load %arg4[%swap3A_2922, %swap3A_2923] : memref<32x1024xi32, #tpu.memory_space<vmem>>, vector<1x256xi32>
      tpu.vector_store %arg4[%swap3A_2922, %swap3A_2923], %convert_element_type3A_2921 {strides = array<i32>} : memref<32x1024xi32, #tpu.memory_space<vmem>>, vector<1x256xi32>,
      %mul3A_2925 = arith.constant 7.812500e-03 : f32
      %mul3A_2926 = vector.broadcast %mul3A_2925 : f32 to vector<1x256xf32>
      %mul3A_2927 = arith.mulf %broadcast_in_dim3A_2917, %mul3A_2926 : vector<1x256xf32>
      %floor3A_2928 = math.floor %mul3A_2927 : vector<1x256xf32>
      %eq3A_2929 = vector.broadcast %floor3A_2928 : vector<1x256xf32> to vector<1024x256xf32>
      %eq3A_2930 = arith.cmpf oeq, %convert_element_type3A_2574, %eq3A_2929 : vector<1024x256xf32>
      %jit3A_2931 = arith.constant 0xFF800000 : f32
      %broadcast_in_dim3A_2932 = vector.broadcast %jit3A_2931 : f32 to vector<1024x256xf32>
      %select_n3A_2933 = arith.select %eq3A_2930, %broadcast_in_dim3A_2932, %select_n3A_2906 : vector<1024x256xi1>, vector<1024x256xf32>
      %reduce_max3A_2934 = arith.constant dense<0xFF800000> : vector<256xf32>
      %reduce_max3A_2935 = vector.multi_reduction <maximumf>, %select_n3A_2933, %reduce_max3A_2934 [0] : vector<1024x256xf32> to vector<256xf32>
      %broadcast_in_dim3A_2936 = vector.shape_cast %reduce_max3A_2935 : vector<256xf32> to vector<1x256xf32>
      %eq3A_2937 = vector.broadcast %broadcast_in_dim3A_2936 : vector<1x256xf32> to vector<1024x256xf32>
      %eq3A_2938 = arith.cmpf oeq, %select_n3A_2933, %eq3A_2937 : vector<1024x256xf32>
      %jit3A_2939 = arith.constant 0xFF800000 : f32
      %broadcast_in_dim3A_2940 = vector.broadcast %jit3A_2939 : f32 to vector<1024x256xf32>
      %select_n3A_2941 = arith.select %eq3A_2938, %convert_element_type3A_2582, %broadcast_in_dim3A_2940 : vector<1024x256xi1>, vector<1024x256xf32>
      %reduce_max3A_2942 = arith.constant dense<0xFF800000> : vector<256xf32>
      %reduce_max3A_2943 = vector.multi_reduction <maximumf>, %select_n3A_2941, %reduce_max3A_2942 [0] : vector<1024x256xf32> to vector<256xf32>
      %broadcast_in_dim3A_2944 = vector.shape_cast %reduce_max3A_2943 : vector<256xf32> to vector<1x256xf32>
      %swap3A_2945 = arith.constant 13 : index
      %swap3A_2946 = arith.constant 512 : index
      %swap3A_2947 = vector.load %arg3[%swap3A_2945, %swap3A_2946] : memref<32x1024xf32, #tpu.memory_space<vmem>>, vector<1x256xf32>
      tpu.vector_store %arg3[%swap3A_2945, %swap3A_2946], %broadcast_in_dim3A_2936 {strides = array<i32>} : memref<32x1024xf32, #tpu.memory_space<vmem>>, vector<1x256xf32>,
      %convert_element_type3A_2948 = arith.fptosi %broadcast_in_dim3A_2944 : vector<1x256xf32> to vector<1x256xi32>
      %swap3A_2949 = arith.constant 13 : index
      %swap3A_2950 = arith.constant 512 : index
      %swap3A_2951 = vector.load %arg4[%swap3A_2949, %swap3A_2950] : memref<32x1024xi32, #tpu.memory_space<vmem>>, vector<1x256xi32>
      tpu.vector_store %arg4[%swap3A_2949, %swap3A_2950], %convert_element_type3A_2948 {strides = array<i32>} : memref<32x1024xi32, #tpu.memory_space<vmem>>, vector<1x256xi32>,
      %mul3A_2952 = arith.constant 7.812500e-03 : f32
      %mul3A_2953 = vector.broadcast %mul3A_2952 : f32 to vector<1x256xf32>
      %mul3A_2954 = arith.mulf %broadcast_in_dim3A_2944, %mul3A_2953 : vector<1x256xf32>
      %floor3A_2955 = math.floor %mul3A_2954 : vector<1x256xf32>
      %eq3A_2956 = vector.broadcast %floor3A_2955 : vector<1x256xf32> to vector<1024x256xf32>
      %eq3A_2957 = arith.cmpf oeq, %convert_element_type3A_2574, %eq3A_2956 : vector<1024x256xf32>
      %jit3A_2958 = arith.constant 0xFF800000 : f32
      %broadcast_in_dim3A_2959 = vector.broadcast %jit3A_2958 : f32 to vector<1024x256xf32>
      %select_n3A_2960 = arith.select %eq3A_2957, %broadcast_in_dim3A_2959, %select_n3A_2933 : vector<1024x256xi1>, vector<1024x256xf32>
      %reduce_max3A_2961 = arith.constant dense<0xFF800000> : vector<256xf32>
      %reduce_max3A_2962 = vector.multi_reduction <maximumf>, %select_n3A_2960, %reduce_max3A_2961 [0] : vector<1024x256xf32> to vector<256xf32>
      %broadcast_in_dim3A_2963 = vector.shape_cast %reduce_max3A_2962 : vector<256xf32> to vector<1x256xf32>
      %eq3A_2964 = vector.broadcast %broadcast_in_dim3A_2963 : vector<1x256xf32> to vector<1024x256xf32>
      %eq3A_2965 = arith.cmpf oeq, %select_n3A_2960, %eq3A_2964 : vector<1024x256xf32>
      %jit3A_2966 = arith.constant 0xFF800000 : f32
      %broadcast_in_dim3A_2967 = vector.broadcast %jit3A_2966 : f32 to vector<1024x256xf32>
      %select_n3A_2968 = arith.select %eq3A_2965, %convert_element_type3A_2582, %broadcast_in_dim3A_2967 : vector<1024x256xi1>, vector<1024x256xf32>
      %reduce_max3A_2969 = arith.constant dense<0xFF800000> : vector<256xf32>
      %reduce_max3A_2970 = vector.multi_reduction <maximumf>, %select_n3A_2968, %reduce_max3A_2969 [0] : vector<1024x256xf32> to vector<256xf32>
      %broadcast_in_dim3A_2971 = vector.shape_cast %reduce_max3A_2970 : vector<256xf32> to vector<1x256xf32>
      %swap3A_2972 = arith.constant 14 : index
      %swap3A_2973 = arith.constant 512 : index
      %swap3A_2974 = vector.load %arg3[%swap3A_2972, %swap3A_2973] : memref<32x1024xf32, #tpu.memory_space<vmem>>, vector<1x256xf32>
      tpu.vector_store %arg3[%swap3A_2972, %swap3A_2973], %broadcast_in_dim3A_2963 {strides = array<i32>} : memref<32x1024xf32, #tpu.memory_space<vmem>>, vector<1x256xf32>,
      %convert_element_type3A_2975 = arith.fptosi %broadcast_in_dim3A_2971 : vector<1x256xf32> to vector<1x256xi32>
      %swap3A_2976 = arith.constant 14 : index
      %swap3A_2977 = arith.constant 512 : index
      %swap3A_2978 = vector.load %arg4[%swap3A_2976, %swap3A_2977] : memref<32x1024xi32, #tpu.memory_space<vmem>>, vector<1x256xi32>
      tpu.vector_store %arg4[%swap3A_2976, %swap3A_2977], %convert_element_type3A_2975 {strides = array<i32>} : memref<32x1024xi32, #tpu.memory_space<vmem>>, vector<1x256xi32>,
      %mul3A_2979 = arith.constant 7.812500e-03 : f32
      %mul3A_2980 = vector.broadcast %mul3A_2979 : f32 to vector<1x256xf32>
      %mul3A_2981 = arith.mulf %broadcast_in_dim3A_2971, %mul3A_2980 : vector<1x256xf32>
      %floor3A_2982 = math.floor %mul3A_2981 : vector<1x256xf32>
      %eq3A_2983 = vector.broadcast %floor3A_2982 : vector<1x256xf32> to vector<1024x256xf32>
      %eq3A_2984 = arith.cmpf oeq, %convert_element_type3A_2574, %eq3A_2983 : vector<1024x256xf32>
      %jit3A_2985 = arith.constant 0xFF800000 : f32
      %broadcast_in_dim3A_2986 = vector.broadcast %jit3A_2985 : f32 to vector<1024x256xf32>
      %select_n3A_2987 = arith.select %eq3A_2984, %broadcast_in_dim3A_2986, %select_n3A_2960 : vector<1024x256xi1>, vector<1024x256xf32>
      %reduce_max3A_2988 = arith.constant dense<0xFF800000> : vector<256xf32>
      %reduce_max3A_2989 = vector.multi_reduction <maximumf>, %select_n3A_2987, %reduce_max3A_2988 [0] : vector<1024x256xf32> to vector<256xf32>
      %broadcast_in_dim3A_2990 = vector.shape_cast %reduce_max3A_2989 : vector<256xf32> to vector<1x256xf32>
      %eq3A_2991 = vector.broadcast %broadcast_in_dim3A_2990 : vector<1x256xf32> to vector<1024x256xf32>
      %eq3A_2992 = arith.cmpf oeq, %select_n3A_2987, %eq3A_2991 : vector<1024x256xf32>
      %jit3A_2993 = arith.constant 0xFF800000 : f32
      %broadcast_in_dim3A_2994 = vector.broadcast %jit3A_2993 : f32 to vector<1024x256xf32>
      %select_n3A_2995 = arith.select %eq3A_2992, %convert_element_type3A_2582, %broadcast_in_dim3A_2994 : vector<1024x256xi1>, vector<1024x256xf32>
      %reduce_max3A_2996 = arith.constant dense<0xFF800000> : vector<256xf32>
      %reduce_max3A_2997 = vector.multi_reduction <maximumf>, %select_n3A_2995, %reduce_max3A_2996 [0] : vector<1024x256xf32> to vector<256xf32>
      %broadcast_in_dim3A_2998 = vector.shape_cast %reduce_max3A_2997 : vector<256xf32> to vector<1x256xf32>
      %swap3A_2999 = arith.constant 15 : index
      %swap3A_3000 = arith.constant 512 : index
      %swap3A_3001 = vector.load %arg3[%swap3A_2999, %swap3A_3000] : memref<32x1024xf32, #tpu.memory_space<vmem>>, vector<1x256xf32>
      tpu.vector_store %arg3[%swap3A_2999, %swap3A_3000], %broadcast_in_dim3A_2990 {strides = array<i32>} : memref<32x1024xf32, #tpu.memory_space<vmem>>, vector<1x256xf32>,
      %convert_element_type3A_3002 = arith.fptosi %broadcast_in_dim3A_2998 : vector<1x256xf32> to vector<1x256xi32>
      %swap3A_3003 = arith.constant 15 : index
      %swap3A_3004 = arith.constant 512 : index
      %swap3A_3005 = vector.load %arg4[%swap3A_3003, %swap3A_3004] : memref<32x1024xi32, #tpu.memory_space<vmem>>, vector<1x256xi32>
      tpu.vector_store %arg4[%swap3A_3003, %swap3A_3004], %convert_element_type3A_3002 {strides = array<i32>} : memref<32x1024xi32, #tpu.memory_space<vmem>>, vector<1x256xi32>,
      %mul3A_3006 = arith.constant 7.812500e-03 : f32
      %mul3A_3007 = vector.broadcast %mul3A_3006 : f32 to vector<1x256xf32>
      %mul3A_3008 = arith.mulf %broadcast_in_dim3A_2998, %mul3A_3007 : vector<1x256xf32>
      %floor3A_3009 = math.floor %mul3A_3008 : vector<1x256xf32>
      %eq3A_3010 = vector.broadcast %floor3A_3009 : vector<1x256xf32> to vector<1024x256xf32>
      %eq3A_3011 = arith.cmpf oeq, %convert_element_type3A_2574, %eq3A_3010 : vector<1024x256xf32>
      %jit3A_3012 = arith.constant 0xFF800000 : f32
      %broadcast_in_dim3A_3013 = vector.broadcast %jit3A_3012 : f32 to vector<1024x256xf32>
      %select_n3A_3014 = arith.select %eq3A_3011, %broadcast_in_dim3A_3013, %select_n3A_2987 : vector<1024x256xi1>, vector<1024x256xf32>
      %reduce_max3A_3015 = arith.constant dense<0xFF800000> : vector<256xf32>
      %reduce_max3A_3016 = vector.multi_reduction <maximumf>, %select_n3A_3014, %reduce_max3A_3015 [0] : vector<1024x256xf32> to vector<256xf32>
      %broadcast_in_dim3A_3017 = vector.shape_cast %reduce_max3A_3016 : vector<256xf32> to vector<1x256xf32>
      %eq3A_3018 = vector.broadcast %broadcast_in_dim3A_3017 : vector<1x256xf32> to vector<1024x256xf32>
      %eq3A_3019 = arith.cmpf oeq, %select_n3A_3014, %eq3A_3018 : vector<1024x256xf32>
      %jit3A_3020 = arith.constant 0xFF800000 : f32
      %broadcast_in_dim3A_3021 = vector.broadcast %jit3A_3020 : f32 to vector<1024x256xf32>
      %select_n3A_3022 = arith.select %eq3A_3019, %convert_element_type3A_2582, %broadcast_in_dim3A_3021 : vector<1024x256xi1>, vector<1024x256xf32>
      %reduce_max3A_3023 = arith.constant dense<0xFF800000> : vector<256xf32>
      %reduce_max3A_3024 = vector.multi_reduction <maximumf>, %select_n3A_3022, %reduce_max3A_3023 [0] : vector<1024x256xf32> to vector<256xf32>
      %broadcast_in_dim3A_3025 = vector.shape_cast %reduce_max3A_3024 : vector<256xf32> to vector<1x256xf32>
      %swap3A_3026 = arith.constant 16 : index
      %swap3A_3027 = arith.constant 512 : index
      %swap3A_3028 = vector.load %arg3[%swap3A_3026, %swap3A_3027] : memref<32x1024xf32, #tpu.memory_space<vmem>>, vector<1x256xf32>
      tpu.vector_store %arg3[%swap3A_3026, %swap3A_3027], %broadcast_in_dim3A_3017 {strides = array<i32>} : memref<32x1024xf32, #tpu.memory_space<vmem>>, vector<1x256xf32>,
      %convert_element_type3A_3029 = arith.fptosi %broadcast_in_dim3A_3025 : vector<1x256xf32> to vector<1x256xi32>
      %swap3A_3030 = arith.constant 16 : index
      %swap3A_3031 = arith.constant 512 : index
      %swap3A_3032 = vector.load %arg4[%swap3A_3030, %swap3A_3031] : memref<32x1024xi32, #tpu.memory_space<vmem>>, vector<1x256xi32>
      tpu.vector_store %arg4[%swap3A_3030, %swap3A_3031], %convert_element_type3A_3029 {strides = array<i32>} : memref<32x1024xi32, #tpu.memory_space<vmem>>, vector<1x256xi32>,
      %mul3A_3033 = arith.constant 7.812500e-03 : f32
      %mul3A_3034 = vector.broadcast %mul3A_3033 : f32 to vector<1x256xf32>
      %mul3A_3035 = arith.mulf %broadcast_in_dim3A_3025, %mul3A_3034 : vector<1x256xf32>
      %floor3A_3036 = math.floor %mul3A_3035 : vector<1x256xf32>
      %eq3A_3037 = vector.broadcast %floor3A_3036 : vector<1x256xf32> to vector<1024x256xf32>
      %eq3A_3038 = arith.cmpf oeq, %convert_element_type3A_2574, %eq3A_3037 : vector<1024x256xf32>
      %jit3A_3039 = arith.constant 0xFF800000 : f32
      %broadcast_in_dim3A_3040 = vector.broadcast %jit3A_3039 : f32 to vector<1024x256xf32>
      %select_n3A_3041 = arith.select %eq3A_3038, %broadcast_in_dim3A_3040, %select_n3A_3014 : vector<1024x256xi1>, vector<1024x256xf32>
      %reduce_max3A_3042 = arith.constant dense<0xFF800000> : vector<256xf32>
      %reduce_max3A_3043 = vector.multi_reduction <maximumf>, %select_n3A_3041, %reduce_max3A_3042 [0] : vector<1024x256xf32> to vector<256xf32>
      %broadcast_in_dim3A_3044 = vector.shape_cast %reduce_max3A_3043 : vector<256xf32> to vector<1x256xf32>
      %eq3A_3045 = vector.broadcast %broadcast_in_dim3A_3044 : vector<1x256xf32> to vector<1024x256xf32>
      %eq3A_3046 = arith.cmpf oeq, %select_n3A_3041, %eq3A_3045 : vector<1024x256xf32>
      %jit3A_3047 = arith.constant 0xFF800000 : f32
      %broadcast_in_dim3A_3048 = vector.broadcast %jit3A_3047 : f32 to vector<1024x256xf32>
      %select_n3A_3049 = arith.select %eq3A_3046, %convert_element_type3A_2582, %broadcast_in_dim3A_3048 : vector<1024x256xi1>, vector<1024x256xf32>
      %reduce_max3A_3050 = arith.constant dense<0xFF800000> : vector<256xf32>
      %reduce_max3A_3051 = vector.multi_reduction <maximumf>, %select_n3A_3049, %reduce_max3A_3050 [0] : vector<1024x256xf32> to vector<256xf32>
      %broadcast_in_dim3A_3052 = vector.shape_cast %reduce_max3A_3051 : vector<256xf32> to vector<1x256xf32>
      %swap3A_3053 = arith.constant 17 : index
      %swap3A_3054 = arith.constant 512 : index
      %swap3A_3055 = vector.load %arg3[%swap3A_3053, %swap3A_3054] : memref<32x1024xf32, #tpu.memory_space<vmem>>, vector<1x256xf32>
      tpu.vector_store %arg3[%swap3A_3053, %swap3A_3054], %broadcast_in_dim3A_3044 {strides = array<i32>} : memref<32x1024xf32, #tpu.memory_space<vmem>>, vector<1x256xf32>,
      %convert_element_type3A_3056 = arith.fptosi %broadcast_in_dim3A_3052 : vector<1x256xf32> to vector<1x256xi32>
      %swap3A_3057 = arith.constant 17 : index
      %swap3A_3058 = arith.constant 512 : index
      %swap3A_3059 = vector.load %arg4[%swap3A_3057, %swap3A_3058] : memref<32x1024xi32, #tpu.memory_space<vmem>>, vector<1x256xi32>
      tpu.vector_store %arg4[%swap3A_3057, %swap3A_3058], %convert_element_type3A_3056 {strides = array<i32>} : memref<32x1024xi32, #tpu.memory_space<vmem>>, vector<1x256xi32>,
      %mul3A_3060 = arith.constant 7.812500e-03 : f32
      %mul3A_3061 = vector.broadcast %mul3A_3060 : f32 to vector<1x256xf32>
      %mul3A_3062 = arith.mulf %broadcast_in_dim3A_3052, %mul3A_3061 : vector<1x256xf32>
      %floor3A_3063 = math.floor %mul3A_3062 : vector<1x256xf32>
      %eq3A_3064 = vector.broadcast %floor3A_3063 : vector<1x256xf32> to vector<1024x256xf32>
      %eq3A_3065 = arith.cmpf oeq, %convert_element_type3A_2574, %eq3A_3064 : vector<1024x256xf32>
      %jit3A_3066 = arith.constant 0xFF800000 : f32
      %broadcast_in_dim3A_3067 = vector.broadcast %jit3A_3066 : f32 to vector<1024x256xf32>
      %select_n3A_3068 = arith.select %eq3A_3065, %broadcast_in_dim3A_3067, %select_n3A_3041 : vector<1024x256xi1>, vector<1024x256xf32>
      %reduce_max3A_3069 = arith.constant dense<0xFF800000> : vector<256xf32>
      %reduce_max3A_3070 = vector.multi_reduction <maximumf>, %select_n3A_3068, %reduce_max3A_3069 [0] : vector<1024x256xf32> to vector<256xf32>
      %broadcast_in_dim3A_3071 = vector.shape_cast %reduce_max3A_3070 : vector<256xf32> to vector<1x256xf32>
      %eq3A_3072 = vector.broadcast %broadcast_in_dim3A_3071 : vector<1x256xf32> to vector<1024x256xf32>
      %eq3A_3073 = arith.cmpf oeq, %select_n3A_3068, %eq3A_3072 : vector<1024x256xf32>
      %jit3A_3074 = arith.constant 0xFF800000 : f32
      %broadcast_in_dim3A_3075 = vector.broadcast %jit3A_3074 : f32 to vector<1024x256xf32>
      %select_n3A_3076 = arith.select %eq3A_3073, %convert_element_type3A_2582, %broadcast_in_dim3A_3075 : vector<1024x256xi1>, vector<1024x256xf32>
      %reduce_max3A_3077 = arith.constant dense<0xFF800000> : vector<256xf32>
      %reduce_max3A_3078 = vector.multi_reduction <maximumf>, %select_n3A_3076, %reduce_max3A_3077 [0] : vector<1024x256xf32> to vector<256xf32>
      %broadcast_in_dim3A_3079 = vector.shape_cast %reduce_max3A_3078 : vector<256xf32> to vector<1x256xf32>
      %swap3A_3080 = arith.constant 18 : index
      %swap3A_3081 = arith.constant 512 : index
      %swap3A_3082 = vector.load %arg3[%swap3A_3080, %swap3A_3081] : memref<32x1024xf32, #tpu.memory_space<vmem>>, vector<1x256xf32>
      tpu.vector_store %arg3[%swap3A_3080, %swap3A_3081], %broadcast_in_dim3A_3071 {strides = array<i32>} : memref<32x1024xf32, #tpu.memory_space<vmem>>, vector<1x256xf32>,
      %convert_element_type3A_3083 = arith.fptosi %broadcast_in_dim3A_3079 : vector<1x256xf32> to vector<1x256xi32>
      %swap3A_3084 = arith.constant 18 : index
      %swap3A_3085 = arith.constant 512 : index
      %swap3A_3086 = vector.load %arg4[%swap3A_3084, %swap3A_3085] : memref<32x1024xi32, #tpu.memory_space<vmem>>, vector<1x256xi32>
      tpu.vector_store %arg4[%swap3A_3084, %swap3A_3085], %convert_element_type3A_3083 {strides = array<i32>} : memref<32x1024xi32, #tpu.memory_space<vmem>>, vector<1x256xi32>,
      %mul3A_3087 = arith.constant 7.812500e-03 : f32
      %mul3A_3088 = vector.broadcast %mul3A_3087 : f32 to vector<1x256xf32>
      %mul3A_3089 = arith.mulf %broadcast_in_dim3A_3079, %mul3A_3088 : vector<1x256xf32>
      %floor3A_3090 = math.floor %mul3A_3089 : vector<1x256xf32>
      %eq3A_3091 = vector.broadcast %floor3A_3090 : vector<1x256xf32> to vector<1024x256xf32>
      %eq3A_3092 = arith.cmpf oeq, %convert_element_type3A_2574, %eq3A_3091 : vector<1024x256xf32>
      %jit3A_3093 = arith.constant 0xFF800000 : f32
      %broadcast_in_dim3A_3094 = vector.broadcast %jit3A_3093 : f32 to vector<1024x256xf32>
      %select_n3A_3095 = arith.select %eq3A_3092, %broadcast_in_dim3A_3094, %select_n3A_3068 : vector<1024x256xi1>, vector<1024x256xf32>
      %reduce_max3A_3096 = arith.constant dense<0xFF800000> : vector<256xf32>
      %reduce_max3A_3097 = vector.multi_reduction <maximumf>, %select_n3A_3095, %reduce_max3A_3096 [0] : vector<1024x256xf32> to vector<256xf32>
      %broadcast_in_dim3A_3098 = vector.shape_cast %reduce_max3A_3097 : vector<256xf32> to vector<1x256xf32>
      %eq3A_3099 = vector.broadcast %broadcast_in_dim3A_3098 : vector<1x256xf32> to vector<1024x256xf32>
      %eq3A_3100 = arith.cmpf oeq, %select_n3A_3095, %eq3A_3099 : vector<1024x256xf32>
      %jit3A_3101 = arith.constant 0xFF800000 : f32
      %broadcast_in_dim3A_3102 = vector.broadcast %jit3A_3101 : f32 to vector<1024x256xf32>
      %select_n3A_3103 = arith.select %eq3A_3100, %convert_element_type3A_2582, %broadcast_in_dim3A_3102 : vector<1024x256xi1>, vector<1024x256xf32>
      %reduce_max3A_3104 = arith.constant dense<0xFF800000> : vector<256xf32>
      %reduce_max3A_3105 = vector.multi_reduction <maximumf>, %select_n3A_3103, %reduce_max3A_3104 [0] : vector<1024x256xf32> to vector<256xf32>
      %broadcast_in_dim3A_3106 = vector.shape_cast %reduce_max3A_3105 : vector<256xf32> to vector<1x256xf32>
      %swap3A_3107 = arith.constant 19 : index
      %swap3A_3108 = arith.constant 512 : index
      %swap3A_3109 = vector.load %arg3[%swap3A_3107, %swap3A_3108] : memref<32x1024xf32, #tpu.memory_space<vmem>>, vector<1x256xf32>
      tpu.vector_store %arg3[%swap3A_3107, %swap3A_3108], %broadcast_in_dim3A_3098 {strides = array<i32>} : memref<32x1024xf32, #tpu.memory_space<vmem>>, vector<1x256xf32>,
      %convert_element_type3A_3110 = arith.fptosi %broadcast_in_dim3A_3106 : vector<1x256xf32> to vector<1x256xi32>
      %swap3A_3111 = arith.constant 19 : index
      %swap3A_3112 = arith.constant 512 : index
      %swap3A_3113 = vector.load %arg4[%swap3A_3111, %swap3A_3112] : memref<32x1024xi32, #tpu.memory_space<vmem>>, vector<1x256xi32>
      tpu.vector_store %arg4[%swap3A_3111, %swap3A_3112], %convert_element_type3A_3110 {strides = array<i32>} : memref<32x1024xi32, #tpu.memory_space<vmem>>, vector<1x256xi32>,
      %mul3A_3114 = arith.constant 7.812500e-03 : f32
      %mul3A_3115 = vector.broadcast %mul3A_3114 : f32 to vector<1x256xf32>
      %mul3A_3116 = arith.mulf %broadcast_in_dim3A_3106, %mul3A_3115 : vector<1x256xf32>
      %floor3A_3117 = math.floor %mul3A_3116 : vector<1x256xf32>
      %eq3A_3118 = vector.broadcast %floor3A_3117 : vector<1x256xf32> to vector<1024x256xf32>
      %eq3A_3119 = arith.cmpf oeq, %convert_element_type3A_2574, %eq3A_3118 : vector<1024x256xf32>
      %jit3A_3120 = arith.constant 0xFF800000 : f32
      %broadcast_in_dim3A_3121 = vector.broadcast %jit3A_3120 : f32 to vector<1024x256xf32>
      %select_n3A_3122 = arith.select %eq3A_3119, %broadcast_in_dim3A_3121, %select_n3A_3095 : vector<1024x256xi1>, vector<1024x256xf32>
      %reduce_max3A_3123 = arith.constant dense<0xFF800000> : vector<256xf32>
      %reduce_max3A_3124 = vector.multi_reduction <maximumf>, %select_n3A_3122, %reduce_max3A_3123 [0] : vector<1024x256xf32> to vector<256xf32>
      %broadcast_in_dim3A_3125 = vector.shape_cast %reduce_max3A_3124 : vector<256xf32> to vector<1x256xf32>
      %eq3A_3126 = vector.broadcast %broadcast_in_dim3A_3125 : vector<1x256xf32> to vector<1024x256xf32>
      %eq3A_3127 = arith.cmpf oeq, %select_n3A_3122, %eq3A_3126 : vector<1024x256xf32>
      %jit3A_3128 = arith.constant 0xFF800000 : f32
      %broadcast_in_dim3A_3129 = vector.broadcast %jit3A_3128 : f32 to vector<1024x256xf32>
      %select_n3A_3130 = arith.select %eq3A_3127, %convert_element_type3A_2582, %broadcast_in_dim3A_3129 : vector<1024x256xi1>, vector<1024x256xf32>
      %reduce_max3A_3131 = arith.constant dense<0xFF800000> : vector<256xf32>
      %reduce_max3A_3132 = vector.multi_reduction <maximumf>, %select_n3A_3130, %reduce_max3A_3131 [0] : vector<1024x256xf32> to vector<256xf32>
      %broadcast_in_dim3A_3133 = vector.shape_cast %reduce_max3A_3132 : vector<256xf32> to vector<1x256xf32>
      %swap3A_3134 = arith.constant 20 : index
      %swap3A_3135 = arith.constant 512 : index
      %swap3A_3136 = vector.load %arg3[%swap3A_3134, %swap3A_3135] : memref<32x1024xf32, #tpu.memory_space<vmem>>, vector<1x256xf32>
      tpu.vector_store %arg3[%swap3A_3134, %swap3A_3135], %broadcast_in_dim3A_3125 {strides = array<i32>} : memref<32x1024xf32, #tpu.memory_space<vmem>>, vector<1x256xf32>,
      %convert_element_type3A_3137 = arith.fptosi %broadcast_in_dim3A_3133 : vector<1x256xf32> to vector<1x256xi32>
      %swap3A_3138 = arith.constant 20 : index
      %swap3A_3139 = arith.constant 512 : index
      %swap3A_3140 = vector.load %arg4[%swap3A_3138, %swap3A_3139] : memref<32x1024xi32, #tpu.memory_space<vmem>>, vector<1x256xi32>
      tpu.vector_store %arg4[%swap3A_3138, %swap3A_3139], %convert_element_type3A_3137 {strides = array<i32>} : memref<32x1024xi32, #tpu.memory_space<vmem>>, vector<1x256xi32>,
      %mul3A_3141 = arith.constant 7.812500e-03 : f32
      %mul3A_3142 = vector.broadcast %mul3A_3141 : f32 to vector<1x256xf32>
      %mul3A_3143 = arith.mulf %broadcast_in_dim3A_3133, %mul3A_3142 : vector<1x256xf32>
      %floor3A_3144 = math.floor %mul3A_3143 : vector<1x256xf32>
      %eq3A_3145 = vector.broadcast %floor3A_3144 : vector<1x256xf32> to vector<1024x256xf32>
      %eq3A_3146 = arith.cmpf oeq, %convert_element_type3A_2574, %eq3A_3145 : vector<1024x256xf32>
      %jit3A_3147 = arith.constant 0xFF800000 : f32
      %broadcast_in_dim3A_3148 = vector.broadcast %jit3A_3147 : f32 to vector<1024x256xf32>
      %select_n3A_3149 = arith.select %eq3A_3146, %broadcast_in_dim3A_3148, %select_n3A_3122 : vector<1024x256xi1>, vector<1024x256xf32>
      %reduce_max3A_3150 = arith.constant dense<0xFF800000> : vector<256xf32>
      %reduce_max3A_3151 = vector.multi_reduction <maximumf>, %select_n3A_3149, %reduce_max3A_3150 [0] : vector<1024x256xf32> to vector<256xf32>
      %broadcast_in_dim3A_3152 = vector.shape_cast %reduce_max3A_3151 : vector<256xf32> to vector<1x256xf32>
      %eq3A_3153 = vector.broadcast %broadcast_in_dim3A_3152 : vector<1x256xf32> to vector<1024x256xf32>
      %eq3A_3154 = arith.cmpf oeq, %select_n3A_3149, %eq3A_3153 : vector<1024x256xf32>
      %jit3A_3155 = arith.constant 0xFF800000 : f32
      %broadcast_in_dim3A_3156 = vector.broadcast %jit3A_3155 : f32 to vector<1024x256xf32>
      %select_n3A_3157 = arith.select %eq3A_3154, %convert_element_type3A_2582, %broadcast_in_dim3A_3156 : vector<1024x256xi1>, vector<1024x256xf32>
      %reduce_max3A_3158 = arith.constant dense<0xFF800000> : vector<256xf32>
      %reduce_max3A_3159 = vector.multi_reduction <maximumf>, %select_n3A_3157, %reduce_max3A_3158 [0] : vector<1024x256xf32> to vector<256xf32>
      %broadcast_in_dim3A_3160 = vector.shape_cast %reduce_max3A_3159 : vector<256xf32> to vector<1x256xf32>
      %swap3A_3161 = arith.constant 21 : index
      %swap3A_3162 = arith.constant 512 : index
      %swap3A_3163 = vector.load %arg3[%swap3A_3161, %swap3A_3162] : memref<32x1024xf32, #tpu.memory_space<vmem>>, vector<1x256xf32>
      tpu.vector_store %arg3[%swap3A_3161, %swap3A_3162], %broadcast_in_dim3A_3152 {strides = array<i32>} : memref<32x1024xf32, #tpu.memory_space<vmem>>, vector<1x256xf32>,
      %convert_element_type3A_3164 = arith.fptosi %broadcast_in_dim3A_3160 : vector<1x256xf32> to vector<1x256xi32>
      %swap3A_3165 = arith.constant 21 : index
      %swap3A_3166 = arith.constant 512 : index
      %swap3A_3167 = vector.load %arg4[%swap3A_3165, %swap3A_3166] : memref<32x1024xi32, #tpu.memory_space<vmem>>, vector<1x256xi32>
      tpu.vector_store %arg4[%swap3A_3165, %swap3A_3166], %convert_element_type3A_3164 {strides = array<i32>} : memref<32x1024xi32, #tpu.memory_space<vmem>>, vector<1x256xi32>,
      %mul3A_3168 = arith.constant 7.812500e-03 : f32
      %mul3A_3169 = vector.broadcast %mul3A_3168 : f32 to vector<1x256xf32>
      %mul3A_3170 = arith.mulf %broadcast_in_dim3A_3160, %mul3A_3169 : vector<1x256xf32>
      %floor3A_3171 = math.floor %mul3A_3170 : vector<1x256xf32>
      %eq3A_3172 = vector.broadcast %floor3A_3171 : vector<1x256xf32> to vector<1024x256xf32>
      %eq3A_3173 = arith.cmpf oeq, %convert_element_type3A_2574, %eq3A_3172 : vector<1024x256xf32>
      %jit3A_3174 = arith.constant 0xFF800000 : f32
      %broadcast_in_dim3A_3175 = vector.broadcast %jit3A_3174 : f32 to vector<1024x256xf32>
      %select_n3A_3176 = arith.select %eq3A_3173, %broadcast_in_dim3A_3175, %select_n3A_3149 : vector<1024x256xi1>, vector<1024x256xf32>
      %reduce_max3A_3177 = arith.constant dense<0xFF800000> : vector<256xf32>
      %reduce_max3A_3178 = vector.multi_reduction <maximumf>, %select_n3A_3176, %reduce_max3A_3177 [0] : vector<1024x256xf32> to vector<256xf32>
      %broadcast_in_dim3A_3179 = vector.shape_cast %reduce_max3A_3178 : vector<256xf32> to vector<1x256xf32>
      %eq3A_3180 = vector.broadcast %broadcast_in_dim3A_3179 : vector<1x256xf32> to vector<1024x256xf32>
      %eq3A_3181 = arith.cmpf oeq, %select_n3A_3176, %eq3A_3180 : vector<1024x256xf32>
      %jit3A_3182 = arith.constant 0xFF800000 : f32
      %broadcast_in_dim3A_3183 = vector.broadcast %jit3A_3182 : f32 to vector<1024x256xf32>
      %select_n3A_3184 = arith.select %eq3A_3181, %convert_element_type3A_2582, %broadcast_in_dim3A_3183 : vector<1024x256xi1>, vector<1024x256xf32>
      %reduce_max3A_3185 = arith.constant dense<0xFF800000> : vector<256xf32>
      %reduce_max3A_3186 = vector.multi_reduction <maximumf>, %select_n3A_3184, %reduce_max3A_3185 [0] : vector<1024x256xf32> to vector<256xf32>
      %broadcast_in_dim3A_3187 = vector.shape_cast %reduce_max3A_3186 : vector<256xf32> to vector<1x256xf32>
      %swap3A_3188 = arith.constant 22 : index
      %swap3A_3189 = arith.constant 512 : index
      %swap3A_3190 = vector.load %arg3[%swap3A_3188, %swap3A_3189] : memref<32x1024xf32, #tpu.memory_space<vmem>>, vector<1x256xf32>
      tpu.vector_store %arg3[%swap3A_3188, %swap3A_3189], %broadcast_in_dim3A_3179 {strides = array<i32>} : memref<32x1024xf32, #tpu.memory_space<vmem>>, vector<1x256xf32>,
      %convert_element_type3A_3191 = arith.fptosi %broadcast_in_dim3A_3187 : vector<1x256xf32> to vector<1x256xi32>
      %swap3A_3192 = arith.constant 22 : index
      %swap3A_3193 = arith.constant 512 : index
      %swap3A_3194 = vector.load %arg4[%swap3A_3192, %swap3A_3193] : memref<32x1024xi32, #tpu.memory_space<vmem>>, vector<1x256xi32>
      tpu.vector_store %arg4[%swap3A_3192, %swap3A_3193], %convert_element_type3A_3191 {strides = array<i32>} : memref<32x1024xi32, #tpu.memory_space<vmem>>, vector<1x256xi32>,
      %mul3A_3195 = arith.constant 7.812500e-03 : f32
      %mul3A_3196 = vector.broadcast %mul3A_3195 : f32 to vector<1x256xf32>
      %mul3A_3197 = arith.mulf %broadcast_in_dim3A_3187, %mul3A_3196 : vector<1x256xf32>
      %floor3A_3198 = math.floor %mul3A_3197 : vector<1x256xf32>
      %eq3A_3199 = vector.broadcast %floor3A_3198 : vector<1x256xf32> to vector<1024x256xf32>
      %eq3A_3200 = arith.cmpf oeq, %convert_element_type3A_2574, %eq3A_3199 : vector<1024x256xf32>
      %jit3A_3201 = arith.constant 0xFF800000 : f32
      %broadcast_in_dim3A_3202 = vector.broadcast %jit3A_3201 : f32 to vector<1024x256xf32>
      %select_n3A_3203 = arith.select %eq3A_3200, %broadcast_in_dim3A_3202, %select_n3A_3176 : vector<1024x256xi1>, vector<1024x256xf32>
      %reduce_max3A_3204 = arith.constant dense<0xFF800000> : vector<256xf32>
      %reduce_max3A_3205 = vector.multi_reduction <maximumf>, %select_n3A_3203, %reduce_max3A_3204 [0] : vector<1024x256xf32> to vector<256xf32>
      %broadcast_in_dim3A_3206 = vector.shape_cast %reduce_max3A_3205 : vector<256xf32> to vector<1x256xf32>
      %eq3A_3207 = vector.broadcast %broadcast_in_dim3A_3206 : vector<1x256xf32> to vector<1024x256xf32>
      %eq3A_3208 = arith.cmpf oeq, %select_n3A_3203, %eq3A_3207 : vector<1024x256xf32>
      %jit3A_3209 = arith.constant 0xFF800000 : f32
      %broadcast_in_dim3A_3210 = vector.broadcast %jit3A_3209 : f32 to vector<1024x256xf32>
      %select_n3A_3211 = arith.select %eq3A_3208, %convert_element_type3A_2582, %broadcast_in_dim3A_3210 : vector<1024x256xi1>, vector<1024x256xf32>
      %reduce_max3A_3212 = arith.constant dense<0xFF800000> : vector<256xf32>
      %reduce_max3A_3213 = vector.multi_reduction <maximumf>, %select_n3A_3211, %reduce_max3A_3212 [0] : vector<1024x256xf32> to vector<256xf32>
      %broadcast_in_dim3A_3214 = vector.shape_cast %reduce_max3A_3213 : vector<256xf32> to vector<1x256xf32>
      %swap3A_3215 = arith.constant 23 : index
      %swap3A_3216 = arith.constant 512 : index
      %swap3A_3217 = vector.load %arg3[%swap3A_3215, %swap3A_3216] : memref<32x1024xf32, #tpu.memory_space<vmem>>, vector<1x256xf32>
      tpu.vector_store %arg3[%swap3A_3215, %swap3A_3216], %broadcast_in_dim3A_3206 {strides = array<i32>} : memref<32x1024xf32, #tpu.memory_space<vmem>>, vector<1x256xf32>,
      %convert_element_type3A_3218 = arith.fptosi %broadcast_in_dim3A_3214 : vector<1x256xf32> to vector<1x256xi32>
      %swap3A_3219 = arith.constant 23 : index
      %swap3A_3220 = arith.constant 512 : index
      %swap3A_3221 = vector.load %arg4[%swap3A_3219, %swap3A_3220] : memref<32x1024xi32, #tpu.memory_space<vmem>>, vector<1x256xi32>
      tpu.vector_store %arg4[%swap3A_3219, %swap3A_3220], %convert_element_type3A_3218 {strides = array<i32>} : memref<32x1024xi32, #tpu.memory_space<vmem>>, vector<1x256xi32>,
      %mul3A_3222 = arith.constant 7.812500e-03 : f32
      %mul3A_3223 = vector.broadcast %mul3A_3222 : f32 to vector<1x256xf32>
      %mul3A_3224 = arith.mulf %broadcast_in_dim3A_3214, %mul3A_3223 : vector<1x256xf32>
      %floor3A_3225 = math.floor %mul3A_3224 : vector<1x256xf32>
      %eq3A_3226 = vector.broadcast %floor3A_3225 : vector<1x256xf32> to vector<1024x256xf32>
      %eq3A_3227 = arith.cmpf oeq, %convert_element_type3A_2574, %eq3A_3226 : vector<1024x256xf32>
      %jit3A_3228 = arith.constant 0xFF800000 : f32
      %broadcast_in_dim3A_3229 = vector.broadcast %jit3A_3228 : f32 to vector<1024x256xf32>
      %select_n3A_3230 = arith.select %eq3A_3227, %broadcast_in_dim3A_3229, %select_n3A_3203 : vector<1024x256xi1>, vector<1024x256xf32>
      %reduce_max3A_3231 = arith.constant dense<0xFF800000> : vector<256xf32>
      %reduce_max3A_3232 = vector.multi_reduction <maximumf>, %select_n3A_3230, %reduce_max3A_3231 [0] : vector<1024x256xf32> to vector<256xf32>
      %broadcast_in_dim3A_3233 = vector.shape_cast %reduce_max3A_3232 : vector<256xf32> to vector<1x256xf32>
      %eq3A_3234 = vector.broadcast %broadcast_in_dim3A_3233 : vector<1x256xf32> to vector<1024x256xf32>
      %eq3A_3235 = arith.cmpf oeq, %select_n3A_3230, %eq3A_3234 : vector<1024x256xf32>
      %jit3A_3236 = arith.constant 0xFF800000 : f32
      %broadcast_in_dim3A_3237 = vector.broadcast %jit3A_3236 : f32 to vector<1024x256xf32>
      %select_n3A_3238 = arith.select %eq3A_3235, %convert_element_type3A_2582, %broadcast_in_dim3A_3237 : vector<1024x256xi1>, vector<1024x256xf32>
      %reduce_max3A_3239 = arith.constant dense<0xFF800000> : vector<256xf32>
      %reduce_max3A_3240 = vector.multi_reduction <maximumf>, %select_n3A_3238, %reduce_max3A_3239 [0] : vector<1024x256xf32> to vector<256xf32>
      %broadcast_in_dim3A_3241 = vector.shape_cast %reduce_max3A_3240 : vector<256xf32> to vector<1x256xf32>
      %swap3A_3242 = arith.constant 24 : index
      %swap3A_3243 = arith.constant 512 : index
      %swap3A_3244 = vector.load %arg3[%swap3A_3242, %swap3A_3243] : memref<32x1024xf32, #tpu.memory_space<vmem>>, vector<1x256xf32>
      tpu.vector_store %arg3[%swap3A_3242, %swap3A_3243], %broadcast_in_dim3A_3233 {strides = array<i32>} : memref<32x1024xf32, #tpu.memory_space<vmem>>, vector<1x256xf32>,
      %convert_element_type3A_3245 = arith.fptosi %broadcast_in_dim3A_3241 : vector<1x256xf32> to vector<1x256xi32>
      %swap3A_3246 = arith.constant 24 : index
      %swap3A_3247 = arith.constant 512 : index
      %swap3A_3248 = vector.load %arg4[%swap3A_3246, %swap3A_3247] : memref<32x1024xi32, #tpu.memory_space<vmem>>, vector<1x256xi32>
      tpu.vector_store %arg4[%swap3A_3246, %swap3A_3247], %convert_element_type3A_3245 {strides = array<i32>} : memref<32x1024xi32, #tpu.memory_space<vmem>>, vector<1x256xi32>,
      %mul3A_3249 = arith.constant 7.812500e-03 : f32
      %mul3A_3250 = vector.broadcast %mul3A_3249 : f32 to vector<1x256xf32>
      %mul3A_3251 = arith.mulf %broadcast_in_dim3A_3241, %mul3A_3250 : vector<1x256xf32>
      %floor3A_3252 = math.floor %mul3A_3251 : vector<1x256xf32>
      %eq3A_3253 = vector.broadcast %floor3A_3252 : vector<1x256xf32> to vector<1024x256xf32>
      %eq3A_3254 = arith.cmpf oeq, %convert_element_type3A_2574, %eq3A_3253 : vector<1024x256xf32>
      %jit3A_3255 = arith.constant 0xFF800000 : f32
      %broadcast_in_dim3A_3256 = vector.broadcast %jit3A_3255 : f32 to vector<1024x256xf32>
      %select_n3A_3257 = arith.select %eq3A_3254, %broadcast_in_dim3A_3256, %select_n3A_3230 : vector<1024x256xi1>, vector<1024x256xf32>
      %reduce_max3A_3258 = arith.constant dense<0xFF800000> : vector<256xf32>
      %reduce_max3A_3259 = vector.multi_reduction <maximumf>, %select_n3A_3257, %reduce_max3A_3258 [0] : vector<1024x256xf32> to vector<256xf32>
      %broadcast_in_dim3A_3260 = vector.shape_cast %reduce_max3A_3259 : vector<256xf32> to vector<1x256xf32>
      %eq3A_3261 = vector.broadcast %broadcast_in_dim3A_3260 : vector<1x256xf32> to vector<1024x256xf32>
      %eq3A_3262 = arith.cmpf oeq, %select_n3A_3257, %eq3A_3261 : vector<1024x256xf32>
      %jit3A_3263 = arith.constant 0xFF800000 : f32
      %broadcast_in_dim3A_3264 = vector.broadcast %jit3A_3263 : f32 to vector<1024x256xf32>
      %select_n3A_3265 = arith.select %eq3A_3262, %convert_element_type3A_2582, %broadcast_in_dim3A_3264 : vector<1024x256xi1>, vector<1024x256xf32>
      %reduce_max3A_3266 = arith.constant dense<0xFF800000> : vector<256xf32>
      %reduce_max3A_3267 = vector.multi_reduction <maximumf>, %select_n3A_3265, %reduce_max3A_3266 [0] : vector<1024x256xf32> to vector<256xf32>
      %broadcast_in_dim3A_3268 = vector.shape_cast %reduce_max3A_3267 : vector<256xf32> to vector<1x256xf32>
      %swap3A_3269 = arith.constant 25 : index
      %swap3A_3270 = arith.constant 512 : index
      %swap3A_3271 = vector.load %arg3[%swap3A_3269, %swap3A_3270] : memref<32x1024xf32, #tpu.memory_space<vmem>>, vector<1x256xf32>
      tpu.vector_store %arg3[%swap3A_3269, %swap3A_3270], %broadcast_in_dim3A_3260 {strides = array<i32>} : memref<32x1024xf32, #tpu.memory_space<vmem>>, vector<1x256xf32>,
      %convert_element_type3A_3272 = arith.fptosi %broadcast_in_dim3A_3268 : vector<1x256xf32> to vector<1x256xi32>
      %swap3A_3273 = arith.constant 25 : index
      %swap3A_3274 = arith.constant 512 : index
      %swap3A_3275 = vector.load %arg4[%swap3A_3273, %swap3A_3274] : memref<32x1024xi32, #tpu.memory_space<vmem>>, vector<1x256xi32>
      tpu.vector_store %arg4[%swap3A_3273, %swap3A_3274], %convert_element_type3A_3272 {strides = array<i32>} : memref<32x1024xi32, #tpu.memory_space<vmem>>, vector<1x256xi32>,
      %mul3A_3276 = arith.constant 7.812500e-03 : f32
      %mul3A_3277 = vector.broadcast %mul3A_3276 : f32 to vector<1x256xf32>
      %mul3A_3278 = arith.mulf %broadcast_in_dim3A_3268, %mul3A_3277 : vector<1x256xf32>
      %floor3A_3279 = math.floor %mul3A_3278 : vector<1x256xf32>
      %eq3A_3280 = vector.broadcast %floor3A_3279 : vector<1x256xf32> to vector<1024x256xf32>
      %eq3A_3281 = arith.cmpf oeq, %convert_element_type3A_2574, %eq3A_3280 : vector<1024x256xf32>
      %jit3A_3282 = arith.constant 0xFF800000 : f32
      %broadcast_in_dim3A_3283 = vector.broadcast %jit3A_3282 : f32 to vector<1024x256xf32>
      %select_n3A_3284 = arith.select %eq3A_3281, %broadcast_in_dim3A_3283, %select_n3A_3257 : vector<1024x256xi1>, vector<1024x256xf32>
      %reduce_max3A_3285 = arith.constant dense<0xFF800000> : vector<256xf32>
      %reduce_max3A_3286 = vector.multi_reduction <maximumf>, %select_n3A_3284, %reduce_max3A_3285 [0] : vector<1024x256xf32> to vector<256xf32>
      %broadcast_in_dim3A_3287 = vector.shape_cast %reduce_max3A_3286 : vector<256xf32> to vector<1x256xf32>
      %eq3A_3288 = vector.broadcast %broadcast_in_dim3A_3287 : vector<1x256xf32> to vector<1024x256xf32>
      %eq3A_3289 = arith.cmpf oeq, %select_n3A_3284, %eq3A_3288 : vector<1024x256xf32>
      %jit3A_3290 = arith.constant 0xFF800000 : f32
      %broadcast_in_dim3A_3291 = vector.broadcast %jit3A_3290 : f32 to vector<1024x256xf32>
      %select_n3A_3292 = arith.select %eq3A_3289, %convert_element_type3A_2582, %broadcast_in_dim3A_3291 : vector<1024x256xi1>, vector<1024x256xf32>
      %reduce_max3A_3293 = arith.constant dense<0xFF800000> : vector<256xf32>
      %reduce_max3A_3294 = vector.multi_reduction <maximumf>, %select_n3A_3292, %reduce_max3A_3293 [0] : vector<1024x256xf32> to vector<256xf32>
      %broadcast_in_dim3A_3295 = vector.shape_cast %reduce_max3A_3294 : vector<256xf32> to vector<1x256xf32>
      %swap3A_3296 = arith.constant 26 : index
      %swap3A_3297 = arith.constant 512 : index
      %swap3A_3298 = vector.load %arg3[%swap3A_3296, %swap3A_3297] : memref<32x1024xf32, #tpu.memory_space<vmem>>, vector<1x256xf32>
      tpu.vector_store %arg3[%swap3A_3296, %swap3A_3297], %broadcast_in_dim3A_3287 {strides = array<i32>} : memref<32x1024xf32, #tpu.memory_space<vmem>>, vector<1x256xf32>,
      %convert_element_type3A_3299 = arith.fptosi %broadcast_in_dim3A_3295 : vector<1x256xf32> to vector<1x256xi32>
      %swap3A_3300 = arith.constant 26 : index
      %swap3A_3301 = arith.constant 512 : index
      %swap3A_3302 = vector.load %arg4[%swap3A_3300, %swap3A_3301] : memref<32x1024xi32, #tpu.memory_space<vmem>>, vector<1x256xi32>
      tpu.vector_store %arg4[%swap3A_3300, %swap3A_3301], %convert_element_type3A_3299 {strides = array<i32>} : memref<32x1024xi32, #tpu.memory_space<vmem>>, vector<1x256xi32>,
      %mul3A_3303 = arith.constant 7.812500e-03 : f32
      %mul3A_3304 = vector.broadcast %mul3A_3303 : f32 to vector<1x256xf32>
      %mul3A_3305 = arith.mulf %broadcast_in_dim3A_3295, %mul3A_3304 : vector<1x256xf32>
      %floor3A_3306 = math.floor %mul3A_3305 : vector<1x256xf32>
      %eq3A_3307 = vector.broadcast %floor3A_3306 : vector<1x256xf32> to vector<1024x256xf32>
      %eq3A_3308 = arith.cmpf oeq, %convert_element_type3A_2574, %eq3A_3307 : vector<1024x256xf32>
      %jit3A_3309 = arith.constant 0xFF800000 : f32
      %broadcast_in_dim3A_3310 = vector.broadcast %jit3A_3309 : f32 to vector<1024x256xf32>
      %select_n3A_3311 = arith.select %eq3A_3308, %broadcast_in_dim3A_3310, %select_n3A_3284 : vector<1024x256xi1>, vector<1024x256xf32>
      %reduce_max3A_3312 = arith.constant dense<0xFF800000> : vector<256xf32>
      %reduce_max3A_3313 = vector.multi_reduction <maximumf>, %select_n3A_3311, %reduce_max3A_3312 [0] : vector<1024x256xf32> to vector<256xf32>
      %broadcast_in_dim3A_3314 = vector.shape_cast %reduce_max3A_3313 : vector<256xf32> to vector<1x256xf32>
      %eq3A_3315 = vector.broadcast %broadcast_in_dim3A_3314 : vector<1x256xf32> to vector<1024x256xf32>
      %eq3A_3316 = arith.cmpf oeq, %select_n3A_3311, %eq3A_3315 : vector<1024x256xf32>
      %jit3A_3317 = arith.constant 0xFF800000 : f32
      %broadcast_in_dim3A_3318 = vector.broadcast %jit3A_3317 : f32 to vector<1024x256xf32>
      %select_n3A_3319 = arith.select %eq3A_3316, %convert_element_type3A_2582, %broadcast_in_dim3A_3318 : vector<1024x256xi1>, vector<1024x256xf32>
      %reduce_max3A_3320 = arith.constant dense<0xFF800000> : vector<256xf32>
      %reduce_max3A_3321 = vector.multi_reduction <maximumf>, %select_n3A_3319, %reduce_max3A_3320 [0] : vector<1024x256xf32> to vector<256xf32>
      %broadcast_in_dim3A_3322 = vector.shape_cast %reduce_max3A_3321 : vector<256xf32> to vector<1x256xf32>
      %swap3A_3323 = arith.constant 27 : index
      %swap3A_3324 = arith.constant 512 : index
      %swap3A_3325 = vector.load %arg3[%swap3A_3323, %swap3A_3324] : memref<32x1024xf32, #tpu.memory_space<vmem>>, vector<1x256xf32>
      tpu.vector_store %arg3[%swap3A_3323, %swap3A_3324], %broadcast_in_dim3A_3314 {strides = array<i32>} : memref<32x1024xf32, #tpu.memory_space<vmem>>, vector<1x256xf32>,
      %convert_element_type3A_3326 = arith.fptosi %broadcast_in_dim3A_3322 : vector<1x256xf32> to vector<1x256xi32>
      %swap3A_3327 = arith.constant 27 : index
      %swap3A_3328 = arith.constant 512 : index
      %swap3A_3329 = vector.load %arg4[%swap3A_3327, %swap3A_3328] : memref<32x1024xi32, #tpu.memory_space<vmem>>, vector<1x256xi32>
      tpu.vector_store %arg4[%swap3A_3327, %swap3A_3328], %convert_element_type3A_3326 {strides = array<i32>} : memref<32x1024xi32, #tpu.memory_space<vmem>>, vector<1x256xi32>,
      %mul3A_3330 = arith.constant 7.812500e-03 : f32
      %mul3A_3331 = vector.broadcast %mul3A_3330 : f32 to vector<1x256xf32>
      %mul3A_3332 = arith.mulf %broadcast_in_dim3A_3322, %mul3A_3331 : vector<1x256xf32>
      %floor3A_3333 = math.floor %mul3A_3332 : vector<1x256xf32>
      %eq3A_3334 = vector.broadcast %floor3A_3333 : vector<1x256xf32> to vector<1024x256xf32>
      %eq3A_3335 = arith.cmpf oeq, %convert_element_type3A_2574, %eq3A_3334 : vector<1024x256xf32>
      %jit3A_3336 = arith.constant 0xFF800000 : f32
      %broadcast_in_dim3A_3337 = vector.broadcast %jit3A_3336 : f32 to vector<1024x256xf32>
      %select_n3A_3338 = arith.select %eq3A_3335, %broadcast_in_dim3A_3337, %select_n3A_3311 : vector<1024x256xi1>, vector<1024x256xf32>
      %reduce_max3A_3339 = arith.constant dense<0xFF800000> : vector<256xf32>
      %reduce_max3A_3340 = vector.multi_reduction <maximumf>, %select_n3A_3338, %reduce_max3A_3339 [0] : vector<1024x256xf32> to vector<256xf32>
      %broadcast_in_dim3A_3341 = vector.shape_cast %reduce_max3A_3340 : vector<256xf32> to vector<1x256xf32>
      %eq3A_3342 = vector.broadcast %broadcast_in_dim3A_3341 : vector<1x256xf32> to vector<1024x256xf32>
      %eq3A_3343 = arith.cmpf oeq, %select_n3A_3338, %eq3A_3342 : vector<1024x256xf32>
      %jit3A_3344 = arith.constant 0xFF800000 : f32
      %broadcast_in_dim3A_3345 = vector.broadcast %jit3A_3344 : f32 to vector<1024x256xf32>
      %select_n3A_3346 = arith.select %eq3A_3343, %convert_element_type3A_2582, %broadcast_in_dim3A_3345 : vector<1024x256xi1>, vector<1024x256xf32>
      %reduce_max3A_3347 = arith.constant dense<0xFF800000> : vector<256xf32>
      %reduce_max3A_3348 = vector.multi_reduction <maximumf>, %select_n3A_3346, %reduce_max3A_3347 [0] : vector<1024x256xf32> to vector<256xf32>
      %broadcast_in_dim3A_3349 = vector.shape_cast %reduce_max3A_3348 : vector<256xf32> to vector<1x256xf32>
      %swap3A_3350 = arith.constant 28 : index
      %swap3A_3351 = arith.constant 512 : index
      %swap3A_3352 = vector.load %arg3[%swap3A_3350, %swap3A_3351] : memref<32x1024xf32, #tpu.memory_space<vmem>>, vector<1x256xf32>
      tpu.vector_store %arg3[%swap3A_3350, %swap3A_3351], %broadcast_in_dim3A_3341 {strides = array<i32>} : memref<32x1024xf32, #tpu.memory_space<vmem>>, vector<1x256xf32>,
      %convert_element_type3A_3353 = arith.fptosi %broadcast_in_dim3A_3349 : vector<1x256xf32> to vector<1x256xi32>
      %swap3A_3354 = arith.constant 28 : index
      %swap3A_3355 = arith.constant 512 : index
      %swap3A_3356 = vector.load %arg4[%swap3A_3354, %swap3A_3355] : memref<32x1024xi32, #tpu.memory_space<vmem>>, vector<1x256xi32>
      tpu.vector_store %arg4[%swap3A_3354, %swap3A_3355], %convert_element_type3A_3353 {strides = array<i32>} : memref<32x1024xi32, #tpu.memory_space<vmem>>, vector<1x256xi32>,
      %mul3A_3357 = arith.constant 7.812500e-03 : f32
      %mul3A_3358 = vector.broadcast %mul3A_3357 : f32 to vector<1x256xf32>
      %mul3A_3359 = arith.mulf %broadcast_in_dim3A_3349, %mul3A_3358 : vector<1x256xf32>
      %floor3A_3360 = math.floor %mul3A_3359 : vector<1x256xf32>
      %eq3A_3361 = vector.broadcast %floor3A_3360 : vector<1x256xf32> to vector<1024x256xf32>
      %eq3A_3362 = arith.cmpf oeq, %convert_element_type3A_2574, %eq3A_3361 : vector<1024x256xf32>
      %jit3A_3363 = arith.constant 0xFF800000 : f32
      %broadcast_in_dim3A_3364 = vector.broadcast %jit3A_3363 : f32 to vector<1024x256xf32>
      %select_n3A_3365 = arith.select %eq3A_3362, %broadcast_in_dim3A_3364, %select_n3A_3338 : vector<1024x256xi1>, vector<1024x256xf32>
      %reduce_max3A_3366 = arith.constant dense<0xFF800000> : vector<256xf32>
      %reduce_max3A_3367 = vector.multi_reduction <maximumf>, %select_n3A_3365, %reduce_max3A_3366 [0] : vector<1024x256xf32> to vector<256xf32>
      %broadcast_in_dim3A_3368 = vector.shape_cast %reduce_max3A_3367 : vector<256xf32> to vector<1x256xf32>
      %eq3A_3369 = vector.broadcast %broadcast_in_dim3A_3368 : vector<1x256xf32> to vector<1024x256xf32>
      %eq3A_3370 = arith.cmpf oeq, %select_n3A_3365, %eq3A_3369 : vector<1024x256xf32>
      %jit3A_3371 = arith.constant 0xFF800000 : f32
      %broadcast_in_dim3A_3372 = vector.broadcast %jit3A_3371 : f32 to vector<1024x256xf32>
      %select_n3A_3373 = arith.select %eq3A_3370, %convert_element_type3A_2582, %broadcast_in_dim3A_3372 : vector<1024x256xi1>, vector<1024x256xf32>
      %reduce_max3A_3374 = arith.constant dense<0xFF800000> : vector<256xf32>
      %reduce_max3A_3375 = vector.multi_reduction <maximumf>, %select_n3A_3373, %reduce_max3A_3374 [0] : vector<1024x256xf32> to vector<256xf32>
      %broadcast_in_dim3A_3376 = vector.shape_cast %reduce_max3A_3375 : vector<256xf32> to vector<1x256xf32>
      %swap3A_3377 = arith.constant 29 : index
      %swap3A_3378 = arith.constant 512 : index
      %swap3A_3379 = vector.load %arg3[%swap3A_3377, %swap3A_3378] : memref<32x1024xf32, #tpu.memory_space<vmem>>, vector<1x256xf32>
      tpu.vector_store %arg3[%swap3A_3377, %swap3A_3378], %broadcast_in_dim3A_3368 {strides = array<i32>} : memref<32x1024xf32, #tpu.memory_space<vmem>>, vector<1x256xf32>,
      %convert_element_type3A_3380 = arith.fptosi %broadcast_in_dim3A_3376 : vector<1x256xf32> to vector<1x256xi32>
      %swap3A_3381 = arith.constant 29 : index
      %swap3A_3382 = arith.constant 512 : index
      %swap3A_3383 = vector.load %arg4[%swap3A_3381, %swap3A_3382] : memref<32x1024xi32, #tpu.memory_space<vmem>>, vector<1x256xi32>
      tpu.vector_store %arg4[%swap3A_3381, %swap3A_3382], %convert_element_type3A_3380 {strides = array<i32>} : memref<32x1024xi32, #tpu.memory_space<vmem>>, vector<1x256xi32>,
      %mul3A_3384 = arith.constant 7.812500e-03 : f32
      %mul3A_3385 = vector.broadcast %mul3A_3384 : f32 to vector<1x256xf32>
      %mul3A_3386 = arith.mulf %broadcast_in_dim3A_3376, %mul3A_3385 : vector<1x256xf32>
      %floor3A_3387 = math.floor %mul3A_3386 : vector<1x256xf32>
      %eq3A_3388 = vector.broadcast %floor3A_3387 : vector<1x256xf32> to vector<1024x256xf32>
      %eq3A_3389 = arith.cmpf oeq, %convert_element_type3A_2574, %eq3A_3388 : vector<1024x256xf32>
      %jit3A_3390 = arith.constant 0xFF800000 : f32
      %broadcast_in_dim3A_3391 = vector.broadcast %jit3A_3390 : f32 to vector<1024x256xf32>
      %select_n3A_3392 = arith.select %eq3A_3389, %broadcast_in_dim3A_3391, %select_n3A_3365 : vector<1024x256xi1>, vector<1024x256xf32>
      %reduce_max3A_3393 = arith.constant dense<0xFF800000> : vector<256xf32>
      %reduce_max3A_3394 = vector.multi_reduction <maximumf>, %select_n3A_3392, %reduce_max3A_3393 [0] : vector<1024x256xf32> to vector<256xf32>
      %broadcast_in_dim3A_3395 = vector.shape_cast %reduce_max3A_3394 : vector<256xf32> to vector<1x256xf32>
      %eq3A_3396 = vector.broadcast %broadcast_in_dim3A_3395 : vector<1x256xf32> to vector<1024x256xf32>
      %eq3A_3397 = arith.cmpf oeq, %select_n3A_3392, %eq3A_3396 : vector<1024x256xf32>
      %jit3A_3398 = arith.constant 0xFF800000 : f32
      %broadcast_in_dim3A_3399 = vector.broadcast %jit3A_3398 : f32 to vector<1024x256xf32>
      %select_n3A_3400 = arith.select %eq3A_3397, %convert_element_type3A_2582, %broadcast_in_dim3A_3399 : vector<1024x256xi1>, vector<1024x256xf32>
      %reduce_max3A_3401 = arith.constant dense<0xFF800000> : vector<256xf32>
      %reduce_max3A_3402 = vector.multi_reduction <maximumf>, %select_n3A_3400, %reduce_max3A_3401 [0] : vector<1024x256xf32> to vector<256xf32>
      %broadcast_in_dim3A_3403 = vector.shape_cast %reduce_max3A_3402 : vector<256xf32> to vector<1x256xf32>
      %swap3A_3404 = arith.constant 30 : index
      %swap3A_3405 = arith.constant 512 : index
      %swap3A_3406 = vector.load %arg3[%swap3A_3404, %swap3A_3405] : memref<32x1024xf32, #tpu.memory_space<vmem>>, vector<1x256xf32>
      tpu.vector_store %arg3[%swap3A_3404, %swap3A_3405], %broadcast_in_dim3A_3395 {strides = array<i32>} : memref<32x1024xf32, #tpu.memory_space<vmem>>, vector<1x256xf32>,
      %convert_element_type3A_3407 = arith.fptosi %broadcast_in_dim3A_3403 : vector<1x256xf32> to vector<1x256xi32>
      %swap3A_3408 = arith.constant 30 : index
      %swap3A_3409 = arith.constant 512 : index
      %swap3A_3410 = vector.load %arg4[%swap3A_3408, %swap3A_3409] : memref<32x1024xi32, #tpu.memory_space<vmem>>, vector<1x256xi32>
      tpu.vector_store %arg4[%swap3A_3408, %swap3A_3409], %convert_element_type3A_3407 {strides = array<i32>} : memref<32x1024xi32, #tpu.memory_space<vmem>>, vector<1x256xi32>,
      %mul3A_3411 = arith.constant 7.812500e-03 : f32
      %mul3A_3412 = vector.broadcast %mul3A_3411 : f32 to vector<1x256xf32>
      %mul3A_3413 = arith.mulf %broadcast_in_dim3A_3403, %mul3A_3412 : vector<1x256xf32>
      %floor3A_3414 = math.floor %mul3A_3413 : vector<1x256xf32>
      %eq3A_3415 = vector.broadcast %floor3A_3414 : vector<1x256xf32> to vector<1024x256xf32>
      %eq3A_3416 = arith.cmpf oeq, %convert_element_type3A_2574, %eq3A_3415 : vector<1024x256xf32>
      %jit3A_3417 = arith.constant 0xFF800000 : f32
      %broadcast_in_dim3A_3418 = vector.broadcast %jit3A_3417 : f32 to vector<1024x256xf32>
      %select_n3A_3419 = arith.select %eq3A_3416, %broadcast_in_dim3A_3418, %select_n3A_3392 : vector<1024x256xi1>, vector<1024x256xf32>
      %reduce_max3A_3420 = arith.constant dense<0xFF800000> : vector<256xf32>
      %reduce_max3A_3421 = vector.multi_reduction <maximumf>, %select_n3A_3419, %reduce_max3A_3420 [0] : vector<1024x256xf32> to vector<256xf32>
      %broadcast_in_dim3A_3422 = vector.shape_cast %reduce_max3A_3421 : vector<256xf32> to vector<1x256xf32>
      %eq3A_3423 = vector.broadcast %broadcast_in_dim3A_3422 : vector<1x256xf32> to vector<1024x256xf32>
      %eq3A_3424 = arith.cmpf oeq, %select_n3A_3419, %eq3A_3423 : vector<1024x256xf32>
      %jit3A_3425 = arith.constant 0xFF800000 : f32
      %broadcast_in_dim3A_3426 = vector.broadcast %jit3A_3425 : f32 to vector<1024x256xf32>
      %select_n3A_3427 = arith.select %eq3A_3424, %convert_element_type3A_2582, %broadcast_in_dim3A_3426 : vector<1024x256xi1>, vector<1024x256xf32>
      %reduce_max3A_3428 = arith.constant dense<0xFF800000> : vector<256xf32>
      %reduce_max3A_3429 = vector.multi_reduction <maximumf>, %select_n3A_3427, %reduce_max3A_3428 [0] : vector<1024x256xf32> to vector<256xf32>
      %broadcast_in_dim3A_3430 = vector.shape_cast %reduce_max3A_3429 : vector<256xf32> to vector<1x256xf32>
      %swap3A_3431 = arith.constant 31 : index
      %swap3A_3432 = arith.constant 512 : index
      %swap3A_3433 = vector.load %arg3[%swap3A_3431, %swap3A_3432] : memref<32x1024xf32, #tpu.memory_space<vmem>>, vector<1x256xf32>
      tpu.vector_store %arg3[%swap3A_3431, %swap3A_3432], %broadcast_in_dim3A_3422 {strides = array<i32>} : memref<32x1024xf32, #tpu.memory_space<vmem>>, vector<1x256xf32>,
      %convert_element_type3A_3434 = arith.fptosi %broadcast_in_dim3A_3430 : vector<1x256xf32> to vector<1x256xi32>
      %swap3A_3435 = arith.constant 31 : index
      %swap3A_3436 = arith.constant 512 : index
      %swap3A_3437 = vector.load %arg4[%swap3A_3435, %swap3A_3436] : memref<32x1024xi32, #tpu.memory_space<vmem>>, vector<1x256xi32>
      tpu.vector_store %arg4[%swap3A_3435, %swap3A_3436], %convert_element_type3A_3434 {strides = array<i32>} : memref<32x1024xi32, #tpu.memory_space<vmem>>, vector<1x256xi32>,
      %get3A_3438 = arith.constant 0 : index
      %get3A_3439 = arith.constant 768 : index
      %get3A_3440 = vector.load %arg5[%get3A_3438, %get3A_3439] : memref<1024x1024xf32, #tpu.memory_space<vmem>>, vector<1024x256xf32>
      %iota3A_3441 = tpu.iota {dimensions = array<i32: 0>} : vector<1024x256xi32>
      %convert_element_type3A_3442 = arith.sitofp %iota3A_3441 : vector<1024x256xi32> to vector<1024x256xf32>
      %mul3A_3443 = arith.constant 128 : i32
      %mul3A_3444 = vector.broadcast %mul3A_3443 : i32 to vector<1024x256xi32>
      %mul3A_3445 = arith.muli %iota3A_3441, %mul3A_3444 : vector<1024x256xi32>
      %get3A_3446 = arith.constant 0 : index
      %get3A_3447 = arith.constant 768 : index
      %get3A_3448 = vector.load %arg6[%get3A_3446, %get3A_3447] : memref<1024x1024xi32, #tpu.memory_space<vmem>>, vector<1024x256xi32>
      %add3A_3449 = arith.addi %mul3A_3445, %get3A_3448 : vector<1024x256xi32>
      %convert_element_type3A_3450 = arith.sitofp %add3A_3449 : vector<1024x256xi32> to vector<1024x256xf32>
      %reduce_max3A_3451 = arith.constant dense<0xFF800000> : vector<256xf32>
      %reduce_max3A_3452 = vector.multi_reduction <maximumf>, %get3A_3440, %reduce_max3A_3451 [0] : vector<1024x256xf32> to vector<256xf32>
      %broadcast_in_dim3A_3453 = vector.shape_cast %reduce_max3A_3452 : vector<256xf32> to vector<1x256xf32>
      %eq3A_3454 = vector.broadcast %broadcast_in_dim3A_3453 : vector<1x256xf32> to vector<1024x256xf32>
      %eq3A_3455 = arith.cmpf oeq, %get3A_3440, %eq3A_3454 : vector<1024x256xf32>
      %jit3A_3456 = arith.constant 0xFF800000 : f32
      %broadcast_in_dim3A_3457 = vector.broadcast %jit3A_3456 : f32 to vector<1024x256xf32>
      %select_n3A_3458 = arith.select %eq3A_3455, %convert_element_type3A_3450, %broadcast_in_dim3A_3457 : vector<1024x256xi1>, vector<1024x256xf32>
      %reduce_max3A_3459 = arith.constant dense<0xFF800000> : vector<256xf32>
      %reduce_max3A_3460 = vector.multi_reduction <maximumf>, %select_n3A_3458, %reduce_max3A_3459 [0] : vector<1024x256xf32> to vector<256xf32>
      %broadcast_in_dim3A_3461 = vector.shape_cast %reduce_max3A_3460 : vector<256xf32> to vector<1x256xf32>
      %swap3A_3462 = arith.constant 0 : index
      %swap3A_3463 = arith.constant 768 : index
      %swap3A_3464 = vector.load %arg3[%swap3A_3462, %swap3A_3463] : memref<32x1024xf32, #tpu.memory_space<vmem>>, vector<1x256xf32>
      tpu.vector_store %arg3[%swap3A_3462, %swap3A_3463], %broadcast_in_dim3A_3453 {strides = array<i32>} : memref<32x1024xf32, #tpu.memory_space<vmem>>, vector<1x256xf32>,
      %convert_element_type3A_3465 = arith.fptosi %broadcast_in_dim3A_3461 : vector<1x256xf32> to vector<1x256xi32>
      %swap3A_3466 = arith.constant 0 : index
      %swap3A_3467 = arith.constant 768 : index
      %swap3A_3468 = vector.load %arg4[%swap3A_3466, %swap3A_3467] : memref<32x1024xi32, #tpu.memory_space<vmem>>, vector<1x256xi32>
      tpu.vector_store %arg4[%swap3A_3466, %swap3A_3467], %convert_element_type3A_3465 {strides = array<i32>} : memref<32x1024xi32, #tpu.memory_space<vmem>>, vector<1x256xi32>,
      %mul3A_3469 = arith.constant 7.812500e-03 : f32
      %mul3A_3470 = vector.broadcast %mul3A_3469 : f32 to vector<1x256xf32>
      %mul3A_3471 = arith.mulf %broadcast_in_dim3A_3461, %mul3A_3470 : vector<1x256xf32>
      %floor3A_3472 = math.floor %mul3A_3471 : vector<1x256xf32>
      %eq3A_3473 = vector.broadcast %floor3A_3472 : vector<1x256xf32> to vector<1024x256xf32>
      %eq3A_3474 = arith.cmpf oeq, %convert_element_type3A_3442, %eq3A_3473 : vector<1024x256xf32>
      %jit3A_3475 = arith.constant 0xFF800000 : f32
      %broadcast_in_dim3A_3476 = vector.broadcast %jit3A_3475 : f32 to vector<1024x256xf32>
      %select_n3A_3477 = arith.select %eq3A_3474, %broadcast_in_dim3A_3476, %get3A_3440 : vector<1024x256xi1>, vector<1024x256xf32>
      %reduce_max3A_3478 = arith.constant dense<0xFF800000> : vector<256xf32>
      %reduce_max3A_3479 = vector.multi_reduction <maximumf>, %select_n3A_3477, %reduce_max3A_3478 [0] : vector<1024x256xf32> to vector<256xf32>
      %broadcast_in_dim3A_3480 = vector.shape_cast %reduce_max3A_3479 : vector<256xf32> to vector<1x256xf32>
      %eq3A_3481 = vector.broadcast %broadcast_in_dim3A_3480 : vector<1x256xf32> to vector<1024x256xf32>
      %eq3A_3482 = arith.cmpf oeq, %select_n3A_3477, %eq3A_3481 : vector<1024x256xf32>
      %jit3A_3483 = arith.constant 0xFF800000 : f32
      %broadcast_in_dim3A_3484 = vector.broadcast %jit3A_3483 : f32 to vector<1024x256xf32>
      %select_n3A_3485 = arith.select %eq3A_3482, %convert_element_type3A_3450, %broadcast_in_dim3A_3484 : vector<1024x256xi1>, vector<1024x256xf32>
      %reduce_max3A_3486 = arith.constant dense<0xFF800000> : vector<256xf32>
      %reduce_max3A_3487 = vector.multi_reduction <maximumf>, %select_n3A_3485, %reduce_max3A_3486 [0] : vector<1024x256xf32> to vector<256xf32>
      %broadcast_in_dim3A_3488 = vector.shape_cast %reduce_max3A_3487 : vector<256xf32> to vector<1x256xf32>
      %swap3A_3489 = arith.constant 1 : index
      %swap3A_3490 = arith.constant 768 : index
      %swap3A_3491 = vector.load %arg3[%swap3A_3489, %swap3A_3490] : memref<32x1024xf32, #tpu.memory_space<vmem>>, vector<1x256xf32>
      tpu.vector_store %arg3[%swap3A_3489, %swap3A_3490], %broadcast_in_dim3A_3480 {strides = array<i32>} : memref<32x1024xf32, #tpu.memory_space<vmem>>, vector<1x256xf32>,
      %convert_element_type3A_3492 = arith.fptosi %broadcast_in_dim3A_3488 : vector<1x256xf32> to vector<1x256xi32>
      %swap3A_3493 = arith.constant 1 : index
      %swap3A_3494 = arith.constant 768 : index
      %swap3A_3495 = vector.load %arg4[%swap3A_3493, %swap3A_3494] : memref<32x1024xi32, #tpu.memory_space<vmem>>, vector<1x256xi32>
      tpu.vector_store %arg4[%swap3A_3493, %swap3A_3494], %convert_element_type3A_3492 {strides = array<i32>} : memref<32x1024xi32, #tpu.memory_space<vmem>>, vector<1x256xi32>,
      %mul3A_3496 = arith.constant 7.812500e-03 : f32
      %mul3A_3497 = vector.broadcast %mul3A_3496 : f32 to vector<1x256xf32>
      %mul3A_3498 = arith.mulf %broadcast_in_dim3A_3488, %mul3A_3497 : vector<1x256xf32>
      %floor3A_3499 = math.floor %mul3A_3498 : vector<1x256xf32>
      %eq3A_3500 = vector.broadcast %floor3A_3499 : vector<1x256xf32> to vector<1024x256xf32>
      %eq3A_3501 = arith.cmpf oeq, %convert_element_type3A_3442, %eq3A_3500 : vector<1024x256xf32>
      %jit3A_3502 = arith.constant 0xFF800000 : f32
      %broadcast_in_dim3A_3503 = vector.broadcast %jit3A_3502 : f32 to vector<1024x256xf32>
      %select_n3A_3504 = arith.select %eq3A_3501, %broadcast_in_dim3A_3503, %select_n3A_3477 : vector<1024x256xi1>, vector<1024x256xf32>
      %reduce_max3A_3505 = arith.constant dense<0xFF800000> : vector<256xf32>
      %reduce_max3A_3506 = vector.multi_reduction <maximumf>, %select_n3A_3504, %reduce_max3A_3505 [0] : vector<1024x256xf32> to vector<256xf32>
      %broadcast_in_dim3A_3507 = vector.shape_cast %reduce_max3A_3506 : vector<256xf32> to vector<1x256xf32>
      %eq3A_3508 = vector.broadcast %broadcast_in_dim3A_3507 : vector<1x256xf32> to vector<1024x256xf32>
      %eq3A_3509 = arith.cmpf oeq, %select_n3A_3504, %eq3A_3508 : vector<1024x256xf32>
      %jit3A_3510 = arith.constant 0xFF800000 : f32
      %broadcast_in_dim3A_3511 = vector.broadcast %jit3A_3510 : f32 to vector<1024x256xf32>
      %select_n3A_3512 = arith.select %eq3A_3509, %convert_element_type3A_3450, %broadcast_in_dim3A_3511 : vector<1024x256xi1>, vector<1024x256xf32>
      %reduce_max3A_3513 = arith.constant dense<0xFF800000> : vector<256xf32>
      %reduce_max3A_3514 = vector.multi_reduction <maximumf>, %select_n3A_3512, %reduce_max3A_3513 [0] : vector<1024x256xf32> to vector<256xf32>
      %broadcast_in_dim3A_3515 = vector.shape_cast %reduce_max3A_3514 : vector<256xf32> to vector<1x256xf32>
      %swap3A_3516 = arith.constant 2 : index
      %swap3A_3517 = arith.constant 768 : index
      %swap3A_3518 = vector.load %arg3[%swap3A_3516, %swap3A_3517] : memref<32x1024xf32, #tpu.memory_space<vmem>>, vector<1x256xf32>
      tpu.vector_store %arg3[%swap3A_3516, %swap3A_3517], %broadcast_in_dim3A_3507 {strides = array<i32>} : memref<32x1024xf32, #tpu.memory_space<vmem>>, vector<1x256xf32>,
      %convert_element_type3A_3519 = arith.fptosi %broadcast_in_dim3A_3515 : vector<1x256xf32> to vector<1x256xi32>
      %swap3A_3520 = arith.constant 2 : index
      %swap3A_3521 = arith.constant 768 : index
      %swap3A_3522 = vector.load %arg4[%swap3A_3520, %swap3A_3521] : memref<32x1024xi32, #tpu.memory_space<vmem>>, vector<1x256xi32>
      tpu.vector_store %arg4[%swap3A_3520, %swap3A_3521], %convert_element_type3A_3519 {strides = array<i32>} : memref<32x1024xi32, #tpu.memory_space<vmem>>, vector<1x256xi32>,
      %mul3A_3523 = arith.constant 7.812500e-03 : f32
      %mul3A_3524 = vector.broadcast %mul3A_3523 : f32 to vector<1x256xf32>
      %mul3A_3525 = arith.mulf %broadcast_in_dim3A_3515, %mul3A_3524 : vector<1x256xf32>
      %floor3A_3526 = math.floor %mul3A_3525 : vector<1x256xf32>
      %eq3A_3527 = vector.broadcast %floor3A_3526 : vector<1x256xf32> to vector<1024x256xf32>
      %eq3A_3528 = arith.cmpf oeq, %convert_element_type3A_3442, %eq3A_3527 : vector<1024x256xf32>
      %jit3A_3529 = arith.constant 0xFF800000 : f32
      %broadcast_in_dim3A_3530 = vector.broadcast %jit3A_3529 : f32 to vector<1024x256xf32>
      %select_n3A_3531 = arith.select %eq3A_3528, %broadcast_in_dim3A_3530, %select_n3A_3504 : vector<1024x256xi1>, vector<1024x256xf32>
      %reduce_max3A_3532 = arith.constant dense<0xFF800000> : vector<256xf32>
      %reduce_max3A_3533 = vector.multi_reduction <maximumf>, %select_n3A_3531, %reduce_max3A_3532 [0] : vector<1024x256xf32> to vector<256xf32>
      %broadcast_in_dim3A_3534 = vector.shape_cast %reduce_max3A_3533 : vector<256xf32> to vector<1x256xf32>
      %eq3A_3535 = vector.broadcast %broadcast_in_dim3A_3534 : vector<1x256xf32> to vector<1024x256xf32>
      %eq3A_3536 = arith.cmpf oeq, %select_n3A_3531, %eq3A_3535 : vector<1024x256xf32>
      %jit3A_3537 = arith.constant 0xFF800000 : f32
      %broadcast_in_dim3A_3538 = vector.broadcast %jit3A_3537 : f32 to vector<1024x256xf32>
      %select_n3A_3539 = arith.select %eq3A_3536, %convert_element_type3A_3450, %broadcast_in_dim3A_3538 : vector<1024x256xi1>, vector<1024x256xf32>
      %reduce_max3A_3540 = arith.constant dense<0xFF800000> : vector<256xf32>
      %reduce_max3A_3541 = vector.multi_reduction <maximumf>, %select_n3A_3539, %reduce_max3A_3540 [0] : vector<1024x256xf32> to vector<256xf32>
      %broadcast_in_dim3A_3542 = vector.shape_cast %reduce_max3A_3541 : vector<256xf32> to vector<1x256xf32>
      %swap3A_3543 = arith.constant 3 : index
      %swap3A_3544 = arith.constant 768 : index
      %swap3A_3545 = vector.load %arg3[%swap3A_3543, %swap3A_3544] : memref<32x1024xf32, #tpu.memory_space<vmem>>, vector<1x256xf32>
      tpu.vector_store %arg3[%swap3A_3543, %swap3A_3544], %broadcast_in_dim3A_3534 {strides = array<i32>} : memref<32x1024xf32, #tpu.memory_space<vmem>>, vector<1x256xf32>,
      %convert_element_type3A_3546 = arith.fptosi %broadcast_in_dim3A_3542 : vector<1x256xf32> to vector<1x256xi32>
      %swap3A_3547 = arith.constant 3 : index
      %swap3A_3548 = arith.constant 768 : index
      %swap3A_3549 = vector.load %arg4[%swap3A_3547, %swap3A_3548] : memref<32x1024xi32, #tpu.memory_space<vmem>>, vector<1x256xi32>
      tpu.vector_store %arg4[%swap3A_3547, %swap3A_3548], %convert_element_type3A_3546 {strides = array<i32>} : memref<32x1024xi32, #tpu.memory_space<vmem>>, vector<1x256xi32>,
      %mul3A_3550 = arith.constant 7.812500e-03 : f32
      %mul3A_3551 = vector.broadcast %mul3A_3550 : f32 to vector<1x256xf32>
      %mul3A_3552 = arith.mulf %broadcast_in_dim3A_3542, %mul3A_3551 : vector<1x256xf32>
      %floor3A_3553 = math.floor %mul3A_3552 : vector<1x256xf32>
      %eq3A_3554 = vector.broadcast %floor3A_3553 : vector<1x256xf32> to vector<1024x256xf32>
      %eq3A_3555 = arith.cmpf oeq, %convert_element_type3A_3442, %eq3A_3554 : vector<1024x256xf32>
      %jit3A_3556 = arith.constant 0xFF800000 : f32
      %broadcast_in_dim3A_3557 = vector.broadcast %jit3A_3556 : f32 to vector<1024x256xf32>
      %select_n3A_3558 = arith.select %eq3A_3555, %broadcast_in_dim3A_3557, %select_n3A_3531 : vector<1024x256xi1>, vector<1024x256xf32>
      %reduce_max3A_3559 = arith.constant dense<0xFF800000> : vector<256xf32>
      %reduce_max3A_3560 = vector.multi_reduction <maximumf>, %select_n3A_3558, %reduce_max3A_3559 [0] : vector<1024x256xf32> to vector<256xf32>
      %broadcast_in_dim3A_3561 = vector.shape_cast %reduce_max3A_3560 : vector<256xf32> to vector<1x256xf32>
      %eq3A_3562 = vector.broadcast %broadcast_in_dim3A_3561 : vector<1x256xf32> to vector<1024x256xf32>
      %eq3A_3563 = arith.cmpf oeq, %select_n3A_3558, %eq3A_3562 : vector<1024x256xf32>
      %jit3A_3564 = arith.constant 0xFF800000 : f32
      %broadcast_in_dim3A_3565 = vector.broadcast %jit3A_3564 : f32 to vector<1024x256xf32>
      %select_n3A_3566 = arith.select %eq3A_3563, %convert_element_type3A_3450, %broadcast_in_dim3A_3565 : vector<1024x256xi1>, vector<1024x256xf32>
      %reduce_max3A_3567 = arith.constant dense<0xFF800000> : vector<256xf32>
      %reduce_max3A_3568 = vector.multi_reduction <maximumf>, %select_n3A_3566, %reduce_max3A_3567 [0] : vector<1024x256xf32> to vector<256xf32>
      %broadcast_in_dim3A_3569 = vector.shape_cast %reduce_max3A_3568 : vector<256xf32> to vector<1x256xf32>
      %swap3A_3570 = arith.constant 4 : index
      %swap3A_3571 = arith.constant 768 : index
      %swap3A_3572 = vector.load %arg3[%swap3A_3570, %swap3A_3571] : memref<32x1024xf32, #tpu.memory_space<vmem>>, vector<1x256xf32>
      tpu.vector_store %arg3[%swap3A_3570, %swap3A_3571], %broadcast_in_dim3A_3561 {strides = array<i32>} : memref<32x1024xf32, #tpu.memory_space<vmem>>, vector<1x256xf32>,
      %convert_element_type3A_3573 = arith.fptosi %broadcast_in_dim3A_3569 : vector<1x256xf32> to vector<1x256xi32>
      %swap3A_3574 = arith.constant 4 : index
      %swap3A_3575 = arith.constant 768 : index
      %swap3A_3576 = vector.load %arg4[%swap3A_3574, %swap3A_3575] : memref<32x1024xi32, #tpu.memory_space<vmem>>, vector<1x256xi32>
      tpu.vector_store %arg4[%swap3A_3574, %swap3A_3575], %convert_element_type3A_3573 {strides = array<i32>} : memref<32x1024xi32, #tpu.memory_space<vmem>>, vector<1x256xi32>,
      %mul3A_3577 = arith.constant 7.812500e-03 : f32
      %mul3A_3578 = vector.broadcast %mul3A_3577 : f32 to vector<1x256xf32>
      %mul3A_3579 = arith.mulf %broadcast_in_dim3A_3569, %mul3A_3578 : vector<1x256xf32>
      %floor3A_3580 = math.floor %mul3A_3579 : vector<1x256xf32>
      %eq3A_3581 = vector.broadcast %floor3A_3580 : vector<1x256xf32> to vector<1024x256xf32>
      %eq3A_3582 = arith.cmpf oeq, %convert_element_type3A_3442, %eq3A_3581 : vector<1024x256xf32>
      %jit3A_3583 = arith.constant 0xFF800000 : f32
      %broadcast_in_dim3A_3584 = vector.broadcast %jit3A_3583 : f32 to vector<1024x256xf32>
      %select_n3A_3585 = arith.select %eq3A_3582, %broadcast_in_dim3A_3584, %select_n3A_3558 : vector<1024x256xi1>, vector<1024x256xf32>
      %reduce_max3A_3586 = arith.constant dense<0xFF800000> : vector<256xf32>
      %reduce_max3A_3587 = vector.multi_reduction <maximumf>, %select_n3A_3585, %reduce_max3A_3586 [0] : vector<1024x256xf32> to vector<256xf32>
      %broadcast_in_dim3A_3588 = vector.shape_cast %reduce_max3A_3587 : vector<256xf32> to vector<1x256xf32>
      %eq3A_3589 = vector.broadcast %broadcast_in_dim3A_3588 : vector<1x256xf32> to vector<1024x256xf32>
      %eq3A_3590 = arith.cmpf oeq, %select_n3A_3585, %eq3A_3589 : vector<1024x256xf32>
      %jit3A_3591 = arith.constant 0xFF800000 : f32
      %broadcast_in_dim3A_3592 = vector.broadcast %jit3A_3591 : f32 to vector<1024x256xf32>
      %select_n3A_3593 = arith.select %eq3A_3590, %convert_element_type3A_3450, %broadcast_in_dim3A_3592 : vector<1024x256xi1>, vector<1024x256xf32>
      %reduce_max3A_3594 = arith.constant dense<0xFF800000> : vector<256xf32>
      %reduce_max3A_3595 = vector.multi_reduction <maximumf>, %select_n3A_3593, %reduce_max3A_3594 [0] : vector<1024x256xf32> to vector<256xf32>
      %broadcast_in_dim3A_3596 = vector.shape_cast %reduce_max3A_3595 : vector<256xf32> to vector<1x256xf32>
      %swap3A_3597 = arith.constant 5 : index
      %swap3A_3598 = arith.constant 768 : index
      %swap3A_3599 = vector.load %arg3[%swap3A_3597, %swap3A_3598] : memref<32x1024xf32, #tpu.memory_space<vmem>>, vector<1x256xf32>
      tpu.vector_store %arg3[%swap3A_3597, %swap3A_3598], %broadcast_in_dim3A_3588 {strides = array<i32>} : memref<32x1024xf32, #tpu.memory_space<vmem>>, vector<1x256xf32>,
      %convert_element_type3A_3600 = arith.fptosi %broadcast_in_dim3A_3596 : vector<1x256xf32> to vector<1x256xi32>
      %swap3A_3601 = arith.constant 5 : index
      %swap3A_3602 = arith.constant 768 : index
      %swap3A_3603 = vector.load %arg4[%swap3A_3601, %swap3A_3602] : memref<32x1024xi32, #tpu.memory_space<vmem>>, vector<1x256xi32>
      tpu.vector_store %arg4[%swap3A_3601, %swap3A_3602], %convert_element_type3A_3600 {strides = array<i32>} : memref<32x1024xi32, #tpu.memory_space<vmem>>, vector<1x256xi32>,
      %mul3A_3604 = arith.constant 7.812500e-03 : f32
      %mul3A_3605 = vector.broadcast %mul3A_3604 : f32 to vector<1x256xf32>
      %mul3A_3606 = arith.mulf %broadcast_in_dim3A_3596, %mul3A_3605 : vector<1x256xf32>
      %floor3A_3607 = math.floor %mul3A_3606 : vector<1x256xf32>
      %eq3A_3608 = vector.broadcast %floor3A_3607 : vector<1x256xf32> to vector<1024x256xf32>
      %eq3A_3609 = arith.cmpf oeq, %convert_element_type3A_3442, %eq3A_3608 : vector<1024x256xf32>
      %jit3A_3610 = arith.constant 0xFF800000 : f32
      %broadcast_in_dim3A_3611 = vector.broadcast %jit3A_3610 : f32 to vector<1024x256xf32>
      %select_n3A_3612 = arith.select %eq3A_3609, %broadcast_in_dim3A_3611, %select_n3A_3585 : vector<1024x256xi1>, vector<1024x256xf32>
      %reduce_max3A_3613 = arith.constant dense<0xFF800000> : vector<256xf32>
      %reduce_max3A_3614 = vector.multi_reduction <maximumf>, %select_n3A_3612, %reduce_max3A_3613 [0] : vector<1024x256xf32> to vector<256xf32>
      %broadcast_in_dim3A_3615 = vector.shape_cast %reduce_max3A_3614 : vector<256xf32> to vector<1x256xf32>
      %eq3A_3616 = vector.broadcast %broadcast_in_dim3A_3615 : vector<1x256xf32> to vector<1024x256xf32>
      %eq3A_3617 = arith.cmpf oeq, %select_n3A_3612, %eq3A_3616 : vector<1024x256xf32>
      %jit3A_3618 = arith.constant 0xFF800000 : f32
      %broadcast_in_dim3A_3619 = vector.broadcast %jit3A_3618 : f32 to vector<1024x256xf32>
      %select_n3A_3620 = arith.select %eq3A_3617, %convert_element_type3A_3450, %broadcast_in_dim3A_3619 : vector<1024x256xi1>, vector<1024x256xf32>
      %reduce_max3A_3621 = arith.constant dense<0xFF800000> : vector<256xf32>
      %reduce_max3A_3622 = vector.multi_reduction <maximumf>, %select_n3A_3620, %reduce_max3A_3621 [0] : vector<1024x256xf32> to vector<256xf32>
      %broadcast_in_dim3A_3623 = vector.shape_cast %reduce_max3A_3622 : vector<256xf32> to vector<1x256xf32>
      %swap3A_3624 = arith.constant 6 : index
      %swap3A_3625 = arith.constant 768 : index
      %swap3A_3626 = vector.load %arg3[%swap3A_3624, %swap3A_3625] : memref<32x1024xf32, #tpu.memory_space<vmem>>, vector<1x256xf32>
      tpu.vector_store %arg3[%swap3A_3624, %swap3A_3625], %broadcast_in_dim3A_3615 {strides = array<i32>} : memref<32x1024xf32, #tpu.memory_space<vmem>>, vector<1x256xf32>,
      %convert_element_type3A_3627 = arith.fptosi %broadcast_in_dim3A_3623 : vector<1x256xf32> to vector<1x256xi32>
      %swap3A_3628 = arith.constant 6 : index
      %swap3A_3629 = arith.constant 768 : index
      %swap3A_3630 = vector.load %arg4[%swap3A_3628, %swap3A_3629] : memref<32x1024xi32, #tpu.memory_space<vmem>>, vector<1x256xi32>
      tpu.vector_store %arg4[%swap3A_3628, %swap3A_3629], %convert_element_type3A_3627 {strides = array<i32>} : memref<32x1024xi32, #tpu.memory_space<vmem>>, vector<1x256xi32>,
      %mul3A_3631 = arith.constant 7.812500e-03 : f32
      %mul3A_3632 = vector.broadcast %mul3A_3631 : f32 to vector<1x256xf32>
      %mul3A_3633 = arith.mulf %broadcast_in_dim3A_3623, %mul3A_3632 : vector<1x256xf32>
      %floor3A_3634 = math.floor %mul3A_3633 : vector<1x256xf32>
      %eq3A_3635 = vector.broadcast %floor3A_3634 : vector<1x256xf32> to vector<1024x256xf32>
      %eq3A_3636 = arith.cmpf oeq, %convert_element_type3A_3442, %eq3A_3635 : vector<1024x256xf32>
      %jit3A_3637 = arith.constant 0xFF800000 : f32
      %broadcast_in_dim3A_3638 = vector.broadcast %jit3A_3637 : f32 to vector<1024x256xf32>
      %select_n3A_3639 = arith.select %eq3A_3636, %broadcast_in_dim3A_3638, %select_n3A_3612 : vector<1024x256xi1>, vector<1024x256xf32>
      %reduce_max3A_3640 = arith.constant dense<0xFF800000> : vector<256xf32>
      %reduce_max3A_3641 = vector.multi_reduction <maximumf>, %select_n3A_3639, %reduce_max3A_3640 [0] : vector<1024x256xf32> to vector<256xf32>
      %broadcast_in_dim3A_3642 = vector.shape_cast %reduce_max3A_3641 : vector<256xf32> to vector<1x256xf32>
      %eq3A_3643 = vector.broadcast %broadcast_in_dim3A_3642 : vector<1x256xf32> to vector<1024x256xf32>
      %eq3A_3644 = arith.cmpf oeq, %select_n3A_3639, %eq3A_3643 : vector<1024x256xf32>
      %jit3A_3645 = arith.constant 0xFF800000 : f32
      %broadcast_in_dim3A_3646 = vector.broadcast %jit3A_3645 : f32 to vector<1024x256xf32>
      %select_n3A_3647 = arith.select %eq3A_3644, %convert_element_type3A_3450, %broadcast_in_dim3A_3646 : vector<1024x256xi1>, vector<1024x256xf32>
      %reduce_max3A_3648 = arith.constant dense<0xFF800000> : vector<256xf32>
      %reduce_max3A_3649 = vector.multi_reduction <maximumf>, %select_n3A_3647, %reduce_max3A_3648 [0] : vector<1024x256xf32> to vector<256xf32>
      %broadcast_in_dim3A_3650 = vector.shape_cast %reduce_max3A_3649 : vector<256xf32> to vector<1x256xf32>
      %swap3A_3651 = arith.constant 7 : index
      %swap3A_3652 = arith.constant 768 : index
      %swap3A_3653 = vector.load %arg3[%swap3A_3651, %swap3A_3652] : memref<32x1024xf32, #tpu.memory_space<vmem>>, vector<1x256xf32>
      tpu.vector_store %arg3[%swap3A_3651, %swap3A_3652], %broadcast_in_dim3A_3642 {strides = array<i32>} : memref<32x1024xf32, #tpu.memory_space<vmem>>, vector<1x256xf32>,
      %convert_element_type3A_3654 = arith.fptosi %broadcast_in_dim3A_3650 : vector<1x256xf32> to vector<1x256xi32>
      %swap3A_3655 = arith.constant 7 : index
      %swap3A_3656 = arith.constant 768 : index
      %swap3A_3657 = vector.load %arg4[%swap3A_3655, %swap3A_3656] : memref<32x1024xi32, #tpu.memory_space<vmem>>, vector<1x256xi32>
      tpu.vector_store %arg4[%swap3A_3655, %swap3A_3656], %convert_element_type3A_3654 {strides = array<i32>} : memref<32x1024xi32, #tpu.memory_space<vmem>>, vector<1x256xi32>,
      %mul3A_3658 = arith.constant 7.812500e-03 : f32
      %mul3A_3659 = vector.broadcast %mul3A_3658 : f32 to vector<1x256xf32>
      %mul3A_3660 = arith.mulf %broadcast_in_dim3A_3650, %mul3A_3659 : vector<1x256xf32>
      %floor3A_3661 = math.floor %mul3A_3660 : vector<1x256xf32>
      %eq3A_3662 = vector.broadcast %floor3A_3661 : vector<1x256xf32> to vector<1024x256xf32>
      %eq3A_3663 = arith.cmpf oeq, %convert_element_type3A_3442, %eq3A_3662 : vector<1024x256xf32>
      %jit3A_3664 = arith.constant 0xFF800000 : f32
      %broadcast_in_dim3A_3665 = vector.broadcast %jit3A_3664 : f32 to vector<1024x256xf32>
      %select_n3A_3666 = arith.select %eq3A_3663, %broadcast_in_dim3A_3665, %select_n3A_3639 : vector<1024x256xi1>, vector<1024x256xf32>
      %reduce_max3A_3667 = arith.constant dense<0xFF800000> : vector<256xf32>
      %reduce_max3A_3668 = vector.multi_reduction <maximumf>, %select_n3A_3666, %reduce_max3A_3667 [0] : vector<1024x256xf32> to vector<256xf32>
      %broadcast_in_dim3A_3669 = vector.shape_cast %reduce_max3A_3668 : vector<256xf32> to vector<1x256xf32>
      %eq3A_3670 = vector.broadcast %broadcast_in_dim3A_3669 : vector<1x256xf32> to vector<1024x256xf32>
      %eq3A_3671 = arith.cmpf oeq, %select_n3A_3666, %eq3A_3670 : vector<1024x256xf32>
      %jit3A_3672 = arith.constant 0xFF800000 : f32
      %broadcast_in_dim3A_3673 = vector.broadcast %jit3A_3672 : f32 to vector<1024x256xf32>
      %select_n3A_3674 = arith.select %eq3A_3671, %convert_element_type3A_3450, %broadcast_in_dim3A_3673 : vector<1024x256xi1>, vector<1024x256xf32>
      %reduce_max3A_3675 = arith.constant dense<0xFF800000> : vector<256xf32>
      %reduce_max3A_3676 = vector.multi_reduction <maximumf>, %select_n3A_3674, %reduce_max3A_3675 [0] : vector<1024x256xf32> to vector<256xf32>
      %broadcast_in_dim3A_3677 = vector.shape_cast %reduce_max3A_3676 : vector<256xf32> to vector<1x256xf32>
      %swap3A_3678 = arith.constant 8 : index
      %swap3A_3679 = arith.constant 768 : index
      %swap3A_3680 = vector.load %arg3[%swap3A_3678, %swap3A_3679] : memref<32x1024xf32, #tpu.memory_space<vmem>>, vector<1x256xf32>
      tpu.vector_store %arg3[%swap3A_3678, %swap3A_3679], %broadcast_in_dim3A_3669 {strides = array<i32>} : memref<32x1024xf32, #tpu.memory_space<vmem>>, vector<1x256xf32>,
      %convert_element_type3A_3681 = arith.fptosi %broadcast_in_dim3A_3677 : vector<1x256xf32> to vector<1x256xi32>
      %swap3A_3682 = arith.constant 8 : index
      %swap3A_3683 = arith.constant 768 : index
      %swap3A_3684 = vector.load %arg4[%swap3A_3682, %swap3A_3683] : memref<32x1024xi32, #tpu.memory_space<vmem>>, vector<1x256xi32>
      tpu.vector_store %arg4[%swap3A_3682, %swap3A_3683], %convert_element_type3A_3681 {strides = array<i32>} : memref<32x1024xi32, #tpu.memory_space<vmem>>, vector<1x256xi32>,
      %mul3A_3685 = arith.constant 7.812500e-03 : f32
      %mul3A_3686 = vector.broadcast %mul3A_3685 : f32 to vector<1x256xf32>
      %mul3A_3687 = arith.mulf %broadcast_in_dim3A_3677, %mul3A_3686 : vector<1x256xf32>
      %floor3A_3688 = math.floor %mul3A_3687 : vector<1x256xf32>
      %eq3A_3689 = vector.broadcast %floor3A_3688 : vector<1x256xf32> to vector<1024x256xf32>
      %eq3A_3690 = arith.cmpf oeq, %convert_element_type3A_3442, %eq3A_3689 : vector<1024x256xf32>
      %jit3A_3691 = arith.constant 0xFF800000 : f32
      %broadcast_in_dim3A_3692 = vector.broadcast %jit3A_3691 : f32 to vector<1024x256xf32>
      %select_n3A_3693 = arith.select %eq3A_3690, %broadcast_in_dim3A_3692, %select_n3A_3666 : vector<1024x256xi1>, vector<1024x256xf32>
      %reduce_max3A_3694 = arith.constant dense<0xFF800000> : vector<256xf32>
      %reduce_max3A_3695 = vector.multi_reduction <maximumf>, %select_n3A_3693, %reduce_max3A_3694 [0] : vector<1024x256xf32> to vector<256xf32>
      %broadcast_in_dim3A_3696 = vector.shape_cast %reduce_max3A_3695 : vector<256xf32> to vector<1x256xf32>
      %eq3A_3697 = vector.broadcast %broadcast_in_dim3A_3696 : vector<1x256xf32> to vector<1024x256xf32>
      %eq3A_3698 = arith.cmpf oeq, %select_n3A_3693, %eq3A_3697 : vector<1024x256xf32>
      %jit3A_3699 = arith.constant 0xFF800000 : f32
      %broadcast_in_dim3A_3700 = vector.broadcast %jit3A_3699 : f32 to vector<1024x256xf32>
      %select_n3A_3701 = arith.select %eq3A_3698, %convert_element_type3A_3450, %broadcast_in_dim3A_3700 : vector<1024x256xi1>, vector<1024x256xf32>
      %reduce_max3A_3702 = arith.constant dense<0xFF800000> : vector<256xf32>
      %reduce_max3A_3703 = vector.multi_reduction <maximumf>, %select_n3A_3701, %reduce_max3A_3702 [0] : vector<1024x256xf32> to vector<256xf32>
      %broadcast_in_dim3A_3704 = vector.shape_cast %reduce_max3A_3703 : vector<256xf32> to vector<1x256xf32>
      %swap3A_3705 = arith.constant 9 : index
      %swap3A_3706 = arith.constant 768 : index
      %swap3A_3707 = vector.load %arg3[%swap3A_3705, %swap3A_3706] : memref<32x1024xf32, #tpu.memory_space<vmem>>, vector<1x256xf32>
      tpu.vector_store %arg3[%swap3A_3705, %swap3A_3706], %broadcast_in_dim3A_3696 {strides = array<i32>} : memref<32x1024xf32, #tpu.memory_space<vmem>>, vector<1x256xf32>,
      %convert_element_type3A_3708 = arith.fptosi %broadcast_in_dim3A_3704 : vector<1x256xf32> to vector<1x256xi32>
      %swap3A_3709 = arith.constant 9 : index
      %swap3A_3710 = arith.constant 768 : index
      %swap3A_3711 = vector.load %arg4[%swap3A_3709, %swap3A_3710] : memref<32x1024xi32, #tpu.memory_space<vmem>>, vector<1x256xi32>
      tpu.vector_store %arg4[%swap3A_3709, %swap3A_3710], %convert_element_type3A_3708 {strides = array<i32>} : memref<32x1024xi32, #tpu.memory_space<vmem>>, vector<1x256xi32>,
      %mul3A_3712 = arith.constant 7.812500e-03 : f32
      %mul3A_3713 = vector.broadcast %mul3A_3712 : f32 to vector<1x256xf32>
      %mul3A_3714 = arith.mulf %broadcast_in_dim3A_3704, %mul3A_3713 : vector<1x256xf32>
      %floor3A_3715 = math.floor %mul3A_3714 : vector<1x256xf32>
      %eq3A_3716 = vector.broadcast %floor3A_3715 : vector<1x256xf32> to vector<1024x256xf32>
      %eq3A_3717 = arith.cmpf oeq, %convert_element_type3A_3442, %eq3A_3716 : vector<1024x256xf32>
      %jit3A_3718 = arith.constant 0xFF800000 : f32
      %broadcast_in_dim3A_3719 = vector.broadcast %jit3A_3718 : f32 to vector<1024x256xf32>
      %select_n3A_3720 = arith.select %eq3A_3717, %broadcast_in_dim3A_3719, %select_n3A_3693 : vector<1024x256xi1>, vector<1024x256xf32>
      %reduce_max3A_3721 = arith.constant dense<0xFF800000> : vector<256xf32>
      %reduce_max3A_3722 = vector.multi_reduction <maximumf>, %select_n3A_3720, %reduce_max3A_3721 [0] : vector<1024x256xf32> to vector<256xf32>
      %broadcast_in_dim3A_3723 = vector.shape_cast %reduce_max3A_3722 : vector<256xf32> to vector<1x256xf32>
      %eq3A_3724 = vector.broadcast %broadcast_in_dim3A_3723 : vector<1x256xf32> to vector<1024x256xf32>
      %eq3A_3725 = arith.cmpf oeq, %select_n3A_3720, %eq3A_3724 : vector<1024x256xf32>
      %jit3A_3726 = arith.constant 0xFF800000 : f32
      %broadcast_in_dim3A_3727 = vector.broadcast %jit3A_3726 : f32 to vector<1024x256xf32>
      %select_n3A_3728 = arith.select %eq3A_3725, %convert_element_type3A_3450, %broadcast_in_dim3A_3727 : vector<1024x256xi1>, vector<1024x256xf32>
      %reduce_max3A_3729 = arith.constant dense<0xFF800000> : vector<256xf32>
      %reduce_max3A_3730 = vector.multi_reduction <maximumf>, %select_n3A_3728, %reduce_max3A_3729 [0] : vector<1024x256xf32> to vector<256xf32>
      %broadcast_in_dim3A_3731 = vector.shape_cast %reduce_max3A_3730 : vector<256xf32> to vector<1x256xf32>
      %swap3A_3732 = arith.constant 10 : index
      %swap3A_3733 = arith.constant 768 : index
      %swap3A_3734 = vector.load %arg3[%swap3A_3732, %swap3A_3733] : memref<32x1024xf32, #tpu.memory_space<vmem>>, vector<1x256xf32>
      tpu.vector_store %arg3[%swap3A_3732, %swap3A_3733], %broadcast_in_dim3A_3723 {strides = array<i32>} : memref<32x1024xf32, #tpu.memory_space<vmem>>, vector<1x256xf32>,
      %convert_element_type3A_3735 = arith.fptosi %broadcast_in_dim3A_3731 : vector<1x256xf32> to vector<1x256xi32>
      %swap3A_3736 = arith.constant 10 : index
      %swap3A_3737 = arith.constant 768 : index
      %swap3A_3738 = vector.load %arg4[%swap3A_3736, %swap3A_3737] : memref<32x1024xi32, #tpu.memory_space<vmem>>, vector<1x256xi32>
      tpu.vector_store %arg4[%swap3A_3736, %swap3A_3737], %convert_element_type3A_3735 {strides = array<i32>} : memref<32x1024xi32, #tpu.memory_space<vmem>>, vector<1x256xi32>,
      %mul3A_3739 = arith.constant 7.812500e-03 : f32
      %mul3A_3740 = vector.broadcast %mul3A_3739 : f32 to vector<1x256xf32>
      %mul3A_3741 = arith.mulf %broadcast_in_dim3A_3731, %mul3A_3740 : vector<1x256xf32>
      %floor3A_3742 = math.floor %mul3A_3741 : vector<1x256xf32>
      %eq3A_3743 = vector.broadcast %floor3A_3742 : vector<1x256xf32> to vector<1024x256xf32>
      %eq3A_3744 = arith.cmpf oeq, %convert_element_type3A_3442, %eq3A_3743 : vector<1024x256xf32>
      %jit3A_3745 = arith.constant 0xFF800000 : f32
      %broadcast_in_dim3A_3746 = vector.broadcast %jit3A_3745 : f32 to vector<1024x256xf32>
      %select_n3A_3747 = arith.select %eq3A_3744, %broadcast_in_dim3A_3746, %select_n3A_3720 : vector<1024x256xi1>, vector<1024x256xf32>
      %reduce_max3A_3748 = arith.constant dense<0xFF800000> : vector<256xf32>
      %reduce_max3A_3749 = vector.multi_reduction <maximumf>, %select_n3A_3747, %reduce_max3A_3748 [0] : vector<1024x256xf32> to vector<256xf32>
      %broadcast_in_dim3A_3750 = vector.shape_cast %reduce_max3A_3749 : vector<256xf32> to vector<1x256xf32>
      %eq3A_3751 = vector.broadcast %broadcast_in_dim3A_3750 : vector<1x256xf32> to vector<1024x256xf32>
      %eq3A_3752 = arith.cmpf oeq, %select_n3A_3747, %eq3A_3751 : vector<1024x256xf32>
      %jit3A_3753 = arith.constant 0xFF800000 : f32
      %broadcast_in_dim3A_3754 = vector.broadcast %jit3A_3753 : f32 to vector<1024x256xf32>
      %select_n3A_3755 = arith.select %eq3A_3752, %convert_element_type3A_3450, %broadcast_in_dim3A_3754 : vector<1024x256xi1>, vector<1024x256xf32>
      %reduce_max3A_3756 = arith.constant dense<0xFF800000> : vector<256xf32>
      %reduce_max3A_3757 = vector.multi_reduction <maximumf>, %select_n3A_3755, %reduce_max3A_3756 [0] : vector<1024x256xf32> to vector<256xf32>
      %broadcast_in_dim3A_3758 = vector.shape_cast %reduce_max3A_3757 : vector<256xf32> to vector<1x256xf32>
      %swap3A_3759 = arith.constant 11 : index
      %swap3A_3760 = arith.constant 768 : index
      %swap3A_3761 = vector.load %arg3[%swap3A_3759, %swap3A_3760] : memref<32x1024xf32, #tpu.memory_space<vmem>>, vector<1x256xf32>
      tpu.vector_store %arg3[%swap3A_3759, %swap3A_3760], %broadcast_in_dim3A_3750 {strides = array<i32>} : memref<32x1024xf32, #tpu.memory_space<vmem>>, vector<1x256xf32>,
      %convert_element_type3A_3762 = arith.fptosi %broadcast_in_dim3A_3758 : vector<1x256xf32> to vector<1x256xi32>
      %swap3A_3763 = arith.constant 11 : index
      %swap3A_3764 = arith.constant 768 : index
      %swap3A_3765 = vector.load %arg4[%swap3A_3763, %swap3A_3764] : memref<32x1024xi32, #tpu.memory_space<vmem>>, vector<1x256xi32>
      tpu.vector_store %arg4[%swap3A_3763, %swap3A_3764], %convert_element_type3A_3762 {strides = array<i32>} : memref<32x1024xi32, #tpu.memory_space<vmem>>, vector<1x256xi32>,
      %mul3A_3766 = arith.constant 7.812500e-03 : f32
      %mul3A_3767 = vector.broadcast %mul3A_3766 : f32 to vector<1x256xf32>
      %mul3A_3768 = arith.mulf %broadcast_in_dim3A_3758, %mul3A_3767 : vector<1x256xf32>
      %floor3A_3769 = math.floor %mul3A_3768 : vector<1x256xf32>
      %eq3A_3770 = vector.broadcast %floor3A_3769 : vector<1x256xf32> to vector<1024x256xf32>
      %eq3A_3771 = arith.cmpf oeq, %convert_element_type3A_3442, %eq3A_3770 : vector<1024x256xf32>
      %jit3A_3772 = arith.constant 0xFF800000 : f32
      %broadcast_in_dim3A_3773 = vector.broadcast %jit3A_3772 : f32 to vector<1024x256xf32>
      %select_n3A_3774 = arith.select %eq3A_3771, %broadcast_in_dim3A_3773, %select_n3A_3747 : vector<1024x256xi1>, vector<1024x256xf32>
      %reduce_max3A_3775 = arith.constant dense<0xFF800000> : vector<256xf32>
      %reduce_max3A_3776 = vector.multi_reduction <maximumf>, %select_n3A_3774, %reduce_max3A_3775 [0] : vector<1024x256xf32> to vector<256xf32>
      %broadcast_in_dim3A_3777 = vector.shape_cast %reduce_max3A_3776 : vector<256xf32> to vector<1x256xf32>
      %eq3A_3778 = vector.broadcast %broadcast_in_dim3A_3777 : vector<1x256xf32> to vector<1024x256xf32>
      %eq3A_3779 = arith.cmpf oeq, %select_n3A_3774, %eq3A_3778 : vector<1024x256xf32>
      %jit3A_3780 = arith.constant 0xFF800000 : f32
      %broadcast_in_dim3A_3781 = vector.broadcast %jit3A_3780 : f32 to vector<1024x256xf32>
      %select_n3A_3782 = arith.select %eq3A_3779, %convert_element_type3A_3450, %broadcast_in_dim3A_3781 : vector<1024x256xi1>, vector<1024x256xf32>
      %reduce_max3A_3783 = arith.constant dense<0xFF800000> : vector<256xf32>
      %reduce_max3A_3784 = vector.multi_reduction <maximumf>, %select_n3A_3782, %reduce_max3A_3783 [0] : vector<1024x256xf32> to vector<256xf32>
      %broadcast_in_dim3A_3785 = vector.shape_cast %reduce_max3A_3784 : vector<256xf32> to vector<1x256xf32>
      %swap3A_3786 = arith.constant 12 : index
      %swap3A_3787 = arith.constant 768 : index
      %swap3A_3788 = vector.load %arg3[%swap3A_3786, %swap3A_3787] : memref<32x1024xf32, #tpu.memory_space<vmem>>, vector<1x256xf32>
      tpu.vector_store %arg3[%swap3A_3786, %swap3A_3787], %broadcast_in_dim3A_3777 {strides = array<i32>} : memref<32x1024xf32, #tpu.memory_space<vmem>>, vector<1x256xf32>,
      %convert_element_type3A_3789 = arith.fptosi %broadcast_in_dim3A_3785 : vector<1x256xf32> to vector<1x256xi32>
      %swap3A_3790 = arith.constant 12 : index
      %swap3A_3791 = arith.constant 768 : index
      %swap3A_3792 = vector.load %arg4[%swap3A_3790, %swap3A_3791] : memref<32x1024xi32, #tpu.memory_space<vmem>>, vector<1x256xi32>
      tpu.vector_store %arg4[%swap3A_3790, %swap3A_3791], %convert_element_type3A_3789 {strides = array<i32>} : memref<32x1024xi32, #tpu.memory_space<vmem>>, vector<1x256xi32>,
      %mul3A_3793 = arith.constant 7.812500e-03 : f32
      %mul3A_3794 = vector.broadcast %mul3A_3793 : f32 to vector<1x256xf32>
      %mul3A_3795 = arith.mulf %broadcast_in_dim3A_3785, %mul3A_3794 : vector<1x256xf32>
      %floor3A_3796 = math.floor %mul3A_3795 : vector<1x256xf32>
      %eq3A_3797 = vector.broadcast %floor3A_3796 : vector<1x256xf32> to vector<1024x256xf32>
      %eq3A_3798 = arith.cmpf oeq, %convert_element_type3A_3442, %eq3A_3797 : vector<1024x256xf32>
      %jit3A_3799 = arith.constant 0xFF800000 : f32
      %broadcast_in_dim3A_3800 = vector.broadcast %jit3A_3799 : f32 to vector<1024x256xf32>
      %select_n3A_3801 = arith.select %eq3A_3798, %broadcast_in_dim3A_3800, %select_n3A_3774 : vector<1024x256xi1>, vector<1024x256xf32>
      %reduce_max3A_3802 = arith.constant dense<0xFF800000> : vector<256xf32>
      %reduce_max3A_3803 = vector.multi_reduction <maximumf>, %select_n3A_3801, %reduce_max3A_3802 [0] : vector<1024x256xf32> to vector<256xf32>
      %broadcast_in_dim3A_3804 = vector.shape_cast %reduce_max3A_3803 : vector<256xf32> to vector<1x256xf32>
      %eq3A_3805 = vector.broadcast %broadcast_in_dim3A_3804 : vector<1x256xf32> to vector<1024x256xf32>
      %eq3A_3806 = arith.cmpf oeq, %select_n3A_3801, %eq3A_3805 : vector<1024x256xf32>
      %jit3A_3807 = arith.constant 0xFF800000 : f32
      %broadcast_in_dim3A_3808 = vector.broadcast %jit3A_3807 : f32 to vector<1024x256xf32>
      %select_n3A_3809 = arith.select %eq3A_3806, %convert_element_type3A_3450, %broadcast_in_dim3A_3808 : vector<1024x256xi1>, vector<1024x256xf32>
      %reduce_max3A_3810 = arith.constant dense<0xFF800000> : vector<256xf32>
      %reduce_max3A_3811 = vector.multi_reduction <maximumf>, %select_n3A_3809, %reduce_max3A_3810 [0] : vector<1024x256xf32> to vector<256xf32>
      %broadcast_in_dim3A_3812 = vector.shape_cast %reduce_max3A_3811 : vector<256xf32> to vector<1x256xf32>
      %swap3A_3813 = arith.constant 13 : index
      %swap3A_3814 = arith.constant 768 : index
      %swap3A_3815 = vector.load %arg3[%swap3A_3813, %swap3A_3814] : memref<32x1024xf32, #tpu.memory_space<vmem>>, vector<1x256xf32>
      tpu.vector_store %arg3[%swap3A_3813, %swap3A_3814], %broadcast_in_dim3A_3804 {strides = array<i32>} : memref<32x1024xf32, #tpu.memory_space<vmem>>, vector<1x256xf32>,
      %convert_element_type3A_3816 = arith.fptosi %broadcast_in_dim3A_3812 : vector<1x256xf32> to vector<1x256xi32>
      %swap3A_3817 = arith.constant 13 : index
      %swap3A_3818 = arith.constant 768 : index
      %swap3A_3819 = vector.load %arg4[%swap3A_3817, %swap3A_3818] : memref<32x1024xi32, #tpu.memory_space<vmem>>, vector<1x256xi32>
      tpu.vector_store %arg4[%swap3A_3817, %swap3A_3818], %convert_element_type3A_3816 {strides = array<i32>} : memref<32x1024xi32, #tpu.memory_space<vmem>>, vector<1x256xi32>,
      %mul3A_3820 = arith.constant 7.812500e-03 : f32
      %mul3A_3821 = vector.broadcast %mul3A_3820 : f32 to vector<1x256xf32>
      %mul3A_3822 = arith.mulf %broadcast_in_dim3A_3812, %mul3A_3821 : vector<1x256xf32>
      %floor3A_3823 = math.floor %mul3A_3822 : vector<1x256xf32>
      %eq3A_3824 = vector.broadcast %floor3A_3823 : vector<1x256xf32> to vector<1024x256xf32>
      %eq3A_3825 = arith.cmpf oeq, %convert_element_type3A_3442, %eq3A_3824 : vector<1024x256xf32>
      %jit3A_3826 = arith.constant 0xFF800000 : f32
      %broadcast_in_dim3A_3827 = vector.broadcast %jit3A_3826 : f32 to vector<1024x256xf32>
      %select_n3A_3828 = arith.select %eq3A_3825, %broadcast_in_dim3A_3827, %select_n3A_3801 : vector<1024x256xi1>, vector<1024x256xf32>
      %reduce_max3A_3829 = arith.constant dense<0xFF800000> : vector<256xf32>
      %reduce_max3A_3830 = vector.multi_reduction <maximumf>, %select_n3A_3828, %reduce_max3A_3829 [0] : vector<1024x256xf32> to vector<256xf32>
      %broadcast_in_dim3A_3831 = vector.shape_cast %reduce_max3A_3830 : vector<256xf32> to vector<1x256xf32>
      %eq3A_3832 = vector.broadcast %broadcast_in_dim3A_3831 : vector<1x256xf32> to vector<1024x256xf32>
      %eq3A_3833 = arith.cmpf oeq, %select_n3A_3828, %eq3A_3832 : vector<1024x256xf32>
      %jit3A_3834 = arith.constant 0xFF800000 : f32
      %broadcast_in_dim3A_3835 = vector.broadcast %jit3A_3834 : f32 to vector<1024x256xf32>
      %select_n3A_3836 = arith.select %eq3A_3833, %convert_element_type3A_3450, %broadcast_in_dim3A_3835 : vector<1024x256xi1>, vector<1024x256xf32>
      %reduce_max3A_3837 = arith.constant dense<0xFF800000> : vector<256xf32>
      %reduce_max3A_3838 = vector.multi_reduction <maximumf>, %select_n3A_3836, %reduce_max3A_3837 [0] : vector<1024x256xf32> to vector<256xf32>
      %broadcast_in_dim3A_3839 = vector.shape_cast %reduce_max3A_3838 : vector<256xf32> to vector<1x256xf32>
      %swap3A_3840 = arith.constant 14 : index
      %swap3A_3841 = arith.constant 768 : index
      %swap3A_3842 = vector.load %arg3[%swap3A_3840, %swap3A_3841] : memref<32x1024xf32, #tpu.memory_space<vmem>>, vector<1x256xf32>
      tpu.vector_store %arg3[%swap3A_3840, %swap3A_3841], %broadcast_in_dim3A_3831 {strides = array<i32>} : memref<32x1024xf32, #tpu.memory_space<vmem>>, vector<1x256xf32>,
      %convert_element_type3A_3843 = arith.fptosi %broadcast_in_dim3A_3839 : vector<1x256xf32> to vector<1x256xi32>
      %swap3A_3844 = arith.constant 14 : index
      %swap3A_3845 = arith.constant 768 : index
      %swap3A_3846 = vector.load %arg4[%swap3A_3844, %swap3A_3845] : memref<32x1024xi32, #tpu.memory_space<vmem>>, vector<1x256xi32>
      tpu.vector_store %arg4[%swap3A_3844, %swap3A_3845], %convert_element_type3A_3843 {strides = array<i32>} : memref<32x1024xi32, #tpu.memory_space<vmem>>, vector<1x256xi32>,
      %mul3A_3847 = arith.constant 7.812500e-03 : f32
      %mul3A_3848 = vector.broadcast %mul3A_3847 : f32 to vector<1x256xf32>
      %mul3A_3849 = arith.mulf %broadcast_in_dim3A_3839, %mul3A_3848 : vector<1x256xf32>
      %floor3A_3850 = math.floor %mul3A_3849 : vector<1x256xf32>
      %eq3A_3851 = vector.broadcast %floor3A_3850 : vector<1x256xf32> to vector<1024x256xf32>
      %eq3A_3852 = arith.cmpf oeq, %convert_element_type3A_3442, %eq3A_3851 : vector<1024x256xf32>
      %jit3A_3853 = arith.constant 0xFF800000 : f32
      %broadcast_in_dim3A_3854 = vector.broadcast %jit3A_3853 : f32 to vector<1024x256xf32>
      %select_n3A_3855 = arith.select %eq3A_3852, %broadcast_in_dim3A_3854, %select_n3A_3828 : vector<1024x256xi1>, vector<1024x256xf32>
      %reduce_max3A_3856 = arith.constant dense<0xFF800000> : vector<256xf32>
      %reduce_max3A_3857 = vector.multi_reduction <maximumf>, %select_n3A_3855, %reduce_max3A_3856 [0] : vector<1024x256xf32> to vector<256xf32>
      %broadcast_in_dim3A_3858 = vector.shape_cast %reduce_max3A_3857 : vector<256xf32> to vector<1x256xf32>
      %eq3A_3859 = vector.broadcast %broadcast_in_dim3A_3858 : vector<1x256xf32> to vector<1024x256xf32>
      %eq3A_3860 = arith.cmpf oeq, %select_n3A_3855, %eq3A_3859 : vector<1024x256xf32>
      %jit3A_3861 = arith.constant 0xFF800000 : f32
      %broadcast_in_dim3A_3862 = vector.broadcast %jit3A_3861 : f32 to vector<1024x256xf32>
      %select_n3A_3863 = arith.select %eq3A_3860, %convert_element_type3A_3450, %broadcast_in_dim3A_3862 : vector<1024x256xi1>, vector<1024x256xf32>
      %reduce_max3A_3864 = arith.constant dense<0xFF800000> : vector<256xf32>
      %reduce_max3A_3865 = vector.multi_reduction <maximumf>, %select_n3A_3863, %reduce_max3A_3864 [0] : vector<1024x256xf32> to vector<256xf32>
      %broadcast_in_dim3A_3866 = vector.shape_cast %reduce_max3A_3865 : vector<256xf32> to vector<1x256xf32>
      %swap3A_3867 = arith.constant 15 : index
      %swap3A_3868 = arith.constant 768 : index
      %swap3A_3869 = vector.load %arg3[%swap3A_3867, %swap3A_3868] : memref<32x1024xf32, #tpu.memory_space<vmem>>, vector<1x256xf32>
      tpu.vector_store %arg3[%swap3A_3867, %swap3A_3868], %broadcast_in_dim3A_3858 {strides = array<i32>} : memref<32x1024xf32, #tpu.memory_space<vmem>>, vector<1x256xf32>,
      %convert_element_type3A_3870 = arith.fptosi %broadcast_in_dim3A_3866 : vector<1x256xf32> to vector<1x256xi32>
      %swap3A_3871 = arith.constant 15 : index
      %swap3A_3872 = arith.constant 768 : index
      %swap3A_3873 = vector.load %arg4[%swap3A_3871, %swap3A_3872] : memref<32x1024xi32, #tpu.memory_space<vmem>>, vector<1x256xi32>
      tpu.vector_store %arg4[%swap3A_3871, %swap3A_3872], %convert_element_type3A_3870 {strides = array<i32>} : memref<32x1024xi32, #tpu.memory_space<vmem>>, vector<1x256xi32>,
      %mul3A_3874 = arith.constant 7.812500e-03 : f32
      %mul3A_3875 = vector.broadcast %mul3A_3874 : f32 to vector<1x256xf32>
      %mul3A_3876 = arith.mulf %broadcast_in_dim3A_3866, %mul3A_3875 : vector<1x256xf32>
      %floor3A_3877 = math.floor %mul3A_3876 : vector<1x256xf32>
      %eq3A_3878 = vector.broadcast %floor3A_3877 : vector<1x256xf32> to vector<1024x256xf32>
      %eq3A_3879 = arith.cmpf oeq, %convert_element_type3A_3442, %eq3A_3878 : vector<1024x256xf32>
      %jit3A_3880 = arith.constant 0xFF800000 : f32
      %broadcast_in_dim3A_3881 = vector.broadcast %jit3A_3880 : f32 to vector<1024x256xf32>
      %select_n3A_3882 = arith.select %eq3A_3879, %broadcast_in_dim3A_3881, %select_n3A_3855 : vector<1024x256xi1>, vector<1024x256xf32>
      %reduce_max3A_3883 = arith.constant dense<0xFF800000> : vector<256xf32>
      %reduce_max3A_3884 = vector.multi_reduction <maximumf>, %select_n3A_3882, %reduce_max3A_3883 [0] : vector<1024x256xf32> to vector<256xf32>
      %broadcast_in_dim3A_3885 = vector.shape_cast %reduce_max3A_3884 : vector<256xf32> to vector<1x256xf32>
      %eq3A_3886 = vector.broadcast %broadcast_in_dim3A_3885 : vector<1x256xf32> to vector<1024x256xf32>
      %eq3A_3887 = arith.cmpf oeq, %select_n3A_3882, %eq3A_3886 : vector<1024x256xf32>
      %jit3A_3888 = arith.constant 0xFF800000 : f32
      %broadcast_in_dim3A_3889 = vector.broadcast %jit3A_3888 : f32 to vector<1024x256xf32>
      %select_n3A_3890 = arith.select %eq3A_3887, %convert_element_type3A_3450, %broadcast_in_dim3A_3889 : vector<1024x256xi1>, vector<1024x256xf32>
      %reduce_max3A_3891 = arith.constant dense<0xFF800000> : vector<256xf32>
      %reduce_max3A_3892 = vector.multi_reduction <maximumf>, %select_n3A_3890, %reduce_max3A_3891 [0] : vector<1024x256xf32> to vector<256xf32>
      %broadcast_in_dim3A_3893 = vector.shape_cast %reduce_max3A_3892 : vector<256xf32> to vector<1x256xf32>
      %swap3A_3894 = arith.constant 16 : index
      %swap3A_3895 = arith.constant 768 : index
      %swap3A_3896 = vector.load %arg3[%swap3A_3894, %swap3A_3895] : memref<32x1024xf32, #tpu.memory_space<vmem>>, vector<1x256xf32>
      tpu.vector_store %arg3[%swap3A_3894, %swap3A_3895], %broadcast_in_dim3A_3885 {strides = array<i32>} : memref<32x1024xf32, #tpu.memory_space<vmem>>, vector<1x256xf32>,
      %convert_element_type3A_3897 = arith.fptosi %broadcast_in_dim3A_3893 : vector<1x256xf32> to vector<1x256xi32>
      %swap3A_3898 = arith.constant 16 : index
      %swap3A_3899 = arith.constant 768 : index
      %swap3A_3900 = vector.load %arg4[%swap3A_3898, %swap3A_3899] : memref<32x1024xi32, #tpu.memory_space<vmem>>, vector<1x256xi32>
      tpu.vector_store %arg4[%swap3A_3898, %swap3A_3899], %convert_element_type3A_3897 {strides = array<i32>} : memref<32x1024xi32, #tpu.memory_space<vmem>>, vector<1x256xi32>,
      %mul3A_3901 = arith.constant 7.812500e-03 : f32
      %mul3A_3902 = vector.broadcast %mul3A_3901 : f32 to vector<1x256xf32>
      %mul3A_3903 = arith.mulf %broadcast_in_dim3A_3893, %mul3A_3902 : vector<1x256xf32>
      %floor3A_3904 = math.floor %mul3A_3903 : vector<1x256xf32>
      %eq3A_3905 = vector.broadcast %floor3A_3904 : vector<1x256xf32> to vector<1024x256xf32>
      %eq3A_3906 = arith.cmpf oeq, %convert_element_type3A_3442, %eq3A_3905 : vector<1024x256xf32>
      %jit3A_3907 = arith.constant 0xFF800000 : f32
      %broadcast_in_dim3A_3908 = vector.broadcast %jit3A_3907 : f32 to vector<1024x256xf32>
      %select_n3A_3909 = arith.select %eq3A_3906, %broadcast_in_dim3A_3908, %select_n3A_3882 : vector<1024x256xi1>, vector<1024x256xf32>
      %reduce_max3A_3910 = arith.constant dense<0xFF800000> : vector<256xf32>
      %reduce_max3A_3911 = vector.multi_reduction <maximumf>, %select_n3A_3909, %reduce_max3A_3910 [0] : vector<1024x256xf32> to vector<256xf32>
      %broadcast_in_dim3A_3912 = vector.shape_cast %reduce_max3A_3911 : vector<256xf32> to vector<1x256xf32>
      %eq3A_3913 = vector.broadcast %broadcast_in_dim3A_3912 : vector<1x256xf32> to vector<1024x256xf32>
      %eq3A_3914 = arith.cmpf oeq, %select_n3A_3909, %eq3A_3913 : vector<1024x256xf32>
      %jit3A_3915 = arith.constant 0xFF800000 : f32
      %broadcast_in_dim3A_3916 = vector.broadcast %jit3A_3915 : f32 to vector<1024x256xf32>
      %select_n3A_3917 = arith.select %eq3A_3914, %convert_element_type3A_3450, %broadcast_in_dim3A_3916 : vector<1024x256xi1>, vector<1024x256xf32>
      %reduce_max3A_3918 = arith.constant dense<0xFF800000> : vector<256xf32>
      %reduce_max3A_3919 = vector.multi_reduction <maximumf>, %select_n3A_3917, %reduce_max3A_3918 [0] : vector<1024x256xf32> to vector<256xf32>
      %broadcast_in_dim3A_3920 = vector.shape_cast %reduce_max3A_3919 : vector<256xf32> to vector<1x256xf32>
      %swap3A_3921 = arith.constant 17 : index
      %swap3A_3922 = arith.constant 768 : index
      %swap3A_3923 = vector.load %arg3[%swap3A_3921, %swap3A_3922] : memref<32x1024xf32, #tpu.memory_space<vmem>>, vector<1x256xf32>
      tpu.vector_store %arg3[%swap3A_3921, %swap3A_3922], %broadcast_in_dim3A_3912 {strides = array<i32>} : memref<32x1024xf32, #tpu.memory_space<vmem>>, vector<1x256xf32>,
      %convert_element_type3A_3924 = arith.fptosi %broadcast_in_dim3A_3920 : vector<1x256xf32> to vector<1x256xi32>
      %swap3A_3925 = arith.constant 17 : index
      %swap3A_3926 = arith.constant 768 : index
      %swap3A_3927 = vector.load %arg4[%swap3A_3925, %swap3A_3926] : memref<32x1024xi32, #tpu.memory_space<vmem>>, vector<1x256xi32>
      tpu.vector_store %arg4[%swap3A_3925, %swap3A_3926], %convert_element_type3A_3924 {strides = array<i32>} : memref<32x1024xi32, #tpu.memory_space<vmem>>, vector<1x256xi32>,
      %mul3A_3928 = arith.constant 7.812500e-03 : f32
      %mul3A_3929 = vector.broadcast %mul3A_3928 : f32 to vector<1x256xf32>
      %mul3A_3930 = arith.mulf %broadcast_in_dim3A_3920, %mul3A_3929 : vector<1x256xf32>
      %floor3A_3931 = math.floor %mul3A_3930 : vector<1x256xf32>
      %eq3A_3932 = vector.broadcast %floor3A_3931 : vector<1x256xf32> to vector<1024x256xf32>
      %eq3A_3933 = arith.cmpf oeq, %convert_element_type3A_3442, %eq3A_3932 : vector<1024x256xf32>
      %jit3A_3934 = arith.constant 0xFF800000 : f32
      %broadcast_in_dim3A_3935 = vector.broadcast %jit3A_3934 : f32 to vector<1024x256xf32>
      %select_n3A_3936 = arith.select %eq3A_3933, %broadcast_in_dim3A_3935, %select_n3A_3909 : vector<1024x256xi1>, vector<1024x256xf32>
      %reduce_max3A_3937 = arith.constant dense<0xFF800000> : vector<256xf32>
      %reduce_max3A_3938 = vector.multi_reduction <maximumf>, %select_n3A_3936, %reduce_max3A_3937 [0] : vector<1024x256xf32> to vector<256xf32>
      %broadcast_in_dim3A_3939 = vector.shape_cast %reduce_max3A_3938 : vector<256xf32> to vector<1x256xf32>
      %eq3A_3940 = vector.broadcast %broadcast_in_dim3A_3939 : vector<1x256xf32> to vector<1024x256xf32>
      %eq3A_3941 = arith.cmpf oeq, %select_n3A_3936, %eq3A_3940 : vector<1024x256xf32>
      %jit3A_3942 = arith.constant 0xFF800000 : f32
      %broadcast_in_dim3A_3943 = vector.broadcast %jit3A_3942 : f32 to vector<1024x256xf32>
      %select_n3A_3944 = arith.select %eq3A_3941, %convert_element_type3A_3450, %broadcast_in_dim3A_3943 : vector<1024x256xi1>, vector<1024x256xf32>
      %reduce_max3A_3945 = arith.constant dense<0xFF800000> : vector<256xf32>
      %reduce_max3A_3946 = vector.multi_reduction <maximumf>, %select_n3A_3944, %reduce_max3A_3945 [0] : vector<1024x256xf32> to vector<256xf32>
      %broadcast_in_dim3A_3947 = vector.shape_cast %reduce_max3A_3946 : vector<256xf32> to vector<1x256xf32>
      %swap3A_3948 = arith.constant 18 : index
      %swap3A_3949 = arith.constant 768 : index
      %swap3A_3950 = vector.load %arg3[%swap3A_3948, %swap3A_3949] : memref<32x1024xf32, #tpu.memory_space<vmem>>, vector<1x256xf32>
      tpu.vector_store %arg3[%swap3A_3948, %swap3A_3949], %broadcast_in_dim3A_3939 {strides = array<i32>} : memref<32x1024xf32, #tpu.memory_space<vmem>>, vector<1x256xf32>,
      %convert_element_type3A_3951 = arith.fptosi %broadcast_in_dim3A_3947 : vector<1x256xf32> to vector<1x256xi32>
      %swap3A_3952 = arith.constant 18 : index
      %swap3A_3953 = arith.constant 768 : index
      %swap3A_3954 = vector.load %arg4[%swap3A_3952, %swap3A_3953] : memref<32x1024xi32, #tpu.memory_space<vmem>>, vector<1x256xi32>
      tpu.vector_store %arg4[%swap3A_3952, %swap3A_3953], %convert_element_type3A_3951 {strides = array<i32>} : memref<32x1024xi32, #tpu.memory_space<vmem>>, vector<1x256xi32>,
      %mul3A_3955 = arith.constant 7.812500e-03 : f32
      %mul3A_3956 = vector.broadcast %mul3A_3955 : f32 to vector<1x256xf32>
      %mul3A_3957 = arith.mulf %broadcast_in_dim3A_3947, %mul3A_3956 : vector<1x256xf32>
      %floor3A_3958 = math.floor %mul3A_3957 : vector<1x256xf32>
      %eq3A_3959 = vector.broadcast %floor3A_3958 : vector<1x256xf32> to vector<1024x256xf32>
      %eq3A_3960 = arith.cmpf oeq, %convert_element_type3A_3442, %eq3A_3959 : vector<1024x256xf32>
      %jit3A_3961 = arith.constant 0xFF800000 : f32
      %broadcast_in_dim3A_3962 = vector.broadcast %jit3A_3961 : f32 to vector<1024x256xf32>
      %select_n3A_3963 = arith.select %eq3A_3960, %broadcast_in_dim3A_3962, %select_n3A_3936 : vector<1024x256xi1>, vector<1024x256xf32>
      %reduce_max3A_3964 = arith.constant dense<0xFF800000> : vector<256xf32>
      %reduce_max3A_3965 = vector.multi_reduction <maximumf>, %select_n3A_3963, %reduce_max3A_3964 [0] : vector<1024x256xf32> to vector<256xf32>
      %broadcast_in_dim3A_3966 = vector.shape_cast %reduce_max3A_3965 : vector<256xf32> to vector<1x256xf32>
      %eq3A_3967 = vector.broadcast %broadcast_in_dim3A_3966 : vector<1x256xf32> to vector<1024x256xf32>
      %eq3A_3968 = arith.cmpf oeq, %select_n3A_3963, %eq3A_3967 : vector<1024x256xf32>
      %jit3A_3969 = arith.constant 0xFF800000 : f32
      %broadcast_in_dim3A_3970 = vector.broadcast %jit3A_3969 : f32 to vector<1024x256xf32>
      %select_n3A_3971 = arith.select %eq3A_3968, %convert_element_type3A_3450, %broadcast_in_dim3A_3970 : vector<1024x256xi1>, vector<1024x256xf32>
      %reduce_max3A_3972 = arith.constant dense<0xFF800000> : vector<256xf32>
      %reduce_max3A_3973 = vector.multi_reduction <maximumf>, %select_n3A_3971, %reduce_max3A_3972 [0] : vector<1024x256xf32> to vector<256xf32>
      %broadcast_in_dim3A_3974 = vector.shape_cast %reduce_max3A_3973 : vector<256xf32> to vector<1x256xf32>
      %swap3A_3975 = arith.constant 19 : index
      %swap3A_3976 = arith.constant 768 : index
      %swap3A_3977 = vector.load %arg3[%swap3A_3975, %swap3A_3976] : memref<32x1024xf32, #tpu.memory_space<vmem>>, vector<1x256xf32>
      tpu.vector_store %arg3[%swap3A_3975, %swap3A_3976], %broadcast_in_dim3A_3966 {strides = array<i32>} : memref<32x1024xf32, #tpu.memory_space<vmem>>, vector<1x256xf32>,
      %convert_element_type3A_3978 = arith.fptosi %broadcast_in_dim3A_3974 : vector<1x256xf32> to vector<1x256xi32>
      %swap3A_3979 = arith.constant 19 : index
      %swap3A_3980 = arith.constant 768 : index
      %swap3A_3981 = vector.load %arg4[%swap3A_3979, %swap3A_3980] : memref<32x1024xi32, #tpu.memory_space<vmem>>, vector<1x256xi32>
      tpu.vector_store %arg4[%swap3A_3979, %swap3A_3980], %convert_element_type3A_3978 {strides = array<i32>} : memref<32x1024xi32, #tpu.memory_space<vmem>>, vector<1x256xi32>,
      %mul3A_3982 = arith.constant 7.812500e-03 : f32
      %mul3A_3983 = vector.broadcast %mul3A_3982 : f32 to vector<1x256xf32>
      %mul3A_3984 = arith.mulf %broadcast_in_dim3A_3974, %mul3A_3983 : vector<1x256xf32>
      %floor3A_3985 = math.floor %mul3A_3984 : vector<1x256xf32>
      %eq3A_3986 = vector.broadcast %floor3A_3985 : vector<1x256xf32> to vector<1024x256xf32>
      %eq3A_3987 = arith.cmpf oeq, %convert_element_type3A_3442, %eq3A_3986 : vector<1024x256xf32>
      %jit3A_3988 = arith.constant 0xFF800000 : f32
      %broadcast_in_dim3A_3989 = vector.broadcast %jit3A_3988 : f32 to vector<1024x256xf32>
      %select_n3A_3990 = arith.select %eq3A_3987, %broadcast_in_dim3A_3989, %select_n3A_3963 : vector<1024x256xi1>, vector<1024x256xf32>
      %reduce_max3A_3991 = arith.constant dense<0xFF800000> : vector<256xf32>
      %reduce_max3A_3992 = vector.multi_reduction <maximumf>, %select_n3A_3990, %reduce_max3A_3991 [0] : vector<1024x256xf32> to vector<256xf32>
      %broadcast_in_dim3A_3993 = vector.shape_cast %reduce_max3A_3992 : vector<256xf32> to vector<1x256xf32>
      %eq3A_3994 = vector.broadcast %broadcast_in_dim3A_3993 : vector<1x256xf32> to vector<1024x256xf32>
      %eq3A_3995 = arith.cmpf oeq, %select_n3A_3990, %eq3A_3994 : vector<1024x256xf32>
      %jit3A_3996 = arith.constant 0xFF800000 : f32
      %broadcast_in_dim3A_3997 = vector.broadcast %jit3A_3996 : f32 to vector<1024x256xf32>
      %select_n3A_3998 = arith.select %eq3A_3995, %convert_element_type3A_3450, %broadcast_in_dim3A_3997 : vector<1024x256xi1>, vector<1024x256xf32>
      %reduce_max3A_3999 = arith.constant dense<0xFF800000> : vector<256xf32>
      %reduce_max3A_4000 = vector.multi_reduction <maximumf>, %select_n3A_3998, %reduce_max3A_3999 [0] : vector<1024x256xf32> to vector<256xf32>
      %broadcast_in_dim3A_4001 = vector.shape_cast %reduce_max3A_4000 : vector<256xf32> to vector<1x256xf32>
      %swap3A_4002 = arith.constant 20 : index
      %swap3A_4003 = arith.constant 768 : index
      %swap3A_4004 = vector.load %arg3[%swap3A_4002, %swap3A_4003] : memref<32x1024xf32, #tpu.memory_space<vmem>>, vector<1x256xf32>
      tpu.vector_store %arg3[%swap3A_4002, %swap3A_4003], %broadcast_in_dim3A_3993 {strides = array<i32>} : memref<32x1024xf32, #tpu.memory_space<vmem>>, vector<1x256xf32>,
      %convert_element_type3A_4005 = arith.fptosi %broadcast_in_dim3A_4001 : vector<1x256xf32> to vector<1x256xi32>
      %swap3A_4006 = arith.constant 20 : index
      %swap3A_4007 = arith.constant 768 : index
      %swap3A_4008 = vector.load %arg4[%swap3A_4006, %swap3A_4007] : memref<32x1024xi32, #tpu.memory_space<vmem>>, vector<1x256xi32>
      tpu.vector_store %arg4[%swap3A_4006, %swap3A_4007], %convert_element_type3A_4005 {strides = array<i32>} : memref<32x1024xi32, #tpu.memory_space<vmem>>, vector<1x256xi32>,
      %mul3A_4009 = arith.constant 7.812500e-03 : f32
      %mul3A_4010 = vector.broadcast %mul3A_4009 : f32 to vector<1x256xf32>
      %mul3A_4011 = arith.mulf %broadcast_in_dim3A_4001, %mul3A_4010 : vector<1x256xf32>
      %floor3A_4012 = math.floor %mul3A_4011 : vector<1x256xf32>
      %eq3A_4013 = vector.broadcast %floor3A_4012 : vector<1x256xf32> to vector<1024x256xf32>
      %eq3A_4014 = arith.cmpf oeq, %convert_element_type3A_3442, %eq3A_4013 : vector<1024x256xf32>
      %jit3A_4015 = arith.constant 0xFF800000 : f32
      %broadcast_in_dim3A_4016 = vector.broadcast %jit3A_4015 : f32 to vector<1024x256xf32>
      %select_n3A_4017 = arith.select %eq3A_4014, %broadcast_in_dim3A_4016, %select_n3A_3990 : vector<1024x256xi1>, vector<1024x256xf32>
      %reduce_max3A_4018 = arith.constant dense<0xFF800000> : vector<256xf32>
      %reduce_max3A_4019 = vector.multi_reduction <maximumf>, %select_n3A_4017, %reduce_max3A_4018 [0] : vector<1024x256xf32> to vector<256xf32>
      %broadcast_in_dim3A_4020 = vector.shape_cast %reduce_max3A_4019 : vector<256xf32> to vector<1x256xf32>
      %eq3A_4021 = vector.broadcast %broadcast_in_dim3A_4020 : vector<1x256xf32> to vector<1024x256xf32>
      %eq3A_4022 = arith.cmpf oeq, %select_n3A_4017, %eq3A_4021 : vector<1024x256xf32>
      %jit3A_4023 = arith.constant 0xFF800000 : f32
      %broadcast_in_dim3A_4024 = vector.broadcast %jit3A_4023 : f32 to vector<1024x256xf32>
      %select_n3A_4025 = arith.select %eq3A_4022, %convert_element_type3A_3450, %broadcast_in_dim3A_4024 : vector<1024x256xi1>, vector<1024x256xf32>
      %reduce_max3A_4026 = arith.constant dense<0xFF800000> : vector<256xf32>
      %reduce_max3A_4027 = vector.multi_reduction <maximumf>, %select_n3A_4025, %reduce_max3A_4026 [0] : vector<1024x256xf32> to vector<256xf32>
      %broadcast_in_dim3A_4028 = vector.shape_cast %reduce_max3A_4027 : vector<256xf32> to vector<1x256xf32>
      %swap3A_4029 = arith.constant 21 : index
      %swap3A_4030 = arith.constant 768 : index
      %swap3A_4031 = vector.load %arg3[%swap3A_4029, %swap3A_4030] : memref<32x1024xf32, #tpu.memory_space<vmem>>, vector<1x256xf32>
      tpu.vector_store %arg3[%swap3A_4029, %swap3A_4030], %broadcast_in_dim3A_4020 {strides = array<i32>} : memref<32x1024xf32, #tpu.memory_space<vmem>>, vector<1x256xf32>,
      %convert_element_type3A_4032 = arith.fptosi %broadcast_in_dim3A_4028 : vector<1x256xf32> to vector<1x256xi32>
      %swap3A_4033 = arith.constant 21 : index
      %swap3A_4034 = arith.constant 768 : index
      %swap3A_4035 = vector.load %arg4[%swap3A_4033, %swap3A_4034] : memref<32x1024xi32, #tpu.memory_space<vmem>>, vector<1x256xi32>
      tpu.vector_store %arg4[%swap3A_4033, %swap3A_4034], %convert_element_type3A_4032 {strides = array<i32>} : memref<32x1024xi32, #tpu.memory_space<vmem>>, vector<1x256xi32>,
      %mul3A_4036 = arith.constant 7.812500e-03 : f32
      %mul3A_4037 = vector.broadcast %mul3A_4036 : f32 to vector<1x256xf32>
      %mul3A_4038 = arith.mulf %broadcast_in_dim3A_4028, %mul3A_4037 : vector<1x256xf32>
      %floor3A_4039 = math.floor %mul3A_4038 : vector<1x256xf32>
      %eq3A_4040 = vector.broadcast %floor3A_4039 : vector<1x256xf32> to vector<1024x256xf32>
      %eq3A_4041 = arith.cmpf oeq, %convert_element_type3A_3442, %eq3A_4040 : vector<1024x256xf32>
      %jit3A_4042 = arith.constant 0xFF800000 : f32
      %broadcast_in_dim3A_4043 = vector.broadcast %jit3A_4042 : f32 to vector<1024x256xf32>
      %select_n3A_4044 = arith.select %eq3A_4041, %broadcast_in_dim3A_4043, %select_n3A_4017 : vector<1024x256xi1>, vector<1024x256xf32>
      %reduce_max3A_4045 = arith.constant dense<0xFF800000> : vector<256xf32>
      %reduce_max3A_4046 = vector.multi_reduction <maximumf>, %select_n3A_4044, %reduce_max3A_4045 [0] : vector<1024x256xf32> to vector<256xf32>
      %broadcast_in_dim3A_4047 = vector.shape_cast %reduce_max3A_4046 : vector<256xf32> to vector<1x256xf32>
      %eq3A_4048 = vector.broadcast %broadcast_in_dim3A_4047 : vector<1x256xf32> to vector<1024x256xf32>
      %eq3A_4049 = arith.cmpf oeq, %select_n3A_4044, %eq3A_4048 : vector<1024x256xf32>
      %jit3A_4050 = arith.constant 0xFF800000 : f32
      %broadcast_in_dim3A_4051 = vector.broadcast %jit3A_4050 : f32 to vector<1024x256xf32>
      %select_n3A_4052 = arith.select %eq3A_4049, %convert_element_type3A_3450, %broadcast_in_dim3A_4051 : vector<1024x256xi1>, vector<1024x256xf32>
      %reduce_max3A_4053 = arith.constant dense<0xFF800000> : vector<256xf32>
      %reduce_max3A_4054 = vector.multi_reduction <maximumf>, %select_n3A_4052, %reduce_max3A_4053 [0] : vector<1024x256xf32> to vector<256xf32>
      %broadcast_in_dim3A_4055 = vector.shape_cast %reduce_max3A_4054 : vector<256xf32> to vector<1x256xf32>
      %swap3A_4056 = arith.constant 22 : index
      %swap3A_4057 = arith.constant 768 : index
      %swap3A_4058 = vector.load %arg3[%swap3A_4056, %swap3A_4057] : memref<32x1024xf32, #tpu.memory_space<vmem>>, vector<1x256xf32>
      tpu.vector_store %arg3[%swap3A_4056, %swap3A_4057], %broadcast_in_dim3A_4047 {strides = array<i32>} : memref<32x1024xf32, #tpu.memory_space<vmem>>, vector<1x256xf32>,
      %convert_element_type3A_4059 = arith.fptosi %broadcast_in_dim3A_4055 : vector<1x256xf32> to vector<1x256xi32>
      %swap3A_4060 = arith.constant 22 : index
      %swap3A_4061 = arith.constant 768 : index
      %swap3A_4062 = vector.load %arg4[%swap3A_4060, %swap3A_4061] : memref<32x1024xi32, #tpu.memory_space<vmem>>, vector<1x256xi32>
      tpu.vector_store %arg4[%swap3A_4060, %swap3A_4061], %convert_element_type3A_4059 {strides = array<i32>} : memref<32x1024xi32, #tpu.memory_space<vmem>>, vector<1x256xi32>,
      %mul3A_4063 = arith.constant 7.812500e-03 : f32
      %mul3A_4064 = vector.broadcast %mul3A_4063 : f32 to vector<1x256xf32>
      %mul3A_4065 = arith.mulf %broadcast_in_dim3A_4055, %mul3A_4064 : vector<1x256xf32>
      %floor3A_4066 = math.floor %mul3A_4065 : vector<1x256xf32>
      %eq3A_4067 = vector.broadcast %floor3A_4066 : vector<1x256xf32> to vector<1024x256xf32>
      %eq3A_4068 = arith.cmpf oeq, %convert_element_type3A_3442, %eq3A_4067 : vector<1024x256xf32>
      %jit3A_4069 = arith.constant 0xFF800000 : f32
      %broadcast_in_dim3A_4070 = vector.broadcast %jit3A_4069 : f32 to vector<1024x256xf32>
      %select_n3A_4071 = arith.select %eq3A_4068, %broadcast_in_dim3A_4070, %select_n3A_4044 : vector<1024x256xi1>, vector<1024x256xf32>
      %reduce_max3A_4072 = arith.constant dense<0xFF800000> : vector<256xf32>
      %reduce_max3A_4073 = vector.multi_reduction <maximumf>, %select_n3A_4071, %reduce_max3A_4072 [0] : vector<1024x256xf32> to vector<256xf32>
      %broadcast_in_dim3A_4074 = vector.shape_cast %reduce_max3A_4073 : vector<256xf32> to vector<1x256xf32>
      %eq3A_4075 = vector.broadcast %broadcast_in_dim3A_4074 : vector<1x256xf32> to vector<1024x256xf32>
      %eq3A_4076 = arith.cmpf oeq, %select_n3A_4071, %eq3A_4075 : vector<1024x256xf32>
      %jit3A_4077 = arith.constant 0xFF800000 : f32
      %broadcast_in_dim3A_4078 = vector.broadcast %jit3A_4077 : f32 to vector<1024x256xf32>
      %select_n3A_4079 = arith.select %eq3A_4076, %convert_element_type3A_3450, %broadcast_in_dim3A_4078 : vector<1024x256xi1>, vector<1024x256xf32>
      %reduce_max3A_4080 = arith.constant dense<0xFF800000> : vector<256xf32>
      %reduce_max3A_4081 = vector.multi_reduction <maximumf>, %select_n3A_4079, %reduce_max3A_4080 [0] : vector<1024x256xf32> to vector<256xf32>
      %broadcast_in_dim3A_4082 = vector.shape_cast %reduce_max3A_4081 : vector<256xf32> to vector<1x256xf32>
      %swap3A_4083 = arith.constant 23 : index
      %swap3A_4084 = arith.constant 768 : index
      %swap3A_4085 = vector.load %arg3[%swap3A_4083, %swap3A_4084] : memref<32x1024xf32, #tpu.memory_space<vmem>>, vector<1x256xf32>
      tpu.vector_store %arg3[%swap3A_4083, %swap3A_4084], %broadcast_in_dim3A_4074 {strides = array<i32>} : memref<32x1024xf32, #tpu.memory_space<vmem>>, vector<1x256xf32>,
      %convert_element_type3A_4086 = arith.fptosi %broadcast_in_dim3A_4082 : vector<1x256xf32> to vector<1x256xi32>
      %swap3A_4087 = arith.constant 23 : index
      %swap3A_4088 = arith.constant 768 : index
      %swap3A_4089 = vector.load %arg4[%swap3A_4087, %swap3A_4088] : memref<32x1024xi32, #tpu.memory_space<vmem>>, vector<1x256xi32>
      tpu.vector_store %arg4[%swap3A_4087, %swap3A_4088], %convert_element_type3A_4086 {strides = array<i32>} : memref<32x1024xi32, #tpu.memory_space<vmem>>, vector<1x256xi32>,
      %mul3A_4090 = arith.constant 7.812500e-03 : f32
      %mul3A_4091 = vector.broadcast %mul3A_4090 : f32 to vector<1x256xf32>
      %mul3A_4092 = arith.mulf %broadcast_in_dim3A_4082, %mul3A_4091 : vector<1x256xf32>
      %floor3A_4093 = math.floor %mul3A_4092 : vector<1x256xf32>
      %eq3A_4094 = vector.broadcast %floor3A_4093 : vector<1x256xf32> to vector<1024x256xf32>
      %eq3A_4095 = arith.cmpf oeq, %convert_element_type3A_3442, %eq3A_4094 : vector<1024x256xf32>
      %jit3A_4096 = arith.constant 0xFF800000 : f32
      %broadcast_in_dim3A_4097 = vector.broadcast %jit3A_4096 : f32 to vector<1024x256xf32>
      %select_n3A_4098 = arith.select %eq3A_4095, %broadcast_in_dim3A_4097, %select_n3A_4071 : vector<1024x256xi1>, vector<1024x256xf32>
      %reduce_max3A_4099 = arith.constant dense<0xFF800000> : vector<256xf32>
      %reduce_max3A_4100 = vector.multi_reduction <maximumf>, %select_n3A_4098, %reduce_max3A_4099 [0] : vector<1024x256xf32> to vector<256xf32>
      %broadcast_in_dim3A_4101 = vector.shape_cast %reduce_max3A_4100 : vector<256xf32> to vector<1x256xf32>
      %eq3A_4102 = vector.broadcast %broadcast_in_dim3A_4101 : vector<1x256xf32> to vector<1024x256xf32>
      %eq3A_4103 = arith.cmpf oeq, %select_n3A_4098, %eq3A_4102 : vector<1024x256xf32>
      %jit3A_4104 = arith.constant 0xFF800000 : f32
      %broadcast_in_dim3A_4105 = vector.broadcast %jit3A_4104 : f32 to vector<1024x256xf32>
      %select_n3A_4106 = arith.select %eq3A_4103, %convert_element_type3A_3450, %broadcast_in_dim3A_4105 : vector<1024x256xi1>, vector<1024x256xf32>
      %reduce_max3A_4107 = arith.constant dense<0xFF800000> : vector<256xf32>
      %reduce_max3A_4108 = vector.multi_reduction <maximumf>, %select_n3A_4106, %reduce_max3A_4107 [0] : vector<1024x256xf32> to vector<256xf32>
      %broadcast_in_dim3A_4109 = vector.shape_cast %reduce_max3A_4108 : vector<256xf32> to vector<1x256xf32>
      %swap3A_4110 = arith.constant 24 : index
      %swap3A_4111 = arith.constant 768 : index
      %swap3A_4112 = vector.load %arg3[%swap3A_4110, %swap3A_4111] : memref<32x1024xf32, #tpu.memory_space<vmem>>, vector<1x256xf32>
      tpu.vector_store %arg3[%swap3A_4110, %swap3A_4111], %broadcast_in_dim3A_4101 {strides = array<i32>} : memref<32x1024xf32, #tpu.memory_space<vmem>>, vector<1x256xf32>,
      %convert_element_type3A_4113 = arith.fptosi %broadcast_in_dim3A_4109 : vector<1x256xf32> to vector<1x256xi32>
      %swap3A_4114 = arith.constant 24 : index
      %swap3A_4115 = arith.constant 768 : index
      %swap3A_4116 = vector.load %arg4[%swap3A_4114, %swap3A_4115] : memref<32x1024xi32, #tpu.memory_space<vmem>>, vector<1x256xi32>
      tpu.vector_store %arg4[%swap3A_4114, %swap3A_4115], %convert_element_type3A_4113 {strides = array<i32>} : memref<32x1024xi32, #tpu.memory_space<vmem>>, vector<1x256xi32>,
      %mul3A_4117 = arith.constant 7.812500e-03 : f32
      %mul3A_4118 = vector.broadcast %mul3A_4117 : f32 to vector<1x256xf32>
      %mul3A_4119 = arith.mulf %broadcast_in_dim3A_4109, %mul3A_4118 : vector<1x256xf32>
      %floor3A_4120 = math.floor %mul3A_4119 : vector<1x256xf32>
      %eq3A_4121 = vector.broadcast %floor3A_4120 : vector<1x256xf32> to vector<1024x256xf32>
      %eq3A_4122 = arith.cmpf oeq, %convert_element_type3A_3442, %eq3A_4121 : vector<1024x256xf32>
      %jit3A_4123 = arith.constant 0xFF800000 : f32
      %broadcast_in_dim3A_4124 = vector.broadcast %jit3A_4123 : f32 to vector<1024x256xf32>
      %select_n3A_4125 = arith.select %eq3A_4122, %broadcast_in_dim3A_4124, %select_n3A_4098 : vector<1024x256xi1>, vector<1024x256xf32>
      %reduce_max3A_4126 = arith.constant dense<0xFF800000> : vector<256xf32>
      %reduce_max3A_4127 = vector.multi_reduction <maximumf>, %select_n3A_4125, %reduce_max3A_4126 [0] : vector<1024x256xf32> to vector<256xf32>
      %broadcast_in_dim3A_4128 = vector.shape_cast %reduce_max3A_4127 : vector<256xf32> to vector<1x256xf32>
      %eq3A_4129 = vector.broadcast %broadcast_in_dim3A_4128 : vector<1x256xf32> to vector<1024x256xf32>
      %eq3A_4130 = arith.cmpf oeq, %select_n3A_4125, %eq3A_4129 : vector<1024x256xf32>
      %jit3A_4131 = arith.constant 0xFF800000 : f32
      %broadcast_in_dim3A_4132 = vector.broadcast %jit3A_4131 : f32 to vector<1024x256xf32>
      %select_n3A_4133 = arith.select %eq3A_4130, %convert_element_type3A_3450, %broadcast_in_dim3A_4132 : vector<1024x256xi1>, vector<1024x256xf32>
      %reduce_max3A_4134 = arith.constant dense<0xFF800000> : vector<256xf32>
      %reduce_max3A_4135 = vector.multi_reduction <maximumf>, %select_n3A_4133, %reduce_max3A_4134 [0] : vector<1024x256xf32> to vector<256xf32>
      %broadcast_in_dim3A_4136 = vector.shape_cast %reduce_max3A_4135 : vector<256xf32> to vector<1x256xf32>
      %swap3A_4137 = arith.constant 25 : index
      %swap3A_4138 = arith.constant 768 : index
      %swap3A_4139 = vector.load %arg3[%swap3A_4137, %swap3A_4138] : memref<32x1024xf32, #tpu.memory_space<vmem>>, vector<1x256xf32>
      tpu.vector_store %arg3[%swap3A_4137, %swap3A_4138], %broadcast_in_dim3A_4128 {strides = array<i32>} : memref<32x1024xf32, #tpu.memory_space<vmem>>, vector<1x256xf32>,
      %convert_element_type3A_4140 = arith.fptosi %broadcast_in_dim3A_4136 : vector<1x256xf32> to vector<1x256xi32>
      %swap3A_4141 = arith.constant 25 : index
      %swap3A_4142 = arith.constant 768 : index
      %swap3A_4143 = vector.load %arg4[%swap3A_4141, %swap3A_4142] : memref<32x1024xi32, #tpu.memory_space<vmem>>, vector<1x256xi32>
      tpu.vector_store %arg4[%swap3A_4141, %swap3A_4142], %convert_element_type3A_4140 {strides = array<i32>} : memref<32x1024xi32, #tpu.memory_space<vmem>>, vector<1x256xi32>,
      %mul3A_4144 = arith.constant 7.812500e-03 : f32
      %mul3A_4145 = vector.broadcast %mul3A_4144 : f32 to vector<1x256xf32>
      %mul3A_4146 = arith.mulf %broadcast_in_dim3A_4136, %mul3A_4145 : vector<1x256xf32>
      %floor3A_4147 = math.floor %mul3A_4146 : vector<1x256xf32>
      %eq3A_4148 = vector.broadcast %floor3A_4147 : vector<1x256xf32> to vector<1024x256xf32>
      %eq3A_4149 = arith.cmpf oeq, %convert_element_type3A_3442, %eq3A_4148 : vector<1024x256xf32>
      %jit3A_4150 = arith.constant 0xFF800000 : f32
      %broadcast_in_dim3A_4151 = vector.broadcast %jit3A_4150 : f32 to vector<1024x256xf32>
      %select_n3A_4152 = arith.select %eq3A_4149, %broadcast_in_dim3A_4151, %select_n3A_4125 : vector<1024x256xi1>, vector<1024x256xf32>
      %reduce_max3A_4153 = arith.constant dense<0xFF800000> : vector<256xf32>
      %reduce_max3A_4154 = vector.multi_reduction <maximumf>, %select_n3A_4152, %reduce_max3A_4153 [0] : vector<1024x256xf32> to vector<256xf32>
      %broadcast_in_dim3A_4155 = vector.shape_cast %reduce_max3A_4154 : vector<256xf32> to vector<1x256xf32>
      %eq3A_4156 = vector.broadcast %broadcast_in_dim3A_4155 : vector<1x256xf32> to vector<1024x256xf32>
      %eq3A_4157 = arith.cmpf oeq, %select_n3A_4152, %eq3A_4156 : vector<1024x256xf32>
      %jit3A_4158 = arith.constant 0xFF800000 : f32
      %broadcast_in_dim3A_4159 = vector.broadcast %jit3A_4158 : f32 to vector<1024x256xf32>
      %select_n3A_4160 = arith.select %eq3A_4157, %convert_element_type3A_3450, %broadcast_in_dim3A_4159 : vector<1024x256xi1>, vector<1024x256xf32>
      %reduce_max3A_4161 = arith.constant dense<0xFF800000> : vector<256xf32>
      %reduce_max3A_4162 = vector.multi_reduction <maximumf>, %select_n3A_4160, %reduce_max3A_4161 [0] : vector<1024x256xf32> to vector<256xf32>
      %broadcast_in_dim3A_4163 = vector.shape_cast %reduce_max3A_4162 : vector<256xf32> to vector<1x256xf32>
      %swap3A_4164 = arith.constant 26 : index
      %swap3A_4165 = arith.constant 768 : index
      %swap3A_4166 = vector.load %arg3[%swap3A_4164, %swap3A_4165] : memref<32x1024xf32, #tpu.memory_space<vmem>>, vector<1x256xf32>
      tpu.vector_store %arg3[%swap3A_4164, %swap3A_4165], %broadcast_in_dim3A_4155 {strides = array<i32>} : memref<32x1024xf32, #tpu.memory_space<vmem>>, vector<1x256xf32>,
      %convert_element_type3A_4167 = arith.fptosi %broadcast_in_dim3A_4163 : vector<1x256xf32> to vector<1x256xi32>
      %swap3A_4168 = arith.constant 26 : index
      %swap3A_4169 = arith.constant 768 : index
      %swap3A_4170 = vector.load %arg4[%swap3A_4168, %swap3A_4169] : memref<32x1024xi32, #tpu.memory_space<vmem>>, vector<1x256xi32>
      tpu.vector_store %arg4[%swap3A_4168, %swap3A_4169], %convert_element_type3A_4167 {strides = array<i32>} : memref<32x1024xi32, #tpu.memory_space<vmem>>, vector<1x256xi32>,
      %mul3A_4171 = arith.constant 7.812500e-03 : f32
      %mul3A_4172 = vector.broadcast %mul3A_4171 : f32 to vector<1x256xf32>
      %mul3A_4173 = arith.mulf %broadcast_in_dim3A_4163, %mul3A_4172 : vector<1x256xf32>
      %floor3A_4174 = math.floor %mul3A_4173 : vector<1x256xf32>
      %eq3A_4175 = vector.broadcast %floor3A_4174 : vector<1x256xf32> to vector<1024x256xf32>
      %eq3A_4176 = arith.cmpf oeq, %convert_element_type3A_3442, %eq3A_4175 : vector<1024x256xf32>
      %jit3A_4177 = arith.constant 0xFF800000 : f32
      %broadcast_in_dim3A_4178 = vector.broadcast %jit3A_4177 : f32 to vector<1024x256xf32>
      %select_n3A_4179 = arith.select %eq3A_4176, %broadcast_in_dim3A_4178, %select_n3A_4152 : vector<1024x256xi1>, vector<1024x256xf32>
      %reduce_max3A_4180 = arith.constant dense<0xFF800000> : vector<256xf32>
      %reduce_max3A_4181 = vector.multi_reduction <maximumf>, %select_n3A_4179, %reduce_max3A_4180 [0] : vector<1024x256xf32> to vector<256xf32>
      %broadcast_in_dim3A_4182 = vector.shape_cast %reduce_max3A_4181 : vector<256xf32> to vector<1x256xf32>
      %eq3A_4183 = vector.broadcast %broadcast_in_dim3A_4182 : vector<1x256xf32> to vector<1024x256xf32>
      %eq3A_4184 = arith.cmpf oeq, %select_n3A_4179, %eq3A_4183 : vector<1024x256xf32>
      %jit3A_4185 = arith.constant 0xFF800000 : f32
      %broadcast_in_dim3A_4186 = vector.broadcast %jit3A_4185 : f32 to vector<1024x256xf32>
      %select_n3A_4187 = arith.select %eq3A_4184, %convert_element_type3A_3450, %broadcast_in_dim3A_4186 : vector<1024x256xi1>, vector<1024x256xf32>
      %reduce_max3A_4188 = arith.constant dense<0xFF800000> : vector<256xf32>
      %reduce_max3A_4189 = vector.multi_reduction <maximumf>, %select_n3A_4187, %reduce_max3A_4188 [0] : vector<1024x256xf32> to vector<256xf32>
      %broadcast_in_dim3A_4190 = vector.shape_cast %reduce_max3A_4189 : vector<256xf32> to vector<1x256xf32>
      %swap3A_4191 = arith.constant 27 : index
      %swap3A_4192 = arith.constant 768 : index
      %swap3A_4193 = vector.load %arg3[%swap3A_4191, %swap3A_4192] : memref<32x1024xf32, #tpu.memory_space<vmem>>, vector<1x256xf32>
      tpu.vector_store %arg3[%swap3A_4191, %swap3A_4192], %broadcast_in_dim3A_4182 {strides = array<i32>} : memref<32x1024xf32, #tpu.memory_space<vmem>>, vector<1x256xf32>,
      %convert_element_type3A_4194 = arith.fptosi %broadcast_in_dim3A_4190 : vector<1x256xf32> to vector<1x256xi32>
      %swap3A_4195 = arith.constant 27 : index
      %swap3A_4196 = arith.constant 768 : index
      %swap3A_4197 = vector.load %arg4[%swap3A_4195, %swap3A_4196] : memref<32x1024xi32, #tpu.memory_space<vmem>>, vector<1x256xi32>
      tpu.vector_store %arg4[%swap3A_4195, %swap3A_4196], %convert_element_type3A_4194 {strides = array<i32>} : memref<32x1024xi32, #tpu.memory_space<vmem>>, vector<1x256xi32>,
      %mul3A_4198 = arith.constant 7.812500e-03 : f32
      %mul3A_4199 = vector.broadcast %mul3A_4198 : f32 to vector<1x256xf32>
      %mul3A_4200 = arith.mulf %broadcast_in_dim3A_4190, %mul3A_4199 : vector<1x256xf32>
      %floor3A_4201 = math.floor %mul3A_4200 : vector<1x256xf32>
      %eq3A_4202 = vector.broadcast %floor3A_4201 : vector<1x256xf32> to vector<1024x256xf32>
      %eq3A_4203 = arith.cmpf oeq, %convert_element_type3A_3442, %eq3A_4202 : vector<1024x256xf32>
      %jit3A_4204 = arith.constant 0xFF800000 : f32
      %broadcast_in_dim3A_4205 = vector.broadcast %jit3A_4204 : f32 to vector<1024x256xf32>
      %select_n3A_4206 = arith.select %eq3A_4203, %broadcast_in_dim3A_4205, %select_n3A_4179 : vector<1024x256xi1>, vector<1024x256xf32>
      %reduce_max3A_4207 = arith.constant dense<0xFF800000> : vector<256xf32>
      %reduce_max3A_4208 = vector.multi_reduction <maximumf>, %select_n3A_4206, %reduce_max3A_4207 [0] : vector<1024x256xf32> to vector<256xf32>
      %broadcast_in_dim3A_4209 = vector.shape_cast %reduce_max3A_4208 : vector<256xf32> to vector<1x256xf32>
      %eq3A_4210 = vector.broadcast %broadcast_in_dim3A_4209 : vector<1x256xf32> to vector<1024x256xf32>
      %eq3A_4211 = arith.cmpf oeq, %select_n3A_4206, %eq3A_4210 : vector<1024x256xf32>
      %jit3A_4212 = arith.constant 0xFF800000 : f32
      %broadcast_in_dim3A_4213 = vector.broadcast %jit3A_4212 : f32 to vector<1024x256xf32>
      %select_n3A_4214 = arith.select %eq3A_4211, %convert_element_type3A_3450, %broadcast_in_dim3A_4213 : vector<1024x256xi1>, vector<1024x256xf32>
      %reduce_max3A_4215 = arith.constant dense<0xFF800000> : vector<256xf32>
      %reduce_max3A_4216 = vector.multi_reduction <maximumf>, %select_n3A_4214, %reduce_max3A_4215 [0] : vector<1024x256xf32> to vector<256xf32>
      %broadcast_in_dim3A_4217 = vector.shape_cast %reduce_max3A_4216 : vector<256xf32> to vector<1x256xf32>
      %swap3A_4218 = arith.constant 28 : index
      %swap3A_4219 = arith.constant 768 : index
      %swap3A_4220 = vector.load %arg3[%swap3A_4218, %swap3A_4219] : memref<32x1024xf32, #tpu.memory_space<vmem>>, vector<1x256xf32>
      tpu.vector_store %arg3[%swap3A_4218, %swap3A_4219], %broadcast_in_dim3A_4209 {strides = array<i32>} : memref<32x1024xf32, #tpu.memory_space<vmem>>, vector<1x256xf32>,
      %convert_element_type3A_4221 = arith.fptosi %broadcast_in_dim3A_4217 : vector<1x256xf32> to vector<1x256xi32>
      %swap3A_4222 = arith.constant 28 : index
      %swap3A_4223 = arith.constant 768 : index
      %swap3A_4224 = vector.load %arg4[%swap3A_4222, %swap3A_4223] : memref<32x1024xi32, #tpu.memory_space<vmem>>, vector<1x256xi32>
      tpu.vector_store %arg4[%swap3A_4222, %swap3A_4223], %convert_element_type3A_4221 {strides = array<i32>} : memref<32x1024xi32, #tpu.memory_space<vmem>>, vector<1x256xi32>,
      %mul3A_4225 = arith.constant 7.812500e-03 : f32
      %mul3A_4226 = vector.broadcast %mul3A_4225 : f32 to vector<1x256xf32>
      %mul3A_4227 = arith.mulf %broadcast_in_dim3A_4217, %mul3A_4226 : vector<1x256xf32>
      %floor3A_4228 = math.floor %mul3A_4227 : vector<1x256xf32>
      %eq3A_4229 = vector.broadcast %floor3A_4228 : vector<1x256xf32> to vector<1024x256xf32>
      %eq3A_4230 = arith.cmpf oeq, %convert_element_type3A_3442, %eq3A_4229 : vector<1024x256xf32>
      %jit3A_4231 = arith.constant 0xFF800000 : f32
      %broadcast_in_dim3A_4232 = vector.broadcast %jit3A_4231 : f32 to vector<1024x256xf32>
      %select_n3A_4233 = arith.select %eq3A_4230, %broadcast_in_dim3A_4232, %select_n3A_4206 : vector<1024x256xi1>, vector<1024x256xf32>
      %reduce_max3A_4234 = arith.constant dense<0xFF800000> : vector<256xf32>
      %reduce_max3A_4235 = vector.multi_reduction <maximumf>, %select_n3A_4233, %reduce_max3A_4234 [0] : vector<1024x256xf32> to vector<256xf32>
      %broadcast_in_dim3A_4236 = vector.shape_cast %reduce_max3A_4235 : vector<256xf32> to vector<1x256xf32>
      %eq3A_4237 = vector.broadcast %broadcast_in_dim3A_4236 : vector<1x256xf32> to vector<1024x256xf32>
      %eq3A_4238 = arith.cmpf oeq, %select_n3A_4233, %eq3A_4237 : vector<1024x256xf32>
      %jit3A_4239 = arith.constant 0xFF800000 : f32
      %broadcast_in_dim3A_4240 = vector.broadcast %jit3A_4239 : f32 to vector<1024x256xf32>
      %select_n3A_4241 = arith.select %eq3A_4238, %convert_element_type3A_3450, %broadcast_in_dim3A_4240 : vector<1024x256xi1>, vector<1024x256xf32>
      %reduce_max3A_4242 = arith.constant dense<0xFF800000> : vector<256xf32>
      %reduce_max3A_4243 = vector.multi_reduction <maximumf>, %select_n3A_4241, %reduce_max3A_4242 [0] : vector<1024x256xf32> to vector<256xf32>
      %broadcast_in_dim3A_4244 = vector.shape_cast %reduce_max3A_4243 : vector<256xf32> to vector<1x256xf32>
      %swap3A_4245 = arith.constant 29 : index
      %swap3A_4246 = arith.constant 768 : index
      %swap3A_4247 = vector.load %arg3[%swap3A_4245, %swap3A_4246] : memref<32x1024xf32, #tpu.memory_space<vmem>>, vector<1x256xf32>
      tpu.vector_store %arg3[%swap3A_4245, %swap3A_4246], %broadcast_in_dim3A_4236 {strides = array<i32>} : memref<32x1024xf32, #tpu.memory_space<vmem>>, vector<1x256xf32>,
      %convert_element_type3A_4248 = arith.fptosi %broadcast_in_dim3A_4244 : vector<1x256xf32> to vector<1x256xi32>
      %swap3A_4249 = arith.constant 29 : index
      %swap3A_4250 = arith.constant 768 : index
      %swap3A_4251 = vector.load %arg4[%swap3A_4249, %swap3A_4250] : memref<32x1024xi32, #tpu.memory_space<vmem>>, vector<1x256xi32>
      tpu.vector_store %arg4[%swap3A_4249, %swap3A_4250], %convert_element_type3A_4248 {strides = array<i32>} : memref<32x1024xi32, #tpu.memory_space<vmem>>, vector<1x256xi32>,
      %mul3A_4252 = arith.constant 7.812500e-03 : f32
      %mul3A_4253 = vector.broadcast %mul3A_4252 : f32 to vector<1x256xf32>
      %mul3A_4254 = arith.mulf %broadcast_in_dim3A_4244, %mul3A_4253 : vector<1x256xf32>
      %floor3A_4255 = math.floor %mul3A_4254 : vector<1x256xf32>
      %eq3A_4256 = vector.broadcast %floor3A_4255 : vector<1x256xf32> to vector<1024x256xf32>
      %eq3A_4257 = arith.cmpf oeq, %convert_element_type3A_3442, %eq3A_4256 : vector<1024x256xf32>
      %jit3A_4258 = arith.constant 0xFF800000 : f32
      %broadcast_in_dim3A_4259 = vector.broadcast %jit3A_4258 : f32 to vector<1024x256xf32>
      %select_n3A_4260 = arith.select %eq3A_4257, %broadcast_in_dim3A_4259, %select_n3A_4233 : vector<1024x256xi1>, vector<1024x256xf32>
      %reduce_max3A_4261 = arith.constant dense<0xFF800000> : vector<256xf32>
      %reduce_max3A_4262 = vector.multi_reduction <maximumf>, %select_n3A_4260, %reduce_max3A_4261 [0] : vector<1024x256xf32> to vector<256xf32>
      %broadcast_in_dim3A_4263 = vector.shape_cast %reduce_max3A_4262 : vector<256xf32> to vector<1x256xf32>
      %eq3A_4264 = vector.broadcast %broadcast_in_dim3A_4263 : vector<1x256xf32> to vector<1024x256xf32>
      %eq3A_4265 = arith.cmpf oeq, %select_n3A_4260, %eq3A_4264 : vector<1024x256xf32>
      %jit3A_4266 = arith.constant 0xFF800000 : f32
      %broadcast_in_dim3A_4267 = vector.broadcast %jit3A_4266 : f32 to vector<1024x256xf32>
      %select_n3A_4268 = arith.select %eq3A_4265, %convert_element_type3A_3450, %broadcast_in_dim3A_4267 : vector<1024x256xi1>, vector<1024x256xf32>
      %reduce_max3A_4269 = arith.constant dense<0xFF800000> : vector<256xf32>
      %reduce_max3A_4270 = vector.multi_reduction <maximumf>, %select_n3A_4268, %reduce_max3A_4269 [0] : vector<1024x256xf32> to vector<256xf32>
      %broadcast_in_dim3A_4271 = vector.shape_cast %reduce_max3A_4270 : vector<256xf32> to vector<1x256xf32>
      %swap3A_4272 = arith.constant 30 : index
      %swap3A_4273 = arith.constant 768 : index
      %swap3A_4274 = vector.load %arg3[%swap3A_4272, %swap3A_4273] : memref<32x1024xf32, #tpu.memory_space<vmem>>, vector<1x256xf32>
      tpu.vector_store %arg3[%swap3A_4272, %swap3A_4273], %broadcast_in_dim3A_4263 {strides = array<i32>} : memref<32x1024xf32, #tpu.memory_space<vmem>>, vector<1x256xf32>,
      %convert_element_type3A_4275 = arith.fptosi %broadcast_in_dim3A_4271 : vector<1x256xf32> to vector<1x256xi32>
      %swap3A_4276 = arith.constant 30 : index
      %swap3A_4277 = arith.constant 768 : index
      %swap3A_4278 = vector.load %arg4[%swap3A_4276, %swap3A_4277] : memref<32x1024xi32, #tpu.memory_space<vmem>>, vector<1x256xi32>
      tpu.vector_store %arg4[%swap3A_4276, %swap3A_4277], %convert_element_type3A_4275 {strides = array<i32>} : memref<32x1024xi32, #tpu.memory_space<vmem>>, vector<1x256xi32>,
      %mul3A_4279 = arith.constant 7.812500e-03 : f32
      %mul3A_4280 = vector.broadcast %mul3A_4279 : f32 to vector<1x256xf32>
      %mul3A_4281 = arith.mulf %broadcast_in_dim3A_4271, %mul3A_4280 : vector<1x256xf32>
      %floor3A_4282 = math.floor %mul3A_4281 : vector<1x256xf32>
      %eq3A_4283 = vector.broadcast %floor3A_4282 : vector<1x256xf32> to vector<1024x256xf32>
      %eq3A_4284 = arith.cmpf oeq, %convert_element_type3A_3442, %eq3A_4283 : vector<1024x256xf32>
      %jit3A_4285 = arith.constant 0xFF800000 : f32
      %broadcast_in_dim3A_4286 = vector.broadcast %jit3A_4285 : f32 to vector<1024x256xf32>
      %select_n3A_4287 = arith.select %eq3A_4284, %broadcast_in_dim3A_4286, %select_n3A_4260 : vector<1024x256xi1>, vector<1024x256xf32>
      %reduce_max3A_4288 = arith.constant dense<0xFF800000> : vector<256xf32>
      %reduce_max3A_4289 = vector.multi_reduction <maximumf>, %select_n3A_4287, %reduce_max3A_4288 [0] : vector<1024x256xf32> to vector<256xf32>
      %broadcast_in_dim3A_4290 = vector.shape_cast %reduce_max3A_4289 : vector<256xf32> to vector<1x256xf32>
      %eq3A_4291 = vector.broadcast %broadcast_in_dim3A_4290 : vector<1x256xf32> to vector<1024x256xf32>
      %eq3A_4292 = arith.cmpf oeq, %select_n3A_4287, %eq3A_4291 : vector<1024x256xf32>
      %jit3A_4293 = arith.constant 0xFF800000 : f32
      %broadcast_in_dim3A_4294 = vector.broadcast %jit3A_4293 : f32 to vector<1024x256xf32>
      %select_n3A_4295 = arith.select %eq3A_4292, %convert_element_type3A_3450, %broadcast_in_dim3A_4294 : vector<1024x256xi1>, vector<1024x256xf32>
      %reduce_max3A_4296 = arith.constant dense<0xFF800000> : vector<256xf32>
      %reduce_max3A_4297 = vector.multi_reduction <maximumf>, %select_n3A_4295, %reduce_max3A_4296 [0] : vector<1024x256xf32> to vector<256xf32>
      %broadcast_in_dim3A_4298 = vector.shape_cast %reduce_max3A_4297 : vector<256xf32> to vector<1x256xf32>
      %swap3A_4299 = arith.constant 31 : index
      %swap3A_4300 = arith.constant 768 : index
      %swap3A_4301 = vector.load %arg3[%swap3A_4299, %swap3A_4300] : memref<32x1024xf32, #tpu.memory_space<vmem>>, vector<1x256xf32>
      tpu.vector_store %arg3[%swap3A_4299, %swap3A_4300], %broadcast_in_dim3A_4290 {strides = array<i32>} : memref<32x1024xf32, #tpu.memory_space<vmem>>, vector<1x256xf32>,
      %convert_element_type3A_4302 = arith.fptosi %broadcast_in_dim3A_4298 : vector<1x256xf32> to vector<1x256xi32>
      %swap3A_4303 = arith.constant 31 : index
      %swap3A_4304 = arith.constant 768 : index
      %swap3A_4305 = vector.load %arg4[%swap3A_4303, %swap3A_4304] : memref<32x1024xi32, #tpu.memory_space<vmem>>, vector<1x256xi32>
      tpu.vector_store %arg4[%swap3A_4303, %swap3A_4304], %convert_element_type3A_4302 {strides = array<i32>} : memref<32x1024xi32, #tpu.memory_space<vmem>>, vector<1x256xi32>,
    } else {
    }
    return
  }
  func.func @transform_0(%arg0: i32) -> (i32, i32) {
    %c0_i32 = arith.constant 0 : i32
    %c0_i32_0 = arith.constant 0 : i32
    %c0_i32_1 = arith.constant 0 : i32
    return %c0_i32, %c0_i32_0 : i32, i32
  }
  func.func @transform_1(%arg0: i32) -> (i32, i32) {
    %c0_i32 = arith.constant 0 : i32
    %c0_i32_0 = arith.constant 0 : i32
    return %arg0, %c0_i32 : i32, i32
  }
  func.func @transform_2(%arg0: i32) -> (i32, i32) {
    %c0_i32 = arith.constant 0 : i32
    %c0_i32_0 = arith.constant 0 : i32
    %c0_i32_1 = arith.constant 0 : i32
    return %c0_i32, %c0_i32_0 : i32, i32
  }
  func.func @transform_3(%arg0: i32) -> (i32, i32) {
    %c0_i32 = arith.constant 0 : i32
    %c0_i32_0 = arith.constant 0 : i32
    %c0_i32_1 = arith.constant 0 : i32
    return %c0_i32, %c0_i32_0 : i32, i32
  }
}

</mosaic_0001>

<sc_bundles>
// kernel: kernel.4.cloned.1.call-start
scs
__scs_entry_jumppad:
0x0: {  	(pc) =	sbr.rel $0x88, $3  }
0x1: {  	(tag) =	ssettag $0x0;
	lr =	simm.s32 $0x1  }
0x2: {  	[smem:$0x3F9F] =	sst lr;
	_ =	strace $0xD0000000  }
0x3: {  	_ = 	snop  }
0x4: {  	_ = 	snop  }
0x5: {  	_ = 	snop  }
0x6: {  	_ = 	snop  }
0x7: {  	_ = 	snop  }
__scs_overlays_trampoline_lowered:
0x8: {  	[smem:$0x3FAE] =	sst s0  }
0x9: {  	[smem:$0x3FAF] =	sst s1  }
0xa: {  	[smem:$0x3FB0] =	sst s2  }
0xb: {  	[smem:$0x3FB1] =	sst s3  }
0xc: {  	[smem:$0x3FB2] =	sst s4  }
0xd: {  	[smem:$0x3FB3] =	sst s5  }
0xe: {  	[smem:$0x3FB4] =	sst s6  }
0xf: {  	[smem:$0x3FB5] =	sst s7  }
0x10: {  	[smem:$0x3FB6] =	sst s8  }
0x11: {  	[smem:$0x3FB7] =	sst s9;
	s0 =	simm.s32 @!p0 $0x0  }
0x12: {  	s1 =	sld [smem:$0x3F9D];
	s0 =	simm.s32 @p0 $0x1  }
0x13: {  	[smem:$0x3FB8] =	sst s0;
	s0 =	simm.s32 @!p1 $0x0  }
0x14: {  	s2 =	sld [smem:$0x3F9C];
	s0 =	simm.s32 @p1 $0x1  }
0x15: {  	[smem:$0x3FB9] =	sst s0;
	s0 =	simm.s32 @!p2 $0x0  }
0x16: {  	s3 =	sld [smem:$0x3FDB];
	s0 =	simm.s32 @p2 $0x1  }
0x17: {  	s4 =	simm.s32 $0x1BF5;
	[smem:$0x3FBB] =	sst s0  }
0x18: {  	s0 =	sld [smem:$0x3F9E];
	_ =	swait.ge [sflag:s4], $0x0  }
0x19: {  	s7 =	sld [smem:$0x3F9F]  }
0x1a: {  	s8 =	sadd.s32 $0xFFFFE003, lr  }
0x1b: {  	s9 =	sadd.s32 $0xFFFFFEF7, lr;
	s5 =	simm.s32 $0xFFFFFFFF;
	p2 =	slt.u32 s8, $0xFFFFF086  }
0x1c: {  	p1 =	slt.u32 s9, $0xF7A;
	s5 =	simm.s32 @!p2 $0x0  }
0x1d: {  	s5 =	simm.s32 @p1 $0x1;
	p0 =	seq.s32 s7, s2  }
0x1e: {  	s7 =	smul.u32 @!p0 $0xF7A, s2;
	p2 =	seq.s32 @!p0 s5, $0x0  }
0x1f: {  	s9 =	smul.u32 $0xF7A, s1;
	s8 =	simm.s32 @!p0 $0x1BF5;
	p2 =	por !p2, p0  }
0x20: {  	[sflag:s8] =	ssyncset.s32 @!p0 $0xFFFFF086;
	s6 =	sadd.s32 @!p0 s3, s7;
	s7 =	simm.s32 @!p0 $0x108  }
0x21: {  	s3 =	sadd.s32 s3, s9;
	s6 =	sadd.s32 @!p0 $0x88, s6;
	s7 =	simm.s32 @p2 $0x1082  }
0x22: {  	[simem:s7], [sflag:s8] =	dma.local @!p0 [hbm:s6], $0xF7A  }
0x23: {  	s9 =	sor.u32 $0xD0000000, s2;
	s6 =	simm.s32 $0x108;
	_ =	swait.ge @!p0 [sflag:s8], $0x0  }
0x24: {  	s3 =	sadd.s32 $0x88, s3;
	s6 =	simm.s32 @!p1 $0x1082;
	[sflag:s4] =	ssyncset.s32 $0xFFFFF086  }
0x25: {  	[simem:s6], [sflag:s4] =	dma.local [hbm:s3], $0xF7A  }
0x26: {  	[smem:$0x3F9F] =	sst s1;
	(tag) =	ssettag s2;
	_ =	strace s9  }
0x27: {  	s1 =	sld [smem:$0x3FAF]  }
0x28: {  	s2 =	sld [smem:$0x3FB0]  }
0x29: {  	s4 =	sld [smem:$0x3FB2]  }
0x2a: {  	p0 =	seq.s32 s5, $0x0;
	s5 =	sld [smem:$0x3FB3]  }
0x2b: {  	s6 =	sld [smem:$0x3FB4]  }
0x2c: {  	s7 =	sld [smem:$0x3FB5]  }
0x2d: {  	s3 =	simm.s32 $0x108;
	s8 =	sld [smem:$0x3FB6]  }
0x2e: {  	s3 =	simm.s32 @!p0 $0x1082;
	s9 =	sld [smem:$0x3FB7]  }
0x2f: {  	lr =	sadd.s32 s0, s3;
	s0 =	sld [smem:$0x3FAE]  }
0x30: {  	s3 =	sld [smem:$0x3FB1]  }
0x31: {  	[smem:$0x3FBA] =	sst s10  }
0x32: {  	s10 =	sld [smem:$0x3FB8];
	_ =	sdelay $0x3  }
0x33: {  	p0 =	seq.s32 s10, $0x1;
	s10 =	sld [smem:$0x3FBA];
	_ =	sdelay $0x3  }
0x34: {  	[smem:$0x3FBA] =	sst s10  }
0x35: {  	s10 =	sld [smem:$0x3FB9];
	_ =	sdelay $0x3  }
0x36: {  	p1 =	seq.s32 s10, $0x1;
	s10 =	sld [smem:$0x3FBA];
	_ =	sdelay $0x3  }
0x37: {  	[smem:$0x3FBA] =	sst s10  }
0x38: {  	s10 =	sld [smem:$0x3FBB]  }
0x39: {  	_ = 	snop;
	(pc) =	sbr.ind lr, $3  }
0x3a: {  	_ = 	snop  }
0x3b: {  	_ = 	snop  }
0x3c: {  	p2 =	seq.s32 s10, $0x1;
	s10 =	sld [smem:$0x3FBA]  }
0x3d: {  	_ =	shalt  }
0x3e: {  	_ =	shalt  }
0x3f: {  	_ =	shalt  }
0x40: {  	_ =	shalt  }
0x41: {  	_ =	shalt  }
0x42: {  	_ =	shalt  }
0x43: {  	_ =	shalt  }
0x44: {  	_ =	shalt  }
0x45: {  	_ =	shalt  }
0x46: {  	_ =	shalt  }
0x47: {  	_ =	shalt  }
0x48: {  	_ =	shalt  }
0x49: {  	_ =	shalt  }
0x4a: {  	_ =	shalt  }
0x4b: {  	_ =	shalt  }
0x4c: {  	_ =	shalt  }
0x4d: {  	_ =	shalt  }
0x4e: {  	_ =	shalt  }
0x4f: {  	_ =	shalt  }
0x50: {  	_ =	shalt  }
0x51: {  	_ =	shalt  }
0x52: {  	_ =	shalt  }
0x53: {  	_ =	shalt  }
0x54: {  	_ =	shalt  }
0x55: {  	_ =	shalt  }
0x56: {  	_ =	shalt  }
0x57: {  	_ =	shalt  }
0x58: {  	_ =	shalt  }
0x59: {  	_ =	shalt  }
0x5a: {  	_ =	shalt  }
0x5b: {  	_ =	shalt  }
0x5c: {  	_ =	shalt  }
0x5d: {  	_ =	shalt  }
0x5e: {  	_ =	shalt  }
0x5f: {  	_ =	shalt  }
0x60: {  	_ =	shalt  }
0x61: {  	_ =	shalt  }
0x62: {  	_ =	shalt  }
0x63: {  	_ =	shalt  }
0x64: {  	_ =	shalt  }
0x65: {  	_ =	shalt  }
0x66: {  	_ =	shalt  }
0x67: {  	_ =	shalt  }
0x68: {  	_ =	shalt  }
0x69: {  	_ =	shalt  }
0x6a: {  	_ =	shalt  }
0x6b: {  	_ =	shalt  }
0x6c: {  	_ =	shalt  }
0x6d: {  	_ =	shalt  }
0x6e: {  	_ =	shalt  }
0x6f: {  	_ =	shalt  }
0x70: {  	_ =	shalt  }
0x71: {  	_ =	shalt  }
0x72: {  	_ =	shalt  }
0x73: {  	_ =	shalt  }
0x74: {  	_ =	shalt  }
0x75: {  	_ =	shalt  }
0x76: {  	_ =	shalt  }
0x77: {  	_ =	shalt  }
0x78: {  	_ =	shalt  }
0x79: {  	_ =	shalt  }
0x7a: {  	_ =	shalt  }
0x7b: {  	_ =	shalt  }
0x7c: {  	_ =	shalt  }
0x7d: {  	_ =	shalt  }
0x7e: {  	_ =	shalt  }
0x7f: {  	_ =	shalt  }
0x80: {  	_ =	shalt  }
0x81: {  	_ =	shalt  }
0x82: {  	_ =	shalt  }
0x83: {  	_ =	shalt  }
0x84: {  	_ =	shalt  }
0x85: {  	_ =	shalt  }
0x86: {  	_ =	shalt  }
0x87: {  	_ =	shalt  }
.Lfunc_end0:
.L_simem_size_0:
called_computation_lowered:
.L_overlay_start_0:
0x88: {  	s2 =	sld [smem:$0x3FD9]  }
0x89: {  	s3 =	sld [smem:$0x3FFE];
	_ =	sdelay $0x1  }
0x8a: {  	s1 =	srdreg.scid  }
0x8b: {  	s0 =	sand.u32 $0x1, s1  }
0x8c: {  	s14 =	sshll.u32 s0, $0xA;
	s2 =	sadd.s32 s3, s2  }
0x8d: {  	s2 =	sadd.s32 s2, s14  }
0x8e: {  	[smem:$0x3FC6] =	sst s2  }
0x8f: {  	_ = 	snop  }
0x90: {  	s2 =	sld [smem:$0x3FD0];
	_ =	sdelay $0x2  }
0x91: {  	s4 =	simm.s32 $0xA;
	s5 =	simm.s32 $0x10;
	s15 =	sld [smem:$0x3FC8]  }
0x92: {  	[smem:s5], [sflag:s4] =	dma.local [hbm:s2], $0x1  }
0x93: {  	_ =	swait.eq [sflag:s4], $0x1  }
0x94: {  	[sflag:s4] =	ssyncset.done $0x0  }
0x95: {  	[sflag:s4] =	ssyncadd.s32 $0xFFFFFFFF  }
0x96: {  	s16 =	sld [smem:$0x10];
	(tm) =	ssettm $0x1  }
0x97: {  	s17 =	sld [smem:$0x3FFB];
	_ =	sdelay $0x3  }
0x98: {  	_ =	strace s17  }
0x99: {  	s4 =	sld [smem:$0x3FFC];
	_ =	sdelay $0x3  }
0x9a: {  	_ =	strace s4  }
0x9b: {  	s4 =	sld [smem:$0x3FFD];
	_ =	sdelay $0x3  }
0x9c: {  	_ =	strace s4  }
0x9d: {  	_ =	strace $0x8FFFFFFF  }
0x9e: {  	s18 =	sld [smem:$0x3FDB];
	_ =	sdelay $0x1  }
0x9f: {  	s19 =	simm.s32 $_scs_section_size  }
0xa0: {  	s6 =	simm.s32 $_size__tile_overlayer_lowered;
	s7 =	simm.s32 $_tile_overlayer_lowered  }
0xa1: {  	s22 =	simm.s32 $0x1BFF;
	s21 =	sshll.u32 s7, $0x1;
	s4 =	sadd.s32 s19, s18  }
0xa2: {  	s8 =	simm.s32 $0x0;
	s20 =	sshll.u32 s6, $0x1;
	s6 =	sadd.s32 s21, s4  }
0xa3: {  	[timem:s8], [sflag:s22] =	dma.local [hbm:s6], s20  }
0xa4: {  	_ =	swait.ge [sflag:s22], s20  }
0xa5: {  	s5 =	ssub.s32 $0x0, s20;
	[sflag:s22] =	ssyncset.done $0x0  }
0xa6: {  	[sflag:s22] =	ssyncadd.s32 s5;
	_ =	sdelay $0x1  }
0xa7: {  	s23 =	simm.s32 $0x1B8B  }
0xa8: {  	_ =	swait.ge [sflag:s23], $0x1  }
0xa9: {  	[sflag:s23] =	ssyncset.done $0x0  }
0xaa: {  	s25 =	simm.s32 $0x1B8E;
	s24 =	sld [smem:$0x3FFE];
	[sflag:s23] =	ssyncadd.s32 $0xFFFFFFFF  }
0xab: {  	s26 =	simm.s32 $execute0_lowered;
	[smem:$0x3FD2] =	sst s25  }
0xac: {  	s6 =	sshll.u32 s26, $0x1;
	_ =	strace $0x80000046;
	[dreg:$0x1] =	wrdreg $0xFFFFFFFF  }
0xad: {  	s28 =	simm.s32 $_size_execute0_lowered;
	s4 =	sadd.s32 s4, s6;
	[dreg:$0x0] =	wrdreg $0x0  }
0xae: {  	s6 =	sshll.u32 s28, $0x1;
	[dreg:$0x2] =	wrdreg s4  }
0xaf: {  	[dreg:$0x3] =	wrdreg s6  }
0xb0: {  	[dreg:$0x4] =	wrdreg $0xC0  }
0xb1: {  	_ =	task [dreg:s8], $0x5FFFF  }
0xb2: {  	[dreg:$0x1] =	wrdreg $0xFFFFFFFF  }
0xb3: {  	[dreg:$0x0] =	wrdreg $0x60  }
0xb4: {  	[dreg:$0x2] =	wrdreg s15  }
0xb5: {  	[dreg:$0x3] =	wrdreg s24  }
0xb6: {  	[dreg:$0x4] =	wrdreg s16  }
0xb7: {  	[dreg:$0x5] =	wrdreg $0x9  }
0xb8: {  	_ =	task.clear_ibuf [dreg:s8], $0x6FFFF;
	_ =	strace $0x90000046  }
0xb9: {  	s29 =	simm.s32 $0x9;
	_ =	strace $0x80000048  }
0xba: {  	_ =	swait.ge [sflag:s29], $0x1  }
0xbb: {  	[sflag:s29] =	ssyncadd.s32 $0xFFFFFFFF  }
0xbc: {  	_ =	strace $0x90000048  }
0xbd: {  	_ =	sfence  }
0xbe: {  	s30 =	sld [smem:$0x0];
	_ =	sdelay $0x2  }
0xbf: {  	s31 =	sshll.u32 s1, $0xD;
	s1 =	sshrl.u32 s1, $0x2  }
0xc0: {  	s3 =	sand.u32 $0x4000, s31;
	s1 =	sadd.s32 s1, s30  }
0xc1: {  	s0 =	sor.u32 s3, s0;
	s1 =	sshll.u32 s1, $0x11  }
0xc2: {  	s0 =	sor.u32 s1, s0  }
0xc3: {  	s0 =	sadd.s32 $0x8F2B, s0  }
0xc4: {  	[sflag:s0] =	ssyncadd.remote.s32 $0x1  }
0xc5: {  	_ =	sfence.sel $0xFFFF  }
0xc6: {  	[dreg:$0x0] =	wrdreg $0xFFFFFFFF;
	(pc) =	sbr.abs _section_cstart, $3  }
0xc7: {  	[dreg:$0x1] =	wrdreg $0xFFFFFFFF  }
0xc8: {  	_ =	task.clear_ibuf [dreg:s8], $0x2FFFF;
	_ =	strace $0x9FFFFFFF  }
0xc9: {  	(tm) =	ssettm $0x7FFFFFFF  }
tec
execute0_lowered:
.L_overlay_start_1:
0x0: {  	(tag) =	ssettag $0x1  }
0x1: {  	s2 =	srdreg.scid  }
0x2: {  	s1 =	rddreg [dreg:$0x0];
	s0 =	stileid.u32;
	s26 =	sand.u32 $0x1, s2  }
0x3: {  	s4 =	rddreg [dreg:$0x1];
	s31 =	sshll.u32 s0, $0xB;
	s3 =	sshll.u32 s26, $0xA  }
0x4: {  	s9 =	rddreg [dreg:$0x2];
	s10 =	sor.u32 s3, s31  }
0x5: {  	s2 =	rddreg [dreg:$0x3];
	s3 =	simm.s32 $0x0;
	s5 =	sshrl.u32 s10, $0x3  }
0x6: {  	[smem:$0x7FF] =	sst s3;
	s4 =	sadd.s32 s5, s4  }
0x7: {  	_ =	strace $0x80000047;
	s5 =	simm.s32 $0x5;
	s4 =	sadd.s32 $0x800, s4  }
0x8: {  	[tilespmem:s3], [sflag:$0x5] =	stream.linear.gather [hbm4b:s4+s3], $0x400, $0x38;
	[tilespmem:$0x8400] =	vst v63  }
0x9: {  	_ =	swait.ge [sflag:s5], $0x400  }
0xa: {  	s6 =	simm.s32 $0x80;
	[sflag:s5] =	ssyncset.done $0x0  }
0xb: {  	s7 =	simm.s32 $0x400;
	s8 =	simm.s32 $0x1;
	[sflag:s5] =	ssyncadd.s32 $0xFFFFFC00  }
0xc: {  	[tilespmem:s7], [sflag:$0x1] =	stream.indirect.gather [hbm4b:s1+s6], $0x80, s3, s6, $0xb8;
	[tilespmem:$0x8400] =	vst v63  }
0xd: {  	_ =	swait.ge [sflag:s8], $0x4000  }
0xe: {  	s10 =	sshll.u32 s10, $0x4;
	[sflag:s8] =	ssyncset.done $0x0  }
0xf: {  	s9 =	sadd.s32 s9, s10;
	[sflag:s8] =	ssyncadd.s32 $0xFFFFC000  }
0x10: {  	[hbm4b:s9+s3] =	stream.linear.scatter [tilespmem:s7], [sflag:$0x3], $0x4000, $0x38;
	[tilespmem:$0x8400] =	vst v63  }
0x11: {  	s11 =	simm.s32 $0x2;
	s10 =	simm.s32 $0x4400  }
0x12: {  	[tilespmem:s10], [sflag:$0x2] =	stream.indirect.gather [hbm4b:s1+s6], $0x80, s6, s6, $0xb8;
	[tilespmem:$0x8400] =	vst v63  }
0x13: {  	_ =	swait.ge [sflag:s11], $0x4000  }
0x14: {  	[sflag:s11] =	ssyncset.done $0x0  }
0x15: {  	s13 =	simm.s32 $0x3;
	s12 =	sadd.s32 $0x800, s9;
	[sflag:s11] =	ssyncadd.s32 $0xFFFFC000  }
0x16: {  	[hbm4b:s12+s3] =	stream.linear.scatter [tilespmem:s10], [sflag:$0x4], $0x4000, $0x38;
	[tilespmem:$0x8400] =	vst v63  }
0x17: {  	_ =	swait.ge [sflag:s13], $0x4000  }
0x18: {  	[sflag:s13] =	ssyncset.done $0x0  }
0x19: {  	s14 =	simm.s32 $0x100;
	[sflag:s13] =	ssyncadd.s32 $0xFFFFC000  }
0x1a: {  	[tilespmem:s7], [sflag:$0x1] =	stream.indirect.gather [hbm4b:s1+s6], $0x80, s14, s6, $0xb8;
	[tilespmem:$0x8400] =	vst v63  }
0x1b: {  	_ =	swait.ge [sflag:s8], $0x4000  }
0x1c: {  	[sflag:s8] =	ssyncset.done $0x0  }
0x1d: {  	s15 =	simm.s32 $0x4;
	s16 =	sadd.s32 $0x1000, s9;
	[sflag:s8] =	ssyncadd.s32 $0xFFFFC000  }
0x1e: {  	[hbm4b:s16+s3] =	stream.linear.scatter [tilespmem:s7], [sflag:$0x3], $0x4000, $0x38;
	[tilespmem:$0x8400] =	vst v63  }
0x1f: {  	_ =	swait.ge [sflag:s15], $0x4000  }
0x20: {  	[sflag:s15] =	ssyncset.done $0x0  }
0x21: {  	s17 =	simm.s32 $0x180;
	[sflag:s15] =	ssyncadd.s32 $0xFFFFC000  }
0x22: {  	[tilespmem:s10], [sflag:$0x2] =	stream.indirect.gather [hbm4b:s1+s6], $0x80, s17, s6, $0xb8;
	[tilespmem:$0x8400] =	vst v63  }
0x23: {  	_ =	swait.ge [sflag:s11], $0x4000  }
0x24: {  	[sflag:s11] =	ssyncset.done $0x0  }
0x25: {  	s18 =	sadd.s32 $0x1800, s9;
	[sflag:s11] =	ssyncadd.s32 $0xFFFFC000  }
0x26: {  	[hbm4b:s18+s3] =	stream.linear.scatter [tilespmem:s10], [sflag:$0x4], $0x4000, $0x38;
	[tilespmem:$0x8400] =	vst v63  }
0x27: {  	_ =	swait.ge [sflag:s13], $0x4000  }
0x28: {  	[sflag:s13] =	ssyncset.done $0x0  }
0x29: {  	s19 =	simm.s32 $0x200;
	[sflag:s13] =	ssyncadd.s32 $0xFFFFC000  }
0x2a: {  	[tilespmem:s7], [sflag:$0x1] =	stream.indirect.gather [hbm4b:s1+s6], $0x80, s19, s6, $0xb8;
	[tilespmem:$0x8400] =	vst v63  }
0x2b: {  	_ =	swait.ge [sflag:s8], $0x4000  }
0x2c: {  	[sflag:s8] =	ssyncset.done $0x0  }
0x2d: {  	s20 =	sadd.s32 $0x2000, s9;
	[sflag:s8] =	ssyncadd.s32 $0xFFFFC000  }
0x2e: {  	[hbm4b:s20+s3] =	stream.linear.scatter [tilespmem:s7], [sflag:$0x3], $0x4000, $0x38;
	[tilespmem:$0x8400] =	vst v63  }
0x2f: {  	_ =	swait.ge [sflag:s15], $0x4000  }
0x30: {  	[sflag:s15] =	ssyncset.done $0x0  }
0x31: {  	s21 =	simm.s32 $0x280;
	[sflag:s15] =	ssyncadd.s32 $0xFFFFC000  }
0x32: {  	[tilespmem:s10], [sflag:$0x2] =	stream.indirect.gather [hbm4b:s1+s6], $0x80, s21, s6, $0xb8;
	[tilespmem:$0x8400] =	vst v63  }
0x33: {  	_ =	swait.ge [sflag:s11], $0x4000  }
0x34: {  	[sflag:s11] =	ssyncset.done $0x0  }
0x35: {  	s22 =	sadd.s32 $0x2800, s9;
	[sflag:s11] =	ssyncadd.s32 $0xFFFFC000  }
0x36: {  	[hbm4b:s22+s3] =	stream.linear.scatter [tilespmem:s10], [sflag:$0x4], $0x4000, $0x38;
	[tilespmem:$0x8400] =	vst v63  }
0x37: {  	_ =	swait.ge [sflag:s13], $0x4000  }
0x38: {  	[sflag:s13] =	ssyncset.done $0x0  }
0x39: {  	s23 =	simm.s32 $0x300;
	[sflag:s13] =	ssyncadd.s32 $0xFFFFC000  }
0x3a: {  	[tilespmem:s7], [sflag:$0x1] =	stream.indirect.gather [hbm4b:s1+s6], $0x80, s23, s6, $0xb8;
	[tilespmem:$0x8400] =	vst v63  }
0x3b: {  	_ =	swait.ge [sflag:s8], $0x4000  }
0x3c: {  	[sflag:s8] =	ssyncset.done $0x0  }
0x3d: {  	s24 =	sadd.s32 $0x3000, s9;
	[sflag:s8] =	ssyncadd.s32 $0xFFFFC000  }
0x3e: {  	[hbm4b:s24+s3] =	stream.linear.scatter [tilespmem:s7], [sflag:$0x3], $0x4000, $0x38;
	[tilespmem:$0x8400] =	vst v63  }
0x3f: {  	_ =	swait.ge [sflag:s15], $0x4000  }
0x40: {  	s28 =	ssub.s32 $0x2, s26;
	[sflag:s15] =	ssyncset.done $0x0  }
0x41: {  	s25 =	simm.s32 $0x380;
	s29 =	sshrl.u32 s28, $0x1;
	[sflag:s15] =	ssyncadd.s32 $0xFFFFC000  }
0x42: {  	[tilespmem:s10], [sflag:$0x2] =	stream.indirect.gather [hbm4b:s1+s6], $0x80, s25, s6, $0xb8;
	[tilespmem:$0x8400] =	vst v63  }
0x43: {  	s28 =	ssub.s32 s28, s29;
	_ =	swait.ge [sflag:s11], $0x4000  }
0x44: {  	s28 =	smax.u32 s28, $0x1;
	[sflag:s11] =	ssyncset.done $0x0  }
0x45: {  	s26 =	sadd.s32 $0x3800, s9;
	p0 =	sne.s32 s28, $0x1;
	[sflag:s11] =	ssyncadd.s32 $0xFFFFC000  }
0x46: {  	[hbm4b:s26+s3] =	stream.linear.scatter [tilespmem:s10], [sflag:$0x4], $0x4000, $0x38;
	[tilespmem:$0x8400] =	vst v63  }
.Ltmp0:
0x47: {  	_ =	swait.ge [sflag:s13], $0x4000;
	(pc) =	sbr.rel @!p0 .LBB2_2-.Ltmp0, $4  }
0x48: {  	[sflag:s13] =	ssyncset.done $0x0  }
0x49: {  	[sflag:s13] =	ssyncadd.s32 $0xFFFFC000  }
0x4a: {  	_ =	swait.ge [sflag:s15], $0x4000  }
0x4b: {  	s28 =	sadd.s32 $0xFFFFFFFF, s28;
	[sflag:s15] =	ssyncset.done $0x0  }
.LBB2_1:
0x4c: {  	p0 =	sne.s32 s28, $0x1;
	s28 =	sadd.s32 $0xFFFFFFFF, s28;
	[sflag:s15] =	ssyncadd.s32 $0xFFFFC000  }
0x4d: {  	[tilespmem:s3], [sflag:$0x5] =	stream.linear.gather [hbm4b:s4+s3], $0x400, $0x38;
	[tilespmem:$0x8400] =	vst v63  }
0x4e: {  	_ =	swait.ge [sflag:s5], $0x400  }
0x4f: {  	[sflag:s5] =	ssyncset.done $0x0  }
0x50: {  	[sflag:s5] =	ssyncadd.s32 $0xFFFFFC00  }
0x51: {  	[tilespmem:s7], [sflag:$0x1] =	stream.indirect.gather [hbm4b:s1+s6], $0x80, s3, s6, $0xb8;
	[tilespmem:$0x8400] =	vst v63  }
0x52: {  	_ =	swait.ge [sflag:s8], $0x4000  }
0x53: {  	[sflag:s8] =	ssyncset.done $0x0  }
0x54: {  	[sflag:s8] =	ssyncadd.s32 $0xFFFFC000  }
0x55: {  	[hbm4b:s9+s3] =	stream.linear.scatter [tilespmem:s7], [sflag:$0x3], $0x4000, $0x38;
	[tilespmem:$0x8400] =	vst v63  }
0x56: {  	_ = 	snop  }
0x57: {  	[tilespmem:s10], [sflag:$0x2] =	stream.indirect.gather [hbm4b:s1+s6], $0x80, s6, s6, $0xb8;
	[tilespmem:$0x8400] =	vst v63  }
0x58: {  	_ =	swait.ge [sflag:s11], $0x4000  }
0x59: {  	[sflag:s11] =	ssyncset.done $0x0  }
0x5a: {  	[sflag:s11] =	ssyncadd.s32 $0xFFFFC000  }
0x5b: {  	[hbm4b:s12+s3] =	stream.linear.scatter [tilespmem:s10], [sflag:$0x4], $0x4000, $0x38;
	[tilespmem:$0x8400] =	vst v63  }
0x5c: {  	_ =	swait.ge [sflag:s13], $0x4000  }
0x5d: {  	[sflag:s13] =	ssyncset.done $0x0  }
0x5e: {  	[sflag:s13] =	ssyncadd.s32 $0xFFFFC000  }
0x5f: {  	[tilespmem:s7], [sflag:$0x1] =	stream.indirect.gather [hbm4b:s1+s6], $0x80, s14, s6, $0xb8;
	[tilespmem:$0x8400] =	vst v63  }
0x60: {  	_ =	swait.ge [sflag:s8], $0x4000  }
0x61: {  	[sflag:s8] =	ssyncset.done $0x0  }
0x62: {  	[sflag:s8] =	ssyncadd.s32 $0xFFFFC000  }
0x63: {  	[hbm4b:s16+s3] =	stream.linear.scatter [tilespmem:s7], [sflag:$0x3], $0x4000, $0x38;
	[tilespmem:$0x8400] =	vst v63  }
0x64: {  	_ =	swait.ge [sflag:s15], $0x4000  }
0x65: {  	[sflag:s15] =	ssyncset.done $0x0  }
0x66: {  	[sflag:s15] =	ssyncadd.s32 $0xFFFFC000  }
0x67: {  	[tilespmem:s10], [sflag:$0x2] =	stream.indirect.gather [hbm4b:s1+s6], $0x80, s17, s6, $0xb8;
	[tilespmem:$0x8400] =	vst v63  }
0x68: {  	_ =	swait.ge [sflag:s11], $0x4000  }
0x69: {  	[sflag:s11] =	ssyncset.done $0x0  }
0x6a: {  	[sflag:s11] =	ssyncadd.s32 $0xFFFFC000  }
0x6b: {  	[hbm4b:s18+s3] =	stream.linear.scatter [tilespmem:s10], [sflag:$0x4], $0x4000, $0x38;
	[tilespmem:$0x8400] =	vst v63  }
0x6c: {  	_ =	swait.ge [sflag:s13], $0x4000  }
0x6d: {  	[sflag:s13] =	ssyncset.done $0x0  }
0x6e: {  	[sflag:s13] =	ssyncadd.s32 $0xFFFFC000  }
0x6f: {  	[tilespmem:s7], [sflag:$0x1] =	stream.indirect.gather [hbm4b:s1+s6], $0x80, s19, s6, $0xb8;
	[tilespmem:$0x8400] =	vst v63  }
0x70: {  	_ =	swait.ge [sflag:s8], $0x4000  }
0x71: {  	[sflag:s8] =	ssyncset.done $0x0  }
0x72: {  	[sflag:s8] =	ssyncadd.s32 $0xFFFFC000  }
0x73: {  	[hbm4b:s20+s3] =	stream.linear.scatter [tilespmem:s7], [sflag:$0x3], $0x4000, $0x38;
	[tilespmem:$0x8400] =	vst v63  }
0x74: {  	_ =	swait.ge [sflag:s15], $0x4000  }
0x75: {  	[sflag:s15] =	ssyncset.done $0x0  }
0x76: {  	[sflag:s15] =	ssyncadd.s32 $0xFFFFC000  }
0x77: {  	[tilespmem:s10], [sflag:$0x2] =	stream.indirect.gather [hbm4b:s1+s6], $0x80, s21, s6, $0xb8;
	[tilespmem:$0x8400] =	vst v63  }
0x78: {  	_ =	swait.ge [sflag:s11], $0x4000  }
0x79: {  	[sflag:s11] =	ssyncset.done $0x0  }
0x7a: {  	[sflag:s11] =	ssyncadd.s32 $0xFFFFC000  }
0x7b: {  	[hbm4b:s22+s3] =	stream.linear.scatter [tilespmem:s10], [sflag:$0x4], $0x4000, $0x38;
	[tilespmem:$0x8400] =	vst v63  }
0x7c: {  	_ =	swait.ge [sflag:s13], $0x4000  }
0x7d: {  	[sflag:s13] =	ssyncset.done $0x0  }
0x7e: {  	[sflag:s13] =	ssyncadd.s32 $0xFFFFC000  }
0x7f: {  	[tilespmem:s7], [sflag:$0x1] =	stream.indirect.gather [hbm4b:s1+s6], $0x80, s23, s6, $0xb8;
	[tilespmem:$0x8400] =	vst v63  }
0x80: {  	_ =	swait.ge [sflag:s8], $0x4000  }
0x81: {  	[sflag:s8] =	ssyncset.done $0x0  }
0x82: {  	[sflag:s8] =	ssyncadd.s32 $0xFFFFC000  }
0x83: {  	[hbm4b:s24+s3] =	stream.linear.scatter [tilespmem:s7], [sflag:$0x3], $0x4000, $0x38;
	[tilespmem:$0x8400] =	vst v63  }
0x84: {  	_ =	swait.ge [sflag:s15], $0x4000  }
0x85: {  	[sflag:s15] =	ssyncset.done $0x0  }
0x86: {  	[sflag:s15] =	ssyncadd.s32 $0xFFFFC000  }
0x87: {  	[tilespmem:s10], [sflag:$0x2] =	stream.indirect.gather [hbm4b:s1+s6], $0x80, s25, s6, $0xb8;
	[tilespmem:$0x8400] =	vst v63  }
0x88: {  	_ =	swait.ge [sflag:s11], $0x4000  }
0x89: {  	[sflag:s11] =	ssyncset.done $0x0  }
0x8a: {  	[sflag:s11] =	ssyncadd.s32 $0xFFFFC000  }
0x8b: {  	[hbm4b:s26+s3] =	stream.linear.scatter [tilespmem:s10], [sflag:$0x4], $0x4000, $0x38;
	[tilespmem:$0x8400] =	vst v63  }
.Ltmp1:
0x8c: {  	_ =	swait.ge [sflag:s13], $0x4000;
	(pc) =	sbr.rel @p0 .LBB2_1-.Ltmp1, $4  }
0x8d: {  	[sflag:s13] =	ssyncset.done $0x0  }
0x8e: {  	[sflag:s13] =	ssyncadd.s32 $0xFFFFC000  }
0x8f: {  	_ =	swait.ge [sflag:s15], $0x4000  }
0x90: {  	[sflag:s15] =	ssyncset.done $0x0  }
.LBB2_2:
0x91: {  	[sflag:s15] =	ssyncadd.s32 $0xFFFFC000  }
0x92: {  	_ =	sfence.sel $0x180000  }
0x93: {  	[bflag:$0x0] =	sbarrier.arrive $0xFFFF  }
0x94: {  	p0 =	sne.s32 s0, $0x0;
	_ =	strace $0x90000047  }
0x95: {  	s0 =	sadd.s32 @!p0 $0x100000, s2;
	[bflag:$0x2] =	sbarrier.arrive $0xFFFF  }
0x96: {  	[sflag:s0] =	ssyncadd.tile.s32 @!p0 $0x1;
	_ =	shalt  }
.Lfunc_end2:
_tile_overlayer_lowered:
.L_overlay_start_2:
0x97: {  	(tag) =	ssettag $0x2  }
0x98: {  	s0 =	rddreg [dreg:$0x0];
	s2 =	stileid.u32  }
0x99: {  	s1 =	rddreg [dreg:$0x1];
	p0 =	sne.s32 s2, $0x0  }
0x9a: {  	s3 =	rddreg [dreg:$0x2];
	[bflag:$0x3] =	sbarrier.arrive $0xFFFF;
	s2 =	simm.s32 @!p0 $0x1C05  }
0x9b: {  	[timem:s3], [sflag:s2] =	dma.local @!p0 [hbm:s0], s1  }
0x9c: {  	s0 =	simm.s32 @!p0 $0x5  }
0x9d: {  	_ =	swait.ge @!p0 [sflag:s0], s1  }
0x9e: {  	s1 =	ssub.s32 @!p0 $0x0, s1;
	[sflag:s0] =	ssyncset.done @!p0 $0x0  }
0x9f: {  	[sflag:s0] =	ssyncadd.s32 @!p0 s1  }
0xa0: {  	[bflag:$0x3] =	sbarrier.arrive $0xFFFF  }
0xa1: {  	_ =	shalt  }

</sc_bundles>
